<compile_context>
chip_gen: v7x
topology: tpu7x:2x2x1
jax: 0.10.2.dev20260603
libtpu: 0.0.44.dev20260713+nightly
codegen_flags: <defaults>
</compile_context>

<pallas_src>
import functools

import jax
import jax.numpy as jnp
from jax import lax
from jax.experimental import pallas as pl
from jax.experimental.pallas import tpu as pltpu
from jax.experimental.pallas import tpu_sc as plsc

VOCAB = 1000000
EMBED_DIM = 32
BATCH = 4096
SEQ = 200

BB = 128
PLANE = BATCH * SEQ
LCH = 4
CH = LCH * BB
NCH = SEQ // LCH
TRW = CH + 8
UNROLL = 16


def _embed_body(xr_hbm, table_hbm, out_hbm, idx_v, rows0, rows1, tr0, tr1,
                gsem0, gsem1, osem0, osem1):
    info = plsc.get_sparse_core_info()
    nc = info.num_cores

    w = lax.axis_index("s") * nc + lax.axis_index("c")

    pltpu.sync_copy(xr_hbm.at[w], idx_v)

    rows = (rows0, rows1)
    tr = (tr0, tr1)
    gsem = (gsem0, gsem1)
    osem = (osem0, osem1)

    lane = lax.iota(jnp.int32, 16)
    p_lo = lane * TRW
    p_hi = (lane + 16) * TRW

    def start_gather(ch, k):
        pltpu.make_async_copy(
            table_hbm.at[idx_v.at[pl.ds(ch * CH, CH)]],
            rows[k], gsem[k]).start()

    def wait_gather(k):
        pltpu.make_async_copy(
            table_hbm.at[idx_v.at[pl.ds(0, CH)]],
            rows[k], gsem[k]).wait()

    def start_out(ch, k):
        base = (ch // 2) * (32 * 1024) + w * 1024 + (ch % 2) * CH
        for c in range(EMBED_DIM):
            pltpu.make_async_copy(
                tr[k].at[pl.ds(c * TRW, CH)],
                out_hbm.at[c, pl.ds(base, CH)], osem[k]).start()

    def wait_out(k):
        for c in range(EMBED_DIM):
            pltpu.make_async_copy(
                tr[k].at[pl.ds(c * TRW, CH)],
                out_hbm.at[c, pl.ds(0, CH)], osem[k]).wait()

    def transpose(k):
        rv, tv = rows[k], tr[k]

        def t_step(i, c2):
            for dj in range(UNROLL):
                r = i * UNROLL + dj
                v0 = rv[r, pl.ds(0, 16)]
                v1 = rv[r, pl.ds(16, 16)]
                plsc.store_scatter(tv, [p_lo + r], v0)
                plsc.store_scatter(tv, [p_hi + r], v1)
            return c2

        lax.fori_loop(0, CH // UNROLL, t_step, 0)

    start_gather(0, 0)

    def pair(ci, carry):
        c0 = ci * 2

        start_gather(c0 + 1, 1)
        wait_gather(0)

        @pl.when(ci > 0)
        def _():
            wait_out(0)

        transpose(0)
        start_out(c0, 0)

        @pl.when(c0 + 2 < NCH)
        def _():
            start_gather(c0 + 2, 0)

        wait_gather(1)

        @pl.when(ci > 0)
        def _():
            wait_out(1)

        transpose(1)
        start_out(c0 + 1, 1)
        return carry

    lax.fori_loop(0, NCH // 2, pair, 0)
    wait_out(0)
    wait_out(1)


def kernel(x, table):
    mesh = plsc.VectorSubcoreMesh(core_axis_name="c", subcore_axis_name="s")

    f = functools.partial(
        pl.kernel,
        mesh=mesh,
        compiler_params=pltpu.CompilerParams(
            use_tc_tiling_on_sc=False, needs_layout_passes=False),
        out_type=jax.ShapeDtypeStruct((EMBED_DIM, PLANE), jnp.float32),
        scratch_types=[
            pltpu.VMEM((SEQ * BB,), jnp.int32),
            pltpu.VMEM((CH, EMBED_DIM), jnp.float32),
            pltpu.VMEM((CH, EMBED_DIM), jnp.float32),
            pltpu.VMEM((EMBED_DIM * TRW,), jnp.float32),
            pltpu.VMEM((EMBED_DIM * TRW,), jnp.float32),
            pltpu.SemaphoreType.DMA,
            pltpu.SemaphoreType.DMA,
            pltpu.SemaphoreType.DMA,
            pltpu.SemaphoreType.DMA,
        ],
    )(_embed_body)
    table4 = jnp.pad(table, ((0, 0), (0, 128 - EMBED_DIM))).reshape(
        4 * VOCAB, EMBED_DIM)
    xr = (jnp.transpose(x * 4).reshape(SEQ, BATCH // BB, BB)
          .transpose(1, 0, 2).reshape(BATCH // BB, SEQ * BB))
    out2 = f(xr, table4)
    v = out2.reshape(EMBED_DIM, SEQ // 8, BATCH // BB, 8, BB)
    return v.transpose(2, 4, 0, 1, 3).reshape(BATCH, EMBED_DIM, SEQ)

# --- scband reference (transcript-rebuilt; emitter-appended) ---
"""Pipeline reference for scband-embedding-6786048328237 (READ-ONLY COPY).

The authoritative reference and input builder live on the scoring server;
editing this copy changes nothing except your own understanding.
"""

import jax, jax.numpy as jnp
import numpy as np

VOCAB = 1000000
EMBED_DIM = 32
BATCH = 4096
SEQ = 200
PADDING_IDX = 1


def setup_inputs(seed: int = 0) -> dict:
    key = jax.random.key(seed)
    k_idx, k_tab = jax.random.split(key)
    x = jax.random.randint(k_idx, (BATCH, SEQ), 0, VOCAB, dtype=jnp.int32)
    table = jax.random.normal(k_tab, (VOCAB, EMBED_DIM), dtype=jnp.float32)
    # nn.Embedding with padding_idx zeroes that row
    table = table.at[PADDING_IDX].set(0.0)
    return {"x": x, "table": table}


def reference(x, table):
    # fmap = self._ops(x)  -> [B, L, D]
    fmap = jnp.take(table, x, axis=0)
    # permuting=True: (n, l, c) -> (n, c, l)
    fmap = jnp.transpose(fmap, (0, 2, 1))
    # tracking=False: return fmap only
    return fmap

if __name__ == "__main__":
    import jax
    _d = setup_inputs()
    print(jax.jit(kernel)(*tuple(_d.values())))

</pallas_src>

<mosaic_0001>
#map = affine_map<(d0, d1) -> (0, 0)>
module attributes {stable_mosaic.version = 14 : i64} {
  func.func @_embed_body(%arg0: i32, %arg1: i32, %arg2: memref<32x25600xi32, #tpu.memory_space<hbm>>, %arg3: memref<4000000x32xf32, #tpu.memory_space<hbm>>, %arg4: memref<32x819200xf32, #tpu.memory_space<hbm>>, %arg5: memref<25600xi32, #tpu.memory_space<vmem>>, %arg6: memref<512x32xf32, #tpu.memory_space<vmem>>, %arg7: memref<512x32xf32, #tpu.memory_space<vmem>>, %arg8: memref<16640xf32, #tpu.memory_space<vmem>>, %arg9: memref<16640xf32, #tpu.memory_space<vmem>>, %arg10: memref<!tpu.dma_semaphore, #tpu.memory_space<semaphore_mem>>, %arg11: memref<!tpu.dma_semaphore, #tpu.memory_space<semaphore_mem>>, %arg12: memref<!tpu.dma_semaphore, #tpu.memory_space<semaphore_mem>>, %arg13: memref<!tpu.dma_semaphore, #tpu.memory_space<semaphore_mem>>) attributes {dimension_semantics = [#tpu.dimension_semantics<core_parallel>, #tpu.dimension_semantics<subcore_parallel>], iteration_bounds = array<i64: 2, 16>, scalar_prefetch = 0 : i64, scratch_operands = 9 : i64, tpu.core_type = #tpu.core_type<sc_vector_subcore>, window_params = [{transform_indices = #map}, {transform_indices = #map}, {transform_indices = #map}]} {
    %mul3A = arith.constant 2 : i32
    %mul3A_0 = arith.muli %arg1, %mul3A : i32
    %add3A = arith.addi %mul3A_0, %arg0 : i32
    "tpu.region"() ({
      %run_scoped3A = tpu.sem_alloc : memref<!tpu.dma_semaphore, #tpu.memory_space<semaphore_mem>>
      %dma_start3A_722 = arith.constant 0 : i32
      %dma_start3A_723 = tpu.memref_slice %arg2[%add3A, %dma_start3A_722] : memref<32x25600xi32, #tpu.memory_space<hbm>> -> memref<1x25600xi32, #tpu.memory_space<hbm>>
      %dma_start3A_724 = tpu.memref_squeeze %dma_start3A_723 : memref<1x25600xi32, #tpu.memory_space<hbm>> -> memref<25600xi32, #tpu.memory_space<hbm>>
      %dma_start3A_725 = arith.constant 0 : i32
      %dma_start3A_726 = tpu.memref_slice %arg2[%add3A, %dma_start3A_725] : memref<32x25600xi32, #tpu.memory_space<hbm>> -> memref<1x25600xi32, #tpu.memory_space<hbm>>
      %dma_start3A_727 = tpu.memref_squeeze %dma_start3A_726 : memref<1x25600xi32, #tpu.memory_space<hbm>> -> memref<25600xi32, #tpu.memory_space<hbm>>
      tpu.enqueue_dma source(%dma_start3A_727 : memref<25600xi32, #tpu.memory_space<hbm>>) target(%arg5 : memref<25600xi32, #tpu.memory_space<vmem>>) target_semaphore(%run_scoped3A : memref<!tpu.dma_semaphore, #tpu.memory_space<semaphore_mem>>)
      %dma_wait3A_728 = arith.constant 0 : i32
      %dma_wait3A_729 = tpu.memref_slice %arg2[%add3A, %dma_wait3A_728] : memref<32x25600xi32, #tpu.memory_space<hbm>> -> memref<1x25600xi32, #tpu.memory_space<hbm>>
      %dma_wait3A_730 = tpu.memref_squeeze %dma_wait3A_729 : memref<1x25600xi32, #tpu.memory_space<hbm>> -> memref<25600xi32, #tpu.memory_space<hbm>>
      %dma_wait3A_731 = arith.constant 0 : i32
      %dma_wait3A_732 = tpu.memref_slice %arg2[%add3A, %dma_wait3A_731] : memref<32x25600xi32, #tpu.memory_space<hbm>> -> memref<1x25600xi32, #tpu.memory_space<hbm>>
      %dma_wait3A_733 = tpu.memref_squeeze %dma_wait3A_732 : memref<1x25600xi32, #tpu.memory_space<hbm>> -> memref<25600xi32, #tpu.memory_space<hbm>>
      tpu.wait_dma2 semaphore(%run_scoped3A : memref<!tpu.dma_semaphore, #tpu.memory_space<semaphore_mem>>) src(%dma_wait3A_733 : memref<25600xi32, #tpu.memory_space<hbm>>) dst(%arg5 : memref<25600xi32, #tpu.memory_space<vmem>>)
      tpu.yield
    }) : () -> ()
    %iota3A = tpu.iota {dimensions = array<i32: 0>} : vector<16xi32>
    %mul3A_1 = arith.constant 520 : i32
    %mul3A_2 = vector.broadcast %mul3A_1 : i32 to vector<16xi32>
    %mul3A_3 = arith.muli %iota3A, %mul3A_2 : vector<16xi32>
    %add3A_4 = arith.constant 16 : i32
    %add3A_5 = vector.broadcast %add3A_4 : i32 to vector<16xi32>
    %add3A_6 = arith.addi %iota3A, %add3A_5 : vector<16xi32>
    %mul3A_7 = arith.constant 520 : i32
    %mul3A_8 = vector.broadcast %mul3A_7 : i32 to vector<16xi32>
    %mul3A_9 = arith.muli %add3A_6, %mul3A_8 : vector<16xi32>
    %dma_start3A = arith.constant 0 : i32
    %dma_start3A_10 = tpu.memref_slice %arg5[%dma_start3A] : memref<25600xi32, #tpu.memory_space<vmem>> -> memref<512xi32, #tpu.memory_space<vmem>>
    %dma_start3A_11 = arith.constant 0 : i32
    %dma_start3A_12 = arith.constant 0 : i32
    %dma_start3A_13 = tpu.memref_slice %arg3[%dma_start3A_11, %dma_start3A_12] : memref<4000000x32xf32, #tpu.memory_space<hbm>> -> memref<4000000x32xf32, #tpu.memory_space<hbm>>
    tpu.enqueue_indirect_dma source(%dma_start3A_13 : memref<4000000x32xf32, #tpu.memory_space<hbm>>) target(%arg6 : memref<512x32xf32, #tpu.memory_space<vmem>>) offsets(%dma_start3A_10 : memref<512xi32, #tpu.memory_space<vmem>>) semaphore(%arg10 : memref<!tpu.dma_semaphore, #tpu.memory_space<semaphore_mem>>)
    %scan3A = arith.constant 0 : i32
    %scan3A_14 = arith.constant 0 : i32
    %scan3A_15 = arith.constant 25 : i32
    %scan3A_16 = arith.addi %scan3A_14, %scan3A_15 : i32
    %scan3A_17 = arith.constant 1 : i32
    scf.for %scan3A_722 = %scan3A_14 to %scan3A_16 step %scan3A_17  : i32 {
      %mul3A_723 = arith.constant 2 : i32
      %mul3A_724 = arith.muli %scan3A_722, %mul3A_723 : i32
      %add3A_725 = arith.constant 1 : i32
      %add3A_726 = arith.addi %mul3A_724, %add3A_725 : i32
      %mul3A_727 = arith.constant 512 : i32
      %mul3A_728 = arith.muli %add3A_726, %mul3A_727 : i32
      %dma_start3A_729 = tpu.memref_slice %arg5[%mul3A_728] : memref<25600xi32, #tpu.memory_space<vmem>> -> memref<512xi32, #tpu.memory_space<vmem>>
      %dma_start3A_730 = arith.constant 0 : i32
      %dma_start3A_731 = arith.constant 0 : i32
      %dma_start3A_732 = tpu.memref_slice %arg3[%dma_start3A_730, %dma_start3A_731] : memref<4000000x32xf32, #tpu.memory_space<hbm>> -> memref<4000000x32xf32, #tpu.memory_space<hbm>>
      tpu.enqueue_indirect_dma source(%dma_start3A_732 : memref<4000000x32xf32, #tpu.memory_space<hbm>>) target(%arg7 : memref<512x32xf32, #tpu.memory_space<vmem>>) offsets(%dma_start3A_729 : memref<512xi32, #tpu.memory_space<vmem>>) semaphore(%arg11 : memref<!tpu.dma_semaphore, #tpu.memory_space<semaphore_mem>>)
      %dma_wait3A_733 = arith.constant 0 : i32
      %dma_wait3A_734 = tpu.memref_slice %arg5[%dma_wait3A_733] : memref<25600xi32, #tpu.memory_space<vmem>> -> memref<512xi32, #tpu.memory_space<vmem>>
      %dma_wait3A_735 = arith.constant 0 : i32
      %dma_wait3A_736 = arith.constant 0 : i32
      %dma_wait3A_737 = tpu.memref_slice %arg3[%dma_wait3A_735, %dma_wait3A_736] : memref<4000000x32xf32, #tpu.memory_space<hbm>> -> memref<4000000x32xf32, #tpu.memory_space<hbm>>
      tpu.wait_indirect_dma semaphore(%arg10 : memref<!tpu.dma_semaphore, #tpu.memory_space<semaphore_mem>>) src(%dma_wait3A_737 : memref<4000000x32xf32, #tpu.memory_space<hbm>>) dst(%arg6 : memref<512x32xf32, #tpu.memory_space<vmem>>)
      %gt3A = arith.constant 0 : i32
      %gt3A_738 = arith.cmpi sgt, %scan3A_722, %gt3A : i32
      %convert_element_type3A = arith.extui %gt3A_738 : i1 to i32
      %cond3A = arith.constant 0 : i32
      %cond3A_739 = arith.cmpi ne, %convert_element_type3A, %cond3A : i32
      scf.if %cond3A_739 {
        %dma_wait3A_1433 = arith.constant 0 : i32
        %dma_wait3A_1434 = arith.constant 0 : i32
        %dma_wait3A_1435 = tpu.memref_slice %arg8[%dma_wait3A_1434] : memref<16640xf32, #tpu.memory_space<vmem>> -> memref<512xf32, #tpu.memory_space<vmem>>
        %dma_wait3A_1436 = arith.constant 0 : i32
        %dma_wait3A_1437 = tpu.memref_slice %arg4[%dma_wait3A_1433, %dma_wait3A_1436] : memref<32x819200xf32, #tpu.memory_space<hbm>> -> memref<1x512xf32, #tpu.memory_space<hbm>>
        %dma_wait3A_1438 = tpu.memref_squeeze %dma_wait3A_1437 : memref<1x512xf32, #tpu.memory_space<hbm>> -> memref<512xf32, #tpu.memory_space<hbm>>
        %dma_wait3A_1439 = arith.constant 0 : i32
        %dma_wait3A_1440 = tpu.memref_slice %arg4[%dma_wait3A_1433, %dma_wait3A_1439] : memref<32x819200xf32, #tpu.memory_space<hbm>> -> memref<1x512xf32, #tpu.memory_space<hbm>>
        %dma_wait3A_1441 = tpu.memref_squeeze %dma_wait3A_1440 : memref<1x512xf32, #tpu.memory_space<hbm>> -> memref<512xf32, #tpu.memory_space<hbm>>
        %dma_wait3A_1442 = arith.constant 0 : i32
        %dma_wait3A_1443 = tpu.memref_slice %arg8[%dma_wait3A_1442] : memref<16640xf32, #tpu.memory_space<vmem>> -> memref<512xf32, #tpu.memory_space<vmem>>
        tpu.wait_dma2 semaphore(%arg12 : memref<!tpu.dma_semaphore, #tpu.memory_space<semaphore_mem>>) src(%dma_wait3A_1443 : memref<512xf32, #tpu.memory_space<vmem>>) dst(%dma_wait3A_1441 : memref<512xf32, #tpu.memory_space<hbm>>)
        %dma_wait3A_1444 = arith.constant 1 : i32
        %dma_wait3A_1445 = arith.constant 520 : i32
        %dma_wait3A_1446 = tpu.memref_slice %arg8[%dma_wait3A_1445] : memref<16640xf32, #tpu.memory_space<vmem>> -> memref<512xf32, #tpu.memory_space<vmem>>
        %dma_wait3A_1447 = arith.constant 0 : i32
        %dma_wait3A_1448 = tpu.memref_slice %arg4[%dma_wait3A_1444, %dma_wait3A_1447] : memref<32x819200xf32, #tpu.memory_space<hbm>> -> memref<1x512xf32, #tpu.memory_space<hbm>>
        %dma_wait3A_1449 = tpu.memref_squeeze %dma_wait3A_1448 : memref<1x512xf32, #tpu.memory_space<hbm>> -> memref<512xf32, #tpu.memory_space<hbm>>
        %dma_wait3A_1450 = arith.constant 0 : i32
        %dma_wait3A_1451 = tpu.memref_slice %arg4[%dma_wait3A_1444, %dma_wait3A_1450] : memref<32x819200xf32, #tpu.memory_space<hbm>> -> memref<1x512xf32, #tpu.memory_space<hbm>>
        %dma_wait3A_1452 = tpu.memref_squeeze %dma_wait3A_1451 : memref<1x512xf32, #tpu.memory_space<hbm>> -> memref<512xf32, #tpu.memory_space<hbm>>
        %dma_wait3A_1453 = arith.constant 520 : i32
        %dma_wait3A_1454 = tpu.memref_slice %arg8[%dma_wait3A_1453] : memref<16640xf32, #tpu.memory_space<vmem>> -> memref<512xf32, #tpu.memory_space<vmem>>
        tpu.wait_dma2 semaphore(%arg12 : memref<!tpu.dma_semaphore, #tpu.memory_space<semaphore_mem>>) src(%dma_wait3A_1454 : memref<512xf32, #tpu.memory_space<vmem>>) dst(%dma_wait3A_1452 : memref<512xf32, #tpu.memory_space<hbm>>)
        %dma_wait3A_1455 = arith.constant 2 : i32
        %dma_wait3A_1456 = arith.constant 1040 : i32
        %dma_wait3A_1457 = tpu.memref_slice %arg8[%dma_wait3A_1456] : memref<16640xf32, #tpu.memory_space<vmem>> -> memref<512xf32, #tpu.memory_space<vmem>>
        %dma_wait3A_1458 = arith.constant 0 : i32
        %dma_wait3A_1459 = tpu.memref_slice %arg4[%dma_wait3A_1455, %dma_wait3A_1458] : memref<32x819200xf32, #tpu.memory_space<hbm>> -> memref<1x512xf32, #tpu.memory_space<hbm>>
        %dma_wait3A_1460 = tpu.memref_squeeze %dma_wait3A_1459 : memref<1x512xf32, #tpu.memory_space<hbm>> -> memref<512xf32, #tpu.memory_space<hbm>>
        %dma_wait3A_1461 = arith.constant 0 : i32
        %dma_wait3A_1462 = tpu.memref_slice %arg4[%dma_wait3A_1455, %dma_wait3A_1461] : memref<32x819200xf32, #tpu.memory_space<hbm>> -> memref<1x512xf32, #tpu.memory_space<hbm>>
        %dma_wait3A_1463 = tpu.memref_squeeze %dma_wait3A_1462 : memref<1x512xf32, #tpu.memory_space<hbm>> -> memref<512xf32, #tpu.memory_space<hbm>>
        %dma_wait3A_1464 = arith.constant 1040 : i32
        %dma_wait3A_1465 = tpu.memref_slice %arg8[%dma_wait3A_1464] : memref<16640xf32, #tpu.memory_space<vmem>> -> memref<512xf32, #tpu.memory_space<vmem>>
        tpu.wait_dma2 semaphore(%arg12 : memref<!tpu.dma_semaphore, #tpu.memory_space<semaphore_mem>>) src(%dma_wait3A_1465 : memref<512xf32, #tpu.memory_space<vmem>>) dst(%dma_wait3A_1463 : memref<512xf32, #tpu.memory_space<hbm>>)
        %dma_wait3A_1466 = arith.constant 3 : i32
        %dma_wait3A_1467 = arith.constant 1560 : i32
        %dma_wait3A_1468 = tpu.memref_slice %arg8[%dma_wait3A_1467] : memref<16640xf32, #tpu.memory_space<vmem>> -> memref<512xf32, #tpu.memory_space<vmem>>
        %dma_wait3A_1469 = arith.constant 0 : i32
        %dma_wait3A_1470 = tpu.memref_slice %arg4[%dma_wait3A_1466, %dma_wait3A_1469] : memref<32x819200xf32, #tpu.memory_space<hbm>> -> memref<1x512xf32, #tpu.memory_space<hbm>>
        %dma_wait3A_1471 = tpu.memref_squeeze %dma_wait3A_1470 : memref<1x512xf32, #tpu.memory_space<hbm>> -> memref<512xf32, #tpu.memory_space<hbm>>
        %dma_wait3A_1472 = arith.constant 0 : i32
        %dma_wait3A_1473 = tpu.memref_slice %arg4[%dma_wait3A_1466, %dma_wait3A_1472] : memref<32x819200xf32, #tpu.memory_space<hbm>> -> memref<1x512xf32, #tpu.memory_space<hbm>>
        %dma_wait3A_1474 = tpu.memref_squeeze %dma_wait3A_1473 : memref<1x512xf32, #tpu.memory_space<hbm>> -> memref<512xf32, #tpu.memory_space<hbm>>
        %dma_wait3A_1475 = arith.constant 1560 : i32
        %dma_wait3A_1476 = tpu.memref_slice %arg8[%dma_wait3A_1475] : memref<16640xf32, #tpu.memory_space<vmem>> -> memref<512xf32, #tpu.memory_space<vmem>>
        tpu.wait_dma2 semaphore(%arg12 : memref<!tpu.dma_semaphore, #tpu.memory_space<semaphore_mem>>) src(%dma_wait3A_1476 : memref<512xf32, #tpu.memory_space<vmem>>) dst(%dma_wait3A_1474 : memref<512xf32, #tpu.memory_space<hbm>>)
        %dma_wait3A_1477 = arith.constant 4 : i32
        %dma_wait3A_1478 = arith.constant 2080 : i32
        %dma_wait3A_1479 = tpu.memref_slice %arg8[%dma_wait3A_1478] : memref<16640xf32, #tpu.memory_space<vmem>> -> memref<512xf32, #tpu.memory_space<vmem>>
        %dma_wait3A_1480 = arith.constant 0 : i32
        %dma_wait3A_1481 = tpu.memref_slice %arg4[%dma_wait3A_1477, %dma_wait3A_1480] : memref<32x819200xf32, #tpu.memory_space<hbm>> -> memref<1x512xf32, #tpu.memory_space<hbm>>
        %dma_wait3A_1482 = tpu.memref_squeeze %dma_wait3A_1481 : memref<1x512xf32, #tpu.memory_space<hbm>> -> memref<512xf32, #tpu.memory_space<hbm>>
        %dma_wait3A_1483 = arith.constant 0 : i32
        %dma_wait3A_1484 = tpu.memref_slice %arg4[%dma_wait3A_1477, %dma_wait3A_1483] : memref<32x819200xf32, #tpu.memory_space<hbm>> -> memref<1x512xf32, #tpu.memory_space<hbm>>
        %dma_wait3A_1485 = tpu.memref_squeeze %dma_wait3A_1484 : memref<1x512xf32, #tpu.memory_space<hbm>> -> memref<512xf32, #tpu.memory_space<hbm>>
        %dma_wait3A_1486 = arith.constant 2080 : i32
        %dma_wait3A_1487 = tpu.memref_slice %arg8[%dma_wait3A_1486] : memref<16640xf32, #tpu.memory_space<vmem>> -> memref<512xf32, #tpu.memory_space<vmem>>
        tpu.wait_dma2 semaphore(%arg12 : memref<!tpu.dma_semaphore, #tpu.memory_space<semaphore_mem>>) src(%dma_wait3A_1487 : memref<512xf32, #tpu.memory_space<vmem>>) dst(%dma_wait3A_1485 : memref<512xf32, #tpu.memory_space<hbm>>)
        %dma_wait3A_1488 = arith.constant 5 : i32
        %dma_wait3A_1489 = arith.constant 2600 : i32
        %dma_wait3A_1490 = tpu.memref_slice %arg8[%dma_wait3A_1489] : memref<16640xf32, #tpu.memory_space<vmem>> -> memref<512xf32, #tpu.memory_space<vmem>>
        %dma_wait3A_1491 = arith.constant 0 : i32
        %dma_wait3A_1492 = tpu.memref_slice %arg4[%dma_wait3A_1488, %dma_wait3A_1491] : memref<32x819200xf32, #tpu.memory_space<hbm>> -> memref<1x512xf32, #tpu.memory_space<hbm>>
        %dma_wait3A_1493 = tpu.memref_squeeze %dma_wait3A_1492 : memref<1x512xf32, #tpu.memory_space<hbm>> -> memref<512xf32, #tpu.memory_space<hbm>>
        %dma_wait3A_1494 = arith.constant 0 : i32
        %dma_wait3A_1495 = tpu.memref_slice %arg4[%dma_wait3A_1488, %dma_wait3A_1494] : memref<32x819200xf32, #tpu.memory_space<hbm>> -> memref<1x512xf32, #tpu.memory_space<hbm>>
        %dma_wait3A_1496 = tpu.memref_squeeze %dma_wait3A_1495 : memref<1x512xf32, #tpu.memory_space<hbm>> -> memref<512xf32, #tpu.memory_space<hbm>>
        %dma_wait3A_1497 = arith.constant 2600 : i32
        %dma_wait3A_1498 = tpu.memref_slice %arg8[%dma_wait3A_1497] : memref<16640xf32, #tpu.memory_space<vmem>> -> memref<512xf32, #tpu.memory_space<vmem>>
        tpu.wait_dma2 semaphore(%arg12 : memref<!tpu.dma_semaphore, #tpu.memory_space<semaphore_mem>>) src(%dma_wait3A_1498 : memref<512xf32, #tpu.memory_space<vmem>>) dst(%dma_wait3A_1496 : memref<512xf32, #tpu.memory_space<hbm>>)
        %dma_wait3A_1499 = arith.constant 6 : i32
        %dma_wait3A_1500 = arith.constant 3120 : i32
        %dma_wait3A_1501 = tpu.memref_slice %arg8[%dma_wait3A_1500] : memref<16640xf32, #tpu.memory_space<vmem>> -> memref<512xf32, #tpu.memory_space<vmem>>
        %dma_wait3A_1502 = arith.constant 0 : i32
        %dma_wait3A_1503 = tpu.memref_slice %arg4[%dma_wait3A_1499, %dma_wait3A_1502] : memref<32x819200xf32, #tpu.memory_space<hbm>> -> memref<1x512xf32, #tpu.memory_space<hbm>>
        %dma_wait3A_1504 = tpu.memref_squeeze %dma_wait3A_1503 : memref<1x512xf32, #tpu.memory_space<hbm>> -> memref<512xf32, #tpu.memory_space<hbm>>
        %dma_wait3A_1505 = arith.constant 0 : i32
        %dma_wait3A_1506 = tpu.memref_slice %arg4[%dma_wait3A_1499, %dma_wait3A_1505] : memref<32x819200xf32, #tpu.memory_space<hbm>> -> memref<1x512xf32, #tpu.memory_space<hbm>>
        %dma_wait3A_1507 = tpu.memref_squeeze %dma_wait3A_1506 : memref<1x512xf32, #tpu.memory_space<hbm>> -> memref<512xf32, #tpu.memory_space<hbm>>
        %dma_wait3A_1508 = arith.constant 3120 : i32
        %dma_wait3A_1509 = tpu.memref_slice %arg8[%dma_wait3A_1508] : memref<16640xf32, #tpu.memory_space<vmem>> -> memref<512xf32, #tpu.memory_space<vmem>>
        tpu.wait_dma2 semaphore(%arg12 : memref<!tpu.dma_semaphore, #tpu.memory_space<semaphore_mem>>) src(%dma_wait3A_1509 : memref<512xf32, #tpu.memory_space<vmem>>) dst(%dma_wait3A_1507 : memref<512xf32, #tpu.memory_space<hbm>>)
        %dma_wait3A_1510 = arith.constant 7 : i32
        %dma_wait3A_1511 = arith.constant 3640 : i32
        %dma_wait3A_1512 = tpu.memref_slice %arg8[%dma_wait3A_1511] : memref<16640xf32, #tpu.memory_space<vmem>> -> memref<512xf32, #tpu.memory_space<vmem>>
        %dma_wait3A_1513 = arith.constant 0 : i32
        %dma_wait3A_1514 = tpu.memref_slice %arg4[%dma_wait3A_1510, %dma_wait3A_1513] : memref<32x819200xf32, #tpu.memory_space<hbm>> -> memref<1x512xf32, #tpu.memory_space<hbm>>
        %dma_wait3A_1515 = tpu.memref_squeeze %dma_wait3A_1514 : memref<1x512xf32, #tpu.memory_space<hbm>> -> memref<512xf32, #tpu.memory_space<hbm>>
        %dma_wait3A_1516 = arith.constant 0 : i32
        %dma_wait3A_1517 = tpu.memref_slice %arg4[%dma_wait3A_1510, %dma_wait3A_1516] : memref<32x819200xf32, #tpu.memory_space<hbm>> -> memref<1x512xf32, #tpu.memory_space<hbm>>
        %dma_wait3A_1518 = tpu.memref_squeeze %dma_wait3A_1517 : memref<1x512xf32, #tpu.memory_space<hbm>> -> memref<512xf32, #tpu.memory_space<hbm>>
        %dma_wait3A_1519 = arith.constant 3640 : i32
        %dma_wait3A_1520 = tpu.memref_slice %arg8[%dma_wait3A_1519] : memref<16640xf32, #tpu.memory_space<vmem>> -> memref<512xf32, #tpu.memory_space<vmem>>
        tpu.wait_dma2 semaphore(%arg12 : memref<!tpu.dma_semaphore, #tpu.memory_space<semaphore_mem>>) src(%dma_wait3A_1520 : memref<512xf32, #tpu.memory_space<vmem>>) dst(%dma_wait3A_1518 : memref<512xf32, #tpu.memory_space<hbm>>)
        %dma_wait3A_1521 = arith.constant 8 : i32
        %dma_wait3A_1522 = arith.constant 4160 : i32
        %dma_wait3A_1523 = tpu.memref_slice %arg8[%dma_wait3A_1522] : memref<16640xf32, #tpu.memory_space<vmem>> -> memref<512xf32, #tpu.memory_space<vmem>>
        %dma_wait3A_1524 = arith.constant 0 : i32
        %dma_wait3A_1525 = tpu.memref_slice %arg4[%dma_wait3A_1521, %dma_wait3A_1524] : memref<32x819200xf32, #tpu.memory_space<hbm>> -> memref<1x512xf32, #tpu.memory_space<hbm>>
        %dma_wait3A_1526 = tpu.memref_squeeze %dma_wait3A_1525 : memref<1x512xf32, #tpu.memory_space<hbm>> -> memref<512xf32, #tpu.memory_space<hbm>>
        %dma_wait3A_1527 = arith.constant 0 : i32
        %dma_wait3A_1528 = tpu.memref_slice %arg4[%dma_wait3A_1521, %dma_wait3A_1527] : memref<32x819200xf32, #tpu.memory_space<hbm>> -> memref<1x512xf32, #tpu.memory_space<hbm>>
        %dma_wait3A_1529 = tpu.memref_squeeze %dma_wait3A_1528 : memref<1x512xf32, #tpu.memory_space<hbm>> -> memref<512xf32, #tpu.memory_space<hbm>>
        %dma_wait3A_1530 = arith.constant 4160 : i32
        %dma_wait3A_1531 = tpu.memref_slice %arg8[%dma_wait3A_1530] : memref<16640xf32, #tpu.memory_space<vmem>> -> memref<512xf32, #tpu.memory_space<vmem>>
        tpu.wait_dma2 semaphore(%arg12 : memref<!tpu.dma_semaphore, #tpu.memory_space<semaphore_mem>>) src(%dma_wait3A_1531 : memref<512xf32, #tpu.memory_space<vmem>>) dst(%dma_wait3A_1529 : memref<512xf32, #tpu.memory_space<hbm>>)
        %dma_wait3A_1532 = arith.constant 9 : i32
        %dma_wait3A_1533 = arith.constant 4680 : i32
        %dma_wait3A_1534 = tpu.memref_slice %arg8[%dma_wait3A_1533] : memref<16640xf32, #tpu.memory_space<vmem>> -> memref<512xf32, #tpu.memory_space<vmem>>
        %dma_wait3A_1535 = arith.constant 0 : i32
        %dma_wait3A_1536 = tpu.memref_slice %arg4[%dma_wait3A_1532, %dma_wait3A_1535] : memref<32x819200xf32, #tpu.memory_space<hbm>> -> memref<1x512xf32, #tpu.memory_space<hbm>>
        %dma_wait3A_1537 = tpu.memref_squeeze %dma_wait3A_1536 : memref<1x512xf32, #tpu.memory_space<hbm>> -> memref<512xf32, #tpu.memory_space<hbm>>
        %dma_wait3A_1538 = arith.constant 0 : i32
        %dma_wait3A_1539 = tpu.memref_slice %arg4[%dma_wait3A_1532, %dma_wait3A_1538] : memref<32x819200xf32, #tpu.memory_space<hbm>> -> memref<1x512xf32, #tpu.memory_space<hbm>>
        %dma_wait3A_1540 = tpu.memref_squeeze %dma_wait3A_1539 : memref<1x512xf32, #tpu.memory_space<hbm>> -> memref<512xf32, #tpu.memory_space<hbm>>
        %dma_wait3A_1541 = arith.constant 4680 : i32
        %dma_wait3A_1542 = tpu.memref_slice %arg8[%dma_wait3A_1541] : memref<16640xf32, #tpu.memory_space<vmem>> -> memref<512xf32, #tpu.memory_space<vmem>>
        tpu.wait_dma2 semaphore(%arg12 : memref<!tpu.dma_semaphore, #tpu.memory_space<semaphore_mem>>) src(%dma_wait3A_1542 : memref<512xf32, #tpu.memory_space<vmem>>) dst(%dma_wait3A_1540 : memref<512xf32, #tpu.memory_space<hbm>>)
        %dma_wait3A_1543 = arith.constant 10 : i32
        %dma_wait3A_1544 = arith.constant 5200 : i32
        %dma_wait3A_1545 = tpu.memref_slice %arg8[%dma_wait3A_1544] : memref<16640xf32, #tpu.memory_space<vmem>> -> memref<512xf32, #tpu.memory_space<vmem>>
        %dma_wait3A_1546 = arith.constant 0 : i32
        %dma_wait3A_1547 = tpu.memref_slice %arg4[%dma_wait3A_1543, %dma_wait3A_1546] : memref<32x819200xf32, #tpu.memory_space<hbm>> -> memref<1x512xf32, #tpu.memory_space<hbm>>
        %dma_wait3A_1548 = tpu.memref_squeeze %dma_wait3A_1547 : memref<1x512xf32, #tpu.memory_space<hbm>> -> memref<512xf32, #tpu.memory_space<hbm>>
        %dma_wait3A_1549 = arith.constant 0 : i32
        %dma_wait3A_1550 = tpu.memref_slice %arg4[%dma_wait3A_1543, %dma_wait3A_1549] : memref<32x819200xf32, #tpu.memory_space<hbm>> -> memref<1x512xf32, #tpu.memory_space<hbm>>
        %dma_wait3A_1551 = tpu.memref_squeeze %dma_wait3A_1550 : memref<1x512xf32, #tpu.memory_space<hbm>> -> memref<512xf32, #tpu.memory_space<hbm>>
        %dma_wait3A_1552 = arith.constant 5200 : i32
        %dma_wait3A_1553 = tpu.memref_slice %arg8[%dma_wait3A_1552] : memref<16640xf32, #tpu.memory_space<vmem>> -> memref<512xf32, #tpu.memory_space<vmem>>
        tpu.wait_dma2 semaphore(%arg12 : memref<!tpu.dma_semaphore, #tpu.memory_space<semaphore_mem>>) src(%dma_wait3A_1553 : memref<512xf32, #tpu.memory_space<vmem>>) dst(%dma_wait3A_1551 : memref<512xf32, #tpu.memory_space<hbm>>)
        %dma_wait3A_1554 = arith.constant 11 : i32
        %dma_wait3A_1555 = arith.constant 5720 : i32
        %dma_wait3A_1556 = tpu.memref_slice %arg8[%dma_wait3A_1555] : memref<16640xf32, #tpu.memory_space<vmem>> -> memref<512xf32, #tpu.memory_space<vmem>>
        %dma_wait3A_1557 = arith.constant 0 : i32
        %dma_wait3A_1558 = tpu.memref_slice %arg4[%dma_wait3A_1554, %dma_wait3A_1557] : memref<32x819200xf32, #tpu.memory_space<hbm>> -> memref<1x512xf32, #tpu.memory_space<hbm>>
        %dma_wait3A_1559 = tpu.memref_squeeze %dma_wait3A_1558 : memref<1x512xf32, #tpu.memory_space<hbm>> -> memref<512xf32, #tpu.memory_space<hbm>>
        %dma_wait3A_1560 = arith.constant 0 : i32
        %dma_wait3A_1561 = tpu.memref_slice %arg4[%dma_wait3A_1554, %dma_wait3A_1560] : memref<32x819200xf32, #tpu.memory_space<hbm>> -> memref<1x512xf32, #tpu.memory_space<hbm>>
        %dma_wait3A_1562 = tpu.memref_squeeze %dma_wait3A_1561 : memref<1x512xf32, #tpu.memory_space<hbm>> -> memref<512xf32, #tpu.memory_space<hbm>>
        %dma_wait3A_1563 = arith.constant 5720 : i32
        %dma_wait3A_1564 = tpu.memref_slice %arg8[%dma_wait3A_1563] : memref<16640xf32, #tpu.memory_space<vmem>> -> memref<512xf32, #tpu.memory_space<vmem>>
        tpu.wait_dma2 semaphore(%arg12 : memref<!tpu.dma_semaphore, #tpu.memory_space<semaphore_mem>>) src(%dma_wait3A_1564 : memref<512xf32, #tpu.memory_space<vmem>>) dst(%dma_wait3A_1562 : memref<512xf32, #tpu.memory_space<hbm>>)
        %dma_wait3A_1565 = arith.constant 12 : i32
        %dma_wait3A_1566 = arith.constant 6240 : i32
        %dma_wait3A_1567 = tpu.memref_slice %arg8[%dma_wait3A_1566] : memref<16640xf32, #tpu.memory_space<vmem>> -> memref<512xf32, #tpu.memory_space<vmem>>
        %dma_wait3A_1568 = arith.constant 0 : i32
        %dma_wait3A_1569 = tpu.memref_slice %arg4[%dma_wait3A_1565, %dma_wait3A_1568] : memref<32x819200xf32, #tpu.memory_space<hbm>> -> memref<1x512xf32, #tpu.memory_space<hbm>>
        %dma_wait3A_1570 = tpu.memref_squeeze %dma_wait3A_1569 : memref<1x512xf32, #tpu.memory_space<hbm>> -> memref<512xf32, #tpu.memory_space<hbm>>
        %dma_wait3A_1571 = arith.constant 0 : i32
        %dma_wait3A_1572 = tpu.memref_slice %arg4[%dma_wait3A_1565, %dma_wait3A_1571] : memref<32x819200xf32, #tpu.memory_space<hbm>> -> memref<1x512xf32, #tpu.memory_space<hbm>>
        %dma_wait3A_1573 = tpu.memref_squeeze %dma_wait3A_1572 : memref<1x512xf32, #tpu.memory_space<hbm>> -> memref<512xf32, #tpu.memory_space<hbm>>
        %dma_wait3A_1574 = arith.constant 6240 : i32
        %dma_wait3A_1575 = tpu.memref_slice %arg8[%dma_wait3A_1574] : memref<16640xf32, #tpu.memory_space<vmem>> -> memref<512xf32, #tpu.memory_space<vmem>>
        tpu.wait_dma2 semaphore(%arg12 : memref<!tpu.dma_semaphore, #tpu.memory_space<semaphore_mem>>) src(%dma_wait3A_1575 : memref<512xf32, #tpu.memory_space<vmem>>) dst(%dma_wait3A_1573 : memref<512xf32, #tpu.memory_space<hbm>>)
        %dma_wait3A_1576 = arith.constant 13 : i32
        %dma_wait3A_1577 = arith.constant 6760 : i32
        %dma_wait3A_1578 = tpu.memref_slice %arg8[%dma_wait3A_1577] : memref<16640xf32, #tpu.memory_space<vmem>> -> memref<512xf32, #tpu.memory_space<vmem>>
        %dma_wait3A_1579 = arith.constant 0 : i32
        %dma_wait3A_1580 = tpu.memref_slice %arg4[%dma_wait3A_1576, %dma_wait3A_1579] : memref<32x819200xf32, #tpu.memory_space<hbm>> -> memref<1x512xf32, #tpu.memory_space<hbm>>
        %dma_wait3A_1581 = tpu.memref_squeeze %dma_wait3A_1580 : memref<1x512xf32, #tpu.memory_space<hbm>> -> memref<512xf32, #tpu.memory_space<hbm>>
        %dma_wait3A_1582 = arith.constant 0 : i32
        %dma_wait3A_1583 = tpu.memref_slice %arg4[%dma_wait3A_1576, %dma_wait3A_1582] : memref<32x819200xf32, #tpu.memory_space<hbm>> -> memref<1x512xf32, #tpu.memory_space<hbm>>
        %dma_wait3A_1584 = tpu.memref_squeeze %dma_wait3A_1583 : memref<1x512xf32, #tpu.memory_space<hbm>> -> memref<512xf32, #tpu.memory_space<hbm>>
        %dma_wait3A_1585 = arith.constant 6760 : i32
        %dma_wait3A_1586 = tpu.memref_slice %arg8[%dma_wait3A_1585] : memref<16640xf32, #tpu.memory_space<vmem>> -> memref<512xf32, #tpu.memory_space<vmem>>
        tpu.wait_dma2 semaphore(%arg12 : memref<!tpu.dma_semaphore, #tpu.memory_space<semaphore_mem>>) src(%dma_wait3A_1586 : memref<512xf32, #tpu.memory_space<vmem>>) dst(%dma_wait3A_1584 : memref<512xf32, #tpu.memory_space<hbm>>)
        %dma_wait3A_1587 = arith.constant 14 : i32
        %dma_wait3A_1588 = arith.constant 7280 : i32
        %dma_wait3A_1589 = tpu.memref_slice %arg8[%dma_wait3A_1588] : memref<16640xf32, #tpu.memory_space<vmem>> -> memref<512xf32, #tpu.memory_space<vmem>>
        %dma_wait3A_1590 = arith.constant 0 : i32
        %dma_wait3A_1591 = tpu.memref_slice %arg4[%dma_wait3A_1587, %dma_wait3A_1590] : memref<32x819200xf32, #tpu.memory_space<hbm>> -> memref<1x512xf32, #tpu.memory_space<hbm>>
        %dma_wait3A_1592 = tpu.memref_squeeze %dma_wait3A_1591 : memref<1x512xf32, #tpu.memory_space<hbm>> -> memref<512xf32, #tpu.memory_space<hbm>>
        %dma_wait3A_1593 = arith.constant 0 : i32
        %dma_wait3A_1594 = tpu.memref_slice %arg4[%dma_wait3A_1587, %dma_wait3A_1593] : memref<32x819200xf32, #tpu.memory_space<hbm>> -> memref<1x512xf32, #tpu.memory_space<hbm>>
        %dma_wait3A_1595 = tpu.memref_squeeze %dma_wait3A_1594 : memref<1x512xf32, #tpu.memory_space<hbm>> -> memref<512xf32, #tpu.memory_space<hbm>>
        %dma_wait3A_1596 = arith.constant 7280 : i32
        %dma_wait3A_1597 = tpu.memref_slice %arg8[%dma_wait3A_1596] : memref<16640xf32, #tpu.memory_space<vmem>> -> memref<512xf32, #tpu.memory_space<vmem>>
        tpu.wait_dma2 semaphore(%arg12 : memref<!tpu.dma_semaphore, #tpu.memory_space<semaphore_mem>>) src(%dma_wait3A_1597 : memref<512xf32, #tpu.memory_space<vmem>>) dst(%dma_wait3A_1595 : memref<512xf32, #tpu.memory_space<hbm>>)
        %dma_wait3A_1598 = arith.constant 15 : i32
        %dma_wait3A_1599 = arith.constant 7800 : i32
        %dma_wait3A_1600 = tpu.memref_slice %arg8[%dma_wait3A_1599] : memref<16640xf32, #tpu.memory_space<vmem>> -> memref<512xf32, #tpu.memory_space<vmem>>
        %dma_wait3A_1601 = arith.constant 0 : i32
        %dma_wait3A_1602 = tpu.memref_slice %arg4[%dma_wait3A_1598, %dma_wait3A_1601] : memref<32x819200xf32, #tpu.memory_space<hbm>> -> memref<1x512xf32, #tpu.memory_space<hbm>>
        %dma_wait3A_1603 = tpu.memref_squeeze %dma_wait3A_1602 : memref<1x512xf32, #tpu.memory_space<hbm>> -> memref<512xf32, #tpu.memory_space<hbm>>
        %dma_wait3A_1604 = arith.constant 0 : i32
        %dma_wait3A_1605 = tpu.memref_slice %arg4[%dma_wait3A_1598, %dma_wait3A_1604] : memref<32x819200xf32, #tpu.memory_space<hbm>> -> memref<1x512xf32, #tpu.memory_space<hbm>>
        %dma_wait3A_1606 = tpu.memref_squeeze %dma_wait3A_1605 : memref<1x512xf32, #tpu.memory_space<hbm>> -> memref<512xf32, #tpu.memory_space<hbm>>
        %dma_wait3A_1607 = arith.constant 7800 : i32
        %dma_wait3A_1608 = tpu.memref_slice %arg8[%dma_wait3A_1607] : memref<16640xf32, #tpu.memory_space<vmem>> -> memref<512xf32, #tpu.memory_space<vmem>>
        tpu.wait_dma2 semaphore(%arg12 : memref<!tpu.dma_semaphore, #tpu.memory_space<semaphore_mem>>) src(%dma_wait3A_1608 : memref<512xf32, #tpu.memory_space<vmem>>) dst(%dma_wait3A_1606 : memref<512xf32, #tpu.memory_space<hbm>>)
        %dma_wait3A_1609 = arith.constant 16 : i32
        %dma_wait3A_1610 = arith.constant 8320 : i32
        %dma_wait3A_1611 = tpu.memref_slice %arg8[%dma_wait3A_1610] : memref<16640xf32, #tpu.memory_space<vmem>> -> memref<512xf32, #tpu.memory_space<vmem>>
        %dma_wait3A_1612 = arith.constant 0 : i32
        %dma_wait3A_1613 = tpu.memref_slice %arg4[%dma_wait3A_1609, %dma_wait3A_1612] : memref<32x819200xf32, #tpu.memory_space<hbm>> -> memref<1x512xf32, #tpu.memory_space<hbm>>
        %dma_wait3A_1614 = tpu.memref_squeeze %dma_wait3A_1613 : memref<1x512xf32, #tpu.memory_space<hbm>> -> memref<512xf32, #tpu.memory_space<hbm>>
        %dma_wait3A_1615 = arith.constant 0 : i32
        %dma_wait3A_1616 = tpu.memref_slice %arg4[%dma_wait3A_1609, %dma_wait3A_1615] : memref<32x819200xf32, #tpu.memory_space<hbm>> -> memref<1x512xf32, #tpu.memory_space<hbm>>
        %dma_wait3A_1617 = tpu.memref_squeeze %dma_wait3A_1616 : memref<1x512xf32, #tpu.memory_space<hbm>> -> memref<512xf32, #tpu.memory_space<hbm>>
        %dma_wait3A_1618 = arith.constant 8320 : i32
        %dma_wait3A_1619 = tpu.memref_slice %arg8[%dma_wait3A_1618] : memref<16640xf32, #tpu.memory_space<vmem>> -> memref<512xf32, #tpu.memory_space<vmem>>
        tpu.wait_dma2 semaphore(%arg12 : memref<!tpu.dma_semaphore, #tpu.memory_space<semaphore_mem>>) src(%dma_wait3A_1619 : memref<512xf32, #tpu.memory_space<vmem>>) dst(%dma_wait3A_1617 : memref<512xf32, #tpu.memory_space<hbm>>)
        %dma_wait3A_1620 = arith.constant 17 : i32
        %dma_wait3A_1621 = arith.constant 8840 : i32
        %dma_wait3A_1622 = tpu.memref_slice %arg8[%dma_wait3A_1621] : memref<16640xf32, #tpu.memory_space<vmem>> -> memref<512xf32, #tpu.memory_space<vmem>>
        %dma_wait3A_1623 = arith.constant 0 : i32
        %dma_wait3A_1624 = tpu.memref_slice %arg4[%dma_wait3A_1620, %dma_wait3A_1623] : memref<32x819200xf32, #tpu.memory_space<hbm>> -> memref<1x512xf32, #tpu.memory_space<hbm>>
        %dma_wait3A_1625 = tpu.memref_squeeze %dma_wait3A_1624 : memref<1x512xf32, #tpu.memory_space<hbm>> -> memref<512xf32, #tpu.memory_space<hbm>>
        %dma_wait3A_1626 = arith.constant 0 : i32
        %dma_wait3A_1627 = tpu.memref_slice %arg4[%dma_wait3A_1620, %dma_wait3A_1626] : memref<32x819200xf32, #tpu.memory_space<hbm>> -> memref<1x512xf32, #tpu.memory_space<hbm>>
        %dma_wait3A_1628 = tpu.memref_squeeze %dma_wait3A_1627 : memref<1x512xf32, #tpu.memory_space<hbm>> -> memref<512xf32, #tpu.memory_space<hbm>>
        %dma_wait3A_1629 = arith.constant 8840 : i32
        %dma_wait3A_1630 = tpu.memref_slice %arg8[%dma_wait3A_1629] : memref<16640xf32, #tpu.memory_space<vmem>> -> memref<512xf32, #tpu.memory_space<vmem>>
        tpu.wait_dma2 semaphore(%arg12 : memref<!tpu.dma_semaphore, #tpu.memory_space<semaphore_mem>>) src(%dma_wait3A_1630 : memref<512xf32, #tpu.memory_space<vmem>>) dst(%dma_wait3A_1628 : memref<512xf32, #tpu.memory_space<hbm>>)
        %dma_wait3A_1631 = arith.constant 18 : i32
        %dma_wait3A_1632 = arith.constant 9360 : i32
        %dma_wait3A_1633 = tpu.memref_slice %arg8[%dma_wait3A_1632] : memref<16640xf32, #tpu.memory_space<vmem>> -> memref<512xf32, #tpu.memory_space<vmem>>
        %dma_wait3A_1634 = arith.constant 0 : i32
        %dma_wait3A_1635 = tpu.memref_slice %arg4[%dma_wait3A_1631, %dma_wait3A_1634] : memref<32x819200xf32, #tpu.memory_space<hbm>> -> memref<1x512xf32, #tpu.memory_space<hbm>>
        %dma_wait3A_1636 = tpu.memref_squeeze %dma_wait3A_1635 : memref<1x512xf32, #tpu.memory_space<hbm>> -> memref<512xf32, #tpu.memory_space<hbm>>
        %dma_wait3A_1637 = arith.constant 0 : i32
        %dma_wait3A_1638 = tpu.memref_slice %arg4[%dma_wait3A_1631, %dma_wait3A_1637] : memref<32x819200xf32, #tpu.memory_space<hbm>> -> memref<1x512xf32, #tpu.memory_space<hbm>>
        %dma_wait3A_1639 = tpu.memref_squeeze %dma_wait3A_1638 : memref<1x512xf32, #tpu.memory_space<hbm>> -> memref<512xf32, #tpu.memory_space<hbm>>
        %dma_wait3A_1640 = arith.constant 9360 : i32
        %dma_wait3A_1641 = tpu.memref_slice %arg8[%dma_wait3A_1640] : memref<16640xf32, #tpu.memory_space<vmem>> -> memref<512xf32, #tpu.memory_space<vmem>>
        tpu.wait_dma2 semaphore(%arg12 : memref<!tpu.dma_semaphore, #tpu.memory_space<semaphore_mem>>) src(%dma_wait3A_1641 : memref<512xf32, #tpu.memory_space<vmem>>) dst(%dma_wait3A_1639 : memref<512xf32, #tpu.memory_space<hbm>>)
        %dma_wait3A_1642 = arith.constant 19 : i32
        %dma_wait3A_1643 = arith.constant 9880 : i32
        %dma_wait3A_1644 = tpu.memref_slice %arg8[%dma_wait3A_1643] : memref<16640xf32, #tpu.memory_space<vmem>> -> memref<512xf32, #tpu.memory_space<vmem>>
        %dma_wait3A_1645 = arith.constant 0 : i32
        %dma_wait3A_1646 = tpu.memref_slice %arg4[%dma_wait3A_1642, %dma_wait3A_1645] : memref<32x819200xf32, #tpu.memory_space<hbm>> -> memref<1x512xf32, #tpu.memory_space<hbm>>
        %dma_wait3A_1647 = tpu.memref_squeeze %dma_wait3A_1646 : memref<1x512xf32, #tpu.memory_space<hbm>> -> memref<512xf32, #tpu.memory_space<hbm>>
        %dma_wait3A_1648 = arith.constant 0 : i32
        %dma_wait3A_1649 = tpu.memref_slice %arg4[%dma_wait3A_1642, %dma_wait3A_1648] : memref<32x819200xf32, #tpu.memory_space<hbm>> -> memref<1x512xf32, #tpu.memory_space<hbm>>
        %dma_wait3A_1650 = tpu.memref_squeeze %dma_wait3A_1649 : memref<1x512xf32, #tpu.memory_space<hbm>> -> memref<512xf32, #tpu.memory_space<hbm>>
        %dma_wait3A_1651 = arith.constant 9880 : i32
        %dma_wait3A_1652 = tpu.memref_slice %arg8[%dma_wait3A_1651] : memref<16640xf32, #tpu.memory_space<vmem>> -> memref<512xf32, #tpu.memory_space<vmem>>
        tpu.wait_dma2 semaphore(%arg12 : memref<!tpu.dma_semaphore, #tpu.memory_space<semaphore_mem>>) src(%dma_wait3A_1652 : memref<512xf32, #tpu.memory_space<vmem>>) dst(%dma_wait3A_1650 : memref<512xf32, #tpu.memory_space<hbm>>)
        %dma_wait3A_1653 = arith.constant 20 : i32
        %dma_wait3A_1654 = arith.constant 10400 : i32
        %dma_wait3A_1655 = tpu.memref_slice %arg8[%dma_wait3A_1654] : memref<16640xf32, #tpu.memory_space<vmem>> -> memref<512xf32, #tpu.memory_space<vmem>>
        %dma_wait3A_1656 = arith.constant 0 : i32
        %dma_wait3A_1657 = tpu.memref_slice %arg4[%dma_wait3A_1653, %dma_wait3A_1656] : memref<32x819200xf32, #tpu.memory_space<hbm>> -> memref<1x512xf32, #tpu.memory_space<hbm>>
        %dma_wait3A_1658 = tpu.memref_squeeze %dma_wait3A_1657 : memref<1x512xf32, #tpu.memory_space<hbm>> -> memref<512xf32, #tpu.memory_space<hbm>>
        %dma_wait3A_1659 = arith.constant 0 : i32
        %dma_wait3A_1660 = tpu.memref_slice %arg4[%dma_wait3A_1653, %dma_wait3A_1659] : memref<32x819200xf32, #tpu.memory_space<hbm>> -> memref<1x512xf32, #tpu.memory_space<hbm>>
        %dma_wait3A_1661 = tpu.memref_squeeze %dma_wait3A_1660 : memref<1x512xf32, #tpu.memory_space<hbm>> -> memref<512xf32, #tpu.memory_space<hbm>>
        %dma_wait3A_1662 = arith.constant 10400 : i32
        %dma_wait3A_1663 = tpu.memref_slice %arg8[%dma_wait3A_1662] : memref<16640xf32, #tpu.memory_space<vmem>> -> memref<512xf32, #tpu.memory_space<vmem>>
        tpu.wait_dma2 semaphore(%arg12 : memref<!tpu.dma_semaphore, #tpu.memory_space<semaphore_mem>>) src(%dma_wait3A_1663 : memref<512xf32, #tpu.memory_space<vmem>>) dst(%dma_wait3A_1661 : memref<512xf32, #tpu.memory_space<hbm>>)
        %dma_wait3A_1664 = arith.constant 21 : i32
        %dma_wait3A_1665 = arith.constant 10920 : i32
        %dma_wait3A_1666 = tpu.memref_slice %arg8[%dma_wait3A_1665] : memref<16640xf32, #tpu.memory_space<vmem>> -> memref<512xf32, #tpu.memory_space<vmem>>
        %dma_wait3A_1667 = arith.constant 0 : i32
        %dma_wait3A_1668 = tpu.memref_slice %arg4[%dma_wait3A_1664, %dma_wait3A_1667] : memref<32x819200xf32, #tpu.memory_space<hbm>> -> memref<1x512xf32, #tpu.memory_space<hbm>>
        %dma_wait3A_1669 = tpu.memref_squeeze %dma_wait3A_1668 : memref<1x512xf32, #tpu.memory_space<hbm>> -> memref<512xf32, #tpu.memory_space<hbm>>
        %dma_wait3A_1670 = arith.constant 0 : i32
        %dma_wait3A_1671 = tpu.memref_slice %arg4[%dma_wait3A_1664, %dma_wait3A_1670] : memref<32x819200xf32, #tpu.memory_space<hbm>> -> memref<1x512xf32, #tpu.memory_space<hbm>>
        %dma_wait3A_1672 = tpu.memref_squeeze %dma_wait3A_1671 : memref<1x512xf32, #tpu.memory_space<hbm>> -> memref<512xf32, #tpu.memory_space<hbm>>
        %dma_wait3A_1673 = arith.constant 10920 : i32
        %dma_wait3A_1674 = tpu.memref_slice %arg8[%dma_wait3A_1673] : memref<16640xf32, #tpu.memory_space<vmem>> -> memref<512xf32, #tpu.memory_space<vmem>>
        tpu.wait_dma2 semaphore(%arg12 : memref<!tpu.dma_semaphore, #tpu.memory_space<semaphore_mem>>) src(%dma_wait3A_1674 : memref<512xf32, #tpu.memory_space<vmem>>) dst(%dma_wait3A_1672 : memref<512xf32, #tpu.memory_space<hbm>>)
        %dma_wait3A_1675 = arith.constant 22 : i32
        %dma_wait3A_1676 = arith.constant 11440 : i32
        %dma_wait3A_1677 = tpu.memref_slice %arg8[%dma_wait3A_1676] : memref<16640xf32, #tpu.memory_space<vmem>> -> memref<512xf32, #tpu.memory_space<vmem>>
        %dma_wait3A_1678 = arith.constant 0 : i32
        %dma_wait3A_1679 = tpu.memref_slice %arg4[%dma_wait3A_1675, %dma_wait3A_1678] : memref<32x819200xf32, #tpu.memory_space<hbm>> -> memref<1x512xf32, #tpu.memory_space<hbm>>
        %dma_wait3A_1680 = tpu.memref_squeeze %dma_wait3A_1679 : memref<1x512xf32, #tpu.memory_space<hbm>> -> memref<512xf32, #tpu.memory_space<hbm>>
        %dma_wait3A_1681 = arith.constant 0 : i32
        %dma_wait3A_1682 = tpu.memref_slice %arg4[%dma_wait3A_1675, %dma_wait3A_1681] : memref<32x819200xf32, #tpu.memory_space<hbm>> -> memref<1x512xf32, #tpu.memory_space<hbm>>
        %dma_wait3A_1683 = tpu.memref_squeeze %dma_wait3A_1682 : memref<1x512xf32, #tpu.memory_space<hbm>> -> memref<512xf32, #tpu.memory_space<hbm>>
        %dma_wait3A_1684 = arith.constant 11440 : i32
        %dma_wait3A_1685 = tpu.memref_slice %arg8[%dma_wait3A_1684] : memref<16640xf32, #tpu.memory_space<vmem>> -> memref<512xf32, #tpu.memory_space<vmem>>
        tpu.wait_dma2 semaphore(%arg12 : memref<!tpu.dma_semaphore, #tpu.memory_space<semaphore_mem>>) src(%dma_wait3A_1685 : memref<512xf32, #tpu.memory_space<vmem>>) dst(%dma_wait3A_1683 : memref<512xf32, #tpu.memory_space<hbm>>)
        %dma_wait3A_1686 = arith.constant 23 : i32
        %dma_wait3A_1687 = arith.constant 11960 : i32
        %dma_wait3A_1688 = tpu.memref_slice %arg8[%dma_wait3A_1687] : memref<16640xf32, #tpu.memory_space<vmem>> -> memref<512xf32, #tpu.memory_space<vmem>>
        %dma_wait3A_1689 = arith.constant 0 : i32
        %dma_wait3A_1690 = tpu.memref_slice %arg4[%dma_wait3A_1686, %dma_wait3A_1689] : memref<32x819200xf32, #tpu.memory_space<hbm>> -> memref<1x512xf32, #tpu.memory_space<hbm>>
        %dma_wait3A_1691 = tpu.memref_squeeze %dma_wait3A_1690 : memref<1x512xf32, #tpu.memory_space<hbm>> -> memref<512xf32, #tpu.memory_space<hbm>>
        %dma_wait3A_1692 = arith.constant 0 : i32
        %dma_wait3A_1693 = tpu.memref_slice %arg4[%dma_wait3A_1686, %dma_wait3A_1692] : memref<32x819200xf32, #tpu.memory_space<hbm>> -> memref<1x512xf32, #tpu.memory_space<hbm>>
        %dma_wait3A_1694 = tpu.memref_squeeze %dma_wait3A_1693 : memref<1x512xf32, #tpu.memory_space<hbm>> -> memref<512xf32, #tpu.memory_space<hbm>>
        %dma_wait3A_1695 = arith.constant 11960 : i32
        %dma_wait3A_1696 = tpu.memref_slice %arg8[%dma_wait3A_1695] : memref<16640xf32, #tpu.memory_space<vmem>> -> memref<512xf32, #tpu.memory_space<vmem>>
        tpu.wait_dma2 semaphore(%arg12 : memref<!tpu.dma_semaphore, #tpu.memory_space<semaphore_mem>>) src(%dma_wait3A_1696 : memref<512xf32, #tpu.memory_space<vmem>>) dst(%dma_wait3A_1694 : memref<512xf32, #tpu.memory_space<hbm>>)
        %dma_wait3A_1697 = arith.constant 24 : i32
        %dma_wait3A_1698 = arith.constant 12480 : i32
        %dma_wait3A_1699 = tpu.memref_slice %arg8[%dma_wait3A_1698] : memref<16640xf32, #tpu.memory_space<vmem>> -> memref<512xf32, #tpu.memory_space<vmem>>
        %dma_wait3A_1700 = arith.constant 0 : i32
        %dma_wait3A_1701 = tpu.memref_slice %arg4[%dma_wait3A_1697, %dma_wait3A_1700] : memref<32x819200xf32, #tpu.memory_space<hbm>> -> memref<1x512xf32, #tpu.memory_space<hbm>>
        %dma_wait3A_1702 = tpu.memref_squeeze %dma_wait3A_1701 : memref<1x512xf32, #tpu.memory_space<hbm>> -> memref<512xf32, #tpu.memory_space<hbm>>
        %dma_wait3A_1703 = arith.constant 0 : i32
        %dma_wait3A_1704 = tpu.memref_slice %arg4[%dma_wait3A_1697, %dma_wait3A_1703] : memref<32x819200xf32, #tpu.memory_space<hbm>> -> memref<1x512xf32, #tpu.memory_space<hbm>>
        %dma_wait3A_1705 = tpu.memref_squeeze %dma_wait3A_1704 : memref<1x512xf32, #tpu.memory_space<hbm>> -> memref<512xf32, #tpu.memory_space<hbm>>
        %dma_wait3A_1706 = arith.constant 12480 : i32
        %dma_wait3A_1707 = tpu.memref_slice %arg8[%dma_wait3A_1706] : memref<16640xf32, #tpu.memory_space<vmem>> -> memref<512xf32, #tpu.memory_space<vmem>>
        tpu.wait_dma2 semaphore(%arg12 : memref<!tpu.dma_semaphore, #tpu.memory_space<semaphore_mem>>) src(%dma_wait3A_1707 : memref<512xf32, #tpu.memory_space<vmem>>) dst(%dma_wait3A_1705 : memref<512xf32, #tpu.memory_space<hbm>>)
        %dma_wait3A_1708 = arith.constant 25 : i32
        %dma_wait3A_1709 = arith.constant 13000 : i32
        %dma_wait3A_1710 = tpu.memref_slice %arg8[%dma_wait3A_1709] : memref<16640xf32, #tpu.memory_space<vmem>> -> memref<512xf32, #tpu.memory_space<vmem>>
        %dma_wait3A_1711 = arith.constant 0 : i32
        %dma_wait3A_1712 = tpu.memref_slice %arg4[%dma_wait3A_1708, %dma_wait3A_1711] : memref<32x819200xf32, #tpu.memory_space<hbm>> -> memref<1x512xf32, #tpu.memory_space<hbm>>
        %dma_wait3A_1713 = tpu.memref_squeeze %dma_wait3A_1712 : memref<1x512xf32, #tpu.memory_space<hbm>> -> memref<512xf32, #tpu.memory_space<hbm>>
        %dma_wait3A_1714 = arith.constant 0 : i32
        %dma_wait3A_1715 = tpu.memref_slice %arg4[%dma_wait3A_1708, %dma_wait3A_1714] : memref<32x819200xf32, #tpu.memory_space<hbm>> -> memref<1x512xf32, #tpu.memory_space<hbm>>
        %dma_wait3A_1716 = tpu.memref_squeeze %dma_wait3A_1715 : memref<1x512xf32, #tpu.memory_space<hbm>> -> memref<512xf32, #tpu.memory_space<hbm>>
        %dma_wait3A_1717 = arith.constant 13000 : i32
        %dma_wait3A_1718 = tpu.memref_slice %arg8[%dma_wait3A_1717] : memref<16640xf32, #tpu.memory_space<vmem>> -> memref<512xf32, #tpu.memory_space<vmem>>
        tpu.wait_dma2 semaphore(%arg12 : memref<!tpu.dma_semaphore, #tpu.memory_space<semaphore_mem>>) src(%dma_wait3A_1718 : memref<512xf32, #tpu.memory_space<vmem>>) dst(%dma_wait3A_1716 : memref<512xf32, #tpu.memory_space<hbm>>)
        %dma_wait3A_1719 = arith.constant 26 : i32
        %dma_wait3A_1720 = arith.constant 13520 : i32
        %dma_wait3A_1721 = tpu.memref_slice %arg8[%dma_wait3A_1720] : memref<16640xf32, #tpu.memory_space<vmem>> -> memref<512xf32, #tpu.memory_space<vmem>>
        %dma_wait3A_1722 = arith.constant 0 : i32
        %dma_wait3A_1723 = tpu.memref_slice %arg4[%dma_wait3A_1719, %dma_wait3A_1722] : memref<32x819200xf32, #tpu.memory_space<hbm>> -> memref<1x512xf32, #tpu.memory_space<hbm>>
        %dma_wait3A_1724 = tpu.memref_squeeze %dma_wait3A_1723 : memref<1x512xf32, #tpu.memory_space<hbm>> -> memref<512xf32, #tpu.memory_space<hbm>>
        %dma_wait3A_1725 = arith.constant 0 : i32
        %dma_wait3A_1726 = tpu.memref_slice %arg4[%dma_wait3A_1719, %dma_wait3A_1725] : memref<32x819200xf32, #tpu.memory_space<hbm>> -> memref<1x512xf32, #tpu.memory_space<hbm>>
        %dma_wait3A_1727 = tpu.memref_squeeze %dma_wait3A_1726 : memref<1x512xf32, #tpu.memory_space<hbm>> -> memref<512xf32, #tpu.memory_space<hbm>>
        %dma_wait3A_1728 = arith.constant 13520 : i32
        %dma_wait3A_1729 = tpu.memref_slice %arg8[%dma_wait3A_1728] : memref<16640xf32, #tpu.memory_space<vmem>> -> memref<512xf32, #tpu.memory_space<vmem>>
        tpu.wait_dma2 semaphore(%arg12 : memref<!tpu.dma_semaphore, #tpu.memory_space<semaphore_mem>>) src(%dma_wait3A_1729 : memref<512xf32, #tpu.memory_space<vmem>>) dst(%dma_wait3A_1727 : memref<512xf32, #tpu.memory_space<hbm>>)
        %dma_wait3A_1730 = arith.constant 27 : i32
        %dma_wait3A_1731 = arith.constant 14040 : i32
        %dma_wait3A_1732 = tpu.memref_slice %arg8[%dma_wait3A_1731] : memref<16640xf32, #tpu.memory_space<vmem>> -> memref<512xf32, #tpu.memory_space<vmem>>
        %dma_wait3A_1733 = arith.constant 0 : i32
        %dma_wait3A_1734 = tpu.memref_slice %arg4[%dma_wait3A_1730, %dma_wait3A_1733] : memref<32x819200xf32, #tpu.memory_space<hbm>> -> memref<1x512xf32, #tpu.memory_space<hbm>>
        %dma_wait3A_1735 = tpu.memref_squeeze %dma_wait3A_1734 : memref<1x512xf32, #tpu.memory_space<hbm>> -> memref<512xf32, #tpu.memory_space<hbm>>
        %dma_wait3A_1736 = arith.constant 0 : i32
        %dma_wait3A_1737 = tpu.memref_slice %arg4[%dma_wait3A_1730, %dma_wait3A_1736] : memref<32x819200xf32, #tpu.memory_space<hbm>> -> memref<1x512xf32, #tpu.memory_space<hbm>>
        %dma_wait3A_1738 = tpu.memref_squeeze %dma_wait3A_1737 : memref<1x512xf32, #tpu.memory_space<hbm>> -> memref<512xf32, #tpu.memory_space<hbm>>
        %dma_wait3A_1739 = arith.constant 14040 : i32
        %dma_wait3A_1740 = tpu.memref_slice %arg8[%dma_wait3A_1739] : memref<16640xf32, #tpu.memory_space<vmem>> -> memref<512xf32, #tpu.memory_space<vmem>>
        tpu.wait_dma2 semaphore(%arg12 : memref<!tpu.dma_semaphore, #tpu.memory_space<semaphore_mem>>) src(%dma_wait3A_1740 : memref<512xf32, #tpu.memory_space<vmem>>) dst(%dma_wait3A_1738 : memref<512xf32, #tpu.memory_space<hbm>>)
        %dma_wait3A_1741 = arith.constant 28 : i32
        %dma_wait3A_1742 = arith.constant 14560 : i32
        %dma_wait3A_1743 = tpu.memref_slice %arg8[%dma_wait3A_1742] : memref<16640xf32, #tpu.memory_space<vmem>> -> memref<512xf32, #tpu.memory_space<vmem>>
        %dma_wait3A_1744 = arith.constant 0 : i32
        %dma_wait3A_1745 = tpu.memref_slice %arg4[%dma_wait3A_1741, %dma_wait3A_1744] : memref<32x819200xf32, #tpu.memory_space<hbm>> -> memref<1x512xf32, #tpu.memory_space<hbm>>
        %dma_wait3A_1746 = tpu.memref_squeeze %dma_wait3A_1745 : memref<1x512xf32, #tpu.memory_space<hbm>> -> memref<512xf32, #tpu.memory_space<hbm>>
        %dma_wait3A_1747 = arith.constant 0 : i32
        %dma_wait3A_1748 = tpu.memref_slice %arg4[%dma_wait3A_1741, %dma_wait3A_1747] : memref<32x819200xf32, #tpu.memory_space<hbm>> -> memref<1x512xf32, #tpu.memory_space<hbm>>
        %dma_wait3A_1749 = tpu.memref_squeeze %dma_wait3A_1748 : memref<1x512xf32, #tpu.memory_space<hbm>> -> memref<512xf32, #tpu.memory_space<hbm>>
        %dma_wait3A_1750 = arith.constant 14560 : i32
        %dma_wait3A_1751 = tpu.memref_slice %arg8[%dma_wait3A_1750] : memref<16640xf32, #tpu.memory_space<vmem>> -> memref<512xf32, #tpu.memory_space<vmem>>
        tpu.wait_dma2 semaphore(%arg12 : memref<!tpu.dma_semaphore, #tpu.memory_space<semaphore_mem>>) src(%dma_wait3A_1751 : memref<512xf32, #tpu.memory_space<vmem>>) dst(%dma_wait3A_1749 : memref<512xf32, #tpu.memory_space<hbm>>)
        %dma_wait3A_1752 = arith.constant 29 : i32
        %dma_wait3A_1753 = arith.constant 15080 : i32
        %dma_wait3A_1754 = tpu.memref_slice %arg8[%dma_wait3A_1753] : memref<16640xf32, #tpu.memory_space<vmem>> -> memref<512xf32, #tpu.memory_space<vmem>>
        %dma_wait3A_1755 = arith.constant 0 : i32
        %dma_wait3A_1756 = tpu.memref_slice %arg4[%dma_wait3A_1752, %dma_wait3A_1755] : memref<32x819200xf32, #tpu.memory_space<hbm>> -> memref<1x512xf32, #tpu.memory_space<hbm>>
        %dma_wait3A_1757 = tpu.memref_squeeze %dma_wait3A_1756 : memref<1x512xf32, #tpu.memory_space<hbm>> -> memref<512xf32, #tpu.memory_space<hbm>>
        %dma_wait3A_1758 = arith.constant 0 : i32
        %dma_wait3A_1759 = tpu.memref_slice %arg4[%dma_wait3A_1752, %dma_wait3A_1758] : memref<32x819200xf32, #tpu.memory_space<hbm>> -> memref<1x512xf32, #tpu.memory_space<hbm>>
        %dma_wait3A_1760 = tpu.memref_squeeze %dma_wait3A_1759 : memref<1x512xf32, #tpu.memory_space<hbm>> -> memref<512xf32, #tpu.memory_space<hbm>>
        %dma_wait3A_1761 = arith.constant 15080 : i32
        %dma_wait3A_1762 = tpu.memref_slice %arg8[%dma_wait3A_1761] : memref<16640xf32, #tpu.memory_space<vmem>> -> memref<512xf32, #tpu.memory_space<vmem>>
        tpu.wait_dma2 semaphore(%arg12 : memref<!tpu.dma_semaphore, #tpu.memory_space<semaphore_mem>>) src(%dma_wait3A_1762 : memref<512xf32, #tpu.memory_space<vmem>>) dst(%dma_wait3A_1760 : memref<512xf32, #tpu.memory_space<hbm>>)
        %dma_wait3A_1763 = arith.constant 30 : i32
        %dma_wait3A_1764 = arith.constant 15600 : i32
        %dma_wait3A_1765 = tpu.memref_slice %arg8[%dma_wait3A_1764] : memref<16640xf32, #tpu.memory_space<vmem>> -> memref<512xf32, #tpu.memory_space<vmem>>
        %dma_wait3A_1766 = arith.constant 0 : i32
        %dma_wait3A_1767 = tpu.memref_slice %arg4[%dma_wait3A_1763, %dma_wait3A_1766] : memref<32x819200xf32, #tpu.memory_space<hbm>> -> memref<1x512xf32, #tpu.memory_space<hbm>>
        %dma_wait3A_1768 = tpu.memref_squeeze %dma_wait3A_1767 : memref<1x512xf32, #tpu.memory_space<hbm>> -> memref<512xf32, #tpu.memory_space<hbm>>
        %dma_wait3A_1769 = arith.constant 0 : i32
        %dma_wait3A_1770 = tpu.memref_slice %arg4[%dma_wait3A_1763, %dma_wait3A_1769] : memref<32x819200xf32, #tpu.memory_space<hbm>> -> memref<1x512xf32, #tpu.memory_space<hbm>>
        %dma_wait3A_1771 = tpu.memref_squeeze %dma_wait3A_1770 : memref<1x512xf32, #tpu.memory_space<hbm>> -> memref<512xf32, #tpu.memory_space<hbm>>
        %dma_wait3A_1772 = arith.constant 15600 : i32
        %dma_wait3A_1773 = tpu.memref_slice %arg8[%dma_wait3A_1772] : memref<16640xf32, #tpu.memory_space<vmem>> -> memref<512xf32, #tpu.memory_space<vmem>>
        tpu.wait_dma2 semaphore(%arg12 : memref<!tpu.dma_semaphore, #tpu.memory_space<semaphore_mem>>) src(%dma_wait3A_1773 : memref<512xf32, #tpu.memory_space<vmem>>) dst(%dma_wait3A_1771 : memref<512xf32, #tpu.memory_space<hbm>>)
        %dma_wait3A_1774 = arith.constant 31 : i32
        %dma_wait3A_1775 = arith.constant 16120 : i32
        %dma_wait3A_1776 = tpu.memref_slice %arg8[%dma_wait3A_1775] : memref<16640xf32, #tpu.memory_space<vmem>> -> memref<512xf32, #tpu.memory_space<vmem>>
        %dma_wait3A_1777 = arith.constant 0 : i32
        %dma_wait3A_1778 = tpu.memref_slice %arg4[%dma_wait3A_1774, %dma_wait3A_1777] : memref<32x819200xf32, #tpu.memory_space<hbm>> -> memref<1x512xf32, #tpu.memory_space<hbm>>
        %dma_wait3A_1779 = tpu.memref_squeeze %dma_wait3A_1778 : memref<1x512xf32, #tpu.memory_space<hbm>> -> memref<512xf32, #tpu.memory_space<hbm>>
        %dma_wait3A_1780 = arith.constant 0 : i32
        %dma_wait3A_1781 = tpu.memref_slice %arg4[%dma_wait3A_1774, %dma_wait3A_1780] : memref<32x819200xf32, #tpu.memory_space<hbm>> -> memref<1x512xf32, #tpu.memory_space<hbm>>
        %dma_wait3A_1782 = tpu.memref_squeeze %dma_wait3A_1781 : memref<1x512xf32, #tpu.memory_space<hbm>> -> memref<512xf32, #tpu.memory_space<hbm>>
        %dma_wait3A_1783 = arith.constant 16120 : i32
        %dma_wait3A_1784 = tpu.memref_slice %arg8[%dma_wait3A_1783] : memref<16640xf32, #tpu.memory_space<vmem>> -> memref<512xf32, #tpu.memory_space<vmem>>
        tpu.wait_dma2 semaphore(%arg12 : memref<!tpu.dma_semaphore, #tpu.memory_space<semaphore_mem>>) src(%dma_wait3A_1784 : memref<512xf32, #tpu.memory_space<vmem>>) dst(%dma_wait3A_1782 : memref<512xf32, #tpu.memory_space<hbm>>)
      } else {
      }
      %scan3A_740 = arith.constant 0 : i32
      %scan3A_741 = arith.constant 0 : i32
      %scan3A_742 = arith.constant 32 : i32
      %scan3A_743 = arith.addi %scan3A_741, %scan3A_742 : i32
      %scan3A_744 = arith.constant 1 : i32
      scf.for %scan3A_1433 = %scan3A_741 to %scan3A_743 step %scan3A_744  : i32 {
        %mul3A_1434 = arith.constant 16 : i32
        %mul3A_1435 = arith.muli %scan3A_1433, %mul3A_1434 : i32
        %add3A_1436 = arith.constant 0 : i32
        %add3A_1437 = arith.addi %mul3A_1435, %add3A_1436 : i32
        %get3A = arith.index_cast %add3A_1437 : i32 to index
        %get3A_1438 = arith.constant 0 : index
        %get3A_1439 = tpu.vector_load %arg6[%get3A, %get3A_1438] {strides = array<i32>} : memref<512x32xf32, #tpu.memory_space<vmem>>, vector<16xf32>,
        %get3A_1440 = arith.index_cast %add3A_1437 : i32 to index
        %get3A_1441 = arith.constant 16 : index
        %get3A_1442 = tpu.vector_load %arg6[%get3A_1440, %get3A_1441] {strides = array<i32>} : memref<512x32xf32, #tpu.memory_space<vmem>>, vector<16xf32>,
        %add3A_1443 = vector.broadcast %add3A_1437 : i32 to vector<16xi32>
        %add3A_1444 = arith.addi %mul3A_3, %add3A_1443 : vector<16xi32>
        tpu.vector_store_idx %arg8[%add3A_1444], %get3A_1439 : memref<16640xf32, #tpu.memory_space<vmem>>[vector<16xi32>], vector<16xf32>,
        %add3A_1445 = vector.broadcast %add3A_1437 : i32 to vector<16xi32>
        %add3A_1446 = arith.addi %mul3A_9, %add3A_1445 : vector<16xi32>
        tpu.vector_store_idx %arg8[%add3A_1446], %get3A_1442 : memref<16640xf32, #tpu.memory_space<vmem>>[vector<16xi32>], vector<16xf32>,
        %mul3A_1447 = arith.constant 16 : i32
        %mul3A_1448 = arith.muli %scan3A_1433, %mul3A_1447 : i32
        %add3A_1449 = arith.constant 1 : i32
        %add3A_1450 = arith.addi %mul3A_1448, %add3A_1449 : i32
        %get3A_1451 = arith.index_cast %add3A_1450 : i32 to index
        %get3A_1452 = arith.constant 0 : index
        %get3A_1453 = tpu.vector_load %arg6[%get3A_1451, %get3A_1452] {strides = array<i32>} : memref<512x32xf32, #tpu.memory_space<vmem>>, vector<16xf32>,
        %get3A_1454 = arith.index_cast %add3A_1450 : i32 to index
        %get3A_1455 = arith.constant 16 : index
        %get3A_1456 = tpu.vector_load %arg6[%get3A_1454, %get3A_1455] {strides = array<i32>} : memref<512x32xf32, #tpu.memory_space<vmem>>, vector<16xf32>,
        %add3A_1457 = vector.broadcast %add3A_1450 : i32 to vector<16xi32>
        %add3A_1458 = arith.addi %mul3A_3, %add3A_1457 : vector<16xi32>
        tpu.vector_store_idx %arg8[%add3A_1458], %get3A_1453 : memref<16640xf32, #tpu.memory_space<vmem>>[vector<16xi32>], vector<16xf32>,
        %add3A_1459 = vector.broadcast %add3A_1450 : i32 to vector<16xi32>
        %add3A_1460 = arith.addi %mul3A_9, %add3A_1459 : vector<16xi32>
        tpu.vector_store_idx %arg8[%add3A_1460], %get3A_1456 : memref<16640xf32, #tpu.memory_space<vmem>>[vector<16xi32>], vector<16xf32>,
        %mul3A_1461 = arith.constant 16 : i32
        %mul3A_1462 = arith.muli %scan3A_1433, %mul3A_1461 : i32
        %add3A_1463 = arith.constant 2 : i32
        %add3A_1464 = arith.addi %mul3A_1462, %add3A_1463 : i32
        %get3A_1465 = arith.index_cast %add3A_1464 : i32 to index
        %get3A_1466 = arith.constant 0 : index
        %get3A_1467 = tpu.vector_load %arg6[%get3A_1465, %get3A_1466] {strides = array<i32>} : memref<512x32xf32, #tpu.memory_space<vmem>>, vector<16xf32>,
        %get3A_1468 = arith.index_cast %add3A_1464 : i32 to index
        %get3A_1469 = arith.constant 16 : index
        %get3A_1470 = tpu.vector_load %arg6[%get3A_1468, %get3A_1469] {strides = array<i32>} : memref<512x32xf32, #tpu.memory_space<vmem>>, vector<16xf32>,
        %add3A_1471 = vector.broadcast %add3A_1464 : i32 to vector<16xi32>
        %add3A_1472 = arith.addi %mul3A_3, %add3A_1471 : vector<16xi32>
        tpu.vector_store_idx %arg8[%add3A_1472], %get3A_1467 : memref<16640xf32, #tpu.memory_space<vmem>>[vector<16xi32>], vector<16xf32>,
        %add3A_1473 = vector.broadcast %add3A_1464 : i32 to vector<16xi32>
        %add3A_1474 = arith.addi %mul3A_9, %add3A_1473 : vector<16xi32>
        tpu.vector_store_idx %arg8[%add3A_1474], %get3A_1470 : memref<16640xf32, #tpu.memory_space<vmem>>[vector<16xi32>], vector<16xf32>,
        %mul3A_1475 = arith.constant 16 : i32
        %mul3A_1476 = arith.muli %scan3A_1433, %mul3A_1475 : i32
        %add3A_1477 = arith.constant 3 : i32
        %add3A_1478 = arith.addi %mul3A_1476, %add3A_1477 : i32
        %get3A_1479 = arith.index_cast %add3A_1478 : i32 to index
        %get3A_1480 = arith.constant 0 : index
        %get3A_1481 = tpu.vector_load %arg6[%get3A_1479, %get3A_1480] {strides = array<i32>} : memref<512x32xf32, #tpu.memory_space<vmem>>, vector<16xf32>,
        %get3A_1482 = arith.index_cast %add3A_1478 : i32 to index
        %get3A_1483 = arith.constant 16 : index
        %get3A_1484 = tpu.vector_load %arg6[%get3A_1482, %get3A_1483] {strides = array<i32>} : memref<512x32xf32, #tpu.memory_space<vmem>>, vector<16xf32>,
        %add3A_1485 = vector.broadcast %add3A_1478 : i32 to vector<16xi32>
        %add3A_1486 = arith.addi %mul3A_3, %add3A_1485 : vector<16xi32>
        tpu.vector_store_idx %arg8[%add3A_1486], %get3A_1481 : memref<16640xf32, #tpu.memory_space<vmem>>[vector<16xi32>], vector<16xf32>,
        %add3A_1487 = vector.broadcast %add3A_1478 : i32 to vector<16xi32>
        %add3A_1488 = arith.addi %mul3A_9, %add3A_1487 : vector<16xi32>
        tpu.vector_store_idx %arg8[%add3A_1488], %get3A_1484 : memref<16640xf32, #tpu.memory_space<vmem>>[vector<16xi32>], vector<16xf32>,
        %mul3A_1489 = arith.constant 16 : i32
        %mul3A_1490 = arith.muli %scan3A_1433, %mul3A_1489 : i32
        %add3A_1491 = arith.constant 4 : i32
        %add3A_1492 = arith.addi %mul3A_1490, %add3A_1491 : i32
        %get3A_1493 = arith.index_cast %add3A_1492 : i32 to index
        %get3A_1494 = arith.constant 0 : index
        %get3A_1495 = tpu.vector_load %arg6[%get3A_1493, %get3A_1494] {strides = array<i32>} : memref<512x32xf32, #tpu.memory_space<vmem>>, vector<16xf32>,
        %get3A_1496 = arith.index_cast %add3A_1492 : i32 to index
        %get3A_1497 = arith.constant 16 : index
        %get3A_1498 = tpu.vector_load %arg6[%get3A_1496, %get3A_1497] {strides = array<i32>} : memref<512x32xf32, #tpu.memory_space<vmem>>, vector<16xf32>,
        %add3A_1499 = vector.broadcast %add3A_1492 : i32 to vector<16xi32>
        %add3A_1500 = arith.addi %mul3A_3, %add3A_1499 : vector<16xi32>
        tpu.vector_store_idx %arg8[%add3A_1500], %get3A_1495 : memref<16640xf32, #tpu.memory_space<vmem>>[vector<16xi32>], vector<16xf32>,
        %add3A_1501 = vector.broadcast %add3A_1492 : i32 to vector<16xi32>
        %add3A_1502 = arith.addi %mul3A_9, %add3A_1501 : vector<16xi32>
        tpu.vector_store_idx %arg8[%add3A_1502], %get3A_1498 : memref<16640xf32, #tpu.memory_space<vmem>>[vector<16xi32>], vector<16xf32>,
        %mul3A_1503 = arith.constant 16 : i32
        %mul3A_1504 = arith.muli %scan3A_1433, %mul3A_1503 : i32
        %add3A_1505 = arith.constant 5 : i32
        %add3A_1506 = arith.addi %mul3A_1504, %add3A_1505 : i32
        %get3A_1507 = arith.index_cast %add3A_1506 : i32 to index
        %get3A_1508 = arith.constant 0 : index
        %get3A_1509 = tpu.vector_load %arg6[%get3A_1507, %get3A_1508] {strides = array<i32>} : memref<512x32xf32, #tpu.memory_space<vmem>>, vector<16xf32>,
        %get3A_1510 = arith.index_cast %add3A_1506 : i32 to index
        %get3A_1511 = arith.constant 16 : index
        %get3A_1512 = tpu.vector_load %arg6[%get3A_1510, %get3A_1511] {strides = array<i32>} : memref<512x32xf32, #tpu.memory_space<vmem>>, vector<16xf32>,
        %add3A_1513 = vector.broadcast %add3A_1506 : i32 to vector<16xi32>
        %add3A_1514 = arith.addi %mul3A_3, %add3A_1513 : vector<16xi32>
        tpu.vector_store_idx %arg8[%add3A_1514], %get3A_1509 : memref<16640xf32, #tpu.memory_space<vmem>>[vector<16xi32>], vector<16xf32>,
        %add3A_1515 = vector.broadcast %add3A_1506 : i32 to vector<16xi32>
        %add3A_1516 = arith.addi %mul3A_9, %add3A_1515 : vector<16xi32>
        tpu.vector_store_idx %arg8[%add3A_1516], %get3A_1512 : memref<16640xf32, #tpu.memory_space<vmem>>[vector<16xi32>], vector<16xf32>,
        %mul3A_1517 = arith.constant 16 : i32
        %mul3A_1518 = arith.muli %scan3A_1433, %mul3A_1517 : i32
        %add3A_1519 = arith.constant 6 : i32
        %add3A_1520 = arith.addi %mul3A_1518, %add3A_1519 : i32
        %get3A_1521 = arith.index_cast %add3A_1520 : i32 to index
        %get3A_1522 = arith.constant 0 : index
        %get3A_1523 = tpu.vector_load %arg6[%get3A_1521, %get3A_1522] {strides = array<i32>} : memref<512x32xf32, #tpu.memory_space<vmem>>, vector<16xf32>,
        %get3A_1524 = arith.index_cast %add3A_1520 : i32 to index
        %get3A_1525 = arith.constant 16 : index
        %get3A_1526 = tpu.vector_load %arg6[%get3A_1524, %get3A_1525] {strides = array<i32>} : memref<512x32xf32, #tpu.memory_space<vmem>>, vector<16xf32>,
        %add3A_1527 = vector.broadcast %add3A_1520 : i32 to vector<16xi32>
        %add3A_1528 = arith.addi %mul3A_3, %add3A_1527 : vector<16xi32>
        tpu.vector_store_idx %arg8[%add3A_1528], %get3A_1523 : memref<16640xf32, #tpu.memory_space<vmem>>[vector<16xi32>], vector<16xf32>,
        %add3A_1529 = vector.broadcast %add3A_1520 : i32 to vector<16xi32>
        %add3A_1530 = arith.addi %mul3A_9, %add3A_1529 : vector<16xi32>
        tpu.vector_store_idx %arg8[%add3A_1530], %get3A_1526 : memref<16640xf32, #tpu.memory_space<vmem>>[vector<16xi32>], vector<16xf32>,
        %mul3A_1531 = arith.constant 16 : i32
        %mul3A_1532 = arith.muli %scan3A_1433, %mul3A_1531 : i32
        %add3A_1533 = arith.constant 7 : i32
        %add3A_1534 = arith.addi %mul3A_1532, %add3A_1533 : i32
        %get3A_1535 = arith.index_cast %add3A_1534 : i32 to index
        %get3A_1536 = arith.constant 0 : index
        %get3A_1537 = tpu.vector_load %arg6[%get3A_1535, %get3A_1536] {strides = array<i32>} : memref<512x32xf32, #tpu.memory_space<vmem>>, vector<16xf32>,
        %get3A_1538 = arith.index_cast %add3A_1534 : i32 to index
        %get3A_1539 = arith.constant 16 : index
        %get3A_1540 = tpu.vector_load %arg6[%get3A_1538, %get3A_1539] {strides = array<i32>} : memref<512x32xf32, #tpu.memory_space<vmem>>, vector<16xf32>,
        %add3A_1541 = vector.broadcast %add3A_1534 : i32 to vector<16xi32>
        %add3A_1542 = arith.addi %mul3A_3, %add3A_1541 : vector<16xi32>
        tpu.vector_store_idx %arg8[%add3A_1542], %get3A_1537 : memref<16640xf32, #tpu.memory_space<vmem>>[vector<16xi32>], vector<16xf32>,
        %add3A_1543 = vector.broadcast %add3A_1534 : i32 to vector<16xi32>
        %add3A_1544 = arith.addi %mul3A_9, %add3A_1543 : vector<16xi32>
        tpu.vector_store_idx %arg8[%add3A_1544], %get3A_1540 : memref<16640xf32, #tpu.memory_space<vmem>>[vector<16xi32>], vector<16xf32>,
        %mul3A_1545 = arith.constant 16 : i32
        %mul3A_1546 = arith.muli %scan3A_1433, %mul3A_1545 : i32
        %add3A_1547 = arith.constant 8 : i32
        %add3A_1548 = arith.addi %mul3A_1546, %add3A_1547 : i32
        %get3A_1549 = arith.index_cast %add3A_1548 : i32 to index
        %get3A_1550 = arith.constant 0 : index
        %get3A_1551 = tpu.vector_load %arg6[%get3A_1549, %get3A_1550] {strides = array<i32>} : memref<512x32xf32, #tpu.memory_space<vmem>>, vector<16xf32>,
        %get3A_1552 = arith.index_cast %add3A_1548 : i32 to index
        %get3A_1553 = arith.constant 16 : index
        %get3A_1554 = tpu.vector_load %arg6[%get3A_1552, %get3A_1553] {strides = array<i32>} : memref<512x32xf32, #tpu.memory_space<vmem>>, vector<16xf32>,
        %add3A_1555 = vector.broadcast %add3A_1548 : i32 to vector<16xi32>
        %add3A_1556 = arith.addi %mul3A_3, %add3A_1555 : vector<16xi32>
        tpu.vector_store_idx %arg8[%add3A_1556], %get3A_1551 : memref<16640xf32, #tpu.memory_space<vmem>>[vector<16xi32>], vector<16xf32>,
        %add3A_1557 = vector.broadcast %add3A_1548 : i32 to vector<16xi32>
        %add3A_1558 = arith.addi %mul3A_9, %add3A_1557 : vector<16xi32>
        tpu.vector_store_idx %arg8[%add3A_1558], %get3A_1554 : memref<16640xf32, #tpu.memory_space<vmem>>[vector<16xi32>], vector<16xf32>,
        %mul3A_1559 = arith.constant 16 : i32
        %mul3A_1560 = arith.muli %scan3A_1433, %mul3A_1559 : i32
        %add3A_1561 = arith.constant 9 : i32
        %add3A_1562 = arith.addi %mul3A_1560, %add3A_1561 : i32
        %get3A_1563 = arith.index_cast %add3A_1562 : i32 to index
        %get3A_1564 = arith.constant 0 : index
        %get3A_1565 = tpu.vector_load %arg6[%get3A_1563, %get3A_1564] {strides = array<i32>} : memref<512x32xf32, #tpu.memory_space<vmem>>, vector<16xf32>,
        %get3A_1566 = arith.index_cast %add3A_1562 : i32 to index
        %get3A_1567 = arith.constant 16 : index
        %get3A_1568 = tpu.vector_load %arg6[%get3A_1566, %get3A_1567] {strides = array<i32>} : memref<512x32xf32, #tpu.memory_space<vmem>>, vector<16xf32>,
        %add3A_1569 = vector.broadcast %add3A_1562 : i32 to vector<16xi32>
        %add3A_1570 = arith.addi %mul3A_3, %add3A_1569 : vector<16xi32>
        tpu.vector_store_idx %arg8[%add3A_1570], %get3A_1565 : memref<16640xf32, #tpu.memory_space<vmem>>[vector<16xi32>], vector<16xf32>,
        %add3A_1571 = vector.broadcast %add3A_1562 : i32 to vector<16xi32>
        %add3A_1572 = arith.addi %mul3A_9, %add3A_1571 : vector<16xi32>
        tpu.vector_store_idx %arg8[%add3A_1572], %get3A_1568 : memref<16640xf32, #tpu.memory_space<vmem>>[vector<16xi32>], vector<16xf32>,
        %mul3A_1573 = arith.constant 16 : i32
        %mul3A_1574 = arith.muli %scan3A_1433, %mul3A_1573 : i32
        %add3A_1575 = arith.constant 10 : i32
        %add3A_1576 = arith.addi %mul3A_1574, %add3A_1575 : i32
        %get3A_1577 = arith.index_cast %add3A_1576 : i32 to index
        %get3A_1578 = arith.constant 0 : index
        %get3A_1579 = tpu.vector_load %arg6[%get3A_1577, %get3A_1578] {strides = array<i32>} : memref<512x32xf32, #tpu.memory_space<vmem>>, vector<16xf32>,
        %get3A_1580 = arith.index_cast %add3A_1576 : i32 to index
        %get3A_1581 = arith.constant 16 : index
        %get3A_1582 = tpu.vector_load %arg6[%get3A_1580, %get3A_1581] {strides = array<i32>} : memref<512x32xf32, #tpu.memory_space<vmem>>, vector<16xf32>,
        %add3A_1583 = vector.broadcast %add3A_1576 : i32 to vector<16xi32>
        %add3A_1584 = arith.addi %mul3A_3, %add3A_1583 : vector<16xi32>
        tpu.vector_store_idx %arg8[%add3A_1584], %get3A_1579 : memref<16640xf32, #tpu.memory_space<vmem>>[vector<16xi32>], vector<16xf32>,
        %add3A_1585 = vector.broadcast %add3A_1576 : i32 to vector<16xi32>
        %add3A_1586 = arith.addi %mul3A_9, %add3A_1585 : vector<16xi32>
        tpu.vector_store_idx %arg8[%add3A_1586], %get3A_1582 : memref<16640xf32, #tpu.memory_space<vmem>>[vector<16xi32>], vector<16xf32>,
        %mul3A_1587 = arith.constant 16 : i32
        %mul3A_1588 = arith.muli %scan3A_1433, %mul3A_1587 : i32
        %add3A_1589 = arith.constant 11 : i32
        %add3A_1590 = arith.addi %mul3A_1588, %add3A_1589 : i32
        %get3A_1591 = arith.index_cast %add3A_1590 : i32 to index
        %get3A_1592 = arith.constant 0 : index
        %get3A_1593 = tpu.vector_load %arg6[%get3A_1591, %get3A_1592] {strides = array<i32>} : memref<512x32xf32, #tpu.memory_space<vmem>>, vector<16xf32>,
        %get3A_1594 = arith.index_cast %add3A_1590 : i32 to index
        %get3A_1595 = arith.constant 16 : index
        %get3A_1596 = tpu.vector_load %arg6[%get3A_1594, %get3A_1595] {strides = array<i32>} : memref<512x32xf32, #tpu.memory_space<vmem>>, vector<16xf32>,
        %add3A_1597 = vector.broadcast %add3A_1590 : i32 to vector<16xi32>
        %add3A_1598 = arith.addi %mul3A_3, %add3A_1597 : vector<16xi32>
        tpu.vector_store_idx %arg8[%add3A_1598], %get3A_1593 : memref<16640xf32, #tpu.memory_space<vmem>>[vector<16xi32>], vector<16xf32>,
        %add3A_1599 = vector.broadcast %add3A_1590 : i32 to vector<16xi32>
        %add3A_1600 = arith.addi %mul3A_9, %add3A_1599 : vector<16xi32>
        tpu.vector_store_idx %arg8[%add3A_1600], %get3A_1596 : memref<16640xf32, #tpu.memory_space<vmem>>[vector<16xi32>], vector<16xf32>,
        %mul3A_1601 = arith.constant 16 : i32
        %mul3A_1602 = arith.muli %scan3A_1433, %mul3A_1601 : i32
        %add3A_1603 = arith.constant 12 : i32
        %add3A_1604 = arith.addi %mul3A_1602, %add3A_1603 : i32
        %get3A_1605 = arith.index_cast %add3A_1604 : i32 to index
        %get3A_1606 = arith.constant 0 : index
        %get3A_1607 = tpu.vector_load %arg6[%get3A_1605, %get3A_1606] {strides = array<i32>} : memref<512x32xf32, #tpu.memory_space<vmem>>, vector<16xf32>,
        %get3A_1608 = arith.index_cast %add3A_1604 : i32 to index
        %get3A_1609 = arith.constant 16 : index
        %get3A_1610 = tpu.vector_load %arg6[%get3A_1608, %get3A_1609] {strides = array<i32>} : memref<512x32xf32, #tpu.memory_space<vmem>>, vector<16xf32>,
        %add3A_1611 = vector.broadcast %add3A_1604 : i32 to vector<16xi32>
        %add3A_1612 = arith.addi %mul3A_3, %add3A_1611 : vector<16xi32>
        tpu.vector_store_idx %arg8[%add3A_1612], %get3A_1607 : memref<16640xf32, #tpu.memory_space<vmem>>[vector<16xi32>], vector<16xf32>,
        %add3A_1613 = vector.broadcast %add3A_1604 : i32 to vector<16xi32>
        %add3A_1614 = arith.addi %mul3A_9, %add3A_1613 : vector<16xi32>
        tpu.vector_store_idx %arg8[%add3A_1614], %get3A_1610 : memref<16640xf32, #tpu.memory_space<vmem>>[vector<16xi32>], vector<16xf32>,
        %mul3A_1615 = arith.constant 16 : i32
        %mul3A_1616 = arith.muli %scan3A_1433, %mul3A_1615 : i32
        %add3A_1617 = arith.constant 13 : i32
        %add3A_1618 = arith.addi %mul3A_1616, %add3A_1617 : i32
        %get3A_1619 = arith.index_cast %add3A_1618 : i32 to index
        %get3A_1620 = arith.constant 0 : index
        %get3A_1621 = tpu.vector_load %arg6[%get3A_1619, %get3A_1620] {strides = array<i32>} : memref<512x32xf32, #tpu.memory_space<vmem>>, vector<16xf32>,
        %get3A_1622 = arith.index_cast %add3A_1618 : i32 to index
        %get3A_1623 = arith.constant 16 : index
        %get3A_1624 = tpu.vector_load %arg6[%get3A_1622, %get3A_1623] {strides = array<i32>} : memref<512x32xf32, #tpu.memory_space<vmem>>, vector<16xf32>,
        %add3A_1625 = vector.broadcast %add3A_1618 : i32 to vector<16xi32>
        %add3A_1626 = arith.addi %mul3A_3, %add3A_1625 : vector<16xi32>
        tpu.vector_store_idx %arg8[%add3A_1626], %get3A_1621 : memref<16640xf32, #tpu.memory_space<vmem>>[vector<16xi32>], vector<16xf32>,
        %add3A_1627 = vector.broadcast %add3A_1618 : i32 to vector<16xi32>
        %add3A_1628 = arith.addi %mul3A_9, %add3A_1627 : vector<16xi32>
        tpu.vector_store_idx %arg8[%add3A_1628], %get3A_1624 : memref<16640xf32, #tpu.memory_space<vmem>>[vector<16xi32>], vector<16xf32>,
        %mul3A_1629 = arith.constant 16 : i32
        %mul3A_1630 = arith.muli %scan3A_1433, %mul3A_1629 : i32
        %add3A_1631 = arith.constant 14 : i32
        %add3A_1632 = arith.addi %mul3A_1630, %add3A_1631 : i32
        %get3A_1633 = arith.index_cast %add3A_1632 : i32 to index
        %get3A_1634 = arith.constant 0 : index
        %get3A_1635 = tpu.vector_load %arg6[%get3A_1633, %get3A_1634] {strides = array<i32>} : memref<512x32xf32, #tpu.memory_space<vmem>>, vector<16xf32>,
        %get3A_1636 = arith.index_cast %add3A_1632 : i32 to index
        %get3A_1637 = arith.constant 16 : index
        %get3A_1638 = tpu.vector_load %arg6[%get3A_1636, %get3A_1637] {strides = array<i32>} : memref<512x32xf32, #tpu.memory_space<vmem>>, vector<16xf32>,
        %add3A_1639 = vector.broadcast %add3A_1632 : i32 to vector<16xi32>
        %add3A_1640 = arith.addi %mul3A_3, %add3A_1639 : vector<16xi32>
        tpu.vector_store_idx %arg8[%add3A_1640], %get3A_1635 : memref<16640xf32, #tpu.memory_space<vmem>>[vector<16xi32>], vector<16xf32>,
        %add3A_1641 = vector.broadcast %add3A_1632 : i32 to vector<16xi32>
        %add3A_1642 = arith.addi %mul3A_9, %add3A_1641 : vector<16xi32>
        tpu.vector_store_idx %arg8[%add3A_1642], %get3A_1638 : memref<16640xf32, #tpu.memory_space<vmem>>[vector<16xi32>], vector<16xf32>,
        %mul3A_1643 = arith.constant 16 : i32
        %mul3A_1644 = arith.muli %scan3A_1433, %mul3A_1643 : i32
        %add3A_1645 = arith.constant 15 : i32
        %add3A_1646 = arith.addi %mul3A_1644, %add3A_1645 : i32
        %get3A_1647 = arith.index_cast %add3A_1646 : i32 to index
        %get3A_1648 = arith.constant 0 : index
        %get3A_1649 = tpu.vector_load %arg6[%get3A_1647, %get3A_1648] {strides = array<i32>} : memref<512x32xf32, #tpu.memory_space<vmem>>, vector<16xf32>,
        %get3A_1650 = arith.index_cast %add3A_1646 : i32 to index
        %get3A_1651 = arith.constant 16 : index
        %get3A_1652 = tpu.vector_load %arg6[%get3A_1650, %get3A_1651] {strides = array<i32>} : memref<512x32xf32, #tpu.memory_space<vmem>>, vector<16xf32>,
        %add3A_1653 = vector.broadcast %add3A_1646 : i32 to vector<16xi32>
        %add3A_1654 = arith.addi %mul3A_3, %add3A_1653 : vector<16xi32>
        tpu.vector_store_idx %arg8[%add3A_1654], %get3A_1649 : memref<16640xf32, #tpu.memory_space<vmem>>[vector<16xi32>], vector<16xf32>,
        %add3A_1655 = vector.broadcast %add3A_1646 : i32 to vector<16xi32>
        %add3A_1656 = arith.addi %mul3A_9, %add3A_1655 : vector<16xi32>
        tpu.vector_store_idx %arg8[%add3A_1656], %get3A_1652 : memref<16640xf32, #tpu.memory_space<vmem>>[vector<16xi32>], vector<16xf32>,
      }
      %scan3A_745 = arith.constant 32 : i32
      %jit3A = arith.constant 2 : i32
      %div3A = arith.divsi %mul3A_724, %jit3A : i32
      %sign3A = arith.constant 0 : i32
      %sign3A_746 = arith.cmpi sgt, %mul3A_724, %sign3A : i32
      %sign3A_747 = arith.extui %sign3A_746 : i1 to i32
      %sign3A_748 = arith.constant 0 : i32
      %sign3A_749 = arith.cmpi slt, %mul3A_724, %sign3A_748 : i32
      %sign3A_750 = arith.extui %sign3A_749 : i1 to i32
      %sign3A_751 = arith.subi %sign3A_747, %sign3A_750 : i32
      %sign3A_752 = arith.constant 0 : i32
      %sign3A_753 = arith.cmpi sgt, %jit3A, %sign3A_752 : i32
      %sign3A_754 = arith.extui %sign3A_753 : i1 to i32
      %sign3A_755 = arith.constant 0 : i32
      %sign3A_756 = arith.cmpi slt, %jit3A, %sign3A_755 : i32
      %sign3A_757 = arith.extui %sign3A_756 : i1 to i32
      %sign3A_758 = arith.subi %sign3A_754, %sign3A_757 : i32
      %ne3A = arith.cmpi ne, %sign3A_751, %sign3A_758 : i32
      %rem3A = arith.remsi %mul3A_724, %jit3A : i32
      %ne3A_759 = arith.constant 0 : i32
      %ne3A_760 = arith.cmpi ne, %rem3A, %ne3A_759 : i32
      %and3A = arith.andi %ne3A, %ne3A_760 : i1
      %sub3A = arith.constant 1 : i32
      %sub3A_761 = arith.subi %div3A, %sub3A : i32
      %select_n3A = arith.select %and3A, %sub3A_761, %div3A : i32
      %mul3A_762 = arith.constant 32768 : i32
      %mul3A_763 = arith.muli %select_n3A, %mul3A_762 : i32
      %mul3A_764 = arith.constant 1024 : i32
      %mul3A_765 = arith.muli %add3A, %mul3A_764 : i32
      %add3A_766 = arith.addi %mul3A_763, %mul3A_765 : i32
      %jit3A_767 = arith.constant 2 : i32
      %eq3A = arith.constant 0 : i32
      %eq3A_768 = arith.cmpi eq, %jit3A_767, %eq3A : i32
      %jit3A_769 = arith.constant 1 : i32
      %select_n3A_770 = arith.select %eq3A_768, %jit3A_769, %jit3A_767 : i32
      %rem3A_771 = arith.remsi %mul3A_724, %select_n3A_770 : i32
      %ne3A_772 = arith.constant 0 : i32
      %ne3A_773 = arith.cmpi ne, %rem3A_771, %ne3A_772 : i32
      %lt3A = arith.constant 0 : i32
      %lt3A_774 = arith.cmpi slt, %rem3A_771, %lt3A : i32
      %lt3A_775 = arith.constant 0 : i32
      %lt3A_776 = arith.cmpi slt, %select_n3A_770, %lt3A_775 : i32
      %ne3A_777 = arith.xori %lt3A_774, %lt3A_776 : i1
      %and3A_778 = arith.andi %ne3A_777, %ne3A_773 : i1
      %add3A_779 = arith.addi %rem3A_771, %select_n3A_770 : i32
      %select_n3A_780 = arith.select %and3A_778, %add3A_779, %rem3A_771 : i32
      %mul3A_781 = arith.constant 512 : i32
      %mul3A_782 = arith.muli %select_n3A_780, %mul3A_781 : i32
      %add3A_783 = arith.addi %add3A_766, %mul3A_782 : i32
      %dma_start3A_784 = arith.constant 0 : i32
      %dma_start3A_785 = arith.constant 0 : i32
      %dma_start3A_786 = tpu.memref_slice %arg8[%dma_start3A_785] : memref<16640xf32, #tpu.memory_space<vmem>> -> memref<512xf32, #tpu.memory_space<vmem>>
      %dma_start3A_787 = tpu.memref_slice %arg4[%dma_start3A_784, %add3A_783] : memref<32x819200xf32, #tpu.memory_space<hbm>> -> memref<1x512xf32, #tpu.memory_space<hbm>>
      %dma_start3A_788 = tpu.memref_squeeze %dma_start3A_787 : memref<1x512xf32, #tpu.memory_space<hbm>> -> memref<512xf32, #tpu.memory_space<hbm>>
      %dma_start3A_789 = tpu.memref_slice %arg4[%dma_start3A_784, %add3A_783] : memref<32x819200xf32, #tpu.memory_space<hbm>> -> memref<1x512xf32, #tpu.memory_space<hbm>>
      %dma_start3A_790 = tpu.memref_squeeze %dma_start3A_789 : memref<1x512xf32, #tpu.memory_space<hbm>> -> memref<512xf32, #tpu.memory_space<hbm>>
      %dma_start3A_791 = arith.constant 0 : i32
      %dma_start3A_792 = tpu.memref_slice %arg8[%dma_start3A_791] : memref<16640xf32, #tpu.memory_space<vmem>> -> memref<512xf32, #tpu.memory_space<vmem>>
      tpu.enqueue_dma source(%dma_start3A_792 : memref<512xf32, #tpu.memory_space<vmem>>) target(%dma_start3A_790 : memref<512xf32, #tpu.memory_space<hbm>>) target_semaphore(%arg12 : memref<!tpu.dma_semaphore, #tpu.memory_space<semaphore_mem>>)
      %dma_start3A_793 = arith.constant 1 : i32
      %dma_start3A_794 = arith.constant 520 : i32
      %dma_start3A_795 = tpu.memref_slice %arg8[%dma_start3A_794] : memref<16640xf32, #tpu.memory_space<vmem>> -> memref<512xf32, #tpu.memory_space<vmem>>
      %dma_start3A_796 = tpu.memref_slice %arg4[%dma_start3A_793, %add3A_783] : memref<32x819200xf32, #tpu.memory_space<hbm>> -> memref<1x512xf32, #tpu.memory_space<hbm>>
      %dma_start3A_797 = tpu.memref_squeeze %dma_start3A_796 : memref<1x512xf32, #tpu.memory_space<hbm>> -> memref<512xf32, #tpu.memory_space<hbm>>
      %dma_start3A_798 = tpu.memref_slice %arg4[%dma_start3A_793, %add3A_783] : memref<32x819200xf32, #tpu.memory_space<hbm>> -> memref<1x512xf32, #tpu.memory_space<hbm>>
      %dma_start3A_799 = tpu.memref_squeeze %dma_start3A_798 : memref<1x512xf32, #tpu.memory_space<hbm>> -> memref<512xf32, #tpu.memory_space<hbm>>
      %dma_start3A_800 = arith.constant 520 : i32
      %dma_start3A_801 = tpu.memref_slice %arg8[%dma_start3A_800] : memref<16640xf32, #tpu.memory_space<vmem>> -> memref<512xf32, #tpu.memory_space<vmem>>
      tpu.enqueue_dma source(%dma_start3A_801 : memref<512xf32, #tpu.memory_space<vmem>>) target(%dma_start3A_799 : memref<512xf32, #tpu.memory_space<hbm>>) target_semaphore(%arg12 : memref<!tpu.dma_semaphore, #tpu.memory_space<semaphore_mem>>)
      %dma_start3A_802 = arith.constant 2 : i32
      %dma_start3A_803 = arith.constant 1040 : i32
      %dma_start3A_804 = tpu.memref_slice %arg8[%dma_start3A_803] : memref<16640xf32, #tpu.memory_space<vmem>> -> memref<512xf32, #tpu.memory_space<vmem>>
      %dma_start3A_805 = tpu.memref_slice %arg4[%dma_start3A_802, %add3A_783] : memref<32x819200xf32, #tpu.memory_space<hbm>> -> memref<1x512xf32, #tpu.memory_space<hbm>>
      %dma_start3A_806 = tpu.memref_squeeze %dma_start3A_805 : memref<1x512xf32, #tpu.memory_space<hbm>> -> memref<512xf32, #tpu.memory_space<hbm>>
      %dma_start3A_807 = tpu.memref_slice %arg4[%dma_start3A_802, %add3A_783] : memref<32x819200xf32, #tpu.memory_space<hbm>> -> memref<1x512xf32, #tpu.memory_space<hbm>>
      %dma_start3A_808 = tpu.memref_squeeze %dma_start3A_807 : memref<1x512xf32, #tpu.memory_space<hbm>> -> memref<512xf32, #tpu.memory_space<hbm>>
      %dma_start3A_809 = arith.constant 1040 : i32
      %dma_start3A_810 = tpu.memref_slice %arg8[%dma_start3A_809] : memref<16640xf32, #tpu.memory_space<vmem>> -> memref<512xf32, #tpu.memory_space<vmem>>
      tpu.enqueue_dma source(%dma_start3A_810 : memref<512xf32, #tpu.memory_space<vmem>>) target(%dma_start3A_808 : memref<512xf32, #tpu.memory_space<hbm>>) target_semaphore(%arg12 : memref<!tpu.dma_semaphore, #tpu.memory_space<semaphore_mem>>)
      %dma_start3A_811 = arith.constant 3 : i32
      %dma_start3A_812 = arith.constant 1560 : i32
      %dma_start3A_813 = tpu.memref_slice %arg8[%dma_start3A_812] : memref<16640xf32, #tpu.memory_space<vmem>> -> memref<512xf32, #tpu.memory_space<vmem>>
      %dma_start3A_814 = tpu.memref_slice %arg4[%dma_start3A_811, %add3A_783] : memref<32x819200xf32, #tpu.memory_space<hbm>> -> memref<1x512xf32, #tpu.memory_space<hbm>>
      %dma_start3A_815 = tpu.memref_squeeze %dma_start3A_814 : memref<1x512xf32, #tpu.memory_space<hbm>> -> memref<512xf32, #tpu.memory_space<hbm>>
      %dma_start3A_816 = tpu.memref_slice %arg4[%dma_start3A_811, %add3A_783] : memref<32x819200xf32, #tpu.memory_space<hbm>> -> memref<1x512xf32, #tpu.memory_space<hbm>>
      %dma_start3A_817 = tpu.memref_squeeze %dma_start3A_816 : memref<1x512xf32, #tpu.memory_space<hbm>> -> memref<512xf32, #tpu.memory_space<hbm>>
      %dma_start3A_818 = arith.constant 1560 : i32
      %dma_start3A_819 = tpu.memref_slice %arg8[%dma_start3A_818] : memref<16640xf32, #tpu.memory_space<vmem>> -> memref<512xf32, #tpu.memory_space<vmem>>
      tpu.enqueue_dma source(%dma_start3A_819 : memref<512xf32, #tpu.memory_space<vmem>>) target(%dma_start3A_817 : memref<512xf32, #tpu.memory_space<hbm>>) target_semaphore(%arg12 : memref<!tpu.dma_semaphore, #tpu.memory_space<semaphore_mem>>)
      %dma_start3A_820 = arith.constant 4 : i32
      %dma_start3A_821 = arith.constant 2080 : i32
      %dma_start3A_822 = tpu.memref_slice %arg8[%dma_start3A_821] : memref<16640xf32, #tpu.memory_space<vmem>> -> memref<512xf32, #tpu.memory_space<vmem>>
      %dma_start3A_823 = tpu.memref_slice %arg4[%dma_start3A_820, %add3A_783] : memref<32x819200xf32, #tpu.memory_space<hbm>> -> memref<1x512xf32, #tpu.memory_space<hbm>>
      %dma_start3A_824 = tpu.memref_squeeze %dma_start3A_823 : memref<1x512xf32, #tpu.memory_space<hbm>> -> memref<512xf32, #tpu.memory_space<hbm>>
      %dma_start3A_825 = tpu.memref_slice %arg4[%dma_start3A_820, %add3A_783] : memref<32x819200xf32, #tpu.memory_space<hbm>> -> memref<1x512xf32, #tpu.memory_space<hbm>>
      %dma_start3A_826 = tpu.memref_squeeze %dma_start3A_825 : memref<1x512xf32, #tpu.memory_space<hbm>> -> memref<512xf32, #tpu.memory_space<hbm>>
      %dma_start3A_827 = arith.constant 2080 : i32
      %dma_start3A_828 = tpu.memref_slice %arg8[%dma_start3A_827] : memref<16640xf32, #tpu.memory_space<vmem>> -> memref<512xf32, #tpu.memory_space<vmem>>
      tpu.enqueue_dma source(%dma_start3A_828 : memref<512xf32, #tpu.memory_space<vmem>>) target(%dma_start3A_826 : memref<512xf32, #tpu.memory_space<hbm>>) target_semaphore(%arg12 : memref<!tpu.dma_semaphore, #tpu.memory_space<semaphore_mem>>)
      %dma_start3A_829 = arith.constant 5 : i32
      %dma_start3A_830 = arith.constant 2600 : i32
      %dma_start3A_831 = tpu.memref_slice %arg8[%dma_start3A_830] : memref<16640xf32, #tpu.memory_space<vmem>> -> memref<512xf32, #tpu.memory_space<vmem>>
      %dma_start3A_832 = tpu.memref_slice %arg4[%dma_start3A_829, %add3A_783] : memref<32x819200xf32, #tpu.memory_space<hbm>> -> memref<1x512xf32, #tpu.memory_space<hbm>>
      %dma_start3A_833 = tpu.memref_squeeze %dma_start3A_832 : memref<1x512xf32, #tpu.memory_space<hbm>> -> memref<512xf32, #tpu.memory_space<hbm>>
      %dma_start3A_834 = tpu.memref_slice %arg4[%dma_start3A_829, %add3A_783] : memref<32x819200xf32, #tpu.memory_space<hbm>> -> memref<1x512xf32, #tpu.memory_space<hbm>>
      %dma_start3A_835 = tpu.memref_squeeze %dma_start3A_834 : memref<1x512xf32, #tpu.memory_space<hbm>> -> memref<512xf32, #tpu.memory_space<hbm>>
      %dma_start3A_836 = arith.constant 2600 : i32
      %dma_start3A_837 = tpu.memref_slice %arg8[%dma_start3A_836] : memref<16640xf32, #tpu.memory_space<vmem>> -> memref<512xf32, #tpu.memory_space<vmem>>
      tpu.enqueue_dma source(%dma_start3A_837 : memref<512xf32, #tpu.memory_space<vmem>>) target(%dma_start3A_835 : memref<512xf32, #tpu.memory_space<hbm>>) target_semaphore(%arg12 : memref<!tpu.dma_semaphore, #tpu.memory_space<semaphore_mem>>)
      %dma_start3A_838 = arith.constant 6 : i32
      %dma_start3A_839 = arith.constant 3120 : i32
      %dma_start3A_840 = tpu.memref_slice %arg8[%dma_start3A_839] : memref<16640xf32, #tpu.memory_space<vmem>> -> memref<512xf32, #tpu.memory_space<vmem>>
      %dma_start3A_841 = tpu.memref_slice %arg4[%dma_start3A_838, %add3A_783] : memref<32x819200xf32, #tpu.memory_space<hbm>> -> memref<1x512xf32, #tpu.memory_space<hbm>>
      %dma_start3A_842 = tpu.memref_squeeze %dma_start3A_841 : memref<1x512xf32, #tpu.memory_space<hbm>> -> memref<512xf32, #tpu.memory_space<hbm>>
      %dma_start3A_843 = tpu.memref_slice %arg4[%dma_start3A_838, %add3A_783] : memref<32x819200xf32, #tpu.memory_space<hbm>> -> memref<1x512xf32, #tpu.memory_space<hbm>>
      %dma_start3A_844 = tpu.memref_squeeze %dma_start3A_843 : memref<1x512xf32, #tpu.memory_space<hbm>> -> memref<512xf32, #tpu.memory_space<hbm>>
      %dma_start3A_845 = arith.constant 3120 : i32
      %dma_start3A_846 = tpu.memref_slice %arg8[%dma_start3A_845] : memref<16640xf32, #tpu.memory_space<vmem>> -> memref<512xf32, #tpu.memory_space<vmem>>
      tpu.enqueue_dma source(%dma_start3A_846 : memref<512xf32, #tpu.memory_space<vmem>>) target(%dma_start3A_844 : memref<512xf32, #tpu.memory_space<hbm>>) target_semaphore(%arg12 : memref<!tpu.dma_semaphore, #tpu.memory_space<semaphore_mem>>)
      %dma_start3A_847 = arith.constant 7 : i32
      %dma_start3A_848 = arith.constant 3640 : i32
      %dma_start3A_849 = tpu.memref_slice %arg8[%dma_start3A_848] : memref<16640xf32, #tpu.memory_space<vmem>> -> memref<512xf32, #tpu.memory_space<vmem>>
      %dma_start3A_850 = tpu.memref_slice %arg4[%dma_start3A_847, %add3A_783] : memref<32x819200xf32, #tpu.memory_space<hbm>> -> memref<1x512xf32, #tpu.memory_space<hbm>>
      %dma_start3A_851 = tpu.memref_squeeze %dma_start3A_850 : memref<1x512xf32, #tpu.memory_space<hbm>> -> memref<512xf32, #tpu.memory_space<hbm>>
      %dma_start3A_852 = tpu.memref_slice %arg4[%dma_start3A_847, %add3A_783] : memref<32x819200xf32, #tpu.memory_space<hbm>> -> memref<1x512xf32, #tpu.memory_space<hbm>>
      %dma_start3A_853 = tpu.memref_squeeze %dma_start3A_852 : memref<1x512xf32, #tpu.memory_space<hbm>> -> memref<512xf32, #tpu.memory_space<hbm>>
      %dma_start3A_854 = arith.constant 3640 : i32
      %dma_start3A_855 = tpu.memref_slice %arg8[%dma_start3A_854] : memref<16640xf32, #tpu.memory_space<vmem>> -> memref<512xf32, #tpu.memory_space<vmem>>
      tpu.enqueue_dma source(%dma_start3A_855 : memref<512xf32, #tpu.memory_space<vmem>>) target(%dma_start3A_853 : memref<512xf32, #tpu.memory_space<hbm>>) target_semaphore(%arg12 : memref<!tpu.dma_semaphore, #tpu.memory_space<semaphore_mem>>)
      %dma_start3A_856 = arith.constant 8 : i32
      %dma_start3A_857 = arith.constant 4160 : i32
      %dma_start3A_858 = tpu.memref_slice %arg8[%dma_start3A_857] : memref<16640xf32, #tpu.memory_space<vmem>> -> memref<512xf32, #tpu.memory_space<vmem>>
      %dma_start3A_859 = tpu.memref_slice %arg4[%dma_start3A_856, %add3A_783] : memref<32x819200xf32, #tpu.memory_space<hbm>> -> memref<1x512xf32, #tpu.memory_space<hbm>>
      %dma_start3A_860 = tpu.memref_squeeze %dma_start3A_859 : memref<1x512xf32, #tpu.memory_space<hbm>> -> memref<512xf32, #tpu.memory_space<hbm>>
      %dma_start3A_861 = tpu.memref_slice %arg4[%dma_start3A_856, %add3A_783] : memref<32x819200xf32, #tpu.memory_space<hbm>> -> memref<1x512xf32, #tpu.memory_space<hbm>>
      %dma_start3A_862 = tpu.memref_squeeze %dma_start3A_861 : memref<1x512xf32, #tpu.memory_space<hbm>> -> memref<512xf32, #tpu.memory_space<hbm>>
      %dma_start3A_863 = arith.constant 4160 : i32
      %dma_start3A_864 = tpu.memref_slice %arg8[%dma_start3A_863] : memref<16640xf32, #tpu.memory_space<vmem>> -> memref<512xf32, #tpu.memory_space<vmem>>
      tpu.enqueue_dma source(%dma_start3A_864 : memref<512xf32, #tpu.memory_space<vmem>>) target(%dma_start3A_862 : memref<512xf32, #tpu.memory_space<hbm>>) target_semaphore(%arg12 : memref<!tpu.dma_semaphore, #tpu.memory_space<semaphore_mem>>)
      %dma_start3A_865 = arith.constant 9 : i32
      %dma_start3A_866 = arith.constant 4680 : i32
      %dma_start3A_867 = tpu.memref_slice %arg8[%dma_start3A_866] : memref<16640xf32, #tpu.memory_space<vmem>> -> memref<512xf32, #tpu.memory_space<vmem>>
      %dma_start3A_868 = tpu.memref_slice %arg4[%dma_start3A_865, %add3A_783] : memref<32x819200xf32, #tpu.memory_space<hbm>> -> memref<1x512xf32, #tpu.memory_space<hbm>>
      %dma_start3A_869 = tpu.memref_squeeze %dma_start3A_868 : memref<1x512xf32, #tpu.memory_space<hbm>> -> memref<512xf32, #tpu.memory_space<hbm>>
      %dma_start3A_870 = tpu.memref_slice %arg4[%dma_start3A_865, %add3A_783] : memref<32x819200xf32, #tpu.memory_space<hbm>> -> memref<1x512xf32, #tpu.memory_space<hbm>>
      %dma_start3A_871 = tpu.memref_squeeze %dma_start3A_870 : memref<1x512xf32, #tpu.memory_space<hbm>> -> memref<512xf32, #tpu.memory_space<hbm>>
      %dma_start3A_872 = arith.constant 4680 : i32
      %dma_start3A_873 = tpu.memref_slice %arg8[%dma_start3A_872] : memref<16640xf32, #tpu.memory_space<vmem>> -> memref<512xf32, #tpu.memory_space<vmem>>
      tpu.enqueue_dma source(%dma_start3A_873 : memref<512xf32, #tpu.memory_space<vmem>>) target(%dma_start3A_871 : memref<512xf32, #tpu.memory_space<hbm>>) target_semaphore(%arg12 : memref<!tpu.dma_semaphore, #tpu.memory_space<semaphore_mem>>)
      %dma_start3A_874 = arith.constant 10 : i32
      %dma_start3A_875 = arith.constant 5200 : i32
      %dma_start3A_876 = tpu.memref_slice %arg8[%dma_start3A_875] : memref<16640xf32, #tpu.memory_space<vmem>> -> memref<512xf32, #tpu.memory_space<vmem>>
      %dma_start3A_877 = tpu.memref_slice %arg4[%dma_start3A_874, %add3A_783] : memref<32x819200xf32, #tpu.memory_space<hbm>> -> memref<1x512xf32, #tpu.memory_space<hbm>>
      %dma_start3A_878 = tpu.memref_squeeze %dma_start3A_877 : memref<1x512xf32, #tpu.memory_space<hbm>> -> memref<512xf32, #tpu.memory_space<hbm>>
      %dma_start3A_879 = tpu.memref_slice %arg4[%dma_start3A_874, %add3A_783] : memref<32x819200xf32, #tpu.memory_space<hbm>> -> memref<1x512xf32, #tpu.memory_space<hbm>>
      %dma_start3A_880 = tpu.memref_squeeze %dma_start3A_879 : memref<1x512xf32, #tpu.memory_space<hbm>> -> memref<512xf32, #tpu.memory_space<hbm>>
      %dma_start3A_881 = arith.constant 5200 : i32
      %dma_start3A_882 = tpu.memref_slice %arg8[%dma_start3A_881] : memref<16640xf32, #tpu.memory_space<vmem>> -> memref<512xf32, #tpu.memory_space<vmem>>
      tpu.enqueue_dma source(%dma_start3A_882 : memref<512xf32, #tpu.memory_space<vmem>>) target(%dma_start3A_880 : memref<512xf32, #tpu.memory_space<hbm>>) target_semaphore(%arg12 : memref<!tpu.dma_semaphore, #tpu.memory_space<semaphore_mem>>)
      %dma_start3A_883 = arith.constant 11 : i32
      %dma_start3A_884 = arith.constant 5720 : i32
      %dma_start3A_885 = tpu.memref_slice %arg8[%dma_start3A_884] : memref<16640xf32, #tpu.memory_space<vmem>> -> memref<512xf32, #tpu.memory_space<vmem>>
      %dma_start3A_886 = tpu.memref_slice %arg4[%dma_start3A_883, %add3A_783] : memref<32x819200xf32, #tpu.memory_space<hbm>> -> memref<1x512xf32, #tpu.memory_space<hbm>>
      %dma_start3A_887 = tpu.memref_squeeze %dma_start3A_886 : memref<1x512xf32, #tpu.memory_space<hbm>> -> memref<512xf32, #tpu.memory_space<hbm>>
      %dma_start3A_888 = tpu.memref_slice %arg4[%dma_start3A_883, %add3A_783] : memref<32x819200xf32, #tpu.memory_space<hbm>> -> memref<1x512xf32, #tpu.memory_space<hbm>>
      %dma_start3A_889 = tpu.memref_squeeze %dma_start3A_888 : memref<1x512xf32, #tpu.memory_space<hbm>> -> memref<512xf32, #tpu.memory_space<hbm>>
      %dma_start3A_890 = arith.constant 5720 : i32
      %dma_start3A_891 = tpu.memref_slice %arg8[%dma_start3A_890] : memref<16640xf32, #tpu.memory_space<vmem>> -> memref<512xf32, #tpu.memory_space<vmem>>
      tpu.enqueue_dma source(%dma_start3A_891 : memref<512xf32, #tpu.memory_space<vmem>>) target(%dma_start3A_889 : memref<512xf32, #tpu.memory_space<hbm>>) target_semaphore(%arg12 : memref<!tpu.dma_semaphore, #tpu.memory_space<semaphore_mem>>)
      %dma_start3A_892 = arith.constant 12 : i32
      %dma_start3A_893 = arith.constant 6240 : i32
      %dma_start3A_894 = tpu.memref_slice %arg8[%dma_start3A_893] : memref<16640xf32, #tpu.memory_space<vmem>> -> memref<512xf32, #tpu.memory_space<vmem>>
      %dma_start3A_895 = tpu.memref_slice %arg4[%dma_start3A_892, %add3A_783] : memref<32x819200xf32, #tpu.memory_space<hbm>> -> memref<1x512xf32, #tpu.memory_space<hbm>>
      %dma_start3A_896 = tpu.memref_squeeze %dma_start3A_895 : memref<1x512xf32, #tpu.memory_space<hbm>> -> memref<512xf32, #tpu.memory_space<hbm>>
      %dma_start3A_897 = tpu.memref_slice %arg4[%dma_start3A_892, %add3A_783] : memref<32x819200xf32, #tpu.memory_space<hbm>> -> memref<1x512xf32, #tpu.memory_space<hbm>>
      %dma_start3A_898 = tpu.memref_squeeze %dma_start3A_897 : memref<1x512xf32, #tpu.memory_space<hbm>> -> memref<512xf32, #tpu.memory_space<hbm>>
      %dma_start3A_899 = arith.constant 6240 : i32
      %dma_start3A_900 = tpu.memref_slice %arg8[%dma_start3A_899] : memref<16640xf32, #tpu.memory_space<vmem>> -> memref<512xf32, #tpu.memory_space<vmem>>
      tpu.enqueue_dma source(%dma_start3A_900 : memref<512xf32, #tpu.memory_space<vmem>>) target(%dma_start3A_898 : memref<512xf32, #tpu.memory_space<hbm>>) target_semaphore(%arg12 : memref<!tpu.dma_semaphore, #tpu.memory_space<semaphore_mem>>)
      %dma_start3A_901 = arith.constant 13 : i32
      %dma_start3A_902 = arith.constant 6760 : i32
      %dma_start3A_903 = tpu.memref_slice %arg8[%dma_start3A_902] : memref<16640xf32, #tpu.memory_space<vmem>> -> memref<512xf32, #tpu.memory_space<vmem>>
      %dma_start3A_904 = tpu.memref_slice %arg4[%dma_start3A_901, %add3A_783] : memref<32x819200xf32, #tpu.memory_space<hbm>> -> memref<1x512xf32, #tpu.memory_space<hbm>>
      %dma_start3A_905 = tpu.memref_squeeze %dma_start3A_904 : memref<1x512xf32, #tpu.memory_space<hbm>> -> memref<512xf32, #tpu.memory_space<hbm>>
      %dma_start3A_906 = tpu.memref_slice %arg4[%dma_start3A_901, %add3A_783] : memref<32x819200xf32, #tpu.memory_space<hbm>> -> memref<1x512xf32, #tpu.memory_space<hbm>>
      %dma_start3A_907 = tpu.memref_squeeze %dma_start3A_906 : memref<1x512xf32, #tpu.memory_space<hbm>> -> memref<512xf32, #tpu.memory_space<hbm>>
      %dma_start3A_908 = arith.constant 6760 : i32
      %dma_start3A_909 = tpu.memref_slice %arg8[%dma_start3A_908] : memref<16640xf32, #tpu.memory_space<vmem>> -> memref<512xf32, #tpu.memory_space<vmem>>
      tpu.enqueue_dma source(%dma_start3A_909 : memref<512xf32, #tpu.memory_space<vmem>>) target(%dma_start3A_907 : memref<512xf32, #tpu.memory_space<hbm>>) target_semaphore(%arg12 : memref<!tpu.dma_semaphore, #tpu.memory_space<semaphore_mem>>)
      %dma_start3A_910 = arith.constant 14 : i32
      %dma_start3A_911 = arith.constant 7280 : i32
      %dma_start3A_912 = tpu.memref_slice %arg8[%dma_start3A_911] : memref<16640xf32, #tpu.memory_space<vmem>> -> memref<512xf32, #tpu.memory_space<vmem>>
      %dma_start3A_913 = tpu.memref_slice %arg4[%dma_start3A_910, %add3A_783] : memref<32x819200xf32, #tpu.memory_space<hbm>> -> memref<1x512xf32, #tpu.memory_space<hbm>>
      %dma_start3A_914 = tpu.memref_squeeze %dma_start3A_913 : memref<1x512xf32, #tpu.memory_space<hbm>> -> memref<512xf32, #tpu.memory_space<hbm>>
      %dma_start3A_915 = tpu.memref_slice %arg4[%dma_start3A_910, %add3A_783] : memref<32x819200xf32, #tpu.memory_space<hbm>> -> memref<1x512xf32, #tpu.memory_space<hbm>>
      %dma_start3A_916 = tpu.memref_squeeze %dma_start3A_915 : memref<1x512xf32, #tpu.memory_space<hbm>> -> memref<512xf32, #tpu.memory_space<hbm>>
      %dma_start3A_917 = arith.constant 7280 : i32
      %dma_start3A_918 = tpu.memref_slice %arg8[%dma_start3A_917] : memref<16640xf32, #tpu.memory_space<vmem>> -> memref<512xf32, #tpu.memory_space<vmem>>
      tpu.enqueue_dma source(%dma_start3A_918 : memref<512xf32, #tpu.memory_space<vmem>>) target(%dma_start3A_916 : memref<512xf32, #tpu.memory_space<hbm>>) target_semaphore(%arg12 : memref<!tpu.dma_semaphore, #tpu.memory_space<semaphore_mem>>)
      %dma_start3A_919 = arith.constant 15 : i32
      %dma_start3A_920 = arith.constant 7800 : i32
      %dma_start3A_921 = tpu.memref_slice %arg8[%dma_start3A_920] : memref<16640xf32, #tpu.memory_space<vmem>> -> memref<512xf32, #tpu.memory_space<vmem>>
      %dma_start3A_922 = tpu.memref_slice %arg4[%dma_start3A_919, %add3A_783] : memref<32x819200xf32, #tpu.memory_space<hbm>> -> memref<1x512xf32, #tpu.memory_space<hbm>>
      %dma_start3A_923 = tpu.memref_squeeze %dma_start3A_922 : memref<1x512xf32, #tpu.memory_space<hbm>> -> memref<512xf32, #tpu.memory_space<hbm>>
      %dma_start3A_924 = tpu.memref_slice %arg4[%dma_start3A_919, %add3A_783] : memref<32x819200xf32, #tpu.memory_space<hbm>> -> memref<1x512xf32, #tpu.memory_space<hbm>>
      %dma_start3A_925 = tpu.memref_squeeze %dma_start3A_924 : memref<1x512xf32, #tpu.memory_space<hbm>> -> memref<512xf32, #tpu.memory_space<hbm>>
      %dma_start3A_926 = arith.constant 7800 : i32
      %dma_start3A_927 = tpu.memref_slice %arg8[%dma_start3A_926] : memref<16640xf32, #tpu.memory_space<vmem>> -> memref<512xf32, #tpu.memory_space<vmem>>
      tpu.enqueue_dma source(%dma_start3A_927 : memref<512xf32, #tpu.memory_space<vmem>>) target(%dma_start3A_925 : memref<512xf32, #tpu.memory_space<hbm>>) target_semaphore(%arg12 : memref<!tpu.dma_semaphore, #tpu.memory_space<semaphore_mem>>)
      %dma_start3A_928 = arith.constant 16 : i32
      %dma_start3A_929 = arith.constant 8320 : i32
      %dma_start3A_930 = tpu.memref_slice %arg8[%dma_start3A_929] : memref<16640xf32, #tpu.memory_space<vmem>> -> memref<512xf32, #tpu.memory_space<vmem>>
      %dma_start3A_931 = tpu.memref_slice %arg4[%dma_start3A_928, %add3A_783] : memref<32x819200xf32, #tpu.memory_space<hbm>> -> memref<1x512xf32, #tpu.memory_space<hbm>>
      %dma_start3A_932 = tpu.memref_squeeze %dma_start3A_931 : memref<1x512xf32, #tpu.memory_space<hbm>> -> memref<512xf32, #tpu.memory_space<hbm>>
      %dma_start3A_933 = tpu.memref_slice %arg4[%dma_start3A_928, %add3A_783] : memref<32x819200xf32, #tpu.memory_space<hbm>> -> memref<1x512xf32, #tpu.memory_space<hbm>>
      %dma_start3A_934 = tpu.memref_squeeze %dma_start3A_933 : memref<1x512xf32, #tpu.memory_space<hbm>> -> memref<512xf32, #tpu.memory_space<hbm>>
      %dma_start3A_935 = arith.constant 8320 : i32
      %dma_start3A_936 = tpu.memref_slice %arg8[%dma_start3A_935] : memref<16640xf32, #tpu.memory_space<vmem>> -> memref<512xf32, #tpu.memory_space<vmem>>
      tpu.enqueue_dma source(%dma_start3A_936 : memref<512xf32, #tpu.memory_space<vmem>>) target(%dma_start3A_934 : memref<512xf32, #tpu.memory_space<hbm>>) target_semaphore(%arg12 : memref<!tpu.dma_semaphore, #tpu.memory_space<semaphore_mem>>)
      %dma_start3A_937 = arith.constant 17 : i32
      %dma_start3A_938 = arith.constant 8840 : i32
      %dma_start3A_939 = tpu.memref_slice %arg8[%dma_start3A_938] : memref<16640xf32, #tpu.memory_space<vmem>> -> memref<512xf32, #tpu.memory_space<vmem>>
      %dma_start3A_940 = tpu.memref_slice %arg4[%dma_start3A_937, %add3A_783] : memref<32x819200xf32, #tpu.memory_space<hbm>> -> memref<1x512xf32, #tpu.memory_space<hbm>>
      %dma_start3A_941 = tpu.memref_squeeze %dma_start3A_940 : memref<1x512xf32, #tpu.memory_space<hbm>> -> memref<512xf32, #tpu.memory_space<hbm>>
      %dma_start3A_942 = tpu.memref_slice %arg4[%dma_start3A_937, %add3A_783] : memref<32x819200xf32, #tpu.memory_space<hbm>> -> memref<1x512xf32, #tpu.memory_space<hbm>>
      %dma_start3A_943 = tpu.memref_squeeze %dma_start3A_942 : memref<1x512xf32, #tpu.memory_space<hbm>> -> memref<512xf32, #tpu.memory_space<hbm>>
      %dma_start3A_944 = arith.constant 8840 : i32
      %dma_start3A_945 = tpu.memref_slice %arg8[%dma_start3A_944] : memref<16640xf32, #tpu.memory_space<vmem>> -> memref<512xf32, #tpu.memory_space<vmem>>
      tpu.enqueue_dma source(%dma_start3A_945 : memref<512xf32, #tpu.memory_space<vmem>>) target(%dma_start3A_943 : memref<512xf32, #tpu.memory_space<hbm>>) target_semaphore(%arg12 : memref<!tpu.dma_semaphore, #tpu.memory_space<semaphore_mem>>)
      %dma_start3A_946 = arith.constant 18 : i32
      %dma_start3A_947 = arith.constant 9360 : i32
      %dma_start3A_948 = tpu.memref_slice %arg8[%dma_start3A_947] : memref<16640xf32, #tpu.memory_space<vmem>> -> memref<512xf32, #tpu.memory_space<vmem>>
      %dma_start3A_949 = tpu.memref_slice %arg4[%dma_start3A_946, %add3A_783] : memref<32x819200xf32, #tpu.memory_space<hbm>> -> memref<1x512xf32, #tpu.memory_space<hbm>>
      %dma_start3A_950 = tpu.memref_squeeze %dma_start3A_949 : memref<1x512xf32, #tpu.memory_space<hbm>> -> memref<512xf32, #tpu.memory_space<hbm>>
      %dma_start3A_951 = tpu.memref_slice %arg4[%dma_start3A_946, %add3A_783] : memref<32x819200xf32, #tpu.memory_space<hbm>> -> memref<1x512xf32, #tpu.memory_space<hbm>>
      %dma_start3A_952 = tpu.memref_squeeze %dma_start3A_951 : memref<1x512xf32, #tpu.memory_space<hbm>> -> memref<512xf32, #tpu.memory_space<hbm>>
      %dma_start3A_953 = arith.constant 9360 : i32
      %dma_start3A_954 = tpu.memref_slice %arg8[%dma_start3A_953] : memref<16640xf32, #tpu.memory_space<vmem>> -> memref<512xf32, #tpu.memory_space<vmem>>
      tpu.enqueue_dma source(%dma_start3A_954 : memref<512xf32, #tpu.memory_space<vmem>>) target(%dma_start3A_952 : memref<512xf32, #tpu.memory_space<hbm>>) target_semaphore(%arg12 : memref<!tpu.dma_semaphore, #tpu.memory_space<semaphore_mem>>)
      %dma_start3A_955 = arith.constant 19 : i32
      %dma_start3A_956 = arith.constant 9880 : i32
      %dma_start3A_957 = tpu.memref_slice %arg8[%dma_start3A_956] : memref<16640xf32, #tpu.memory_space<vmem>> -> memref<512xf32, #tpu.memory_space<vmem>>
      %dma_start3A_958 = tpu.memref_slice %arg4[%dma_start3A_955, %add3A_783] : memref<32x819200xf32, #tpu.memory_space<hbm>> -> memref<1x512xf32, #tpu.memory_space<hbm>>
      %dma_start3A_959 = tpu.memref_squeeze %dma_start3A_958 : memref<1x512xf32, #tpu.memory_space<hbm>> -> memref<512xf32, #tpu.memory_space<hbm>>
      %dma_start3A_960 = tpu.memref_slice %arg4[%dma_start3A_955, %add3A_783] : memref<32x819200xf32, #tpu.memory_space<hbm>> -> memref<1x512xf32, #tpu.memory_space<hbm>>
      %dma_start3A_961 = tpu.memref_squeeze %dma_start3A_960 : memref<1x512xf32, #tpu.memory_space<hbm>> -> memref<512xf32, #tpu.memory_space<hbm>>
      %dma_start3A_962 = arith.constant 9880 : i32
      %dma_start3A_963 = tpu.memref_slice %arg8[%dma_start3A_962] : memref<16640xf32, #tpu.memory_space<vmem>> -> memref<512xf32, #tpu.memory_space<vmem>>
      tpu.enqueue_dma source(%dma_start3A_963 : memref<512xf32, #tpu.memory_space<vmem>>) target(%dma_start3A_961 : memref<512xf32, #tpu.memory_space<hbm>>) target_semaphore(%arg12 : memref<!tpu.dma_semaphore, #tpu.memory_space<semaphore_mem>>)
      %dma_start3A_964 = arith.constant 20 : i32
      %dma_start3A_965 = arith.constant 10400 : i32
      %dma_start3A_966 = tpu.memref_slice %arg8[%dma_start3A_965] : memref<16640xf32, #tpu.memory_space<vmem>> -> memref<512xf32, #tpu.memory_space<vmem>>
      %dma_start3A_967 = tpu.memref_slice %arg4[%dma_start3A_964, %add3A_783] : memref<32x819200xf32, #tpu.memory_space<hbm>> -> memref<1x512xf32, #tpu.memory_space<hbm>>
      %dma_start3A_968 = tpu.memref_squeeze %dma_start3A_967 : memref<1x512xf32, #tpu.memory_space<hbm>> -> memref<512xf32, #tpu.memory_space<hbm>>
      %dma_start3A_969 = tpu.memref_slice %arg4[%dma_start3A_964, %add3A_783] : memref<32x819200xf32, #tpu.memory_space<hbm>> -> memref<1x512xf32, #tpu.memory_space<hbm>>
      %dma_start3A_970 = tpu.memref_squeeze %dma_start3A_969 : memref<1x512xf32, #tpu.memory_space<hbm>> -> memref<512xf32, #tpu.memory_space<hbm>>
      %dma_start3A_971 = arith.constant 10400 : i32
      %dma_start3A_972 = tpu.memref_slice %arg8[%dma_start3A_971] : memref<16640xf32, #tpu.memory_space<vmem>> -> memref<512xf32, #tpu.memory_space<vmem>>
      tpu.enqueue_dma source(%dma_start3A_972 : memref<512xf32, #tpu.memory_space<vmem>>) target(%dma_start3A_970 : memref<512xf32, #tpu.memory_space<hbm>>) target_semaphore(%arg12 : memref<!tpu.dma_semaphore, #tpu.memory_space<semaphore_mem>>)
      %dma_start3A_973 = arith.constant 21 : i32
      %dma_start3A_974 = arith.constant 10920 : i32
      %dma_start3A_975 = tpu.memref_slice %arg8[%dma_start3A_974] : memref<16640xf32, #tpu.memory_space<vmem>> -> memref<512xf32, #tpu.memory_space<vmem>>
      %dma_start3A_976 = tpu.memref_slice %arg4[%dma_start3A_973, %add3A_783] : memref<32x819200xf32, #tpu.memory_space<hbm>> -> memref<1x512xf32, #tpu.memory_space<hbm>>
      %dma_start3A_977 = tpu.memref_squeeze %dma_start3A_976 : memref<1x512xf32, #tpu.memory_space<hbm>> -> memref<512xf32, #tpu.memory_space<hbm>>
      %dma_start3A_978 = tpu.memref_slice %arg4[%dma_start3A_973, %add3A_783] : memref<32x819200xf32, #tpu.memory_space<hbm>> -> memref<1x512xf32, #tpu.memory_space<hbm>>
      %dma_start3A_979 = tpu.memref_squeeze %dma_start3A_978 : memref<1x512xf32, #tpu.memory_space<hbm>> -> memref<512xf32, #tpu.memory_space<hbm>>
      %dma_start3A_980 = arith.constant 10920 : i32
      %dma_start3A_981 = tpu.memref_slice %arg8[%dma_start3A_980] : memref<16640xf32, #tpu.memory_space<vmem>> -> memref<512xf32, #tpu.memory_space<vmem>>
      tpu.enqueue_dma source(%dma_start3A_981 : memref<512xf32, #tpu.memory_space<vmem>>) target(%dma_start3A_979 : memref<512xf32, #tpu.memory_space<hbm>>) target_semaphore(%arg12 : memref<!tpu.dma_semaphore, #tpu.memory_space<semaphore_mem>>)
      %dma_start3A_982 = arith.constant 22 : i32
      %dma_start3A_983 = arith.constant 11440 : i32
      %dma_start3A_984 = tpu.memref_slice %arg8[%dma_start3A_983] : memref<16640xf32, #tpu.memory_space<vmem>> -> memref<512xf32, #tpu.memory_space<vmem>>
      %dma_start3A_985 = tpu.memref_slice %arg4[%dma_start3A_982, %add3A_783] : memref<32x819200xf32, #tpu.memory_space<hbm>> -> memref<1x512xf32, #tpu.memory_space<hbm>>
      %dma_start3A_986 = tpu.memref_squeeze %dma_start3A_985 : memref<1x512xf32, #tpu.memory_space<hbm>> -> memref<512xf32, #tpu.memory_space<hbm>>
      %dma_start3A_987 = tpu.memref_slice %arg4[%dma_start3A_982, %add3A_783] : memref<32x819200xf32, #tpu.memory_space<hbm>> -> memref<1x512xf32, #tpu.memory_space<hbm>>
      %dma_start3A_988 = tpu.memref_squeeze %dma_start3A_987 : memref<1x512xf32, #tpu.memory_space<hbm>> -> memref<512xf32, #tpu.memory_space<hbm>>
      %dma_start3A_989 = arith.constant 11440 : i32
      %dma_start3A_990 = tpu.memref_slice %arg8[%dma_start3A_989] : memref<16640xf32, #tpu.memory_space<vmem>> -> memref<512xf32, #tpu.memory_space<vmem>>
      tpu.enqueue_dma source(%dma_start3A_990 : memref<512xf32, #tpu.memory_space<vmem>>) target(%dma_start3A_988 : memref<512xf32, #tpu.memory_space<hbm>>) target_semaphore(%arg12 : memref<!tpu.dma_semaphore, #tpu.memory_space<semaphore_mem>>)
      %dma_start3A_991 = arith.constant 23 : i32
      %dma_start3A_992 = arith.constant 11960 : i32
      %dma_start3A_993 = tpu.memref_slice %arg8[%dma_start3A_992] : memref<16640xf32, #tpu.memory_space<vmem>> -> memref<512xf32, #tpu.memory_space<vmem>>
      %dma_start3A_994 = tpu.memref_slice %arg4[%dma_start3A_991, %add3A_783] : memref<32x819200xf32, #tpu.memory_space<hbm>> -> memref<1x512xf32, #tpu.memory_space<hbm>>
      %dma_start3A_995 = tpu.memref_squeeze %dma_start3A_994 : memref<1x512xf32, #tpu.memory_space<hbm>> -> memref<512xf32, #tpu.memory_space<hbm>>
      %dma_start3A_996 = tpu.memref_slice %arg4[%dma_start3A_991, %add3A_783] : memref<32x819200xf32, #tpu.memory_space<hbm>> -> memref<1x512xf32, #tpu.memory_space<hbm>>
      %dma_start3A_997 = tpu.memref_squeeze %dma_start3A_996 : memref<1x512xf32, #tpu.memory_space<hbm>> -> memref<512xf32, #tpu.memory_space<hbm>>
      %dma_start3A_998 = arith.constant 11960 : i32
      %dma_start3A_999 = tpu.memref_slice %arg8[%dma_start3A_998] : memref<16640xf32, #tpu.memory_space<vmem>> -> memref<512xf32, #tpu.memory_space<vmem>>
      tpu.enqueue_dma source(%dma_start3A_999 : memref<512xf32, #tpu.memory_space<vmem>>) target(%dma_start3A_997 : memref<512xf32, #tpu.memory_space<hbm>>) target_semaphore(%arg12 : memref<!tpu.dma_semaphore, #tpu.memory_space<semaphore_mem>>)
      %dma_start3A_1000 = arith.constant 24 : i32
      %dma_start3A_1001 = arith.constant 12480 : i32
      %dma_start3A_1002 = tpu.memref_slice %arg8[%dma_start3A_1001] : memref<16640xf32, #tpu.memory_space<vmem>> -> memref<512xf32, #tpu.memory_space<vmem>>
      %dma_start3A_1003 = tpu.memref_slice %arg4[%dma_start3A_1000, %add3A_783] : memref<32x819200xf32, #tpu.memory_space<hbm>> -> memref<1x512xf32, #tpu.memory_space<hbm>>
      %dma_start3A_1004 = tpu.memref_squeeze %dma_start3A_1003 : memref<1x512xf32, #tpu.memory_space<hbm>> -> memref<512xf32, #tpu.memory_space<hbm>>
      %dma_start3A_1005 = tpu.memref_slice %arg4[%dma_start3A_1000, %add3A_783] : memref<32x819200xf32, #tpu.memory_space<hbm>> -> memref<1x512xf32, #tpu.memory_space<hbm>>
      %dma_start3A_1006 = tpu.memref_squeeze %dma_start3A_1005 : memref<1x512xf32, #tpu.memory_space<hbm>> -> memref<512xf32, #tpu.memory_space<hbm>>
      %dma_start3A_1007 = arith.constant 12480 : i32
      %dma_start3A_1008 = tpu.memref_slice %arg8[%dma_start3A_1007] : memref<16640xf32, #tpu.memory_space<vmem>> -> memref<512xf32, #tpu.memory_space<vmem>>
      tpu.enqueue_dma source(%dma_start3A_1008 : memref<512xf32, #tpu.memory_space<vmem>>) target(%dma_start3A_1006 : memref<512xf32, #tpu.memory_space<hbm>>) target_semaphore(%arg12 : memref<!tpu.dma_semaphore, #tpu.memory_space<semaphore_mem>>)
      %dma_start3A_1009 = arith.constant 25 : i32
      %dma_start3A_1010 = arith.constant 13000 : i32
      %dma_start3A_1011 = tpu.memref_slice %arg8[%dma_start3A_1010] : memref<16640xf32, #tpu.memory_space<vmem>> -> memref<512xf32, #tpu.memory_space<vmem>>
      %dma_start3A_1012 = tpu.memref_slice %arg4[%dma_start3A_1009, %add3A_783] : memref<32x819200xf32, #tpu.memory_space<hbm>> -> memref<1x512xf32, #tpu.memory_space<hbm>>
      %dma_start3A_1013 = tpu.memref_squeeze %dma_start3A_1012 : memref<1x512xf32, #tpu.memory_space<hbm>> -> memref<512xf32, #tpu.memory_space<hbm>>
      %dma_start3A_1014 = tpu.memref_slice %arg4[%dma_start3A_1009, %add3A_783] : memref<32x819200xf32, #tpu.memory_space<hbm>> -> memref<1x512xf32, #tpu.memory_space<hbm>>
      %dma_start3A_1015 = tpu.memref_squeeze %dma_start3A_1014 : memref<1x512xf32, #tpu.memory_space<hbm>> -> memref<512xf32, #tpu.memory_space<hbm>>
      %dma_start3A_1016 = arith.constant 13000 : i32
      %dma_start3A_1017 = tpu.memref_slice %arg8[%dma_start3A_1016] : memref<16640xf32, #tpu.memory_space<vmem>> -> memref<512xf32, #tpu.memory_space<vmem>>
      tpu.enqueue_dma source(%dma_start3A_1017 : memref<512xf32, #tpu.memory_space<vmem>>) target(%dma_start3A_1015 : memref<512xf32, #tpu.memory_space<hbm>>) target_semaphore(%arg12 : memref<!tpu.dma_semaphore, #tpu.memory_space<semaphore_mem>>)
      %dma_start3A_1018 = arith.constant 26 : i32
      %dma_start3A_1019 = arith.constant 13520 : i32
      %dma_start3A_1020 = tpu.memref_slice %arg8[%dma_start3A_1019] : memref<16640xf32, #tpu.memory_space<vmem>> -> memref<512xf32, #tpu.memory_space<vmem>>
      %dma_start3A_1021 = tpu.memref_slice %arg4[%dma_start3A_1018, %add3A_783] : memref<32x819200xf32, #tpu.memory_space<hbm>> -> memref<1x512xf32, #tpu.memory_space<hbm>>
      %dma_start3A_1022 = tpu.memref_squeeze %dma_start3A_1021 : memref<1x512xf32, #tpu.memory_space<hbm>> -> memref<512xf32, #tpu.memory_space<hbm>>
      %dma_start3A_1023 = tpu.memref_slice %arg4[%dma_start3A_1018, %add3A_783] : memref<32x819200xf32, #tpu.memory_space<hbm>> -> memref<1x512xf32, #tpu.memory_space<hbm>>
      %dma_start3A_1024 = tpu.memref_squeeze %dma_start3A_1023 : memref<1x512xf32, #tpu.memory_space<hbm>> -> memref<512xf32, #tpu.memory_space<hbm>>
      %dma_start3A_1025 = arith.constant 13520 : i32
      %dma_start3A_1026 = tpu.memref_slice %arg8[%dma_start3A_1025] : memref<16640xf32, #tpu.memory_space<vmem>> -> memref<512xf32, #tpu.memory_space<vmem>>
      tpu.enqueue_dma source(%dma_start3A_1026 : memref<512xf32, #tpu.memory_space<vmem>>) target(%dma_start3A_1024 : memref<512xf32, #tpu.memory_space<hbm>>) target_semaphore(%arg12 : memref<!tpu.dma_semaphore, #tpu.memory_space<semaphore_mem>>)
      %dma_start3A_1027 = arith.constant 27 : i32
      %dma_start3A_1028 = arith.constant 14040 : i32
      %dma_start3A_1029 = tpu.memref_slice %arg8[%dma_start3A_1028] : memref<16640xf32, #tpu.memory_space<vmem>> -> memref<512xf32, #tpu.memory_space<vmem>>
      %dma_start3A_1030 = tpu.memref_slice %arg4[%dma_start3A_1027, %add3A_783] : memref<32x819200xf32, #tpu.memory_space<hbm>> -> memref<1x512xf32, #tpu.memory_space<hbm>>
      %dma_start3A_1031 = tpu.memref_squeeze %dma_start3A_1030 : memref<1x512xf32, #tpu.memory_space<hbm>> -> memref<512xf32, #tpu.memory_space<hbm>>
      %dma_start3A_1032 = tpu.memref_slice %arg4[%dma_start3A_1027, %add3A_783] : memref<32x819200xf32, #tpu.memory_space<hbm>> -> memref<1x512xf32, #tpu.memory_space<hbm>>
      %dma_start3A_1033 = tpu.memref_squeeze %dma_start3A_1032 : memref<1x512xf32, #tpu.memory_space<hbm>> -> memref<512xf32, #tpu.memory_space<hbm>>
      %dma_start3A_1034 = arith.constant 14040 : i32
      %dma_start3A_1035 = tpu.memref_slice %arg8[%dma_start3A_1034] : memref<16640xf32, #tpu.memory_space<vmem>> -> memref<512xf32, #tpu.memory_space<vmem>>
      tpu.enqueue_dma source(%dma_start3A_1035 : memref<512xf32, #tpu.memory_space<vmem>>) target(%dma_start3A_1033 : memref<512xf32, #tpu.memory_space<hbm>>) target_semaphore(%arg12 : memref<!tpu.dma_semaphore, #tpu.memory_space<semaphore_mem>>)
      %dma_start3A_1036 = arith.constant 28 : i32
      %dma_start3A_1037 = arith.constant 14560 : i32
      %dma_start3A_1038 = tpu.memref_slice %arg8[%dma_start3A_1037] : memref<16640xf32, #tpu.memory_space<vmem>> -> memref<512xf32, #tpu.memory_space<vmem>>
      %dma_start3A_1039 = tpu.memref_slice %arg4[%dma_start3A_1036, %add3A_783] : memref<32x819200xf32, #tpu.memory_space<hbm>> -> memref<1x512xf32, #tpu.memory_space<hbm>>
      %dma_start3A_1040 = tpu.memref_squeeze %dma_start3A_1039 : memref<1x512xf32, #tpu.memory_space<hbm>> -> memref<512xf32, #tpu.memory_space<hbm>>
      %dma_start3A_1041 = tpu.memref_slice %arg4[%dma_start3A_1036, %add3A_783] : memref<32x819200xf32, #tpu.memory_space<hbm>> -> memref<1x512xf32, #tpu.memory_space<hbm>>
      %dma_start3A_1042 = tpu.memref_squeeze %dma_start3A_1041 : memref<1x512xf32, #tpu.memory_space<hbm>> -> memref<512xf32, #tpu.memory_space<hbm>>
      %dma_start3A_1043 = arith.constant 14560 : i32
      %dma_start3A_1044 = tpu.memref_slice %arg8[%dma_start3A_1043] : memref<16640xf32, #tpu.memory_space<vmem>> -> memref<512xf32, #tpu.memory_space<vmem>>
      tpu.enqueue_dma source(%dma_start3A_1044 : memref<512xf32, #tpu.memory_space<vmem>>) target(%dma_start3A_1042 : memref<512xf32, #tpu.memory_space<hbm>>) target_semaphore(%arg12 : memref<!tpu.dma_semaphore, #tpu.memory_space<semaphore_mem>>)
      %dma_start3A_1045 = arith.constant 29 : i32
      %dma_start3A_1046 = arith.constant 15080 : i32
      %dma_start3A_1047 = tpu.memref_slice %arg8[%dma_start3A_1046] : memref<16640xf32, #tpu.memory_space<vmem>> -> memref<512xf32, #tpu.memory_space<vmem>>
      %dma_start3A_1048 = tpu.memref_slice %arg4[%dma_start3A_1045, %add3A_783] : memref<32x819200xf32, #tpu.memory_space<hbm>> -> memref<1x512xf32, #tpu.memory_space<hbm>>
      %dma_start3A_1049 = tpu.memref_squeeze %dma_start3A_1048 : memref<1x512xf32, #tpu.memory_space<hbm>> -> memref<512xf32, #tpu.memory_space<hbm>>
      %dma_start3A_1050 = tpu.memref_slice %arg4[%dma_start3A_1045, %add3A_783] : memref<32x819200xf32, #tpu.memory_space<hbm>> -> memref<1x512xf32, #tpu.memory_space<hbm>>
      %dma_start3A_1051 = tpu.memref_squeeze %dma_start3A_1050 : memref<1x512xf32, #tpu.memory_space<hbm>> -> memref<512xf32, #tpu.memory_space<hbm>>
      %dma_start3A_1052 = arith.constant 15080 : i32
      %dma_start3A_1053 = tpu.memref_slice %arg8[%dma_start3A_1052] : memref<16640xf32, #tpu.memory_space<vmem>> -> memref<512xf32, #tpu.memory_space<vmem>>
      tpu.enqueue_dma source(%dma_start3A_1053 : memref<512xf32, #tpu.memory_space<vmem>>) target(%dma_start3A_1051 : memref<512xf32, #tpu.memory_space<hbm>>) target_semaphore(%arg12 : memref<!tpu.dma_semaphore, #tpu.memory_space<semaphore_mem>>)
      %dma_start3A_1054 = arith.constant 30 : i32
      %dma_start3A_1055 = arith.constant 15600 : i32
      %dma_start3A_1056 = tpu.memref_slice %arg8[%dma_start3A_1055] : memref<16640xf32, #tpu.memory_space<vmem>> -> memref<512xf32, #tpu.memory_space<vmem>>
      %dma_start3A_1057 = tpu.memref_slice %arg4[%dma_start3A_1054, %add3A_783] : memref<32x819200xf32, #tpu.memory_space<hbm>> -> memref<1x512xf32, #tpu.memory_space<hbm>>
      %dma_start3A_1058 = tpu.memref_squeeze %dma_start3A_1057 : memref<1x512xf32, #tpu.memory_space<hbm>> -> memref<512xf32, #tpu.memory_space<hbm>>
      %dma_start3A_1059 = tpu.memref_slice %arg4[%dma_start3A_1054, %add3A_783] : memref<32x819200xf32, #tpu.memory_space<hbm>> -> memref<1x512xf32, #tpu.memory_space<hbm>>
      %dma_start3A_1060 = tpu.memref_squeeze %dma_start3A_1059 : memref<1x512xf32, #tpu.memory_space<hbm>> -> memref<512xf32, #tpu.memory_space<hbm>>
      %dma_start3A_1061 = arith.constant 15600 : i32
      %dma_start3A_1062 = tpu.memref_slice %arg8[%dma_start3A_1061] : memref<16640xf32, #tpu.memory_space<vmem>> -> memref<512xf32, #tpu.memory_space<vmem>>
      tpu.enqueue_dma source(%dma_start3A_1062 : memref<512xf32, #tpu.memory_space<vmem>>) target(%dma_start3A_1060 : memref<512xf32, #tpu.memory_space<hbm>>) target_semaphore(%arg12 : memref<!tpu.dma_semaphore, #tpu.memory_space<semaphore_mem>>)
      %dma_start3A_1063 = arith.constant 31 : i32
      %dma_start3A_1064 = arith.constant 16120 : i32
      %dma_start3A_1065 = tpu.memref_slice %arg8[%dma_start3A_1064] : memref<16640xf32, #tpu.memory_space<vmem>> -> memref<512xf32, #tpu.memory_space<vmem>>
      %dma_start3A_1066 = tpu.memref_slice %arg4[%dma_start3A_1063, %add3A_783] : memref<32x819200xf32, #tpu.memory_space<hbm>> -> memref<1x512xf32, #tpu.memory_space<hbm>>
      %dma_start3A_1067 = tpu.memref_squeeze %dma_start3A_1066 : memref<1x512xf32, #tpu.memory_space<hbm>> -> memref<512xf32, #tpu.memory_space<hbm>>
      %dma_start3A_1068 = tpu.memref_slice %arg4[%dma_start3A_1063, %add3A_783] : memref<32x819200xf32, #tpu.memory_space<hbm>> -> memref<1x512xf32, #tpu.memory_space<hbm>>
      %dma_start3A_1069 = tpu.memref_squeeze %dma_start3A_1068 : memref<1x512xf32, #tpu.memory_space<hbm>> -> memref<512xf32, #tpu.memory_space<hbm>>
      %dma_start3A_1070 = arith.constant 16120 : i32
      %dma_start3A_1071 = tpu.memref_slice %arg8[%dma_start3A_1070] : memref<16640xf32, #tpu.memory_space<vmem>> -> memref<512xf32, #tpu.memory_space<vmem>>
      tpu.enqueue_dma source(%dma_start3A_1071 : memref<512xf32, #tpu.memory_space<vmem>>) target(%dma_start3A_1069 : memref<512xf32, #tpu.memory_space<hbm>>) target_semaphore(%arg12 : memref<!tpu.dma_semaphore, #tpu.memory_space<semaphore_mem>>)
      %add3A_1072 = arith.constant 2 : i32
      %add3A_1073 = arith.addi %mul3A_724, %add3A_1072 : i32
      %lt3A_1074 = arith.constant 50 : i32
      %lt3A_1075 = arith.cmpi slt, %add3A_1073, %lt3A_1074 : i32
      %convert_element_type3A_1076 = arith.extui %lt3A_1075 : i1 to i32
      %cond3A_1077 = arith.constant 0 : i32
      %cond3A_1078 = arith.cmpi ne, %convert_element_type3A_1076, %cond3A_1077 : i32
      scf.if %cond3A_1078 {
        %add3A_1433 = arith.constant 2 : i32
        %add3A_1434 = arith.addi %mul3A_724, %add3A_1433 : i32
        %mul3A_1435 = arith.constant 512 : i32
        %mul3A_1436 = arith.muli %add3A_1434, %mul3A_1435 : i32
        %dma_start3A_1437 = tpu.memref_slice %arg5[%mul3A_1436] : memref<25600xi32, #tpu.memory_space<vmem>> -> memref<512xi32, #tpu.memory_space<vmem>>
        %dma_start3A_1438 = arith.constant 0 : i32
        %dma_start3A_1439 = arith.constant 0 : i32
        %dma_start3A_1440 = tpu.memref_slice %arg3[%dma_start3A_1438, %dma_start3A_1439] : memref<4000000x32xf32, #tpu.memory_space<hbm>> -> memref<4000000x32xf32, #tpu.memory_space<hbm>>
        tpu.enqueue_indirect_dma source(%dma_start3A_1440 : memref<4000000x32xf32, #tpu.memory_space<hbm>>) target(%arg6 : memref<512x32xf32, #tpu.memory_space<vmem>>) offsets(%dma_start3A_1437 : memref<512xi32, #tpu.memory_space<vmem>>) semaphore(%arg10 : memref<!tpu.dma_semaphore, #tpu.memory_space<semaphore_mem>>)
      } else {
      }
      %dma_wait3A_1079 = arith.constant 0 : i32
      %dma_wait3A_1080 = tpu.memref_slice %arg5[%dma_wait3A_1079] : memref<25600xi32, #tpu.memory_space<vmem>> -> memref<512xi32, #tpu.memory_space<vmem>>
      %dma_wait3A_1081 = arith.constant 0 : i32
      %dma_wait3A_1082 = arith.constant 0 : i32
      %dma_wait3A_1083 = tpu.memref_slice %arg3[%dma_wait3A_1081, %dma_wait3A_1082] : memref<4000000x32xf32, #tpu.memory_space<hbm>> -> memref<4000000x32xf32, #tpu.memory_space<hbm>>
      tpu.wait_indirect_dma semaphore(%arg11 : memref<!tpu.dma_semaphore, #tpu.memory_space<semaphore_mem>>) src(%dma_wait3A_1083 : memref<4000000x32xf32, #tpu.memory_space<hbm>>) dst(%arg7 : memref<512x32xf32, #tpu.memory_space<vmem>>)
      %gt3A_1084 = arith.constant 0 : i32
      %gt3A_1085 = arith.cmpi sgt, %scan3A_722, %gt3A_1084 : i32
      %convert_element_type3A_1086 = arith.extui %gt3A_1085 : i1 to i32
      %cond3A_1087 = arith.constant 0 : i32
      %cond3A_1088 = arith.cmpi ne, %convert_element_type3A_1086, %cond3A_1087 : i32
      scf.if %cond3A_1088 {
        %dma_wait3A_1433 = arith.constant 0 : i32
        %dma_wait3A_1434 = arith.constant 0 : i32
        %dma_wait3A_1435 = tpu.memref_slice %arg9[%dma_wait3A_1434] : memref<16640xf32, #tpu.memory_space<vmem>> -> memref<512xf32, #tpu.memory_space<vmem>>
        %dma_wait3A_1436 = arith.constant 0 : i32
        %dma_wait3A_1437 = tpu.memref_slice %arg4[%dma_wait3A_1433, %dma_wait3A_1436] : memref<32x819200xf32, #tpu.memory_space<hbm>> -> memref<1x512xf32, #tpu.memory_space<hbm>>
        %dma_wait3A_1438 = tpu.memref_squeeze %dma_wait3A_1437 : memref<1x512xf32, #tpu.memory_space<hbm>> -> memref<512xf32, #tpu.memory_space<hbm>>
        %dma_wait3A_1439 = arith.constant 0 : i32
        %dma_wait3A_1440 = tpu.memref_slice %arg4[%dma_wait3A_1433, %dma_wait3A_1439] : memref<32x819200xf32, #tpu.memory_space<hbm>> -> memref<1x512xf32, #tpu.memory_space<hbm>>
        %dma_wait3A_1441 = tpu.memref_squeeze %dma_wait3A_1440 : memref<1x512xf32, #tpu.memory_space<hbm>> -> memref<512xf32, #tpu.memory_space<hbm>>
        %dma_wait3A_1442 = arith.constant 0 : i32
        %dma_wait3A_1443 = tpu.memref_slice %arg9[%dma_wait3A_1442] : memref<16640xf32, #tpu.memory_space<vmem>> -> memref<512xf32, #tpu.memory_space<vmem>>
        tpu.wait_dma2 semaphore(%arg13 : memref<!tpu.dma_semaphore, #tpu.memory_space<semaphore_mem>>) src(%dma_wait3A_1443 : memref<512xf32, #tpu.memory_space<vmem>>) dst(%dma_wait3A_1441 : memref<512xf32, #tpu.memory_space<hbm>>)
        %dma_wait3A_1444 = arith.constant 1 : i32
        %dma_wait3A_1445 = arith.constant 520 : i32
        %dma_wait3A_1446 = tpu.memref_slice %arg9[%dma_wait3A_1445] : memref<16640xf32, #tpu.memory_space<vmem>> -> memref<512xf32, #tpu.memory_space<vmem>>
        %dma_wait3A_1447 = arith.constant 0 : i32
        %dma_wait3A_1448 = tpu.memref_slice %arg4[%dma_wait3A_1444, %dma_wait3A_1447] : memref<32x819200xf32, #tpu.memory_space<hbm>> -> memref<1x512xf32, #tpu.memory_space<hbm>>
        %dma_wait3A_1449 = tpu.memref_squeeze %dma_wait3A_1448 : memref<1x512xf32, #tpu.memory_space<hbm>> -> memref<512xf32, #tpu.memory_space<hbm>>
        %dma_wait3A_1450 = arith.constant 0 : i32
        %dma_wait3A_1451 = tpu.memref_slice %arg4[%dma_wait3A_1444, %dma_wait3A_1450] : memref<32x819200xf32, #tpu.memory_space<hbm>> -> memref<1x512xf32, #tpu.memory_space<hbm>>
        %dma_wait3A_1452 = tpu.memref_squeeze %dma_wait3A_1451 : memref<1x512xf32, #tpu.memory_space<hbm>> -> memref<512xf32, #tpu.memory_space<hbm>>
        %dma_wait3A_1453 = arith.constant 520 : i32
        %dma_wait3A_1454 = tpu.memref_slice %arg9[%dma_wait3A_1453] : memref<16640xf32, #tpu.memory_space<vmem>> -> memref<512xf32, #tpu.memory_space<vmem>>
        tpu.wait_dma2 semaphore(%arg13 : memref<!tpu.dma_semaphore, #tpu.memory_space<semaphore_mem>>) src(%dma_wait3A_1454 : memref<512xf32, #tpu.memory_space<vmem>>) dst(%dma_wait3A_1452 : memref<512xf32, #tpu.memory_space<hbm>>)
        %dma_wait3A_1455 = arith.constant 2 : i32
        %dma_wait3A_1456 = arith.constant 1040 : i32
        %dma_wait3A_1457 = tpu.memref_slice %arg9[%dma_wait3A_1456] : memref<16640xf32, #tpu.memory_space<vmem>> -> memref<512xf32, #tpu.memory_space<vmem>>
        %dma_wait3A_1458 = arith.constant 0 : i32
        %dma_wait3A_1459 = tpu.memref_slice %arg4[%dma_wait3A_1455, %dma_wait3A_1458] : memref<32x819200xf32, #tpu.memory_space<hbm>> -> memref<1x512xf32, #tpu.memory_space<hbm>>
        %dma_wait3A_1460 = tpu.memref_squeeze %dma_wait3A_1459 : memref<1x512xf32, #tpu.memory_space<hbm>> -> memref<512xf32, #tpu.memory_space<hbm>>
        %dma_wait3A_1461 = arith.constant 0 : i32
        %dma_wait3A_1462 = tpu.memref_slice %arg4[%dma_wait3A_1455, %dma_wait3A_1461] : memref<32x819200xf32, #tpu.memory_space<hbm>> -> memref<1x512xf32, #tpu.memory_space<hbm>>
        %dma_wait3A_1463 = tpu.memref_squeeze %dma_wait3A_1462 : memref<1x512xf32, #tpu.memory_space<hbm>> -> memref<512xf32, #tpu.memory_space<hbm>>
        %dma_wait3A_1464 = arith.constant 1040 : i32
        %dma_wait3A_1465 = tpu.memref_slice %arg9[%dma_wait3A_1464] : memref<16640xf32, #tpu.memory_space<vmem>> -> memref<512xf32, #tpu.memory_space<vmem>>
        tpu.wait_dma2 semaphore(%arg13 : memref<!tpu.dma_semaphore, #tpu.memory_space<semaphore_mem>>) src(%dma_wait3A_1465 : memref<512xf32, #tpu.memory_space<vmem>>) dst(%dma_wait3A_1463 : memref<512xf32, #tpu.memory_space<hbm>>)
        %dma_wait3A_1466 = arith.constant 3 : i32
        %dma_wait3A_1467 = arith.constant 1560 : i32
        %dma_wait3A_1468 = tpu.memref_slice %arg9[%dma_wait3A_1467] : memref<16640xf32, #tpu.memory_space<vmem>> -> memref<512xf32, #tpu.memory_space<vmem>>
        %dma_wait3A_1469 = arith.constant 0 : i32
        %dma_wait3A_1470 = tpu.memref_slice %arg4[%dma_wait3A_1466, %dma_wait3A_1469] : memref<32x819200xf32, #tpu.memory_space<hbm>> -> memref<1x512xf32, #tpu.memory_space<hbm>>
        %dma_wait3A_1471 = tpu.memref_squeeze %dma_wait3A_1470 : memref<1x512xf32, #tpu.memory_space<hbm>> -> memref<512xf32, #tpu.memory_space<hbm>>
        %dma_wait3A_1472 = arith.constant 0 : i32
        %dma_wait3A_1473 = tpu.memref_slice %arg4[%dma_wait3A_1466, %dma_wait3A_1472] : memref<32x819200xf32, #tpu.memory_space<hbm>> -> memref<1x512xf32, #tpu.memory_space<hbm>>
        %dma_wait3A_1474 = tpu.memref_squeeze %dma_wait3A_1473 : memref<1x512xf32, #tpu.memory_space<hbm>> -> memref<512xf32, #tpu.memory_space<hbm>>
        %dma_wait3A_1475 = arith.constant 1560 : i32
        %dma_wait3A_1476 = tpu.memref_slice %arg9[%dma_wait3A_1475] : memref<16640xf32, #tpu.memory_space<vmem>> -> memref<512xf32, #tpu.memory_space<vmem>>
        tpu.wait_dma2 semaphore(%arg13 : memref<!tpu.dma_semaphore, #tpu.memory_space<semaphore_mem>>) src(%dma_wait3A_1476 : memref<512xf32, #tpu.memory_space<vmem>>) dst(%dma_wait3A_1474 : memref<512xf32, #tpu.memory_space<hbm>>)
        %dma_wait3A_1477 = arith.constant 4 : i32
        %dma_wait3A_1478 = arith.constant 2080 : i32
        %dma_wait3A_1479 = tpu.memref_slice %arg9[%dma_wait3A_1478] : memref<16640xf32, #tpu.memory_space<vmem>> -> memref<512xf32, #tpu.memory_space<vmem>>
        %dma_wait3A_1480 = arith.constant 0 : i32
        %dma_wait3A_1481 = tpu.memref_slice %arg4[%dma_wait3A_1477, %dma_wait3A_1480] : memref<32x819200xf32, #tpu.memory_space<hbm>> -> memref<1x512xf32, #tpu.memory_space<hbm>>
        %dma_wait3A_1482 = tpu.memref_squeeze %dma_wait3A_1481 : memref<1x512xf32, #tpu.memory_space<hbm>> -> memref<512xf32, #tpu.memory_space<hbm>>
        %dma_wait3A_1483 = arith.constant 0 : i32
        %dma_wait3A_1484 = tpu.memref_slice %arg4[%dma_wait3A_1477, %dma_wait3A_1483] : memref<32x819200xf32, #tpu.memory_space<hbm>> -> memref<1x512xf32, #tpu.memory_space<hbm>>
        %dma_wait3A_1485 = tpu.memref_squeeze %dma_wait3A_1484 : memref<1x512xf32, #tpu.memory_space<hbm>> -> memref<512xf32, #tpu.memory_space<hbm>>
        %dma_wait3A_1486 = arith.constant 2080 : i32
        %dma_wait3A_1487 = tpu.memref_slice %arg9[%dma_wait3A_1486] : memref<16640xf32, #tpu.memory_space<vmem>> -> memref<512xf32, #tpu.memory_space<vmem>>
        tpu.wait_dma2 semaphore(%arg13 : memref<!tpu.dma_semaphore, #tpu.memory_space<semaphore_mem>>) src(%dma_wait3A_1487 : memref<512xf32, #tpu.memory_space<vmem>>) dst(%dma_wait3A_1485 : memref<512xf32, #tpu.memory_space<hbm>>)
        %dma_wait3A_1488 = arith.constant 5 : i32
        %dma_wait3A_1489 = arith.constant 2600 : i32
        %dma_wait3A_1490 = tpu.memref_slice %arg9[%dma_wait3A_1489] : memref<16640xf32, #tpu.memory_space<vmem>> -> memref<512xf32, #tpu.memory_space<vmem>>
        %dma_wait3A_1491 = arith.constant 0 : i32
        %dma_wait3A_1492 = tpu.memref_slice %arg4[%dma_wait3A_1488, %dma_wait3A_1491] : memref<32x819200xf32, #tpu.memory_space<hbm>> -> memref<1x512xf32, #tpu.memory_space<hbm>>
        %dma_wait3A_1493 = tpu.memref_squeeze %dma_wait3A_1492 : memref<1x512xf32, #tpu.memory_space<hbm>> -> memref<512xf32, #tpu.memory_space<hbm>>
        %dma_wait3A_1494 = arith.constant 0 : i32
        %dma_wait3A_1495 = tpu.memref_slice %arg4[%dma_wait3A_1488, %dma_wait3A_1494] : memref<32x819200xf32, #tpu.memory_space<hbm>> -> memref<1x512xf32, #tpu.memory_space<hbm>>
        %dma_wait3A_1496 = tpu.memref_squeeze %dma_wait3A_1495 : memref<1x512xf32, #tpu.memory_space<hbm>> -> memref<512xf32, #tpu.memory_space<hbm>>
        %dma_wait3A_1497 = arith.constant 2600 : i32
        %dma_wait3A_1498 = tpu.memref_slice %arg9[%dma_wait3A_1497] : memref<16640xf32, #tpu.memory_space<vmem>> -> memref<512xf32, #tpu.memory_space<vmem>>
        tpu.wait_dma2 semaphore(%arg13 : memref<!tpu.dma_semaphore, #tpu.memory_space<semaphore_mem>>) src(%dma_wait3A_1498 : memref<512xf32, #tpu.memory_space<vmem>>) dst(%dma_wait3A_1496 : memref<512xf32, #tpu.memory_space<hbm>>)
        %dma_wait3A_1499 = arith.constant 6 : i32
        %dma_wait3A_1500 = arith.constant 3120 : i32
        %dma_wait3A_1501 = tpu.memref_slice %arg9[%dma_wait3A_1500] : memref<16640xf32, #tpu.memory_space<vmem>> -> memref<512xf32, #tpu.memory_space<vmem>>
        %dma_wait3A_1502 = arith.constant 0 : i32
        %dma_wait3A_1503 = tpu.memref_slice %arg4[%dma_wait3A_1499, %dma_wait3A_1502] : memref<32x819200xf32, #tpu.memory_space<hbm>> -> memref<1x512xf32, #tpu.memory_space<hbm>>
        %dma_wait3A_1504 = tpu.memref_squeeze %dma_wait3A_1503 : memref<1x512xf32, #tpu.memory_space<hbm>> -> memref<512xf32, #tpu.memory_space<hbm>>
        %dma_wait3A_1505 = arith.constant 0 : i32
        %dma_wait3A_1506 = tpu.memref_slice %arg4[%dma_wait3A_1499, %dma_wait3A_1505] : memref<32x819200xf32, #tpu.memory_space<hbm>> -> memref<1x512xf32, #tpu.memory_space<hbm>>
        %dma_wait3A_1507 = tpu.memref_squeeze %dma_wait3A_1506 : memref<1x512xf32, #tpu.memory_space<hbm>> -> memref<512xf32, #tpu.memory_space<hbm>>
        %dma_wait3A_1508 = arith.constant 3120 : i32
        %dma_wait3A_1509 = tpu.memref_slice %arg9[%dma_wait3A_1508] : memref<16640xf32, #tpu.memory_space<vmem>> -> memref<512xf32, #tpu.memory_space<vmem>>
        tpu.wait_dma2 semaphore(%arg13 : memref<!tpu.dma_semaphore, #tpu.memory_space<semaphore_mem>>) src(%dma_wait3A_1509 : memref<512xf32, #tpu.memory_space<vmem>>) dst(%dma_wait3A_1507 : memref<512xf32, #tpu.memory_space<hbm>>)
        %dma_wait3A_1510 = arith.constant 7 : i32
        %dma_wait3A_1511 = arith.constant 3640 : i32
        %dma_wait3A_1512 = tpu.memref_slice %arg9[%dma_wait3A_1511] : memref<16640xf32, #tpu.memory_space<vmem>> -> memref<512xf32, #tpu.memory_space<vmem>>
        %dma_wait3A_1513 = arith.constant 0 : i32
        %dma_wait3A_1514 = tpu.memref_slice %arg4[%dma_wait3A_1510, %dma_wait3A_1513] : memref<32x819200xf32, #tpu.memory_space<hbm>> -> memref<1x512xf32, #tpu.memory_space<hbm>>
        %dma_wait3A_1515 = tpu.memref_squeeze %dma_wait3A_1514 : memref<1x512xf32, #tpu.memory_space<hbm>> -> memref<512xf32, #tpu.memory_space<hbm>>
        %dma_wait3A_1516 = arith.constant 0 : i32
        %dma_wait3A_1517 = tpu.memref_slice %arg4[%dma_wait3A_1510, %dma_wait3A_1516] : memref<32x819200xf32, #tpu.memory_space<hbm>> -> memref<1x512xf32, #tpu.memory_space<hbm>>
        %dma_wait3A_1518 = tpu.memref_squeeze %dma_wait3A_1517 : memref<1x512xf32, #tpu.memory_space<hbm>> -> memref<512xf32, #tpu.memory_space<hbm>>
        %dma_wait3A_1519 = arith.constant 3640 : i32
        %dma_wait3A_1520 = tpu.memref_slice %arg9[%dma_wait3A_1519] : memref<16640xf32, #tpu.memory_space<vmem>> -> memref<512xf32, #tpu.memory_space<vmem>>
        tpu.wait_dma2 semaphore(%arg13 : memref<!tpu.dma_semaphore, #tpu.memory_space<semaphore_mem>>) src(%dma_wait3A_1520 : memref<512xf32, #tpu.memory_space<vmem>>) dst(%dma_wait3A_1518 : memref<512xf32, #tpu.memory_space<hbm>>)
        %dma_wait3A_1521 = arith.constant 8 : i32
        %dma_wait3A_1522 = arith.constant 4160 : i32
        %dma_wait3A_1523 = tpu.memref_slice %arg9[%dma_wait3A_1522] : memref<16640xf32, #tpu.memory_space<vmem>> -> memref<512xf32, #tpu.memory_space<vmem>>
        %dma_wait3A_1524 = arith.constant 0 : i32
        %dma_wait3A_1525 = tpu.memref_slice %arg4[%dma_wait3A_1521, %dma_wait3A_1524] : memref<32x819200xf32, #tpu.memory_space<hbm>> -> memref<1x512xf32, #tpu.memory_space<hbm>>
        %dma_wait3A_1526 = tpu.memref_squeeze %dma_wait3A_1525 : memref<1x512xf32, #tpu.memory_space<hbm>> -> memref<512xf32, #tpu.memory_space<hbm>>
        %dma_wait3A_1527 = arith.constant 0 : i32
        %dma_wait3A_1528 = tpu.memref_slice %arg4[%dma_wait3A_1521, %dma_wait3A_1527] : memref<32x819200xf32, #tpu.memory_space<hbm>> -> memref<1x512xf32, #tpu.memory_space<hbm>>
        %dma_wait3A_1529 = tpu.memref_squeeze %dma_wait3A_1528 : memref<1x512xf32, #tpu.memory_space<hbm>> -> memref<512xf32, #tpu.memory_space<hbm>>
        %dma_wait3A_1530 = arith.constant 4160 : i32
        %dma_wait3A_1531 = tpu.memref_slice %arg9[%dma_wait3A_1530] : memref<16640xf32, #tpu.memory_space<vmem>> -> memref<512xf32, #tpu.memory_space<vmem>>
        tpu.wait_dma2 semaphore(%arg13 : memref<!tpu.dma_semaphore, #tpu.memory_space<semaphore_mem>>) src(%dma_wait3A_1531 : memref<512xf32, #tpu.memory_space<vmem>>) dst(%dma_wait3A_1529 : memref<512xf32, #tpu.memory_space<hbm>>)
        %dma_wait3A_1532 = arith.constant 9 : i32
        %dma_wait3A_1533 = arith.constant 4680 : i32
        %dma_wait3A_1534 = tpu.memref_slice %arg9[%dma_wait3A_1533] : memref<16640xf32, #tpu.memory_space<vmem>> -> memref<512xf32, #tpu.memory_space<vmem>>
        %dma_wait3A_1535 = arith.constant 0 : i32
        %dma_wait3A_1536 = tpu.memref_slice %arg4[%dma_wait3A_1532, %dma_wait3A_1535] : memref<32x819200xf32, #tpu.memory_space<hbm>> -> memref<1x512xf32, #tpu.memory_space<hbm>>
        %dma_wait3A_1537 = tpu.memref_squeeze %dma_wait3A_1536 : memref<1x512xf32, #tpu.memory_space<hbm>> -> memref<512xf32, #tpu.memory_space<hbm>>
        %dma_wait3A_1538 = arith.constant 0 : i32
        %dma_wait3A_1539 = tpu.memref_slice %arg4[%dma_wait3A_1532, %dma_wait3A_1538] : memref<32x819200xf32, #tpu.memory_space<hbm>> -> memref<1x512xf32, #tpu.memory_space<hbm>>
        %dma_wait3A_1540 = tpu.memref_squeeze %dma_wait3A_1539 : memref<1x512xf32, #tpu.memory_space<hbm>> -> memref<512xf32, #tpu.memory_space<hbm>>
        %dma_wait3A_1541 = arith.constant 4680 : i32
        %dma_wait3A_1542 = tpu.memref_slice %arg9[%dma_wait3A_1541] : memref<16640xf32, #tpu.memory_space<vmem>> -> memref<512xf32, #tpu.memory_space<vmem>>
        tpu.wait_dma2 semaphore(%arg13 : memref<!tpu.dma_semaphore, #tpu.memory_space<semaphore_mem>>) src(%dma_wait3A_1542 : memref<512xf32, #tpu.memory_space<vmem>>) dst(%dma_wait3A_1540 : memref<512xf32, #tpu.memory_space<hbm>>)
        %dma_wait3A_1543 = arith.constant 10 : i32
        %dma_wait3A_1544 = arith.constant 5200 : i32
        %dma_wait3A_1545 = tpu.memref_slice %arg9[%dma_wait3A_1544] : memref<16640xf32, #tpu.memory_space<vmem>> -> memref<512xf32, #tpu.memory_space<vmem>>
        %dma_wait3A_1546 = arith.constant 0 : i32
        %dma_wait3A_1547 = tpu.memref_slice %arg4[%dma_wait3A_1543, %dma_wait3A_1546] : memref<32x819200xf32, #tpu.memory_space<hbm>> -> memref<1x512xf32, #tpu.memory_space<hbm>>
        %dma_wait3A_1548 = tpu.memref_squeeze %dma_wait3A_1547 : memref<1x512xf32, #tpu.memory_space<hbm>> -> memref<512xf32, #tpu.memory_space<hbm>>
        %dma_wait3A_1549 = arith.constant 0 : i32
        %dma_wait3A_1550 = tpu.memref_slice %arg4[%dma_wait3A_1543, %dma_wait3A_1549] : memref<32x819200xf32, #tpu.memory_space<hbm>> -> memref<1x512xf32, #tpu.memory_space<hbm>>
        %dma_wait3A_1551 = tpu.memref_squeeze %dma_wait3A_1550 : memref<1x512xf32, #tpu.memory_space<hbm>> -> memref<512xf32, #tpu.memory_space<hbm>>
        %dma_wait3A_1552 = arith.constant 5200 : i32
        %dma_wait3A_1553 = tpu.memref_slice %arg9[%dma_wait3A_1552] : memref<16640xf32, #tpu.memory_space<vmem>> -> memref<512xf32, #tpu.memory_space<vmem>>
        tpu.wait_dma2 semaphore(%arg13 : memref<!tpu.dma_semaphore, #tpu.memory_space<semaphore_mem>>) src(%dma_wait3A_1553 : memref<512xf32, #tpu.memory_space<vmem>>) dst(%dma_wait3A_1551 : memref<512xf32, #tpu.memory_space<hbm>>)
        %dma_wait3A_1554 = arith.constant 11 : i32
        %dma_wait3A_1555 = arith.constant 5720 : i32
        %dma_wait3A_1556 = tpu.memref_slice %arg9[%dma_wait3A_1555] : memref<16640xf32, #tpu.memory_space<vmem>> -> memref<512xf32, #tpu.memory_space<vmem>>
        %dma_wait3A_1557 = arith.constant 0 : i32
        %dma_wait3A_1558 = tpu.memref_slice %arg4[%dma_wait3A_1554, %dma_wait3A_1557] : memref<32x819200xf32, #tpu.memory_space<hbm>> -> memref<1x512xf32, #tpu.memory_space<hbm>>
        %dma_wait3A_1559 = tpu.memref_squeeze %dma_wait3A_1558 : memref<1x512xf32, #tpu.memory_space<hbm>> -> memref<512xf32, #tpu.memory_space<hbm>>
        %dma_wait3A_1560 = arith.constant 0 : i32
        %dma_wait3A_1561 = tpu.memref_slice %arg4[%dma_wait3A_1554, %dma_wait3A_1560] : memref<32x819200xf32, #tpu.memory_space<hbm>> -> memref<1x512xf32, #tpu.memory_space<hbm>>
        %dma_wait3A_1562 = tpu.memref_squeeze %dma_wait3A_1561 : memref<1x512xf32, #tpu.memory_space<hbm>> -> memref<512xf32, #tpu.memory_space<hbm>>
        %dma_wait3A_1563 = arith.constant 5720 : i32
        %dma_wait3A_1564 = tpu.memref_slice %arg9[%dma_wait3A_1563] : memref<16640xf32, #tpu.memory_space<vmem>> -> memref<512xf32, #tpu.memory_space<vmem>>
        tpu.wait_dma2 semaphore(%arg13 : memref<!tpu.dma_semaphore, #tpu.memory_space<semaphore_mem>>) src(%dma_wait3A_1564 : memref<512xf32, #tpu.memory_space<vmem>>) dst(%dma_wait3A_1562 : memref<512xf32, #tpu.memory_space<hbm>>)
        %dma_wait3A_1565 = arith.constant 12 : i32
        %dma_wait3A_1566 = arith.constant 6240 : i32
        %dma_wait3A_1567 = tpu.memref_slice %arg9[%dma_wait3A_1566] : memref<16640xf32, #tpu.memory_space<vmem>> -> memref<512xf32, #tpu.memory_space<vmem>>
        %dma_wait3A_1568 = arith.constant 0 : i32
        %dma_wait3A_1569 = tpu.memref_slice %arg4[%dma_wait3A_1565, %dma_wait3A_1568] : memref<32x819200xf32, #tpu.memory_space<hbm>> -> memref<1x512xf32, #tpu.memory_space<hbm>>
        %dma_wait3A_1570 = tpu.memref_squeeze %dma_wait3A_1569 : memref<1x512xf32, #tpu.memory_space<hbm>> -> memref<512xf32, #tpu.memory_space<hbm>>
        %dma_wait3A_1571 = arith.constant 0 : i32
        %dma_wait3A_1572 = tpu.memref_slice %arg4[%dma_wait3A_1565, %dma_wait3A_1571] : memref<32x819200xf32, #tpu.memory_space<hbm>> -> memref<1x512xf32, #tpu.memory_space<hbm>>
        %dma_wait3A_1573 = tpu.memref_squeeze %dma_wait3A_1572 : memref<1x512xf32, #tpu.memory_space<hbm>> -> memref<512xf32, #tpu.memory_space<hbm>>
        %dma_wait3A_1574 = arith.constant 6240 : i32
        %dma_wait3A_1575 = tpu.memref_slice %arg9[%dma_wait3A_1574] : memref<16640xf32, #tpu.memory_space<vmem>> -> memref<512xf32, #tpu.memory_space<vmem>>
        tpu.wait_dma2 semaphore(%arg13 : memref<!tpu.dma_semaphore, #tpu.memory_space<semaphore_mem>>) src(%dma_wait3A_1575 : memref<512xf32, #tpu.memory_space<vmem>>) dst(%dma_wait3A_1573 : memref<512xf32, #tpu.memory_space<hbm>>)
        %dma_wait3A_1576 = arith.constant 13 : i32
        %dma_wait3A_1577 = arith.constant 6760 : i32
        %dma_wait3A_1578 = tpu.memref_slice %arg9[%dma_wait3A_1577] : memref<16640xf32, #tpu.memory_space<vmem>> -> memref<512xf32, #tpu.memory_space<vmem>>
        %dma_wait3A_1579 = arith.constant 0 : i32
        %dma_wait3A_1580 = tpu.memref_slice %arg4[%dma_wait3A_1576, %dma_wait3A_1579] : memref<32x819200xf32, #tpu.memory_space<hbm>> -> memref<1x512xf32, #tpu.memory_space<hbm>>
        %dma_wait3A_1581 = tpu.memref_squeeze %dma_wait3A_1580 : memref<1x512xf32, #tpu.memory_space<hbm>> -> memref<512xf32, #tpu.memory_space<hbm>>
        %dma_wait3A_1582 = arith.constant 0 : i32
        %dma_wait3A_1583 = tpu.memref_slice %arg4[%dma_wait3A_1576, %dma_wait3A_1582] : memref<32x819200xf32, #tpu.memory_space<hbm>> -> memref<1x512xf32, #tpu.memory_space<hbm>>
        %dma_wait3A_1584 = tpu.memref_squeeze %dma_wait3A_1583 : memref<1x512xf32, #tpu.memory_space<hbm>> -> memref<512xf32, #tpu.memory_space<hbm>>
        %dma_wait3A_1585 = arith.constant 6760 : i32
        %dma_wait3A_1586 = tpu.memref_slice %arg9[%dma_wait3A_1585] : memref<16640xf32, #tpu.memory_space<vmem>> -> memref<512xf32, #tpu.memory_space<vmem>>
        tpu.wait_dma2 semaphore(%arg13 : memref<!tpu.dma_semaphore, #tpu.memory_space<semaphore_mem>>) src(%dma_wait3A_1586 : memref<512xf32, #tpu.memory_space<vmem>>) dst(%dma_wait3A_1584 : memref<512xf32, #tpu.memory_space<hbm>>)
        %dma_wait3A_1587 = arith.constant 14 : i32
        %dma_wait3A_1588 = arith.constant 7280 : i32
        %dma_wait3A_1589 = tpu.memref_slice %arg9[%dma_wait3A_1588] : memref<16640xf32, #tpu.memory_space<vmem>> -> memref<512xf32, #tpu.memory_space<vmem>>
        %dma_wait3A_1590 = arith.constant 0 : i32
        %dma_wait3A_1591 = tpu.memref_slice %arg4[%dma_wait3A_1587, %dma_wait3A_1590] : memref<32x819200xf32, #tpu.memory_space<hbm>> -> memref<1x512xf32, #tpu.memory_space<hbm>>
        %dma_wait3A_1592 = tpu.memref_squeeze %dma_wait3A_1591 : memref<1x512xf32, #tpu.memory_space<hbm>> -> memref<512xf32, #tpu.memory_space<hbm>>
        %dma_wait3A_1593 = arith.constant 0 : i32
        %dma_wait3A_1594 = tpu.memref_slice %arg4[%dma_wait3A_1587, %dma_wait3A_1593] : memref<32x819200xf32, #tpu.memory_space<hbm>> -> memref<1x512xf32, #tpu.memory_space<hbm>>
        %dma_wait3A_1595 = tpu.memref_squeeze %dma_wait3A_1594 : memref<1x512xf32, #tpu.memory_space<hbm>> -> memref<512xf32, #tpu.memory_space<hbm>>
        %dma_wait3A_1596 = arith.constant 7280 : i32
        %dma_wait3A_1597 = tpu.memref_slice %arg9[%dma_wait3A_1596] : memref<16640xf32, #tpu.memory_space<vmem>> -> memref<512xf32, #tpu.memory_space<vmem>>
        tpu.wait_dma2 semaphore(%arg13 : memref<!tpu.dma_semaphore, #tpu.memory_space<semaphore_mem>>) src(%dma_wait3A_1597 : memref<512xf32, #tpu.memory_space<vmem>>) dst(%dma_wait3A_1595 : memref<512xf32, #tpu.memory_space<hbm>>)
        %dma_wait3A_1598 = arith.constant 15 : i32
        %dma_wait3A_1599 = arith.constant 7800 : i32
        %dma_wait3A_1600 = tpu.memref_slice %arg9[%dma_wait3A_1599] : memref<16640xf32, #tpu.memory_space<vmem>> -> memref<512xf32, #tpu.memory_space<vmem>>
        %dma_wait3A_1601 = arith.constant 0 : i32
        %dma_wait3A_1602 = tpu.memref_slice %arg4[%dma_wait3A_1598, %dma_wait3A_1601] : memref<32x819200xf32, #tpu.memory_space<hbm>> -> memref<1x512xf32, #tpu.memory_space<hbm>>
        %dma_wait3A_1603 = tpu.memref_squeeze %dma_wait3A_1602 : memref<1x512xf32, #tpu.memory_space<hbm>> -> memref<512xf32, #tpu.memory_space<hbm>>
        %dma_wait3A_1604 = arith.constant 0 : i32
        %dma_wait3A_1605 = tpu.memref_slice %arg4[%dma_wait3A_1598, %dma_wait3A_1604] : memref<32x819200xf32, #tpu.memory_space<hbm>> -> memref<1x512xf32, #tpu.memory_space<hbm>>
        %dma_wait3A_1606 = tpu.memref_squeeze %dma_wait3A_1605 : memref<1x512xf32, #tpu.memory_space<hbm>> -> memref<512xf32, #tpu.memory_space<hbm>>
        %dma_wait3A_1607 = arith.constant 7800 : i32
        %dma_wait3A_1608 = tpu.memref_slice %arg9[%dma_wait3A_1607] : memref<16640xf32, #tpu.memory_space<vmem>> -> memref<512xf32, #tpu.memory_space<vmem>>
        tpu.wait_dma2 semaphore(%arg13 : memref<!tpu.dma_semaphore, #tpu.memory_space<semaphore_mem>>) src(%dma_wait3A_1608 : memref<512xf32, #tpu.memory_space<vmem>>) dst(%dma_wait3A_1606 : memref<512xf32, #tpu.memory_space<hbm>>)
        %dma_wait3A_1609 = arith.constant 16 : i32
        %dma_wait3A_1610 = arith.constant 8320 : i32
        %dma_wait3A_1611 = tpu.memref_slice %arg9[%dma_wait3A_1610] : memref<16640xf32, #tpu.memory_space<vmem>> -> memref<512xf32, #tpu.memory_space<vmem>>
        %dma_wait3A_1612 = arith.constant 0 : i32
        %dma_wait3A_1613 = tpu.memref_slice %arg4[%dma_wait3A_1609, %dma_wait3A_1612] : memref<32x819200xf32, #tpu.memory_space<hbm>> -> memref<1x512xf32, #tpu.memory_space<hbm>>
        %dma_wait3A_1614 = tpu.memref_squeeze %dma_wait3A_1613 : memref<1x512xf32, #tpu.memory_space<hbm>> -> memref<512xf32, #tpu.memory_space<hbm>>
        %dma_wait3A_1615 = arith.constant 0 : i32
        %dma_wait3A_1616 = tpu.memref_slice %arg4[%dma_wait3A_1609, %dma_wait3A_1615] : memref<32x819200xf32, #tpu.memory_space<hbm>> -> memref<1x512xf32, #tpu.memory_space<hbm>>
        %dma_wait3A_1617 = tpu.memref_squeeze %dma_wait3A_1616 : memref<1x512xf32, #tpu.memory_space<hbm>> -> memref<512xf32, #tpu.memory_space<hbm>>
        %dma_wait3A_1618 = arith.constant 8320 : i32
        %dma_wait3A_1619 = tpu.memref_slice %arg9[%dma_wait3A_1618] : memref<16640xf32, #tpu.memory_space<vmem>> -> memref<512xf32, #tpu.memory_space<vmem>>
        tpu.wait_dma2 semaphore(%arg13 : memref<!tpu.dma_semaphore, #tpu.memory_space<semaphore_mem>>) src(%dma_wait3A_1619 : memref<512xf32, #tpu.memory_space<vmem>>) dst(%dma_wait3A_1617 : memref<512xf32, #tpu.memory_space<hbm>>)
        %dma_wait3A_1620 = arith.constant 17 : i32
        %dma_wait3A_1621 = arith.constant 8840 : i32
        %dma_wait3A_1622 = tpu.memref_slice %arg9[%dma_wait3A_1621] : memref<16640xf32, #tpu.memory_space<vmem>> -> memref<512xf32, #tpu.memory_space<vmem>>
        %dma_wait3A_1623 = arith.constant 0 : i32
        %dma_wait3A_1624 = tpu.memref_slice %arg4[%dma_wait3A_1620, %dma_wait3A_1623] : memref<32x819200xf32, #tpu.memory_space<hbm>> -> memref<1x512xf32, #tpu.memory_space<hbm>>
        %dma_wait3A_1625 = tpu.memref_squeeze %dma_wait3A_1624 : memref<1x512xf32, #tpu.memory_space<hbm>> -> memref<512xf32, #tpu.memory_space<hbm>>
        %dma_wait3A_1626 = arith.constant 0 : i32
        %dma_wait3A_1627 = tpu.memref_slice %arg4[%dma_wait3A_1620, %dma_wait3A_1626] : memref<32x819200xf32, #tpu.memory_space<hbm>> -> memref<1x512xf32, #tpu.memory_space<hbm>>
        %dma_wait3A_1628 = tpu.memref_squeeze %dma_wait3A_1627 : memref<1x512xf32, #tpu.memory_space<hbm>> -> memref<512xf32, #tpu.memory_space<hbm>>
        %dma_wait3A_1629 = arith.constant 8840 : i32
        %dma_wait3A_1630 = tpu.memref_slice %arg9[%dma_wait3A_1629] : memref<16640xf32, #tpu.memory_space<vmem>> -> memref<512xf32, #tpu.memory_space<vmem>>
        tpu.wait_dma2 semaphore(%arg13 : memref<!tpu.dma_semaphore, #tpu.memory_space<semaphore_mem>>) src(%dma_wait3A_1630 : memref<512xf32, #tpu.memory_space<vmem>>) dst(%dma_wait3A_1628 : memref<512xf32, #tpu.memory_space<hbm>>)
        %dma_wait3A_1631 = arith.constant 18 : i32
        %dma_wait3A_1632 = arith.constant 9360 : i32
        %dma_wait3A_1633 = tpu.memref_slice %arg9[%dma_wait3A_1632] : memref<16640xf32, #tpu.memory_space<vmem>> -> memref<512xf32, #tpu.memory_space<vmem>>
        %dma_wait3A_1634 = arith.constant 0 : i32
        %dma_wait3A_1635 = tpu.memref_slice %arg4[%dma_wait3A_1631, %dma_wait3A_1634] : memref<32x819200xf32, #tpu.memory_space<hbm>> -> memref<1x512xf32, #tpu.memory_space<hbm>>
        %dma_wait3A_1636 = tpu.memref_squeeze %dma_wait3A_1635 : memref<1x512xf32, #tpu.memory_space<hbm>> -> memref<512xf32, #tpu.memory_space<hbm>>
        %dma_wait3A_1637 = arith.constant 0 : i32
        %dma_wait3A_1638 = tpu.memref_slice %arg4[%dma_wait3A_1631, %dma_wait3A_1637] : memref<32x819200xf32, #tpu.memory_space<hbm>> -> memref<1x512xf32, #tpu.memory_space<hbm>>
        %dma_wait3A_1639 = tpu.memref_squeeze %dma_wait3A_1638 : memref<1x512xf32, #tpu.memory_space<hbm>> -> memref<512xf32, #tpu.memory_space<hbm>>
        %dma_wait3A_1640 = arith.constant 9360 : i32
        %dma_wait3A_1641 = tpu.memref_slice %arg9[%dma_wait3A_1640] : memref<16640xf32, #tpu.memory_space<vmem>> -> memref<512xf32, #tpu.memory_space<vmem>>
        tpu.wait_dma2 semaphore(%arg13 : memref<!tpu.dma_semaphore, #tpu.memory_space<semaphore_mem>>) src(%dma_wait3A_1641 : memref<512xf32, #tpu.memory_space<vmem>>) dst(%dma_wait3A_1639 : memref<512xf32, #tpu.memory_space<hbm>>)
        %dma_wait3A_1642 = arith.constant 19 : i32
        %dma_wait3A_1643 = arith.constant 9880 : i32
        %dma_wait3A_1644 = tpu.memref_slice %arg9[%dma_wait3A_1643] : memref<16640xf32, #tpu.memory_space<vmem>> -> memref<512xf32, #tpu.memory_space<vmem>>
        %dma_wait3A_1645 = arith.constant 0 : i32
        %dma_wait3A_1646 = tpu.memref_slice %arg4[%dma_wait3A_1642, %dma_wait3A_1645] : memref<32x819200xf32, #tpu.memory_space<hbm>> -> memref<1x512xf32, #tpu.memory_space<hbm>>
        %dma_wait3A_1647 = tpu.memref_squeeze %dma_wait3A_1646 : memref<1x512xf32, #tpu.memory_space<hbm>> -> memref<512xf32, #tpu.memory_space<hbm>>
        %dma_wait3A_1648 = arith.constant 0 : i32
        %dma_wait3A_1649 = tpu.memref_slice %arg4[%dma_wait3A_1642, %dma_wait3A_1648] : memref<32x819200xf32, #tpu.memory_space<hbm>> -> memref<1x512xf32, #tpu.memory_space<hbm>>
        %dma_wait3A_1650 = tpu.memref_squeeze %dma_wait3A_1649 : memref<1x512xf32, #tpu.memory_space<hbm>> -> memref<512xf32, #tpu.memory_space<hbm>>
        %dma_wait3A_1651 = arith.constant 9880 : i32
        %dma_wait3A_1652 = tpu.memref_slice %arg9[%dma_wait3A_1651] : memref<16640xf32, #tpu.memory_space<vmem>> -> memref<512xf32, #tpu.memory_space<vmem>>
        tpu.wait_dma2 semaphore(%arg13 : memref<!tpu.dma_semaphore, #tpu.memory_space<semaphore_mem>>) src(%dma_wait3A_1652 : memref<512xf32, #tpu.memory_space<vmem>>) dst(%dma_wait3A_1650 : memref<512xf32, #tpu.memory_space<hbm>>)
        %dma_wait3A_1653 = arith.constant 20 : i32
        %dma_wait3A_1654 = arith.constant 10400 : i32
        %dma_wait3A_1655 = tpu.memref_slice %arg9[%dma_wait3A_1654] : memref<16640xf32, #tpu.memory_space<vmem>> -> memref<512xf32, #tpu.memory_space<vmem>>
        %dma_wait3A_1656 = arith.constant 0 : i32
        %dma_wait3A_1657 = tpu.memref_slice %arg4[%dma_wait3A_1653, %dma_wait3A_1656] : memref<32x819200xf32, #tpu.memory_space<hbm>> -> memref<1x512xf32, #tpu.memory_space<hbm>>
        %dma_wait3A_1658 = tpu.memref_squeeze %dma_wait3A_1657 : memref<1x512xf32, #tpu.memory_space<hbm>> -> memref<512xf32, #tpu.memory_space<hbm>>
        %dma_wait3A_1659 = arith.constant 0 : i32
        %dma_wait3A_1660 = tpu.memref_slice %arg4[%dma_wait3A_1653, %dma_wait3A_1659] : memref<32x819200xf32, #tpu.memory_space<hbm>> -> memref<1x512xf32, #tpu.memory_space<hbm>>
        %dma_wait3A_1661 = tpu.memref_squeeze %dma_wait3A_1660 : memref<1x512xf32, #tpu.memory_space<hbm>> -> memref<512xf32, #tpu.memory_space<hbm>>
        %dma_wait3A_1662 = arith.constant 10400 : i32
        %dma_wait3A_1663 = tpu.memref_slice %arg9[%dma_wait3A_1662] : memref<16640xf32, #tpu.memory_space<vmem>> -> memref<512xf32, #tpu.memory_space<vmem>>
        tpu.wait_dma2 semaphore(%arg13 : memref<!tpu.dma_semaphore, #tpu.memory_space<semaphore_mem>>) src(%dma_wait3A_1663 : memref<512xf32, #tpu.memory_space<vmem>>) dst(%dma_wait3A_1661 : memref<512xf32, #tpu.memory_space<hbm>>)
        %dma_wait3A_1664 = arith.constant 21 : i32
        %dma_wait3A_1665 = arith.constant 10920 : i32
        %dma_wait3A_1666 = tpu.memref_slice %arg9[%dma_wait3A_1665] : memref<16640xf32, #tpu.memory_space<vmem>> -> memref<512xf32, #tpu.memory_space<vmem>>
        %dma_wait3A_1667 = arith.constant 0 : i32
        %dma_wait3A_1668 = tpu.memref_slice %arg4[%dma_wait3A_1664, %dma_wait3A_1667] : memref<32x819200xf32, #tpu.memory_space<hbm>> -> memref<1x512xf32, #tpu.memory_space<hbm>>
        %dma_wait3A_1669 = tpu.memref_squeeze %dma_wait3A_1668 : memref<1x512xf32, #tpu.memory_space<hbm>> -> memref<512xf32, #tpu.memory_space<hbm>>
        %dma_wait3A_1670 = arith.constant 0 : i32
        %dma_wait3A_1671 = tpu.memref_slice %arg4[%dma_wait3A_1664, %dma_wait3A_1670] : memref<32x819200xf32, #tpu.memory_space<hbm>> -> memref<1x512xf32, #tpu.memory_space<hbm>>
        %dma_wait3A_1672 = tpu.memref_squeeze %dma_wait3A_1671 : memref<1x512xf32, #tpu.memory_space<hbm>> -> memref<512xf32, #tpu.memory_space<hbm>>
        %dma_wait3A_1673 = arith.constant 10920 : i32
        %dma_wait3A_1674 = tpu.memref_slice %arg9[%dma_wait3A_1673] : memref<16640xf32, #tpu.memory_space<vmem>> -> memref<512xf32, #tpu.memory_space<vmem>>
        tpu.wait_dma2 semaphore(%arg13 : memref<!tpu.dma_semaphore, #tpu.memory_space<semaphore_mem>>) src(%dma_wait3A_1674 : memref<512xf32, #tpu.memory_space<vmem>>) dst(%dma_wait3A_1672 : memref<512xf32, #tpu.memory_space<hbm>>)
        %dma_wait3A_1675 = arith.constant 22 : i32
        %dma_wait3A_1676 = arith.constant 11440 : i32
        %dma_wait3A_1677 = tpu.memref_slice %arg9[%dma_wait3A_1676] : memref<16640xf32, #tpu.memory_space<vmem>> -> memref<512xf32, #tpu.memory_space<vmem>>
        %dma_wait3A_1678 = arith.constant 0 : i32
        %dma_wait3A_1679 = tpu.memref_slice %arg4[%dma_wait3A_1675, %dma_wait3A_1678] : memref<32x819200xf32, #tpu.memory_space<hbm>> -> memref<1x512xf32, #tpu.memory_space<hbm>>
        %dma_wait3A_1680 = tpu.memref_squeeze %dma_wait3A_1679 : memref<1x512xf32, #tpu.memory_space<hbm>> -> memref<512xf32, #tpu.memory_space<hbm>>
        %dma_wait3A_1681 = arith.constant 0 : i32
        %dma_wait3A_1682 = tpu.memref_slice %arg4[%dma_wait3A_1675, %dma_wait3A_1681] : memref<32x819200xf32, #tpu.memory_space<hbm>> -> memref<1x512xf32, #tpu.memory_space<hbm>>
        %dma_wait3A_1683 = tpu.memref_squeeze %dma_wait3A_1682 : memref<1x512xf32, #tpu.memory_space<hbm>> -> memref<512xf32, #tpu.memory_space<hbm>>
        %dma_wait3A_1684 = arith.constant 11440 : i32
        %dma_wait3A_1685 = tpu.memref_slice %arg9[%dma_wait3A_1684] : memref<16640xf32, #tpu.memory_space<vmem>> -> memref<512xf32, #tpu.memory_space<vmem>>
        tpu.wait_dma2 semaphore(%arg13 : memref<!tpu.dma_semaphore, #tpu.memory_space<semaphore_mem>>) src(%dma_wait3A_1685 : memref<512xf32, #tpu.memory_space<vmem>>) dst(%dma_wait3A_1683 : memref<512xf32, #tpu.memory_space<hbm>>)
        %dma_wait3A_1686 = arith.constant 23 : i32
        %dma_wait3A_1687 = arith.constant 11960 : i32
        %dma_wait3A_1688 = tpu.memref_slice %arg9[%dma_wait3A_1687] : memref<16640xf32, #tpu.memory_space<vmem>> -> memref<512xf32, #tpu.memory_space<vmem>>
        %dma_wait3A_1689 = arith.constant 0 : i32
        %dma_wait3A_1690 = tpu.memref_slice %arg4[%dma_wait3A_1686, %dma_wait3A_1689] : memref<32x819200xf32, #tpu.memory_space<hbm>> -> memref<1x512xf32, #tpu.memory_space<hbm>>
        %dma_wait3A_1691 = tpu.memref_squeeze %dma_wait3A_1690 : memref<1x512xf32, #tpu.memory_space<hbm>> -> memref<512xf32, #tpu.memory_space<hbm>>
        %dma_wait3A_1692 = arith.constant 0 : i32
        %dma_wait3A_1693 = tpu.memref_slice %arg4[%dma_wait3A_1686, %dma_wait3A_1692] : memref<32x819200xf32, #tpu.memory_space<hbm>> -> memref<1x512xf32, #tpu.memory_space<hbm>>
        %dma_wait3A_1694 = tpu.memref_squeeze %dma_wait3A_1693 : memref<1x512xf32, #tpu.memory_space<hbm>> -> memref<512xf32, #tpu.memory_space<hbm>>
        %dma_wait3A_1695 = arith.constant 11960 : i32
        %dma_wait3A_1696 = tpu.memref_slice %arg9[%dma_wait3A_1695] : memref<16640xf32, #tpu.memory_space<vmem>> -> memref<512xf32, #tpu.memory_space<vmem>>
        tpu.wait_dma2 semaphore(%arg13 : memref<!tpu.dma_semaphore, #tpu.memory_space<semaphore_mem>>) src(%dma_wait3A_1696 : memref<512xf32, #tpu.memory_space<vmem>>) dst(%dma_wait3A_1694 : memref<512xf32, #tpu.memory_space<hbm>>)
        %dma_wait3A_1697 = arith.constant 24 : i32
        %dma_wait3A_1698 = arith.constant 12480 : i32
        %dma_wait3A_1699 = tpu.memref_slice %arg9[%dma_wait3A_1698] : memref<16640xf32, #tpu.memory_space<vmem>> -> memref<512xf32, #tpu.memory_space<vmem>>
        %dma_wait3A_1700 = arith.constant 0 : i32
        %dma_wait3A_1701 = tpu.memref_slice %arg4[%dma_wait3A_1697, %dma_wait3A_1700] : memref<32x819200xf32, #tpu.memory_space<hbm>> -> memref<1x512xf32, #tpu.memory_space<hbm>>
        %dma_wait3A_1702 = tpu.memref_squeeze %dma_wait3A_1701 : memref<1x512xf32, #tpu.memory_space<hbm>> -> memref<512xf32, #tpu.memory_space<hbm>>
        %dma_wait3A_1703 = arith.constant 0 : i32
        %dma_wait3A_1704 = tpu.memref_slice %arg4[%dma_wait3A_1697, %dma_wait3A_1703] : memref<32x819200xf32, #tpu.memory_space<hbm>> -> memref<1x512xf32, #tpu.memory_space<hbm>>
        %dma_wait3A_1705 = tpu.memref_squeeze %dma_wait3A_1704 : memref<1x512xf32, #tpu.memory_space<hbm>> -> memref<512xf32, #tpu.memory_space<hbm>>
        %dma_wait3A_1706 = arith.constant 12480 : i32
        %dma_wait3A_1707 = tpu.memref_slice %arg9[%dma_wait3A_1706] : memref<16640xf32, #tpu.memory_space<vmem>> -> memref<512xf32, #tpu.memory_space<vmem>>
        tpu.wait_dma2 semaphore(%arg13 : memref<!tpu.dma_semaphore, #tpu.memory_space<semaphore_mem>>) src(%dma_wait3A_1707 : memref<512xf32, #tpu.memory_space<vmem>>) dst(%dma_wait3A_1705 : memref<512xf32, #tpu.memory_space<hbm>>)
        %dma_wait3A_1708 = arith.constant 25 : i32
        %dma_wait3A_1709 = arith.constant 13000 : i32
        %dma_wait3A_1710 = tpu.memref_slice %arg9[%dma_wait3A_1709] : memref<16640xf32, #tpu.memory_space<vmem>> -> memref<512xf32, #tpu.memory_space<vmem>>
        %dma_wait3A_1711 = arith.constant 0 : i32
        %dma_wait3A_1712 = tpu.memref_slice %arg4[%dma_wait3A_1708, %dma_wait3A_1711] : memref<32x819200xf32, #tpu.memory_space<hbm>> -> memref<1x512xf32, #tpu.memory_space<hbm>>
        %dma_wait3A_1713 = tpu.memref_squeeze %dma_wait3A_1712 : memref<1x512xf32, #tpu.memory_space<hbm>> -> memref<512xf32, #tpu.memory_space<hbm>>
        %dma_wait3A_1714 = arith.constant 0 : i32
        %dma_wait3A_1715 = tpu.memref_slice %arg4[%dma_wait3A_1708, %dma_wait3A_1714] : memref<32x819200xf32, #tpu.memory_space<hbm>> -> memref<1x512xf32, #tpu.memory_space<hbm>>
        %dma_wait3A_1716 = tpu.memref_squeeze %dma_wait3A_1715 : memref<1x512xf32, #tpu.memory_space<hbm>> -> memref<512xf32, #tpu.memory_space<hbm>>
        %dma_wait3A_1717 = arith.constant 13000 : i32
        %dma_wait3A_1718 = tpu.memref_slice %arg9[%dma_wait3A_1717] : memref<16640xf32, #tpu.memory_space<vmem>> -> memref<512xf32, #tpu.memory_space<vmem>>
        tpu.wait_dma2 semaphore(%arg13 : memref<!tpu.dma_semaphore, #tpu.memory_space<semaphore_mem>>) src(%dma_wait3A_1718 : memref<512xf32, #tpu.memory_space<vmem>>) dst(%dma_wait3A_1716 : memref<512xf32, #tpu.memory_space<hbm>>)
        %dma_wait3A_1719 = arith.constant 26 : i32
        %dma_wait3A_1720 = arith.constant 13520 : i32
        %dma_wait3A_1721 = tpu.memref_slice %arg9[%dma_wait3A_1720] : memref<16640xf32, #tpu.memory_space<vmem>> -> memref<512xf32, #tpu.memory_space<vmem>>
        %dma_wait3A_1722 = arith.constant 0 : i32
        %dma_wait3A_1723 = tpu.memref_slice %arg4[%dma_wait3A_1719, %dma_wait3A_1722] : memref<32x819200xf32, #tpu.memory_space<hbm>> -> memref<1x512xf32, #tpu.memory_space<hbm>>
        %dma_wait3A_1724 = tpu.memref_squeeze %dma_wait3A_1723 : memref<1x512xf32, #tpu.memory_space<hbm>> -> memref<512xf32, #tpu.memory_space<hbm>>
        %dma_wait3A_1725 = arith.constant 0 : i32
        %dma_wait3A_1726 = tpu.memref_slice %arg4[%dma_wait3A_1719, %dma_wait3A_1725] : memref<32x819200xf32, #tpu.memory_space<hbm>> -> memref<1x512xf32, #tpu.memory_space<hbm>>
        %dma_wait3A_1727 = tpu.memref_squeeze %dma_wait3A_1726 : memref<1x512xf32, #tpu.memory_space<hbm>> -> memref<512xf32, #tpu.memory_space<hbm>>
        %dma_wait3A_1728 = arith.constant 13520 : i32
        %dma_wait3A_1729 = tpu.memref_slice %arg9[%dma_wait3A_1728] : memref<16640xf32, #tpu.memory_space<vmem>> -> memref<512xf32, #tpu.memory_space<vmem>>
        tpu.wait_dma2 semaphore(%arg13 : memref<!tpu.dma_semaphore, #tpu.memory_space<semaphore_mem>>) src(%dma_wait3A_1729 : memref<512xf32, #tpu.memory_space<vmem>>) dst(%dma_wait3A_1727 : memref<512xf32, #tpu.memory_space<hbm>>)
        %dma_wait3A_1730 = arith.constant 27 : i32
        %dma_wait3A_1731 = arith.constant 14040 : i32
        %dma_wait3A_1732 = tpu.memref_slice %arg9[%dma_wait3A_1731] : memref<16640xf32, #tpu.memory_space<vmem>> -> memref<512xf32, #tpu.memory_space<vmem>>
        %dma_wait3A_1733 = arith.constant 0 : i32
        %dma_wait3A_1734 = tpu.memref_slice %arg4[%dma_wait3A_1730, %dma_wait3A_1733] : memref<32x819200xf32, #tpu.memory_space<hbm>> -> memref<1x512xf32, #tpu.memory_space<hbm>>
        %dma_wait3A_1735 = tpu.memref_squeeze %dma_wait3A_1734 : memref<1x512xf32, #tpu.memory_space<hbm>> -> memref<512xf32, #tpu.memory_space<hbm>>
        %dma_wait3A_1736 = arith.constant 0 : i32
        %dma_wait3A_1737 = tpu.memref_slice %arg4[%dma_wait3A_1730, %dma_wait3A_1736] : memref<32x819200xf32, #tpu.memory_space<hbm>> -> memref<1x512xf32, #tpu.memory_space<hbm>>
        %dma_wait3A_1738 = tpu.memref_squeeze %dma_wait3A_1737 : memref<1x512xf32, #tpu.memory_space<hbm>> -> memref<512xf32, #tpu.memory_space<hbm>>
        %dma_wait3A_1739 = arith.constant 14040 : i32
        %dma_wait3A_1740 = tpu.memref_slice %arg9[%dma_wait3A_1739] : memref<16640xf32, #tpu.memory_space<vmem>> -> memref<512xf32, #tpu.memory_space<vmem>>
        tpu.wait_dma2 semaphore(%arg13 : memref<!tpu.dma_semaphore, #tpu.memory_space<semaphore_mem>>) src(%dma_wait3A_1740 : memref<512xf32, #tpu.memory_space<vmem>>) dst(%dma_wait3A_1738 : memref<512xf32, #tpu.memory_space<hbm>>)
        %dma_wait3A_1741 = arith.constant 28 : i32
        %dma_wait3A_1742 = arith.constant 14560 : i32
        %dma_wait3A_1743 = tpu.memref_slice %arg9[%dma_wait3A_1742] : memref<16640xf32, #tpu.memory_space<vmem>> -> memref<512xf32, #tpu.memory_space<vmem>>
        %dma_wait3A_1744 = arith.constant 0 : i32
        %dma_wait3A_1745 = tpu.memref_slice %arg4[%dma_wait3A_1741, %dma_wait3A_1744] : memref<32x819200xf32, #tpu.memory_space<hbm>> -> memref<1x512xf32, #tpu.memory_space<hbm>>
        %dma_wait3A_1746 = tpu.memref_squeeze %dma_wait3A_1745 : memref<1x512xf32, #tpu.memory_space<hbm>> -> memref<512xf32, #tpu.memory_space<hbm>>
        %dma_wait3A_1747 = arith.constant 0 : i32
        %dma_wait3A_1748 = tpu.memref_slice %arg4[%dma_wait3A_1741, %dma_wait3A_1747] : memref<32x819200xf32, #tpu.memory_space<hbm>> -> memref<1x512xf32, #tpu.memory_space<hbm>>
        %dma_wait3A_1749 = tpu.memref_squeeze %dma_wait3A_1748 : memref<1x512xf32, #tpu.memory_space<hbm>> -> memref<512xf32, #tpu.memory_space<hbm>>
        %dma_wait3A_1750 = arith.constant 14560 : i32
        %dma_wait3A_1751 = tpu.memref_slice %arg9[%dma_wait3A_1750] : memref<16640xf32, #tpu.memory_space<vmem>> -> memref<512xf32, #tpu.memory_space<vmem>>
        tpu.wait_dma2 semaphore(%arg13 : memref<!tpu.dma_semaphore, #tpu.memory_space<semaphore_mem>>) src(%dma_wait3A_1751 : memref<512xf32, #tpu.memory_space<vmem>>) dst(%dma_wait3A_1749 : memref<512xf32, #tpu.memory_space<hbm>>)
        %dma_wait3A_1752 = arith.constant 29 : i32
        %dma_wait3A_1753 = arith.constant 15080 : i32
        %dma_wait3A_1754 = tpu.memref_slice %arg9[%dma_wait3A_1753] : memref<16640xf32, #tpu.memory_space<vmem>> -> memref<512xf32, #tpu.memory_space<vmem>>
        %dma_wait3A_1755 = arith.constant 0 : i32
        %dma_wait3A_1756 = tpu.memref_slice %arg4[%dma_wait3A_1752, %dma_wait3A_1755] : memref<32x819200xf32, #tpu.memory_space<hbm>> -> memref<1x512xf32, #tpu.memory_space<hbm>>
        %dma_wait3A_1757 = tpu.memref_squeeze %dma_wait3A_1756 : memref<1x512xf32, #tpu.memory_space<hbm>> -> memref<512xf32, #tpu.memory_space<hbm>>
        %dma_wait3A_1758 = arith.constant 0 : i32
        %dma_wait3A_1759 = tpu.memref_slice %arg4[%dma_wait3A_1752, %dma_wait3A_1758] : memref<32x819200xf32, #tpu.memory_space<hbm>> -> memref<1x512xf32, #tpu.memory_space<hbm>>
        %dma_wait3A_1760 = tpu.memref_squeeze %dma_wait3A_1759 : memref<1x512xf32, #tpu.memory_space<hbm>> -> memref<512xf32, #tpu.memory_space<hbm>>
        %dma_wait3A_1761 = arith.constant 15080 : i32
        %dma_wait3A_1762 = tpu.memref_slice %arg9[%dma_wait3A_1761] : memref<16640xf32, #tpu.memory_space<vmem>> -> memref<512xf32, #tpu.memory_space<vmem>>
        tpu.wait_dma2 semaphore(%arg13 : memref<!tpu.dma_semaphore, #tpu.memory_space<semaphore_mem>>) src(%dma_wait3A_1762 : memref<512xf32, #tpu.memory_space<vmem>>) dst(%dma_wait3A_1760 : memref<512xf32, #tpu.memory_space<hbm>>)
        %dma_wait3A_1763 = arith.constant 30 : i32
        %dma_wait3A_1764 = arith.constant 15600 : i32
        %dma_wait3A_1765 = tpu.memref_slice %arg9[%dma_wait3A_1764] : memref<16640xf32, #tpu.memory_space<vmem>> -> memref<512xf32, #tpu.memory_space<vmem>>
        %dma_wait3A_1766 = arith.constant 0 : i32
        %dma_wait3A_1767 = tpu.memref_slice %arg4[%dma_wait3A_1763, %dma_wait3A_1766] : memref<32x819200xf32, #tpu.memory_space<hbm>> -> memref<1x512xf32, #tpu.memory_space<hbm>>
        %dma_wait3A_1768 = tpu.memref_squeeze %dma_wait3A_1767 : memref<1x512xf32, #tpu.memory_space<hbm>> -> memref<512xf32, #tpu.memory_space<hbm>>
        %dma_wait3A_1769 = arith.constant 0 : i32
        %dma_wait3A_1770 = tpu.memref_slice %arg4[%dma_wait3A_1763, %dma_wait3A_1769] : memref<32x819200xf32, #tpu.memory_space<hbm>> -> memref<1x512xf32, #tpu.memory_space<hbm>>
        %dma_wait3A_1771 = tpu.memref_squeeze %dma_wait3A_1770 : memref<1x512xf32, #tpu.memory_space<hbm>> -> memref<512xf32, #tpu.memory_space<hbm>>
        %dma_wait3A_1772 = arith.constant 15600 : i32
        %dma_wait3A_1773 = tpu.memref_slice %arg9[%dma_wait3A_1772] : memref<16640xf32, #tpu.memory_space<vmem>> -> memref<512xf32, #tpu.memory_space<vmem>>
        tpu.wait_dma2 semaphore(%arg13 : memref<!tpu.dma_semaphore, #tpu.memory_space<semaphore_mem>>) src(%dma_wait3A_1773 : memref<512xf32, #tpu.memory_space<vmem>>) dst(%dma_wait3A_1771 : memref<512xf32, #tpu.memory_space<hbm>>)
        %dma_wait3A_1774 = arith.constant 31 : i32
        %dma_wait3A_1775 = arith.constant 16120 : i32
        %dma_wait3A_1776 = tpu.memref_slice %arg9[%dma_wait3A_1775] : memref<16640xf32, #tpu.memory_space<vmem>> -> memref<512xf32, #tpu.memory_space<vmem>>
        %dma_wait3A_1777 = arith.constant 0 : i32
        %dma_wait3A_1778 = tpu.memref_slice %arg4[%dma_wait3A_1774, %dma_wait3A_1777] : memref<32x819200xf32, #tpu.memory_space<hbm>> -> memref<1x512xf32, #tpu.memory_space<hbm>>
        %dma_wait3A_1779 = tpu.memref_squeeze %dma_wait3A_1778 : memref<1x512xf32, #tpu.memory_space<hbm>> -> memref<512xf32, #tpu.memory_space<hbm>>
        %dma_wait3A_1780 = arith.constant 0 : i32
        %dma_wait3A_1781 = tpu.memref_slice %arg4[%dma_wait3A_1774, %dma_wait3A_1780] : memref<32x819200xf32, #tpu.memory_space<hbm>> -> memref<1x512xf32, #tpu.memory_space<hbm>>
        %dma_wait3A_1782 = tpu.memref_squeeze %dma_wait3A_1781 : memref<1x512xf32, #tpu.memory_space<hbm>> -> memref<512xf32, #tpu.memory_space<hbm>>
        %dma_wait3A_1783 = arith.constant 16120 : i32
        %dma_wait3A_1784 = tpu.memref_slice %arg9[%dma_wait3A_1783] : memref<16640xf32, #tpu.memory_space<vmem>> -> memref<512xf32, #tpu.memory_space<vmem>>
        tpu.wait_dma2 semaphore(%arg13 : memref<!tpu.dma_semaphore, #tpu.memory_space<semaphore_mem>>) src(%dma_wait3A_1784 : memref<512xf32, #tpu.memory_space<vmem>>) dst(%dma_wait3A_1782 : memref<512xf32, #tpu.memory_space<hbm>>)
      } else {
      }
      %scan3A_1089 = arith.constant 0 : i32
      %scan3A_1090 = arith.constant 0 : i32
      %scan3A_1091 = arith.constant 32 : i32
      %scan3A_1092 = arith.addi %scan3A_1090, %scan3A_1091 : i32
      %scan3A_1093 = arith.constant 1 : i32
      scf.for %scan3A_1433 = %scan3A_1090 to %scan3A_1092 step %scan3A_1093  : i32 {
        %mul3A_1434 = arith.constant 16 : i32
        %mul3A_1435 = arith.muli %scan3A_1433, %mul3A_1434 : i32
        %add3A_1436 = arith.constant 0 : i32
        %add3A_1437 = arith.addi %mul3A_1435, %add3A_1436 : i32
        %get3A = arith.index_cast %add3A_1437 : i32 to index
        %get3A_1438 = arith.constant 0 : index
        %get3A_1439 = tpu.vector_load %arg7[%get3A, %get3A_1438] {strides = array<i32>} : memref<512x32xf32, #tpu.memory_space<vmem>>, vector<16xf32>,
        %get3A_1440 = arith.index_cast %add3A_1437 : i32 to index
        %get3A_1441 = arith.constant 16 : index
        %get3A_1442 = tpu.vector_load %arg7[%get3A_1440, %get3A_1441] {strides = array<i32>} : memref<512x32xf32, #tpu.memory_space<vmem>>, vector<16xf32>,
        %add3A_1443 = vector.broadcast %add3A_1437 : i32 to vector<16xi32>
        %add3A_1444 = arith.addi %mul3A_3, %add3A_1443 : vector<16xi32>
        tpu.vector_store_idx %arg9[%add3A_1444], %get3A_1439 : memref<16640xf32, #tpu.memory_space<vmem>>[vector<16xi32>], vector<16xf32>,
        %add3A_1445 = vector.broadcast %add3A_1437 : i32 to vector<16xi32>
        %add3A_1446 = arith.addi %mul3A_9, %add3A_1445 : vector<16xi32>
        tpu.vector_store_idx %arg9[%add3A_1446], %get3A_1442 : memref<16640xf32, #tpu.memory_space<vmem>>[vector<16xi32>], vector<16xf32>,
        %mul3A_1447 = arith.constant 16 : i32
        %mul3A_1448 = arith.muli %scan3A_1433, %mul3A_1447 : i32
        %add3A_1449 = arith.constant 1 : i32
        %add3A_1450 = arith.addi %mul3A_1448, %add3A_1449 : i32
        %get3A_1451 = arith.index_cast %add3A_1450 : i32 to index
        %get3A_1452 = arith.constant 0 : index
        %get3A_1453 = tpu.vector_load %arg7[%get3A_1451, %get3A_1452] {strides = array<i32>} : memref<512x32xf32, #tpu.memory_space<vmem>>, vector<16xf32>,
        %get3A_1454 = arith.index_cast %add3A_1450 : i32 to index
        %get3A_1455 = arith.constant 16 : index
        %get3A_1456 = tpu.vector_load %arg7[%get3A_1454, %get3A_1455] {strides = array<i32>} : memref<512x32xf32, #tpu.memory_space<vmem>>, vector<16xf32>,
        %add3A_1457 = vector.broadcast %add3A_1450 : i32 to vector<16xi32>
        %add3A_1458 = arith.addi %mul3A_3, %add3A_1457 : vector<16xi32>
        tpu.vector_store_idx %arg9[%add3A_1458], %get3A_1453 : memref<16640xf32, #tpu.memory_space<vmem>>[vector<16xi32>], vector<16xf32>,
        %add3A_1459 = vector.broadcast %add3A_1450 : i32 to vector<16xi32>
        %add3A_1460 = arith.addi %mul3A_9, %add3A_1459 : vector<16xi32>
        tpu.vector_store_idx %arg9[%add3A_1460], %get3A_1456 : memref<16640xf32, #tpu.memory_space<vmem>>[vector<16xi32>], vector<16xf32>,
        %mul3A_1461 = arith.constant 16 : i32
        %mul3A_1462 = arith.muli %scan3A_1433, %mul3A_1461 : i32
        %add3A_1463 = arith.constant 2 : i32
        %add3A_1464 = arith.addi %mul3A_1462, %add3A_1463 : i32
        %get3A_1465 = arith.index_cast %add3A_1464 : i32 to index
        %get3A_1466 = arith.constant 0 : index
        %get3A_1467 = tpu.vector_load %arg7[%get3A_1465, %get3A_1466] {strides = array<i32>} : memref<512x32xf32, #tpu.memory_space<vmem>>, vector<16xf32>,
        %get3A_1468 = arith.index_cast %add3A_1464 : i32 to index
        %get3A_1469 = arith.constant 16 : index
        %get3A_1470 = tpu.vector_load %arg7[%get3A_1468, %get3A_1469] {strides = array<i32>} : memref<512x32xf32, #tpu.memory_space<vmem>>, vector<16xf32>,
        %add3A_1471 = vector.broadcast %add3A_1464 : i32 to vector<16xi32>
        %add3A_1472 = arith.addi %mul3A_3, %add3A_1471 : vector<16xi32>
        tpu.vector_store_idx %arg9[%add3A_1472], %get3A_1467 : memref<16640xf32, #tpu.memory_space<vmem>>[vector<16xi32>], vector<16xf32>,
        %add3A_1473 = vector.broadcast %add3A_1464 : i32 to vector<16xi32>
        %add3A_1474 = arith.addi %mul3A_9, %add3A_1473 : vector<16xi32>
        tpu.vector_store_idx %arg9[%add3A_1474], %get3A_1470 : memref<16640xf32, #tpu.memory_space<vmem>>[vector<16xi32>], vector<16xf32>,
        %mul3A_1475 = arith.constant 16 : i32
        %mul3A_1476 = arith.muli %scan3A_1433, %mul3A_1475 : i32
        %add3A_1477 = arith.constant 3 : i32
        %add3A_1478 = arith.addi %mul3A_1476, %add3A_1477 : i32
        %get3A_1479 = arith.index_cast %add3A_1478 : i32 to index
        %get3A_1480 = arith.constant 0 : index
        %get3A_1481 = tpu.vector_load %arg7[%get3A_1479, %get3A_1480] {strides = array<i32>} : memref<512x32xf32, #tpu.memory_space<vmem>>, vector<16xf32>,
        %get3A_1482 = arith.index_cast %add3A_1478 : i32 to index
        %get3A_1483 = arith.constant 16 : index
        %get3A_1484 = tpu.vector_load %arg7[%get3A_1482, %get3A_1483] {strides = array<i32>} : memref<512x32xf32, #tpu.memory_space<vmem>>, vector<16xf32>,
        %add3A_1485 = vector.broadcast %add3A_1478 : i32 to vector<16xi32>
        %add3A_1486 = arith.addi %mul3A_3, %add3A_1485 : vector<16xi32>
        tpu.vector_store_idx %arg9[%add3A_1486], %get3A_1481 : memref<16640xf32, #tpu.memory_space<vmem>>[vector<16xi32>], vector<16xf32>,
        %add3A_1487 = vector.broadcast %add3A_1478 : i32 to vector<16xi32>
        %add3A_1488 = arith.addi %mul3A_9, %add3A_1487 : vector<16xi32>
        tpu.vector_store_idx %arg9[%add3A_1488], %get3A_1484 : memref<16640xf32, #tpu.memory_space<vmem>>[vector<16xi32>], vector<16xf32>,
        %mul3A_1489 = arith.constant 16 : i32
        %mul3A_1490 = arith.muli %scan3A_1433, %mul3A_1489 : i32
        %add3A_1491 = arith.constant 4 : i32
        %add3A_1492 = arith.addi %mul3A_1490, %add3A_1491 : i32
        %get3A_1493 = arith.index_cast %add3A_1492 : i32 to index
        %get3A_1494 = arith.constant 0 : index
        %get3A_1495 = tpu.vector_load %arg7[%get3A_1493, %get3A_1494] {strides = array<i32>} : memref<512x32xf32, #tpu.memory_space<vmem>>, vector<16xf32>,
        %get3A_1496 = arith.index_cast %add3A_1492 : i32 to index
        %get3A_1497 = arith.constant 16 : index
        %get3A_1498 = tpu.vector_load %arg7[%get3A_1496, %get3A_1497] {strides = array<i32>} : memref<512x32xf32, #tpu.memory_space<vmem>>, vector<16xf32>,
        %add3A_1499 = vector.broadcast %add3A_1492 : i32 to vector<16xi32>
        %add3A_1500 = arith.addi %mul3A_3, %add3A_1499 : vector<16xi32>
        tpu.vector_store_idx %arg9[%add3A_1500], %get3A_1495 : memref<16640xf32, #tpu.memory_space<vmem>>[vector<16xi32>], vector<16xf32>,
        %add3A_1501 = vector.broadcast %add3A_1492 : i32 to vector<16xi32>
        %add3A_1502 = arith.addi %mul3A_9, %add3A_1501 : vector<16xi32>
        tpu.vector_store_idx %arg9[%add3A_1502], %get3A_1498 : memref<16640xf32, #tpu.memory_space<vmem>>[vector<16xi32>], vector<16xf32>,
        %mul3A_1503 = arith.constant 16 : i32
        %mul3A_1504 = arith.muli %scan3A_1433, %mul3A_1503 : i32
        %add3A_1505 = arith.constant 5 : i32
        %add3A_1506 = arith.addi %mul3A_1504, %add3A_1505 : i32
        %get3A_1507 = arith.index_cast %add3A_1506 : i32 to index
        %get3A_1508 = arith.constant 0 : index
        %get3A_1509 = tpu.vector_load %arg7[%get3A_1507, %get3A_1508] {strides = array<i32>} : memref<512x32xf32, #tpu.memory_space<vmem>>, vector<16xf32>,
        %get3A_1510 = arith.index_cast %add3A_1506 : i32 to index
        %get3A_1511 = arith.constant 16 : index
        %get3A_1512 = tpu.vector_load %arg7[%get3A_1510, %get3A_1511] {strides = array<i32>} : memref<512x32xf32, #tpu.memory_space<vmem>>, vector<16xf32>,
        %add3A_1513 = vector.broadcast %add3A_1506 : i32 to vector<16xi32>
        %add3A_1514 = arith.addi %mul3A_3, %add3A_1513 : vector<16xi32>
        tpu.vector_store_idx %arg9[%add3A_1514], %get3A_1509 : memref<16640xf32, #tpu.memory_space<vmem>>[vector<16xi32>], vector<16xf32>,
        %add3A_1515 = vector.broadcast %add3A_1506 : i32 to vector<16xi32>
        %add3A_1516 = arith.addi %mul3A_9, %add3A_1515 : vector<16xi32>
        tpu.vector_store_idx %arg9[%add3A_1516], %get3A_1512 : memref<16640xf32, #tpu.memory_space<vmem>>[vector<16xi32>], vector<16xf32>,
        %mul3A_1517 = arith.constant 16 : i32
        %mul3A_1518 = arith.muli %scan3A_1433, %mul3A_1517 : i32
        %add3A_1519 = arith.constant 6 : i32
        %add3A_1520 = arith.addi %mul3A_1518, %add3A_1519 : i32
        %get3A_1521 = arith.index_cast %add3A_1520 : i32 to index
        %get3A_1522 = arith.constant 0 : index
        %get3A_1523 = tpu.vector_load %arg7[%get3A_1521, %get3A_1522] {strides = array<i32>} : memref<512x32xf32, #tpu.memory_space<vmem>>, vector<16xf32>,
        %get3A_1524 = arith.index_cast %add3A_1520 : i32 to index
        %get3A_1525 = arith.constant 16 : index
        %get3A_1526 = tpu.vector_load %arg7[%get3A_1524, %get3A_1525] {strides = array<i32>} : memref<512x32xf32, #tpu.memory_space<vmem>>, vector<16xf32>,
        %add3A_1527 = vector.broadcast %add3A_1520 : i32 to vector<16xi32>
        %add3A_1528 = arith.addi %mul3A_3, %add3A_1527 : vector<16xi32>
        tpu.vector_store_idx %arg9[%add3A_1528], %get3A_1523 : memref<16640xf32, #tpu.memory_space<vmem>>[vector<16xi32>], vector<16xf32>,
        %add3A_1529 = vector.broadcast %add3A_1520 : i32 to vector<16xi32>
        %add3A_1530 = arith.addi %mul3A_9, %add3A_1529 : vector<16xi32>
        tpu.vector_store_idx %arg9[%add3A_1530], %get3A_1526 : memref<16640xf32, #tpu.memory_space<vmem>>[vector<16xi32>], vector<16xf32>,
        %mul3A_1531 = arith.constant 16 : i32
        %mul3A_1532 = arith.muli %scan3A_1433, %mul3A_1531 : i32
        %add3A_1533 = arith.constant 7 : i32
        %add3A_1534 = arith.addi %mul3A_1532, %add3A_1533 : i32
        %get3A_1535 = arith.index_cast %add3A_1534 : i32 to index
        %get3A_1536 = arith.constant 0 : index
        %get3A_1537 = tpu.vector_load %arg7[%get3A_1535, %get3A_1536] {strides = array<i32>} : memref<512x32xf32, #tpu.memory_space<vmem>>, vector<16xf32>,
        %get3A_1538 = arith.index_cast %add3A_1534 : i32 to index
        %get3A_1539 = arith.constant 16 : index
        %get3A_1540 = tpu.vector_load %arg7[%get3A_1538, %get3A_1539] {strides = array<i32>} : memref<512x32xf32, #tpu.memory_space<vmem>>, vector<16xf32>,
        %add3A_1541 = vector.broadcast %add3A_1534 : i32 to vector<16xi32>
        %add3A_1542 = arith.addi %mul3A_3, %add3A_1541 : vector<16xi32>
        tpu.vector_store_idx %arg9[%add3A_1542], %get3A_1537 : memref<16640xf32, #tpu.memory_space<vmem>>[vector<16xi32>], vector<16xf32>,
        %add3A_1543 = vector.broadcast %add3A_1534 : i32 to vector<16xi32>
        %add3A_1544 = arith.addi %mul3A_9, %add3A_1543 : vector<16xi32>
        tpu.vector_store_idx %arg9[%add3A_1544], %get3A_1540 : memref<16640xf32, #tpu.memory_space<vmem>>[vector<16xi32>], vector<16xf32>,
        %mul3A_1545 = arith.constant 16 : i32
        %mul3A_1546 = arith.muli %scan3A_1433, %mul3A_1545 : i32
        %add3A_1547 = arith.constant 8 : i32
        %add3A_1548 = arith.addi %mul3A_1546, %add3A_1547 : i32
        %get3A_1549 = arith.index_cast %add3A_1548 : i32 to index
        %get3A_1550 = arith.constant 0 : index
        %get3A_1551 = tpu.vector_load %arg7[%get3A_1549, %get3A_1550] {strides = array<i32>} : memref<512x32xf32, #tpu.memory_space<vmem>>, vector<16xf32>,
        %get3A_1552 = arith.index_cast %add3A_1548 : i32 to index
        %get3A_1553 = arith.constant 16 : index
        %get3A_1554 = tpu.vector_load %arg7[%get3A_1552, %get3A_1553] {strides = array<i32>} : memref<512x32xf32, #tpu.memory_space<vmem>>, vector<16xf32>,
        %add3A_1555 = vector.broadcast %add3A_1548 : i32 to vector<16xi32>
        %add3A_1556 = arith.addi %mul3A_3, %add3A_1555 : vector<16xi32>
        tpu.vector_store_idx %arg9[%add3A_1556], %get3A_1551 : memref<16640xf32, #tpu.memory_space<vmem>>[vector<16xi32>], vector<16xf32>,
        %add3A_1557 = vector.broadcast %add3A_1548 : i32 to vector<16xi32>
        %add3A_1558 = arith.addi %mul3A_9, %add3A_1557 : vector<16xi32>
        tpu.vector_store_idx %arg9[%add3A_1558], %get3A_1554 : memref<16640xf32, #tpu.memory_space<vmem>>[vector<16xi32>], vector<16xf32>,
        %mul3A_1559 = arith.constant 16 : i32
        %mul3A_1560 = arith.muli %scan3A_1433, %mul3A_1559 : i32
        %add3A_1561 = arith.constant 9 : i32
        %add3A_1562 = arith.addi %mul3A_1560, %add3A_1561 : i32
        %get3A_1563 = arith.index_cast %add3A_1562 : i32 to index
        %get3A_1564 = arith.constant 0 : index
        %get3A_1565 = tpu.vector_load %arg7[%get3A_1563, %get3A_1564] {strides = array<i32>} : memref<512x32xf32, #tpu.memory_space<vmem>>, vector<16xf32>,
        %get3A_1566 = arith.index_cast %add3A_1562 : i32 to index
        %get3A_1567 = arith.constant 16 : index
        %get3A_1568 = tpu.vector_load %arg7[%get3A_1566, %get3A_1567] {strides = array<i32>} : memref<512x32xf32, #tpu.memory_space<vmem>>, vector<16xf32>,
        %add3A_1569 = vector.broadcast %add3A_1562 : i32 to vector<16xi32>
        %add3A_1570 = arith.addi %mul3A_3, %add3A_1569 : vector<16xi32>
        tpu.vector_store_idx %arg9[%add3A_1570], %get3A_1565 : memref<16640xf32, #tpu.memory_space<vmem>>[vector<16xi32>], vector<16xf32>,
        %add3A_1571 = vector.broadcast %add3A_1562 : i32 to vector<16xi32>
        %add3A_1572 = arith.addi %mul3A_9, %add3A_1571 : vector<16xi32>
        tpu.vector_store_idx %arg9[%add3A_1572], %get3A_1568 : memref<16640xf32, #tpu.memory_space<vmem>>[vector<16xi32>], vector<16xf32>,
        %mul3A_1573 = arith.constant 16 : i32
        %mul3A_1574 = arith.muli %scan3A_1433, %mul3A_1573 : i32
        %add3A_1575 = arith.constant 10 : i32
        %add3A_1576 = arith.addi %mul3A_1574, %add3A_1575 : i32
        %get3A_1577 = arith.index_cast %add3A_1576 : i32 to index
        %get3A_1578 = arith.constant 0 : index
        %get3A_1579 = tpu.vector_load %arg7[%get3A_1577, %get3A_1578] {strides = array<i32>} : memref<512x32xf32, #tpu.memory_space<vmem>>, vector<16xf32>,
        %get3A_1580 = arith.index_cast %add3A_1576 : i32 to index
        %get3A_1581 = arith.constant 16 : index
        %get3A_1582 = tpu.vector_load %arg7[%get3A_1580, %get3A_1581] {strides = array<i32>} : memref<512x32xf32, #tpu.memory_space<vmem>>, vector<16xf32>,
        %add3A_1583 = vector.broadcast %add3A_1576 : i32 to vector<16xi32>
        %add3A_1584 = arith.addi %mul3A_3, %add3A_1583 : vector<16xi32>
        tpu.vector_store_idx %arg9[%add3A_1584], %get3A_1579 : memref<16640xf32, #tpu.memory_space<vmem>>[vector<16xi32>], vector<16xf32>,
        %add3A_1585 = vector.broadcast %add3A_1576 : i32 to vector<16xi32>
        %add3A_1586 = arith.addi %mul3A_9, %add3A_1585 : vector<16xi32>
        tpu.vector_store_idx %arg9[%add3A_1586], %get3A_1582 : memref<16640xf32, #tpu.memory_space<vmem>>[vector<16xi32>], vector<16xf32>,
        %mul3A_1587 = arith.constant 16 : i32
        %mul3A_1588 = arith.muli %scan3A_1433, %mul3A_1587 : i32
        %add3A_1589 = arith.constant 11 : i32
        %add3A_1590 = arith.addi %mul3A_1588, %add3A_1589 : i32
        %get3A_1591 = arith.index_cast %add3A_1590 : i32 to index
        %get3A_1592 = arith.constant 0 : index
        %get3A_1593 = tpu.vector_load %arg7[%get3A_1591, %get3A_1592] {strides = array<i32>} : memref<512x32xf32, #tpu.memory_space<vmem>>, vector<16xf32>,
        %get3A_1594 = arith.index_cast %add3A_1590 : i32 to index
        %get3A_1595 = arith.constant 16 : index
        %get3A_1596 = tpu.vector_load %arg7[%get3A_1594, %get3A_1595] {strides = array<i32>} : memref<512x32xf32, #tpu.memory_space<vmem>>, vector<16xf32>,
        %add3A_1597 = vector.broadcast %add3A_1590 : i32 to vector<16xi32>
        %add3A_1598 = arith.addi %mul3A_3, %add3A_1597 : vector<16xi32>
        tpu.vector_store_idx %arg9[%add3A_1598], %get3A_1593 : memref<16640xf32, #tpu.memory_space<vmem>>[vector<16xi32>], vector<16xf32>,
        %add3A_1599 = vector.broadcast %add3A_1590 : i32 to vector<16xi32>
        %add3A_1600 = arith.addi %mul3A_9, %add3A_1599 : vector<16xi32>
        tpu.vector_store_idx %arg9[%add3A_1600], %get3A_1596 : memref<16640xf32, #tpu.memory_space<vmem>>[vector<16xi32>], vector<16xf32>,
        %mul3A_1601 = arith.constant 16 : i32
        %mul3A_1602 = arith.muli %scan3A_1433, %mul3A_1601 : i32
        %add3A_1603 = arith.constant 12 : i32
        %add3A_1604 = arith.addi %mul3A_1602, %add3A_1603 : i32
        %get3A_1605 = arith.index_cast %add3A_1604 : i32 to index
        %get3A_1606 = arith.constant 0 : index
        %get3A_1607 = tpu.vector_load %arg7[%get3A_1605, %get3A_1606] {strides = array<i32>} : memref<512x32xf32, #tpu.memory_space<vmem>>, vector<16xf32>,
        %get3A_1608 = arith.index_cast %add3A_1604 : i32 to index
        %get3A_1609 = arith.constant 16 : index
        %get3A_1610 = tpu.vector_load %arg7[%get3A_1608, %get3A_1609] {strides = array<i32>} : memref<512x32xf32, #tpu.memory_space<vmem>>, vector<16xf32>,
        %add3A_1611 = vector.broadcast %add3A_1604 : i32 to vector<16xi32>
        %add3A_1612 = arith.addi %mul3A_3, %add3A_1611 : vector<16xi32>
        tpu.vector_store_idx %arg9[%add3A_1612], %get3A_1607 : memref<16640xf32, #tpu.memory_space<vmem>>[vector<16xi32>], vector<16xf32>,
        %add3A_1613 = vector.broadcast %add3A_1604 : i32 to vector<16xi32>
        %add3A_1614 = arith.addi %mul3A_9, %add3A_1613 : vector<16xi32>
        tpu.vector_store_idx %arg9[%add3A_1614], %get3A_1610 : memref<16640xf32, #tpu.memory_space<vmem>>[vector<16xi32>], vector<16xf32>,
        %mul3A_1615 = arith.constant 16 : i32
        %mul3A_1616 = arith.muli %scan3A_1433, %mul3A_1615 : i32
        %add3A_1617 = arith.constant 13 : i32
        %add3A_1618 = arith.addi %mul3A_1616, %add3A_1617 : i32
        %get3A_1619 = arith.index_cast %add3A_1618 : i32 to index
        %get3A_1620 = arith.constant 0 : index
        %get3A_1621 = tpu.vector_load %arg7[%get3A_1619, %get3A_1620] {strides = array<i32>} : memref<512x32xf32, #tpu.memory_space<vmem>>, vector<16xf32>,
        %get3A_1622 = arith.index_cast %add3A_1618 : i32 to index
        %get3A_1623 = arith.constant 16 : index
        %get3A_1624 = tpu.vector_load %arg7[%get3A_1622, %get3A_1623] {strides = array<i32>} : memref<512x32xf32, #tpu.memory_space<vmem>>, vector<16xf32>,
        %add3A_1625 = vector.broadcast %add3A_1618 : i32 to vector<16xi32>
        %add3A_1626 = arith.addi %mul3A_3, %add3A_1625 : vector<16xi32>
        tpu.vector_store_idx %arg9[%add3A_1626], %get3A_1621 : memref<16640xf32, #tpu.memory_space<vmem>>[vector<16xi32>], vector<16xf32>,
        %add3A_1627 = vector.broadcast %add3A_1618 : i32 to vector<16xi32>
        %add3A_1628 = arith.addi %mul3A_9, %add3A_1627 : vector<16xi32>
        tpu.vector_store_idx %arg9[%add3A_1628], %get3A_1624 : memref<16640xf32, #tpu.memory_space<vmem>>[vector<16xi32>], vector<16xf32>,
        %mul3A_1629 = arith.constant 16 : i32
        %mul3A_1630 = arith.muli %scan3A_1433, %mul3A_1629 : i32
        %add3A_1631 = arith.constant 14 : i32
        %add3A_1632 = arith.addi %mul3A_1630, %add3A_1631 : i32
        %get3A_1633 = arith.index_cast %add3A_1632 : i32 to index
        %get3A_1634 = arith.constant 0 : index
        %get3A_1635 = tpu.vector_load %arg7[%get3A_1633, %get3A_1634] {strides = array<i32>} : memref<512x32xf32, #tpu.memory_space<vmem>>, vector<16xf32>,
        %get3A_1636 = arith.index_cast %add3A_1632 : i32 to index
        %get3A_1637 = arith.constant 16 : index
        %get3A_1638 = tpu.vector_load %arg7[%get3A_1636, %get3A_1637] {strides = array<i32>} : memref<512x32xf32, #tpu.memory_space<vmem>>, vector<16xf32>,
        %add3A_1639 = vector.broadcast %add3A_1632 : i32 to vector<16xi32>
        %add3A_1640 = arith.addi %mul3A_3, %add3A_1639 : vector<16xi32>
        tpu.vector_store_idx %arg9[%add3A_1640], %get3A_1635 : memref<16640xf32, #tpu.memory_space<vmem>>[vector<16xi32>], vector<16xf32>,
        %add3A_1641 = vector.broadcast %add3A_1632 : i32 to vector<16xi32>
        %add3A_1642 = arith.addi %mul3A_9, %add3A_1641 : vector<16xi32>
        tpu.vector_store_idx %arg9[%add3A_1642], %get3A_1638 : memref<16640xf32, #tpu.memory_space<vmem>>[vector<16xi32>], vector<16xf32>,
        %mul3A_1643 = arith.constant 16 : i32
        %mul3A_1644 = arith.muli %scan3A_1433, %mul3A_1643 : i32
        %add3A_1645 = arith.constant 15 : i32
        %add3A_1646 = arith.addi %mul3A_1644, %add3A_1645 : i32
        %get3A_1647 = arith.index_cast %add3A_1646 : i32 to index
        %get3A_1648 = arith.constant 0 : index
        %get3A_1649 = tpu.vector_load %arg7[%get3A_1647, %get3A_1648] {strides = array<i32>} : memref<512x32xf32, #tpu.memory_space<vmem>>, vector<16xf32>,
        %get3A_1650 = arith.index_cast %add3A_1646 : i32 to index
        %get3A_1651 = arith.constant 16 : index
        %get3A_1652 = tpu.vector_load %arg7[%get3A_1650, %get3A_1651] {strides = array<i32>} : memref<512x32xf32, #tpu.memory_space<vmem>>, vector<16xf32>,
        %add3A_1653 = vector.broadcast %add3A_1646 : i32 to vector<16xi32>
        %add3A_1654 = arith.addi %mul3A_3, %add3A_1653 : vector<16xi32>
        tpu.vector_store_idx %arg9[%add3A_1654], %get3A_1649 : memref<16640xf32, #tpu.memory_space<vmem>>[vector<16xi32>], vector<16xf32>,
        %add3A_1655 = vector.broadcast %add3A_1646 : i32 to vector<16xi32>
        %add3A_1656 = arith.addi %mul3A_9, %add3A_1655 : vector<16xi32>
        tpu.vector_store_idx %arg9[%add3A_1656], %get3A_1652 : memref<16640xf32, #tpu.memory_space<vmem>>[vector<16xi32>], vector<16xf32>,
      }
      %scan3A_1094 = arith.constant 32 : i32
      %add3A_1095 = arith.constant 1 : i32
      %add3A_1096 = arith.addi %mul3A_724, %add3A_1095 : i32
      %jit3A_1097 = arith.constant 2 : i32
      %div3A_1098 = arith.divsi %add3A_1096, %jit3A_1097 : i32
      %sign3A_1099 = arith.constant 0 : i32
      %sign3A_1100 = arith.cmpi sgt, %add3A_1096, %sign3A_1099 : i32
      %sign3A_1101 = arith.extui %sign3A_1100 : i1 to i32
      %sign3A_1102 = arith.constant 0 : i32
      %sign3A_1103 = arith.cmpi slt, %add3A_1096, %sign3A_1102 : i32
      %sign3A_1104 = arith.extui %sign3A_1103 : i1 to i32
      %sign3A_1105 = arith.subi %sign3A_1101, %sign3A_1104 : i32
      %sign3A_1106 = arith.constant 0 : i32
      %sign3A_1107 = arith.cmpi sgt, %jit3A_1097, %sign3A_1106 : i32
      %sign3A_1108 = arith.extui %sign3A_1107 : i1 to i32
      %sign3A_1109 = arith.constant 0 : i32
      %sign3A_1110 = arith.cmpi slt, %jit3A_1097, %sign3A_1109 : i32
      %sign3A_1111 = arith.extui %sign3A_1110 : i1 to i32
      %sign3A_1112 = arith.subi %sign3A_1108, %sign3A_1111 : i32
      %ne3A_1113 = arith.cmpi ne, %sign3A_1105, %sign3A_1112 : i32
      %rem3A_1114 = arith.remsi %add3A_1096, %jit3A_1097 : i32
      %ne3A_1115 = arith.constant 0 : i32
      %ne3A_1116 = arith.cmpi ne, %rem3A_1114, %ne3A_1115 : i32
      %and3A_1117 = arith.andi %ne3A_1113, %ne3A_1116 : i1
      %sub3A_1118 = arith.constant 1 : i32
      %sub3A_1119 = arith.subi %div3A_1098, %sub3A_1118 : i32
      %select_n3A_1120 = arith.select %and3A_1117, %sub3A_1119, %div3A_1098 : i32
      %mul3A_1121 = arith.constant 32768 : i32
      %mul3A_1122 = arith.muli %select_n3A_1120, %mul3A_1121 : i32
      %mul3A_1123 = arith.constant 1024 : i32
      %mul3A_1124 = arith.muli %add3A, %mul3A_1123 : i32
      %add3A_1125 = arith.addi %mul3A_1122, %mul3A_1124 : i32
      %jit3A_1126 = arith.constant 2 : i32
      %eq3A_1127 = arith.constant 0 : i32
      %eq3A_1128 = arith.cmpi eq, %jit3A_1126, %eq3A_1127 : i32
      %jit3A_1129 = arith.constant 1 : i32
      %select_n3A_1130 = arith.select %eq3A_1128, %jit3A_1129, %jit3A_1126 : i32
      %rem3A_1131 = arith.remsi %add3A_1096, %select_n3A_1130 : i32
      %ne3A_1132 = arith.constant 0 : i32
      %ne3A_1133 = arith.cmpi ne, %rem3A_1131, %ne3A_1132 : i32
      %lt3A_1134 = arith.constant 0 : i32
      %lt3A_1135 = arith.cmpi slt, %rem3A_1131, %lt3A_1134 : i32
      %lt3A_1136 = arith.constant 0 : i32
      %lt3A_1137 = arith.cmpi slt, %select_n3A_1130, %lt3A_1136 : i32
      %ne3A_1138 = arith.xori %lt3A_1135, %lt3A_1137 : i1
      %and3A_1139 = arith.andi %ne3A_1138, %ne3A_1133 : i1
      %add3A_1140 = arith.addi %rem3A_1131, %select_n3A_1130 : i32
      %select_n3A_1141 = arith.select %and3A_1139, %add3A_1140, %rem3A_1131 : i32
      %mul3A_1142 = arith.constant 512 : i32
      %mul3A_1143 = arith.muli %select_n3A_1141, %mul3A_1142 : i32
      %add3A_1144 = arith.addi %add3A_1125, %mul3A_1143 : i32
      %dma_start3A_1145 = arith.constant 0 : i32
      %dma_start3A_1146 = arith.constant 0 : i32
      %dma_start3A_1147 = tpu.memref_slice %arg9[%dma_start3A_1146] : memref<16640xf32, #tpu.memory_space<vmem>> -> memref<512xf32, #tpu.memory_space<vmem>>
      %dma_start3A_1148 = tpu.memref_slice %arg4[%dma_start3A_1145, %add3A_1144] : memref<32x819200xf32, #tpu.memory_space<hbm>> -> memref<1x512xf32, #tpu.memory_space<hbm>>
      %dma_start3A_1149 = tpu.memref_squeeze %dma_start3A_1148 : memref<1x512xf32, #tpu.memory_space<hbm>> -> memref<512xf32, #tpu.memory_space<hbm>>
      %dma_start3A_1150 = tpu.memref_slice %arg4[%dma_start3A_1145, %add3A_1144] : memref<32x819200xf32, #tpu.memory_space<hbm>> -> memref<1x512xf32, #tpu.memory_space<hbm>>
      %dma_start3A_1151 = tpu.memref_squeeze %dma_start3A_1150 : memref<1x512xf32, #tpu.memory_space<hbm>> -> memref<512xf32, #tpu.memory_space<hbm>>
      %dma_start3A_1152 = arith.constant 0 : i32
      %dma_start3A_1153 = tpu.memref_slice %arg9[%dma_start3A_1152] : memref<16640xf32, #tpu.memory_space<vmem>> -> memref<512xf32, #tpu.memory_space<vmem>>
      tpu.enqueue_dma source(%dma_start3A_1153 : memref<512xf32, #tpu.memory_space<vmem>>) target(%dma_start3A_1151 : memref<512xf32, #tpu.memory_space<hbm>>) target_semaphore(%arg13 : memref<!tpu.dma_semaphore, #tpu.memory_space<semaphore_mem>>)
      %dma_start3A_1154 = arith.constant 1 : i32
      %dma_start3A_1155 = arith.constant 520 : i32
      %dma_start3A_1156 = tpu.memref_slice %arg9[%dma_start3A_1155] : memref<16640xf32, #tpu.memory_space<vmem>> -> memref<512xf32, #tpu.memory_space<vmem>>
      %dma_start3A_1157 = tpu.memref_slice %arg4[%dma_start3A_1154, %add3A_1144] : memref<32x819200xf32, #tpu.memory_space<hbm>> -> memref<1x512xf32, #tpu.memory_space<hbm>>
      %dma_start3A_1158 = tpu.memref_squeeze %dma_start3A_1157 : memref<1x512xf32, #tpu.memory_space<hbm>> -> memref<512xf32, #tpu.memory_space<hbm>>
      %dma_start3A_1159 = tpu.memref_slice %arg4[%dma_start3A_1154, %add3A_1144] : memref<32x819200xf32, #tpu.memory_space<hbm>> -> memref<1x512xf32, #tpu.memory_space<hbm>>
      %dma_start3A_1160 = tpu.memref_squeeze %dma_start3A_1159 : memref<1x512xf32, #tpu.memory_space<hbm>> -> memref<512xf32, #tpu.memory_space<hbm>>
      %dma_start3A_1161 = arith.constant 520 : i32
      %dma_start3A_1162 = tpu.memref_slice %arg9[%dma_start3A_1161] : memref<16640xf32, #tpu.memory_space<vmem>> -> memref<512xf32, #tpu.memory_space<vmem>>
      tpu.enqueue_dma source(%dma_start3A_1162 : memref<512xf32, #tpu.memory_space<vmem>>) target(%dma_start3A_1160 : memref<512xf32, #tpu.memory_space<hbm>>) target_semaphore(%arg13 : memref<!tpu.dma_semaphore, #tpu.memory_space<semaphore_mem>>)
      %dma_start3A_1163 = arith.constant 2 : i32
      %dma_start3A_1164 = arith.constant 1040 : i32
      %dma_start3A_1165 = tpu.memref_slice %arg9[%dma_start3A_1164] : memref<16640xf32, #tpu.memory_space<vmem>> -> memref<512xf32, #tpu.memory_space<vmem>>
      %dma_start3A_1166 = tpu.memref_slice %arg4[%dma_start3A_1163, %add3A_1144] : memref<32x819200xf32, #tpu.memory_space<hbm>> -> memref<1x512xf32, #tpu.memory_space<hbm>>
      %dma_start3A_1167 = tpu.memref_squeeze %dma_start3A_1166 : memref<1x512xf32, #tpu.memory_space<hbm>> -> memref<512xf32, #tpu.memory_space<hbm>>
      %dma_start3A_1168 = tpu.memref_slice %arg4[%dma_start3A_1163, %add3A_1144] : memref<32x819200xf32, #tpu.memory_space<hbm>> -> memref<1x512xf32, #tpu.memory_space<hbm>>
      %dma_start3A_1169 = tpu.memref_squeeze %dma_start3A_1168 : memref<1x512xf32, #tpu.memory_space<hbm>> -> memref<512xf32, #tpu.memory_space<hbm>>
      %dma_start3A_1170 = arith.constant 1040 : i32
      %dma_start3A_1171 = tpu.memref_slice %arg9[%dma_start3A_1170] : memref<16640xf32, #tpu.memory_space<vmem>> -> memref<512xf32, #tpu.memory_space<vmem>>
      tpu.enqueue_dma source(%dma_start3A_1171 : memref<512xf32, #tpu.memory_space<vmem>>) target(%dma_start3A_1169 : memref<512xf32, #tpu.memory_space<hbm>>) target_semaphore(%arg13 : memref<!tpu.dma_semaphore, #tpu.memory_space<semaphore_mem>>)
      %dma_start3A_1172 = arith.constant 3 : i32
      %dma_start3A_1173 = arith.constant 1560 : i32
      %dma_start3A_1174 = tpu.memref_slice %arg9[%dma_start3A_1173] : memref<16640xf32, #tpu.memory_space<vmem>> -> memref<512xf32, #tpu.memory_space<vmem>>
      %dma_start3A_1175 = tpu.memref_slice %arg4[%dma_start3A_1172, %add3A_1144] : memref<32x819200xf32, #tpu.memory_space<hbm>> -> memref<1x512xf32, #tpu.memory_space<hbm>>
      %dma_start3A_1176 = tpu.memref_squeeze %dma_start3A_1175 : memref<1x512xf32, #tpu.memory_space<hbm>> -> memref<512xf32, #tpu.memory_space<hbm>>
      %dma_start3A_1177 = tpu.memref_slice %arg4[%dma_start3A_1172, %add3A_1144] : memref<32x819200xf32, #tpu.memory_space<hbm>> -> memref<1x512xf32, #tpu.memory_space<hbm>>
      %dma_start3A_1178 = tpu.memref_squeeze %dma_start3A_1177 : memref<1x512xf32, #tpu.memory_space<hbm>> -> memref<512xf32, #tpu.memory_space<hbm>>
      %dma_start3A_1179 = arith.constant 1560 : i32
      %dma_start3A_1180 = tpu.memref_slice %arg9[%dma_start3A_1179] : memref<16640xf32, #tpu.memory_space<vmem>> -> memref<512xf32, #tpu.memory_space<vmem>>
      tpu.enqueue_dma source(%dma_start3A_1180 : memref<512xf32, #tpu.memory_space<vmem>>) target(%dma_start3A_1178 : memref<512xf32, #tpu.memory_space<hbm>>) target_semaphore(%arg13 : memref<!tpu.dma_semaphore, #tpu.memory_space<semaphore_mem>>)
      %dma_start3A_1181 = arith.constant 4 : i32
      %dma_start3A_1182 = arith.constant 2080 : i32
      %dma_start3A_1183 = tpu.memref_slice %arg9[%dma_start3A_1182] : memref<16640xf32, #tpu.memory_space<vmem>> -> memref<512xf32, #tpu.memory_space<vmem>>
      %dma_start3A_1184 = tpu.memref_slice %arg4[%dma_start3A_1181, %add3A_1144] : memref<32x819200xf32, #tpu.memory_space<hbm>> -> memref<1x512xf32, #tpu.memory_space<hbm>>
      %dma_start3A_1185 = tpu.memref_squeeze %dma_start3A_1184 : memref<1x512xf32, #tpu.memory_space<hbm>> -> memref<512xf32, #tpu.memory_space<hbm>>
      %dma_start3A_1186 = tpu.memref_slice %arg4[%dma_start3A_1181, %add3A_1144] : memref<32x819200xf32, #tpu.memory_space<hbm>> -> memref<1x512xf32, #tpu.memory_space<hbm>>
      %dma_start3A_1187 = tpu.memref_squeeze %dma_start3A_1186 : memref<1x512xf32, #tpu.memory_space<hbm>> -> memref<512xf32, #tpu.memory_space<hbm>>
      %dma_start3A_1188 = arith.constant 2080 : i32
      %dma_start3A_1189 = tpu.memref_slice %arg9[%dma_start3A_1188] : memref<16640xf32, #tpu.memory_space<vmem>> -> memref<512xf32, #tpu.memory_space<vmem>>
      tpu.enqueue_dma source(%dma_start3A_1189 : memref<512xf32, #tpu.memory_space<vmem>>) target(%dma_start3A_1187 : memref<512xf32, #tpu.memory_space<hbm>>) target_semaphore(%arg13 : memref<!tpu.dma_semaphore, #tpu.memory_space<semaphore_mem>>)
      %dma_start3A_1190 = arith.constant 5 : i32
      %dma_start3A_1191 = arith.constant 2600 : i32
      %dma_start3A_1192 = tpu.memref_slice %arg9[%dma_start3A_1191] : memref<16640xf32, #tpu.memory_space<vmem>> -> memref<512xf32, #tpu.memory_space<vmem>>
      %dma_start3A_1193 = tpu.memref_slice %arg4[%dma_start3A_1190, %add3A_1144] : memref<32x819200xf32, #tpu.memory_space<hbm>> -> memref<1x512xf32, #tpu.memory_space<hbm>>
      %dma_start3A_1194 = tpu.memref_squeeze %dma_start3A_1193 : memref<1x512xf32, #tpu.memory_space<hbm>> -> memref<512xf32, #tpu.memory_space<hbm>>
      %dma_start3A_1195 = tpu.memref_slice %arg4[%dma_start3A_1190, %add3A_1144] : memref<32x819200xf32, #tpu.memory_space<hbm>> -> memref<1x512xf32, #tpu.memory_space<hbm>>
      %dma_start3A_1196 = tpu.memref_squeeze %dma_start3A_1195 : memref<1x512xf32, #tpu.memory_space<hbm>> -> memref<512xf32, #tpu.memory_space<hbm>>
      %dma_start3A_1197 = arith.constant 2600 : i32
      %dma_start3A_1198 = tpu.memref_slice %arg9[%dma_start3A_1197] : memref<16640xf32, #tpu.memory_space<vmem>> -> memref<512xf32, #tpu.memory_space<vmem>>
      tpu.enqueue_dma source(%dma_start3A_1198 : memref<512xf32, #tpu.memory_space<vmem>>) target(%dma_start3A_1196 : memref<512xf32, #tpu.memory_space<hbm>>) target_semaphore(%arg13 : memref<!tpu.dma_semaphore, #tpu.memory_space<semaphore_mem>>)
      %dma_start3A_1199 = arith.constant 6 : i32
      %dma_start3A_1200 = arith.constant 3120 : i32
      %dma_start3A_1201 = tpu.memref_slice %arg9[%dma_start3A_1200] : memref<16640xf32, #tpu.memory_space<vmem>> -> memref<512xf32, #tpu.memory_space<vmem>>
      %dma_start3A_1202 = tpu.memref_slice %arg4[%dma_start3A_1199, %add3A_1144] : memref<32x819200xf32, #tpu.memory_space<hbm>> -> memref<1x512xf32, #tpu.memory_space<hbm>>
      %dma_start3A_1203 = tpu.memref_squeeze %dma_start3A_1202 : memref<1x512xf32, #tpu.memory_space<hbm>> -> memref<512xf32, #tpu.memory_space<hbm>>
      %dma_start3A_1204 = tpu.memref_slice %arg4[%dma_start3A_1199, %add3A_1144] : memref<32x819200xf32, #tpu.memory_space<hbm>> -> memref<1x512xf32, #tpu.memory_space<hbm>>
      %dma_start3A_1205 = tpu.memref_squeeze %dma_start3A_1204 : memref<1x512xf32, #tpu.memory_space<hbm>> -> memref<512xf32, #tpu.memory_space<hbm>>
      %dma_start3A_1206 = arith.constant 3120 : i32
      %dma_start3A_1207 = tpu.memref_slice %arg9[%dma_start3A_1206] : memref<16640xf32, #tpu.memory_space<vmem>> -> memref<512xf32, #tpu.memory_space<vmem>>
      tpu.enqueue_dma source(%dma_start3A_1207 : memref<512xf32, #tpu.memory_space<vmem>>) target(%dma_start3A_1205 : memref<512xf32, #tpu.memory_space<hbm>>) target_semaphore(%arg13 : memref<!tpu.dma_semaphore, #tpu.memory_space<semaphore_mem>>)
      %dma_start3A_1208 = arith.constant 7 : i32
      %dma_start3A_1209 = arith.constant 3640 : i32
      %dma_start3A_1210 = tpu.memref_slice %arg9[%dma_start3A_1209] : memref<16640xf32, #tpu.memory_space<vmem>> -> memref<512xf32, #tpu.memory_space<vmem>>
      %dma_start3A_1211 = tpu.memref_slice %arg4[%dma_start3A_1208, %add3A_1144] : memref<32x819200xf32, #tpu.memory_space<hbm>> -> memref<1x512xf32, #tpu.memory_space<hbm>>
      %dma_start3A_1212 = tpu.memref_squeeze %dma_start3A_1211 : memref<1x512xf32, #tpu.memory_space<hbm>> -> memref<512xf32, #tpu.memory_space<hbm>>
      %dma_start3A_1213 = tpu.memref_slice %arg4[%dma_start3A_1208, %add3A_1144] : memref<32x819200xf32, #tpu.memory_space<hbm>> -> memref<1x512xf32, #tpu.memory_space<hbm>>
      %dma_start3A_1214 = tpu.memref_squeeze %dma_start3A_1213 : memref<1x512xf32, #tpu.memory_space<hbm>> -> memref<512xf32, #tpu.memory_space<hbm>>
      %dma_start3A_1215 = arith.constant 3640 : i32
      %dma_start3A_1216 = tpu.memref_slice %arg9[%dma_start3A_1215] : memref<16640xf32, #tpu.memory_space<vmem>> -> memref<512xf32, #tpu.memory_space<vmem>>
      tpu.enqueue_dma source(%dma_start3A_1216 : memref<512xf32, #tpu.memory_space<vmem>>) target(%dma_start3A_1214 : memref<512xf32, #tpu.memory_space<hbm>>) target_semaphore(%arg13 : memref<!tpu.dma_semaphore, #tpu.memory_space<semaphore_mem>>)
      %dma_start3A_1217 = arith.constant 8 : i32
      %dma_start3A_1218 = arith.constant 4160 : i32
      %dma_start3A_1219 = tpu.memref_slice %arg9[%dma_start3A_1218] : memref<16640xf32, #tpu.memory_space<vmem>> -> memref<512xf32, #tpu.memory_space<vmem>>
      %dma_start3A_1220 = tpu.memref_slice %arg4[%dma_start3A_1217, %add3A_1144] : memref<32x819200xf32, #tpu.memory_space<hbm>> -> memref<1x512xf32, #tpu.memory_space<hbm>>
      %dma_start3A_1221 = tpu.memref_squeeze %dma_start3A_1220 : memref<1x512xf32, #tpu.memory_space<hbm>> -> memref<512xf32, #tpu.memory_space<hbm>>
      %dma_start3A_1222 = tpu.memref_slice %arg4[%dma_start3A_1217, %add3A_1144] : memref<32x819200xf32, #tpu.memory_space<hbm>> -> memref<1x512xf32, #tpu.memory_space<hbm>>
      %dma_start3A_1223 = tpu.memref_squeeze %dma_start3A_1222 : memref<1x512xf32, #tpu.memory_space<hbm>> -> memref<512xf32, #tpu.memory_space<hbm>>
      %dma_start3A_1224 = arith.constant 4160 : i32
      %dma_start3A_1225 = tpu.memref_slice %arg9[%dma_start3A_1224] : memref<16640xf32, #tpu.memory_space<vmem>> -> memref<512xf32, #tpu.memory_space<vmem>>
      tpu.enqueue_dma source(%dma_start3A_1225 : memref<512xf32, #tpu.memory_space<vmem>>) target(%dma_start3A_1223 : memref<512xf32, #tpu.memory_space<hbm>>) target_semaphore(%arg13 : memref<!tpu.dma_semaphore, #tpu.memory_space<semaphore_mem>>)
      %dma_start3A_1226 = arith.constant 9 : i32
      %dma_start3A_1227 = arith.constant 4680 : i32
      %dma_start3A_1228 = tpu.memref_slice %arg9[%dma_start3A_1227] : memref<16640xf32, #tpu.memory_space<vmem>> -> memref<512xf32, #tpu.memory_space<vmem>>
      %dma_start3A_1229 = tpu.memref_slice %arg4[%dma_start3A_1226, %add3A_1144] : memref<32x819200xf32, #tpu.memory_space<hbm>> -> memref<1x512xf32, #tpu.memory_space<hbm>>
      %dma_start3A_1230 = tpu.memref_squeeze %dma_start3A_1229 : memref<1x512xf32, #tpu.memory_space<hbm>> -> memref<512xf32, #tpu.memory_space<hbm>>
      %dma_start3A_1231 = tpu.memref_slice %arg4[%dma_start3A_1226, %add3A_1144] : memref<32x819200xf32, #tpu.memory_space<hbm>> -> memref<1x512xf32, #tpu.memory_space<hbm>>
      %dma_start3A_1232 = tpu.memref_squeeze %dma_start3A_1231 : memref<1x512xf32, #tpu.memory_space<hbm>> -> memref<512xf32, #tpu.memory_space<hbm>>
      %dma_start3A_1233 = arith.constant 4680 : i32
      %dma_start3A_1234 = tpu.memref_slice %arg9[%dma_start3A_1233] : memref<16640xf32, #tpu.memory_space<vmem>> -> memref<512xf32, #tpu.memory_space<vmem>>
      tpu.enqueue_dma source(%dma_start3A_1234 : memref<512xf32, #tpu.memory_space<vmem>>) target(%dma_start3A_1232 : memref<512xf32, #tpu.memory_space<hbm>>) target_semaphore(%arg13 : memref<!tpu.dma_semaphore, #tpu.memory_space<semaphore_mem>>)
      %dma_start3A_1235 = arith.constant 10 : i32
      %dma_start3A_1236 = arith.constant 5200 : i32
      %dma_start3A_1237 = tpu.memref_slice %arg9[%dma_start3A_1236] : memref<16640xf32, #tpu.memory_space<vmem>> -> memref<512xf32, #tpu.memory_space<vmem>>
      %dma_start3A_1238 = tpu.memref_slice %arg4[%dma_start3A_1235, %add3A_1144] : memref<32x819200xf32, #tpu.memory_space<hbm>> -> memref<1x512xf32, #tpu.memory_space<hbm>>
      %dma_start3A_1239 = tpu.memref_squeeze %dma_start3A_1238 : memref<1x512xf32, #tpu.memory_space<hbm>> -> memref<512xf32, #tpu.memory_space<hbm>>
      %dma_start3A_1240 = tpu.memref_slice %arg4[%dma_start3A_1235, %add3A_1144] : memref<32x819200xf32, #tpu.memory_space<hbm>> -> memref<1x512xf32, #tpu.memory_space<hbm>>
      %dma_start3A_1241 = tpu.memref_squeeze %dma_start3A_1240 : memref<1x512xf32, #tpu.memory_space<hbm>> -> memref<512xf32, #tpu.memory_space<hbm>>
      %dma_start3A_1242 = arith.constant 5200 : i32
      %dma_start3A_1243 = tpu.memref_slice %arg9[%dma_start3A_1242] : memref<16640xf32, #tpu.memory_space<vmem>> -> memref<512xf32, #tpu.memory_space<vmem>>
      tpu.enqueue_dma source(%dma_start3A_1243 : memref<512xf32, #tpu.memory_space<vmem>>) target(%dma_start3A_1241 : memref<512xf32, #tpu.memory_space<hbm>>) target_semaphore(%arg13 : memref<!tpu.dma_semaphore, #tpu.memory_space<semaphore_mem>>)
      %dma_start3A_1244 = arith.constant 11 : i32
      %dma_start3A_1245 = arith.constant 5720 : i32
      %dma_start3A_1246 = tpu.memref_slice %arg9[%dma_start3A_1245] : memref<16640xf32, #tpu.memory_space<vmem>> -> memref<512xf32, #tpu.memory_space<vmem>>
      %dma_start3A_1247 = tpu.memref_slice %arg4[%dma_start3A_1244, %add3A_1144] : memref<32x819200xf32, #tpu.memory_space<hbm>> -> memref<1x512xf32, #tpu.memory_space<hbm>>
      %dma_start3A_1248 = tpu.memref_squeeze %dma_start3A_1247 : memref<1x512xf32, #tpu.memory_space<hbm>> -> memref<512xf32, #tpu.memory_space<hbm>>
      %dma_start3A_1249 = tpu.memref_slice %arg4[%dma_start3A_1244, %add3A_1144] : memref<32x819200xf32, #tpu.memory_space<hbm>> -> memref<1x512xf32, #tpu.memory_space<hbm>>
      %dma_start3A_1250 = tpu.memref_squeeze %dma_start3A_1249 : memref<1x512xf32, #tpu.memory_space<hbm>> -> memref<512xf32, #tpu.memory_space<hbm>>
      %dma_start3A_1251 = arith.constant 5720 : i32
      %dma_start3A_1252 = tpu.memref_slice %arg9[%dma_start3A_1251] : memref<16640xf32, #tpu.memory_space<vmem>> -> memref<512xf32, #tpu.memory_space<vmem>>
      tpu.enqueue_dma source(%dma_start3A_1252 : memref<512xf32, #tpu.memory_space<vmem>>) target(%dma_start3A_1250 : memref<512xf32, #tpu.memory_space<hbm>>) target_semaphore(%arg13 : memref<!tpu.dma_semaphore, #tpu.memory_space<semaphore_mem>>)
      %dma_start3A_1253 = arith.constant 12 : i32
      %dma_start3A_1254 = arith.constant 6240 : i32
      %dma_start3A_1255 = tpu.memref_slice %arg9[%dma_start3A_1254] : memref<16640xf32, #tpu.memory_space<vmem>> -> memref<512xf32, #tpu.memory_space<vmem>>
      %dma_start3A_1256 = tpu.memref_slice %arg4[%dma_start3A_1253, %add3A_1144] : memref<32x819200xf32, #tpu.memory_space<hbm>> -> memref<1x512xf32, #tpu.memory_space<hbm>>
      %dma_start3A_1257 = tpu.memref_squeeze %dma_start3A_1256 : memref<1x512xf32, #tpu.memory_space<hbm>> -> memref<512xf32, #tpu.memory_space<hbm>>
      %dma_start3A_1258 = tpu.memref_slice %arg4[%dma_start3A_1253, %add3A_1144] : memref<32x819200xf32, #tpu.memory_space<hbm>> -> memref<1x512xf32, #tpu.memory_space<hbm>>
      %dma_start3A_1259 = tpu.memref_squeeze %dma_start3A_1258 : memref<1x512xf32, #tpu.memory_space<hbm>> -> memref<512xf32, #tpu.memory_space<hbm>>
      %dma_start3A_1260 = arith.constant 6240 : i32
      %dma_start3A_1261 = tpu.memref_slice %arg9[%dma_start3A_1260] : memref<16640xf32, #tpu.memory_space<vmem>> -> memref<512xf32, #tpu.memory_space<vmem>>
      tpu.enqueue_dma source(%dma_start3A_1261 : memref<512xf32, #tpu.memory_space<vmem>>) target(%dma_start3A_1259 : memref<512xf32, #tpu.memory_space<hbm>>) target_semaphore(%arg13 : memref<!tpu.dma_semaphore, #tpu.memory_space<semaphore_mem>>)
      %dma_start3A_1262 = arith.constant 13 : i32
      %dma_start3A_1263 = arith.constant 6760 : i32
      %dma_start3A_1264 = tpu.memref_slice %arg9[%dma_start3A_1263] : memref<16640xf32, #tpu.memory_space<vmem>> -> memref<512xf32, #tpu.memory_space<vmem>>
      %dma_start3A_1265 = tpu.memref_slice %arg4[%dma_start3A_1262, %add3A_1144] : memref<32x819200xf32, #tpu.memory_space<hbm>> -> memref<1x512xf32, #tpu.memory_space<hbm>>
      %dma_start3A_1266 = tpu.memref_squeeze %dma_start3A_1265 : memref<1x512xf32, #tpu.memory_space<hbm>> -> memref<512xf32, #tpu.memory_space<hbm>>
      %dma_start3A_1267 = tpu.memref_slice %arg4[%dma_start3A_1262, %add3A_1144] : memref<32x819200xf32, #tpu.memory_space<hbm>> -> memref<1x512xf32, #tpu.memory_space<hbm>>
      %dma_start3A_1268 = tpu.memref_squeeze %dma_start3A_1267 : memref<1x512xf32, #tpu.memory_space<hbm>> -> memref<512xf32, #tpu.memory_space<hbm>>
      %dma_start3A_1269 = arith.constant 6760 : i32
      %dma_start3A_1270 = tpu.memref_slice %arg9[%dma_start3A_1269] : memref<16640xf32, #tpu.memory_space<vmem>> -> memref<512xf32, #tpu.memory_space<vmem>>
      tpu.enqueue_dma source(%dma_start3A_1270 : memref<512xf32, #tpu.memory_space<vmem>>) target(%dma_start3A_1268 : memref<512xf32, #tpu.memory_space<hbm>>) target_semaphore(%arg13 : memref<!tpu.dma_semaphore, #tpu.memory_space<semaphore_mem>>)
      %dma_start3A_1271 = arith.constant 14 : i32
      %dma_start3A_1272 = arith.constant 7280 : i32
      %dma_start3A_1273 = tpu.memref_slice %arg9[%dma_start3A_1272] : memref<16640xf32, #tpu.memory_space<vmem>> -> memref<512xf32, #tpu.memory_space<vmem>>
      %dma_start3A_1274 = tpu.memref_slice %arg4[%dma_start3A_1271, %add3A_1144] : memref<32x819200xf32, #tpu.memory_space<hbm>> -> memref<1x512xf32, #tpu.memory_space<hbm>>
      %dma_start3A_1275 = tpu.memref_squeeze %dma_start3A_1274 : memref<1x512xf32, #tpu.memory_space<hbm>> -> memref<512xf32, #tpu.memory_space<hbm>>
      %dma_start3A_1276 = tpu.memref_slice %arg4[%dma_start3A_1271, %add3A_1144] : memref<32x819200xf32, #tpu.memory_space<hbm>> -> memref<1x512xf32, #tpu.memory_space<hbm>>
      %dma_start3A_1277 = tpu.memref_squeeze %dma_start3A_1276 : memref<1x512xf32, #tpu.memory_space<hbm>> -> memref<512xf32, #tpu.memory_space<hbm>>
      %dma_start3A_1278 = arith.constant 7280 : i32
      %dma_start3A_1279 = tpu.memref_slice %arg9[%dma_start3A_1278] : memref<16640xf32, #tpu.memory_space<vmem>> -> memref<512xf32, #tpu.memory_space<vmem>>
      tpu.enqueue_dma source(%dma_start3A_1279 : memref<512xf32, #tpu.memory_space<vmem>>) target(%dma_start3A_1277 : memref<512xf32, #tpu.memory_space<hbm>>) target_semaphore(%arg13 : memref<!tpu.dma_semaphore, #tpu.memory_space<semaphore_mem>>)
      %dma_start3A_1280 = arith.constant 15 : i32
      %dma_start3A_1281 = arith.constant 7800 : i32
      %dma_start3A_1282 = tpu.memref_slice %arg9[%dma_start3A_1281] : memref<16640xf32, #tpu.memory_space<vmem>> -> memref<512xf32, #tpu.memory_space<vmem>>
      %dma_start3A_1283 = tpu.memref_slice %arg4[%dma_start3A_1280, %add3A_1144] : memref<32x819200xf32, #tpu.memory_space<hbm>> -> memref<1x512xf32, #tpu.memory_space<hbm>>
      %dma_start3A_1284 = tpu.memref_squeeze %dma_start3A_1283 : memref<1x512xf32, #tpu.memory_space<hbm>> -> memref<512xf32, #tpu.memory_space<hbm>>
      %dma_start3A_1285 = tpu.memref_slice %arg4[%dma_start3A_1280, %add3A_1144] : memref<32x819200xf32, #tpu.memory_space<hbm>> -> memref<1x512xf32, #tpu.memory_space<hbm>>
      %dma_start3A_1286 = tpu.memref_squeeze %dma_start3A_1285 : memref<1x512xf32, #tpu.memory_space<hbm>> -> memref<512xf32, #tpu.memory_space<hbm>>
      %dma_start3A_1287 = arith.constant 7800 : i32
      %dma_start3A_1288 = tpu.memref_slice %arg9[%dma_start3A_1287] : memref<16640xf32, #tpu.memory_space<vmem>> -> memref<512xf32, #tpu.memory_space<vmem>>
      tpu.enqueue_dma source(%dma_start3A_1288 : memref<512xf32, #tpu.memory_space<vmem>>) target(%dma_start3A_1286 : memref<512xf32, #tpu.memory_space<hbm>>) target_semaphore(%arg13 : memref<!tpu.dma_semaphore, #tpu.memory_space<semaphore_mem>>)
      %dma_start3A_1289 = arith.constant 16 : i32
      %dma_start3A_1290 = arith.constant 8320 : i32
      %dma_start3A_1291 = tpu.memref_slice %arg9[%dma_start3A_1290] : memref<16640xf32, #tpu.memory_space<vmem>> -> memref<512xf32, #tpu.memory_space<vmem>>
      %dma_start3A_1292 = tpu.memref_slice %arg4[%dma_start3A_1289, %add3A_1144] : memref<32x819200xf32, #tpu.memory_space<hbm>> -> memref<1x512xf32, #tpu.memory_space<hbm>>
      %dma_start3A_1293 = tpu.memref_squeeze %dma_start3A_1292 : memref<1x512xf32, #tpu.memory_space<hbm>> -> memref<512xf32, #tpu.memory_space<hbm>>
      %dma_start3A_1294 = tpu.memref_slice %arg4[%dma_start3A_1289, %add3A_1144] : memref<32x819200xf32, #tpu.memory_space<hbm>> -> memref<1x512xf32, #tpu.memory_space<hbm>>
      %dma_start3A_1295 = tpu.memref_squeeze %dma_start3A_1294 : memref<1x512xf32, #tpu.memory_space<hbm>> -> memref<512xf32, #tpu.memory_space<hbm>>
      %dma_start3A_1296 = arith.constant 8320 : i32
      %dma_start3A_1297 = tpu.memref_slice %arg9[%dma_start3A_1296] : memref<16640xf32, #tpu.memory_space<vmem>> -> memref<512xf32, #tpu.memory_space<vmem>>
      tpu.enqueue_dma source(%dma_start3A_1297 : memref<512xf32, #tpu.memory_space<vmem>>) target(%dma_start3A_1295 : memref<512xf32, #tpu.memory_space<hbm>>) target_semaphore(%arg13 : memref<!tpu.dma_semaphore, #tpu.memory_space<semaphore_mem>>)
      %dma_start3A_1298 = arith.constant 17 : i32
      %dma_start3A_1299 = arith.constant 8840 : i32
      %dma_start3A_1300 = tpu.memref_slice %arg9[%dma_start3A_1299] : memref<16640xf32, #tpu.memory_space<vmem>> -> memref<512xf32, #tpu.memory_space<vmem>>
      %dma_start3A_1301 = tpu.memref_slice %arg4[%dma_start3A_1298, %add3A_1144] : memref<32x819200xf32, #tpu.memory_space<hbm>> -> memref<1x512xf32, #tpu.memory_space<hbm>>
      %dma_start3A_1302 = tpu.memref_squeeze %dma_start3A_1301 : memref<1x512xf32, #tpu.memory_space<hbm>> -> memref<512xf32, #tpu.memory_space<hbm>>
      %dma_start3A_1303 = tpu.memref_slice %arg4[%dma_start3A_1298, %add3A_1144] : memref<32x819200xf32, #tpu.memory_space<hbm>> -> memref<1x512xf32, #tpu.memory_space<hbm>>
      %dma_start3A_1304 = tpu.memref_squeeze %dma_start3A_1303 : memref<1x512xf32, #tpu.memory_space<hbm>> -> memref<512xf32, #tpu.memory_space<hbm>>
      %dma_start3A_1305 = arith.constant 8840 : i32
      %dma_start3A_1306 = tpu.memref_slice %arg9[%dma_start3A_1305] : memref<16640xf32, #tpu.memory_space<vmem>> -> memref<512xf32, #tpu.memory_space<vmem>>
      tpu.enqueue_dma source(%dma_start3A_1306 : memref<512xf32, #tpu.memory_space<vmem>>) target(%dma_start3A_1304 : memref<512xf32, #tpu.memory_space<hbm>>) target_semaphore(%arg13 : memref<!tpu.dma_semaphore, #tpu.memory_space<semaphore_mem>>)
      %dma_start3A_1307 = arith.constant 18 : i32
      %dma_start3A_1308 = arith.constant 9360 : i32
      %dma_start3A_1309 = tpu.memref_slice %arg9[%dma_start3A_1308] : memref<16640xf32, #tpu.memory_space<vmem>> -> memref<512xf32, #tpu.memory_space<vmem>>
      %dma_start3A_1310 = tpu.memref_slice %arg4[%dma_start3A_1307, %add3A_1144] : memref<32x819200xf32, #tpu.memory_space<hbm>> -> memref<1x512xf32, #tpu.memory_space<hbm>>
      %dma_start3A_1311 = tpu.memref_squeeze %dma_start3A_1310 : memref<1x512xf32, #tpu.memory_space<hbm>> -> memref<512xf32, #tpu.memory_space<hbm>>
      %dma_start3A_1312 = tpu.memref_slice %arg4[%dma_start3A_1307, %add3A_1144] : memref<32x819200xf32, #tpu.memory_space<hbm>> -> memref<1x512xf32, #tpu.memory_space<hbm>>
      %dma_start3A_1313 = tpu.memref_squeeze %dma_start3A_1312 : memref<1x512xf32, #tpu.memory_space<hbm>> -> memref<512xf32, #tpu.memory_space<hbm>>
      %dma_start3A_1314 = arith.constant 9360 : i32
      %dma_start3A_1315 = tpu.memref_slice %arg9[%dma_start3A_1314] : memref<16640xf32, #tpu.memory_space<vmem>> -> memref<512xf32, #tpu.memory_space<vmem>>
      tpu.enqueue_dma source(%dma_start3A_1315 : memref<512xf32, #tpu.memory_space<vmem>>) target(%dma_start3A_1313 : memref<512xf32, #tpu.memory_space<hbm>>) target_semaphore(%arg13 : memref<!tpu.dma_semaphore, #tpu.memory_space<semaphore_mem>>)
      %dma_start3A_1316 = arith.constant 19 : i32
      %dma_start3A_1317 = arith.constant 9880 : i32
      %dma_start3A_1318 = tpu.memref_slice %arg9[%dma_start3A_1317] : memref<16640xf32, #tpu.memory_space<vmem>> -> memref<512xf32, #tpu.memory_space<vmem>>
      %dma_start3A_1319 = tpu.memref_slice %arg4[%dma_start3A_1316, %add3A_1144] : memref<32x819200xf32, #tpu.memory_space<hbm>> -> memref<1x512xf32, #tpu.memory_space<hbm>>
      %dma_start3A_1320 = tpu.memref_squeeze %dma_start3A_1319 : memref<1x512xf32, #tpu.memory_space<hbm>> -> memref<512xf32, #tpu.memory_space<hbm>>
      %dma_start3A_1321 = tpu.memref_slice %arg4[%dma_start3A_1316, %add3A_1144] : memref<32x819200xf32, #tpu.memory_space<hbm>> -> memref<1x512xf32, #tpu.memory_space<hbm>>
      %dma_start3A_1322 = tpu.memref_squeeze %dma_start3A_1321 : memref<1x512xf32, #tpu.memory_space<hbm>> -> memref<512xf32, #tpu.memory_space<hbm>>
      %dma_start3A_1323 = arith.constant 9880 : i32
      %dma_start3A_1324 = tpu.memref_slice %arg9[%dma_start3A_1323] : memref<16640xf32, #tpu.memory_space<vmem>> -> memref<512xf32, #tpu.memory_space<vmem>>
      tpu.enqueue_dma source(%dma_start3A_1324 : memref<512xf32, #tpu.memory_space<vmem>>) target(%dma_start3A_1322 : memref<512xf32, #tpu.memory_space<hbm>>) target_semaphore(%arg13 : memref<!tpu.dma_semaphore, #tpu.memory_space<semaphore_mem>>)
      %dma_start3A_1325 = arith.constant 20 : i32
      %dma_start3A_1326 = arith.constant 10400 : i32
      %dma_start3A_1327 = tpu.memref_slice %arg9[%dma_start3A_1326] : memref<16640xf32, #tpu.memory_space<vmem>> -> memref<512xf32, #tpu.memory_space<vmem>>
      %dma_start3A_1328 = tpu.memref_slice %arg4[%dma_start3A_1325, %add3A_1144] : memref<32x819200xf32, #tpu.memory_space<hbm>> -> memref<1x512xf32, #tpu.memory_space<hbm>>
      %dma_start3A_1329 = tpu.memref_squeeze %dma_start3A_1328 : memref<1x512xf32, #tpu.memory_space<hbm>> -> memref<512xf32, #tpu.memory_space<hbm>>
      %dma_start3A_1330 = tpu.memref_slice %arg4[%dma_start3A_1325, %add3A_1144] : memref<32x819200xf32, #tpu.memory_space<hbm>> -> memref<1x512xf32, #tpu.memory_space<hbm>>
      %dma_start3A_1331 = tpu.memref_squeeze %dma_start3A_1330 : memref<1x512xf32, #tpu.memory_space<hbm>> -> memref<512xf32, #tpu.memory_space<hbm>>
      %dma_start3A_1332 = arith.constant 10400 : i32
      %dma_start3A_1333 = tpu.memref_slice %arg9[%dma_start3A_1332] : memref<16640xf32, #tpu.memory_space<vmem>> -> memref<512xf32, #tpu.memory_space<vmem>>
      tpu.enqueue_dma source(%dma_start3A_1333 : memref<512xf32, #tpu.memory_space<vmem>>) target(%dma_start3A_1331 : memref<512xf32, #tpu.memory_space<hbm>>) target_semaphore(%arg13 : memref<!tpu.dma_semaphore, #tpu.memory_space<semaphore_mem>>)
      %dma_start3A_1334 = arith.constant 21 : i32
      %dma_start3A_1335 = arith.constant 10920 : i32
      %dma_start3A_1336 = tpu.memref_slice %arg9[%dma_start3A_1335] : memref<16640xf32, #tpu.memory_space<vmem>> -> memref<512xf32, #tpu.memory_space<vmem>>
      %dma_start3A_1337 = tpu.memref_slice %arg4[%dma_start3A_1334, %add3A_1144] : memref<32x819200xf32, #tpu.memory_space<hbm>> -> memref<1x512xf32, #tpu.memory_space<hbm>>
      %dma_start3A_1338 = tpu.memref_squeeze %dma_start3A_1337 : memref<1x512xf32, #tpu.memory_space<hbm>> -> memref<512xf32, #tpu.memory_space<hbm>>
      %dma_start3A_1339 = tpu.memref_slice %arg4[%dma_start3A_1334, %add3A_1144] : memref<32x819200xf32, #tpu.memory_space<hbm>> -> memref<1x512xf32, #tpu.memory_space<hbm>>
      %dma_start3A_1340 = tpu.memref_squeeze %dma_start3A_1339 : memref<1x512xf32, #tpu.memory_space<hbm>> -> memref<512xf32, #tpu.memory_space<hbm>>
      %dma_start3A_1341 = arith.constant 10920 : i32
      %dma_start3A_1342 = tpu.memref_slice %arg9[%dma_start3A_1341] : memref<16640xf32, #tpu.memory_space<vmem>> -> memref<512xf32, #tpu.memory_space<vmem>>
      tpu.enqueue_dma source(%dma_start3A_1342 : memref<512xf32, #tpu.memory_space<vmem>>) target(%dma_start3A_1340 : memref<512xf32, #tpu.memory_space<hbm>>) target_semaphore(%arg13 : memref<!tpu.dma_semaphore, #tpu.memory_space<semaphore_mem>>)
      %dma_start3A_1343 = arith.constant 22 : i32
      %dma_start3A_1344 = arith.constant 11440 : i32
      %dma_start3A_1345 = tpu.memref_slice %arg9[%dma_start3A_1344] : memref<16640xf32, #tpu.memory_space<vmem>> -> memref<512xf32, #tpu.memory_space<vmem>>
      %dma_start3A_1346 = tpu.memref_slice %arg4[%dma_start3A_1343, %add3A_1144] : memref<32x819200xf32, #tpu.memory_space<hbm>> -> memref<1x512xf32, #tpu.memory_space<hbm>>
      %dma_start3A_1347 = tpu.memref_squeeze %dma_start3A_1346 : memref<1x512xf32, #tpu.memory_space<hbm>> -> memref<512xf32, #tpu.memory_space<hbm>>
      %dma_start3A_1348 = tpu.memref_slice %arg4[%dma_start3A_1343, %add3A_1144] : memref<32x819200xf32, #tpu.memory_space<hbm>> -> memref<1x512xf32, #tpu.memory_space<hbm>>
      %dma_start3A_1349 = tpu.memref_squeeze %dma_start3A_1348 : memref<1x512xf32, #tpu.memory_space<hbm>> -> memref<512xf32, #tpu.memory_space<hbm>>
      %dma_start3A_1350 = arith.constant 11440 : i32
      %dma_start3A_1351 = tpu.memref_slice %arg9[%dma_start3A_1350] : memref<16640xf32, #tpu.memory_space<vmem>> -> memref<512xf32, #tpu.memory_space<vmem>>
      tpu.enqueue_dma source(%dma_start3A_1351 : memref<512xf32, #tpu.memory_space<vmem>>) target(%dma_start3A_1349 : memref<512xf32, #tpu.memory_space<hbm>>) target_semaphore(%arg13 : memref<!tpu.dma_semaphore, #tpu.memory_space<semaphore_mem>>)
      %dma_start3A_1352 = arith.constant 23 : i32
      %dma_start3A_1353 = arith.constant 11960 : i32
      %dma_start3A_1354 = tpu.memref_slice %arg9[%dma_start3A_1353] : memref<16640xf32, #tpu.memory_space<vmem>> -> memref<512xf32, #tpu.memory_space<vmem>>
      %dma_start3A_1355 = tpu.memref_slice %arg4[%dma_start3A_1352, %add3A_1144] : memref<32x819200xf32, #tpu.memory_space<hbm>> -> memref<1x512xf32, #tpu.memory_space<hbm>>
      %dma_start3A_1356 = tpu.memref_squeeze %dma_start3A_1355 : memref<1x512xf32, #tpu.memory_space<hbm>> -> memref<512xf32, #tpu.memory_space<hbm>>
      %dma_start3A_1357 = tpu.memref_slice %arg4[%dma_start3A_1352, %add3A_1144] : memref<32x819200xf32, #tpu.memory_space<hbm>> -> memref<1x512xf32, #tpu.memory_space<hbm>>
      %dma_start3A_1358 = tpu.memref_squeeze %dma_start3A_1357 : memref<1x512xf32, #tpu.memory_space<hbm>> -> memref<512xf32, #tpu.memory_space<hbm>>
      %dma_start3A_1359 = arith.constant 11960 : i32
      %dma_start3A_1360 = tpu.memref_slice %arg9[%dma_start3A_1359] : memref<16640xf32, #tpu.memory_space<vmem>> -> memref<512xf32, #tpu.memory_space<vmem>>
      tpu.enqueue_dma source(%dma_start3A_1360 : memref<512xf32, #tpu.memory_space<vmem>>) target(%dma_start3A_1358 : memref<512xf32, #tpu.memory_space<hbm>>) target_semaphore(%arg13 : memref<!tpu.dma_semaphore, #tpu.memory_space<semaphore_mem>>)
      %dma_start3A_1361 = arith.constant 24 : i32
      %dma_start3A_1362 = arith.constant 12480 : i32
      %dma_start3A_1363 = tpu.memref_slice %arg9[%dma_start3A_1362] : memref<16640xf32, #tpu.memory_space<vmem>> -> memref<512xf32, #tpu.memory_space<vmem>>
      %dma_start3A_1364 = tpu.memref_slice %arg4[%dma_start3A_1361, %add3A_1144] : memref<32x819200xf32, #tpu.memory_space<hbm>> -> memref<1x512xf32, #tpu.memory_space<hbm>>
      %dma_start3A_1365 = tpu.memref_squeeze %dma_start3A_1364 : memref<1x512xf32, #tpu.memory_space<hbm>> -> memref<512xf32, #tpu.memory_space<hbm>>
      %dma_start3A_1366 = tpu.memref_slice %arg4[%dma_start3A_1361, %add3A_1144] : memref<32x819200xf32, #tpu.memory_space<hbm>> -> memref<1x512xf32, #tpu.memory_space<hbm>>
      %dma_start3A_1367 = tpu.memref_squeeze %dma_start3A_1366 : memref<1x512xf32, #tpu.memory_space<hbm>> -> memref<512xf32, #tpu.memory_space<hbm>>
      %dma_start3A_1368 = arith.constant 12480 : i32
      %dma_start3A_1369 = tpu.memref_slice %arg9[%dma_start3A_1368] : memref<16640xf32, #tpu.memory_space<vmem>> -> memref<512xf32, #tpu.memory_space<vmem>>
      tpu.enqueue_dma source(%dma_start3A_1369 : memref<512xf32, #tpu.memory_space<vmem>>) target(%dma_start3A_1367 : memref<512xf32, #tpu.memory_space<hbm>>) target_semaphore(%arg13 : memref<!tpu.dma_semaphore, #tpu.memory_space<semaphore_mem>>)
      %dma_start3A_1370 = arith.constant 25 : i32
      %dma_start3A_1371 = arith.constant 13000 : i32
      %dma_start3A_1372 = tpu.memref_slice %arg9[%dma_start3A_1371] : memref<16640xf32, #tpu.memory_space<vmem>> -> memref<512xf32, #tpu.memory_space<vmem>>
      %dma_start3A_1373 = tpu.memref_slice %arg4[%dma_start3A_1370, %add3A_1144] : memref<32x819200xf32, #tpu.memory_space<hbm>> -> memref<1x512xf32, #tpu.memory_space<hbm>>
      %dma_start3A_1374 = tpu.memref_squeeze %dma_start3A_1373 : memref<1x512xf32, #tpu.memory_space<hbm>> -> memref<512xf32, #tpu.memory_space<hbm>>
      %dma_start3A_1375 = tpu.memref_slice %arg4[%dma_start3A_1370, %add3A_1144] : memref<32x819200xf32, #tpu.memory_space<hbm>> -> memref<1x512xf32, #tpu.memory_space<hbm>>
      %dma_start3A_1376 = tpu.memref_squeeze %dma_start3A_1375 : memref<1x512xf32, #tpu.memory_space<hbm>> -> memref<512xf32, #tpu.memory_space<hbm>>
      %dma_start3A_1377 = arith.constant 13000 : i32
      %dma_start3A_1378 = tpu.memref_slice %arg9[%dma_start3A_1377] : memref<16640xf32, #tpu.memory_space<vmem>> -> memref<512xf32, #tpu.memory_space<vmem>>
      tpu.enqueue_dma source(%dma_start3A_1378 : memref<512xf32, #tpu.memory_space<vmem>>) target(%dma_start3A_1376 : memref<512xf32, #tpu.memory_space<hbm>>) target_semaphore(%arg13 : memref<!tpu.dma_semaphore, #tpu.memory_space<semaphore_mem>>)
      %dma_start3A_1379 = arith.constant 26 : i32
      %dma_start3A_1380 = arith.constant 13520 : i32
      %dma_start3A_1381 = tpu.memref_slice %arg9[%dma_start3A_1380] : memref<16640xf32, #tpu.memory_space<vmem>> -> memref<512xf32, #tpu.memory_space<vmem>>
      %dma_start3A_1382 = tpu.memref_slice %arg4[%dma_start3A_1379, %add3A_1144] : memref<32x819200xf32, #tpu.memory_space<hbm>> -> memref<1x512xf32, #tpu.memory_space<hbm>>
      %dma_start3A_1383 = tpu.memref_squeeze %dma_start3A_1382 : memref<1x512xf32, #tpu.memory_space<hbm>> -> memref<512xf32, #tpu.memory_space<hbm>>
      %dma_start3A_1384 = tpu.memref_slice %arg4[%dma_start3A_1379, %add3A_1144] : memref<32x819200xf32, #tpu.memory_space<hbm>> -> memref<1x512xf32, #tpu.memory_space<hbm>>
      %dma_start3A_1385 = tpu.memref_squeeze %dma_start3A_1384 : memref<1x512xf32, #tpu.memory_space<hbm>> -> memref<512xf32, #tpu.memory_space<hbm>>
      %dma_start3A_1386 = arith.constant 13520 : i32
      %dma_start3A_1387 = tpu.memref_slice %arg9[%dma_start3A_1386] : memref<16640xf32, #tpu.memory_space<vmem>> -> memref<512xf32, #tpu.memory_space<vmem>>
      tpu.enqueue_dma source(%dma_start3A_1387 : memref<512xf32, #tpu.memory_space<vmem>>) target(%dma_start3A_1385 : memref<512xf32, #tpu.memory_space<hbm>>) target_semaphore(%arg13 : memref<!tpu.dma_semaphore, #tpu.memory_space<semaphore_mem>>)
      %dma_start3A_1388 = arith.constant 27 : i32
      %dma_start3A_1389 = arith.constant 14040 : i32
      %dma_start3A_1390 = tpu.memref_slice %arg9[%dma_start3A_1389] : memref<16640xf32, #tpu.memory_space<vmem>> -> memref<512xf32, #tpu.memory_space<vmem>>
      %dma_start3A_1391 = tpu.memref_slice %arg4[%dma_start3A_1388, %add3A_1144] : memref<32x819200xf32, #tpu.memory_space<hbm>> -> memref<1x512xf32, #tpu.memory_space<hbm>>
      %dma_start3A_1392 = tpu.memref_squeeze %dma_start3A_1391 : memref<1x512xf32, #tpu.memory_space<hbm>> -> memref<512xf32, #tpu.memory_space<hbm>>
      %dma_start3A_1393 = tpu.memref_slice %arg4[%dma_start3A_1388, %add3A_1144] : memref<32x819200xf32, #tpu.memory_space<hbm>> -> memref<1x512xf32, #tpu.memory_space<hbm>>
      %dma_start3A_1394 = tpu.memref_squeeze %dma_start3A_1393 : memref<1x512xf32, #tpu.memory_space<hbm>> -> memref<512xf32, #tpu.memory_space<hbm>>
      %dma_start3A_1395 = arith.constant 14040 : i32
      %dma_start3A_1396 = tpu.memref_slice %arg9[%dma_start3A_1395] : memref<16640xf32, #tpu.memory_space<vmem>> -> memref<512xf32, #tpu.memory_space<vmem>>
      tpu.enqueue_dma source(%dma_start3A_1396 : memref<512xf32, #tpu.memory_space<vmem>>) target(%dma_start3A_1394 : memref<512xf32, #tpu.memory_space<hbm>>) target_semaphore(%arg13 : memref<!tpu.dma_semaphore, #tpu.memory_space<semaphore_mem>>)
      %dma_start3A_1397 = arith.constant 28 : i32
      %dma_start3A_1398 = arith.constant 14560 : i32
      %dma_start3A_1399 = tpu.memref_slice %arg9[%dma_start3A_1398] : memref<16640xf32, #tpu.memory_space<vmem>> -> memref<512xf32, #tpu.memory_space<vmem>>
      %dma_start3A_1400 = tpu.memref_slice %arg4[%dma_start3A_1397, %add3A_1144] : memref<32x819200xf32, #tpu.memory_space<hbm>> -> memref<1x512xf32, #tpu.memory_space<hbm>>
      %dma_start3A_1401 = tpu.memref_squeeze %dma_start3A_1400 : memref<1x512xf32, #tpu.memory_space<hbm>> -> memref<512xf32, #tpu.memory_space<hbm>>
      %dma_start3A_1402 = tpu.memref_slice %arg4[%dma_start3A_1397, %add3A_1144] : memref<32x819200xf32, #tpu.memory_space<hbm>> -> memref<1x512xf32, #tpu.memory_space<hbm>>
      %dma_start3A_1403 = tpu.memref_squeeze %dma_start3A_1402 : memref<1x512xf32, #tpu.memory_space<hbm>> -> memref<512xf32, #tpu.memory_space<hbm>>
      %dma_start3A_1404 = arith.constant 14560 : i32
      %dma_start3A_1405 = tpu.memref_slice %arg9[%dma_start3A_1404] : memref<16640xf32, #tpu.memory_space<vmem>> -> memref<512xf32, #tpu.memory_space<vmem>>
      tpu.enqueue_dma source(%dma_start3A_1405 : memref<512xf32, #tpu.memory_space<vmem>>) target(%dma_start3A_1403 : memref<512xf32, #tpu.memory_space<hbm>>) target_semaphore(%arg13 : memref<!tpu.dma_semaphore, #tpu.memory_space<semaphore_mem>>)
      %dma_start3A_1406 = arith.constant 29 : i32
      %dma_start3A_1407 = arith.constant 15080 : i32
      %dma_start3A_1408 = tpu.memref_slice %arg9[%dma_start3A_1407] : memref<16640xf32, #tpu.memory_space<vmem>> -> memref<512xf32, #tpu.memory_space<vmem>>
      %dma_start3A_1409 = tpu.memref_slice %arg4[%dma_start3A_1406, %add3A_1144] : memref<32x819200xf32, #tpu.memory_space<hbm>> -> memref<1x512xf32, #tpu.memory_space<hbm>>
      %dma_start3A_1410 = tpu.memref_squeeze %dma_start3A_1409 : memref<1x512xf32, #tpu.memory_space<hbm>> -> memref<512xf32, #tpu.memory_space<hbm>>
      %dma_start3A_1411 = tpu.memref_slice %arg4[%dma_start3A_1406, %add3A_1144] : memref<32x819200xf32, #tpu.memory_space<hbm>> -> memref<1x512xf32, #tpu.memory_space<hbm>>
      %dma_start3A_1412 = tpu.memref_squeeze %dma_start3A_1411 : memref<1x512xf32, #tpu.memory_space<hbm>> -> memref<512xf32, #tpu.memory_space<hbm>>
      %dma_start3A_1413 = arith.constant 15080 : i32
      %dma_start3A_1414 = tpu.memref_slice %arg9[%dma_start3A_1413] : memref<16640xf32, #tpu.memory_space<vmem>> -> memref<512xf32, #tpu.memory_space<vmem>>
      tpu.enqueue_dma source(%dma_start3A_1414 : memref<512xf32, #tpu.memory_space<vmem>>) target(%dma_start3A_1412 : memref<512xf32, #tpu.memory_space<hbm>>) target_semaphore(%arg13 : memref<!tpu.dma_semaphore, #tpu.memory_space<semaphore_mem>>)
      %dma_start3A_1415 = arith.constant 30 : i32
      %dma_start3A_1416 = arith.constant 15600 : i32
      %dma_start3A_1417 = tpu.memref_slice %arg9[%dma_start3A_1416] : memref<16640xf32, #tpu.memory_space<vmem>> -> memref<512xf32, #tpu.memory_space<vmem>>
      %dma_start3A_1418 = tpu.memref_slice %arg4[%dma_start3A_1415, %add3A_1144] : memref<32x819200xf32, #tpu.memory_space<hbm>> -> memref<1x512xf32, #tpu.memory_space<hbm>>
      %dma_start3A_1419 = tpu.memref_squeeze %dma_start3A_1418 : memref<1x512xf32, #tpu.memory_space<hbm>> -> memref<512xf32, #tpu.memory_space<hbm>>
      %dma_start3A_1420 = tpu.memref_slice %arg4[%dma_start3A_1415, %add3A_1144] : memref<32x819200xf32, #tpu.memory_space<hbm>> -> memref<1x512xf32, #tpu.memory_space<hbm>>
      %dma_start3A_1421 = tpu.memref_squeeze %dma_start3A_1420 : memref<1x512xf32, #tpu.memory_space<hbm>> -> memref<512xf32, #tpu.memory_space<hbm>>
      %dma_start3A_1422 = arith.constant 15600 : i32
      %dma_start3A_1423 = tpu.memref_slice %arg9[%dma_start3A_1422] : memref<16640xf32, #tpu.memory_space<vmem>> -> memref<512xf32, #tpu.memory_space<vmem>>
      tpu.enqueue_dma source(%dma_start3A_1423 : memref<512xf32, #tpu.memory_space<vmem>>) target(%dma_start3A_1421 : memref<512xf32, #tpu.memory_space<hbm>>) target_semaphore(%arg13 : memref<!tpu.dma_semaphore, #tpu.memory_space<semaphore_mem>>)
      %dma_start3A_1424 = arith.constant 31 : i32
      %dma_start3A_1425 = arith.constant 16120 : i32
      %dma_start3A_1426 = tpu.memref_slice %arg9[%dma_start3A_1425] : memref<16640xf32, #tpu.memory_space<vmem>> -> memref<512xf32, #tpu.memory_space<vmem>>
      %dma_start3A_1427 = tpu.memref_slice %arg4[%dma_start3A_1424, %add3A_1144] : memref<32x819200xf32, #tpu.memory_space<hbm>> -> memref<1x512xf32, #tpu.memory_space<hbm>>
      %dma_start3A_1428 = tpu.memref_squeeze %dma_start3A_1427 : memref<1x512xf32, #tpu.memory_space<hbm>> -> memref<512xf32, #tpu.memory_space<hbm>>
      %dma_start3A_1429 = tpu.memref_slice %arg4[%dma_start3A_1424, %add3A_1144] : memref<32x819200xf32, #tpu.memory_space<hbm>> -> memref<1x512xf32, #tpu.memory_space<hbm>>
      %dma_start3A_1430 = tpu.memref_squeeze %dma_start3A_1429 : memref<1x512xf32, #tpu.memory_space<hbm>> -> memref<512xf32, #tpu.memory_space<hbm>>
      %dma_start3A_1431 = arith.constant 16120 : i32
      %dma_start3A_1432 = tpu.memref_slice %arg9[%dma_start3A_1431] : memref<16640xf32, #tpu.memory_space<vmem>> -> memref<512xf32, #tpu.memory_space<vmem>>
      tpu.enqueue_dma source(%dma_start3A_1432 : memref<512xf32, #tpu.memory_space<vmem>>) target(%dma_start3A_1430 : memref<512xf32, #tpu.memory_space<hbm>>) target_semaphore(%arg13 : memref<!tpu.dma_semaphore, #tpu.memory_space<semaphore_mem>>)
    }
    %scan3A_18 = arith.constant 25 : i32
    %dma_wait3A = arith.constant 0 : i32
    %dma_wait3A_19 = arith.constant 0 : i32
    %dma_wait3A_20 = tpu.memref_slice %arg8[%dma_wait3A_19] : memref<16640xf32, #tpu.memory_space<vmem>> -> memref<512xf32, #tpu.memory_space<vmem>>
    %dma_wait3A_21 = arith.constant 0 : i32
    %dma_wait3A_22 = tpu.memref_slice %arg4[%dma_wait3A, %dma_wait3A_21] : memref<32x819200xf32, #tpu.memory_space<hbm>> -> memref<1x512xf32, #tpu.memory_space<hbm>>
    %dma_wait3A_23 = tpu.memref_squeeze %dma_wait3A_22 : memref<1x512xf32, #tpu.memory_space<hbm>> -> memref<512xf32, #tpu.memory_space<hbm>>
    %dma_wait3A_24 = arith.constant 0 : i32
    %dma_wait3A_25 = tpu.memref_slice %arg4[%dma_wait3A, %dma_wait3A_24] : memref<32x819200xf32, #tpu.memory_space<hbm>> -> memref<1x512xf32, #tpu.memory_space<hbm>>
    %dma_wait3A_26 = tpu.memref_squeeze %dma_wait3A_25 : memref<1x512xf32, #tpu.memory_space<hbm>> -> memref<512xf32, #tpu.memory_space<hbm>>
    %dma_wait3A_27 = arith.constant 0 : i32
    %dma_wait3A_28 = tpu.memref_slice %arg8[%dma_wait3A_27] : memref<16640xf32, #tpu.memory_space<vmem>> -> memref<512xf32, #tpu.memory_space<vmem>>
    tpu.wait_dma2 semaphore(%arg12 : memref<!tpu.dma_semaphore, #tpu.memory_space<semaphore_mem>>) src(%dma_wait3A_28 : memref<512xf32, #tpu.memory_space<vmem>>) dst(%dma_wait3A_26 : memref<512xf32, #tpu.memory_space<hbm>>)
    %dma_wait3A_29 = arith.constant 1 : i32
    %dma_wait3A_30 = arith.constant 520 : i32
    %dma_wait3A_31 = tpu.memref_slice %arg8[%dma_wait3A_30] : memref<16640xf32, #tpu.memory_space<vmem>> -> memref<512xf32, #tpu.memory_space<vmem>>
    %dma_wait3A_32 = arith.constant 0 : i32
    %dma_wait3A_33 = tpu.memref_slice %arg4[%dma_wait3A_29, %dma_wait3A_32] : memref<32x819200xf32, #tpu.memory_space<hbm>> -> memref<1x512xf32, #tpu.memory_space<hbm>>
    %dma_wait3A_34 = tpu.memref_squeeze %dma_wait3A_33 : memref<1x512xf32, #tpu.memory_space<hbm>> -> memref<512xf32, #tpu.memory_space<hbm>>
    %dma_wait3A_35 = arith.constant 0 : i32
    %dma_wait3A_36 = tpu.memref_slice %arg4[%dma_wait3A_29, %dma_wait3A_35] : memref<32x819200xf32, #tpu.memory_space<hbm>> -> memref<1x512xf32, #tpu.memory_space<hbm>>
    %dma_wait3A_37 = tpu.memref_squeeze %dma_wait3A_36 : memref<1x512xf32, #tpu.memory_space<hbm>> -> memref<512xf32, #tpu.memory_space<hbm>>
    %dma_wait3A_38 = arith.constant 520 : i32
    %dma_wait3A_39 = tpu.memref_slice %arg8[%dma_wait3A_38] : memref<16640xf32, #tpu.memory_space<vmem>> -> memref<512xf32, #tpu.memory_space<vmem>>
    tpu.wait_dma2 semaphore(%arg12 : memref<!tpu.dma_semaphore, #tpu.memory_space<semaphore_mem>>) src(%dma_wait3A_39 : memref<512xf32, #tpu.memory_space<vmem>>) dst(%dma_wait3A_37 : memref<512xf32, #tpu.memory_space<hbm>>)
    %dma_wait3A_40 = arith.constant 2 : i32
    %dma_wait3A_41 = arith.constant 1040 : i32
    %dma_wait3A_42 = tpu.memref_slice %arg8[%dma_wait3A_41] : memref<16640xf32, #tpu.memory_space<vmem>> -> memref<512xf32, #tpu.memory_space<vmem>>
    %dma_wait3A_43 = arith.constant 0 : i32
    %dma_wait3A_44 = tpu.memref_slice %arg4[%dma_wait3A_40, %dma_wait3A_43] : memref<32x819200xf32, #tpu.memory_space<hbm>> -> memref<1x512xf32, #tpu.memory_space<hbm>>
    %dma_wait3A_45 = tpu.memref_squeeze %dma_wait3A_44 : memref<1x512xf32, #tpu.memory_space<hbm>> -> memref<512xf32, #tpu.memory_space<hbm>>
    %dma_wait3A_46 = arith.constant 0 : i32
    %dma_wait3A_47 = tpu.memref_slice %arg4[%dma_wait3A_40, %dma_wait3A_46] : memref<32x819200xf32, #tpu.memory_space<hbm>> -> memref<1x512xf32, #tpu.memory_space<hbm>>
    %dma_wait3A_48 = tpu.memref_squeeze %dma_wait3A_47 : memref<1x512xf32, #tpu.memory_space<hbm>> -> memref<512xf32, #tpu.memory_space<hbm>>
    %dma_wait3A_49 = arith.constant 1040 : i32
    %dma_wait3A_50 = tpu.memref_slice %arg8[%dma_wait3A_49] : memref<16640xf32, #tpu.memory_space<vmem>> -> memref<512xf32, #tpu.memory_space<vmem>>
    tpu.wait_dma2 semaphore(%arg12 : memref<!tpu.dma_semaphore, #tpu.memory_space<semaphore_mem>>) src(%dma_wait3A_50 : memref<512xf32, #tpu.memory_space<vmem>>) dst(%dma_wait3A_48 : memref<512xf32, #tpu.memory_space<hbm>>)
    %dma_wait3A_51 = arith.constant 3 : i32
    %dma_wait3A_52 = arith.constant 1560 : i32
    %dma_wait3A_53 = tpu.memref_slice %arg8[%dma_wait3A_52] : memref<16640xf32, #tpu.memory_space<vmem>> -> memref<512xf32, #tpu.memory_space<vmem>>
    %dma_wait3A_54 = arith.constant 0 : i32
    %dma_wait3A_55 = tpu.memref_slice %arg4[%dma_wait3A_51, %dma_wait3A_54] : memref<32x819200xf32, #tpu.memory_space<hbm>> -> memref<1x512xf32, #tpu.memory_space<hbm>>
    %dma_wait3A_56 = tpu.memref_squeeze %dma_wait3A_55 : memref<1x512xf32, #tpu.memory_space<hbm>> -> memref<512xf32, #tpu.memory_space<hbm>>
    %dma_wait3A_57 = arith.constant 0 : i32
    %dma_wait3A_58 = tpu.memref_slice %arg4[%dma_wait3A_51, %dma_wait3A_57] : memref<32x819200xf32, #tpu.memory_space<hbm>> -> memref<1x512xf32, #tpu.memory_space<hbm>>
    %dma_wait3A_59 = tpu.memref_squeeze %dma_wait3A_58 : memref<1x512xf32, #tpu.memory_space<hbm>> -> memref<512xf32, #tpu.memory_space<hbm>>
    %dma_wait3A_60 = arith.constant 1560 : i32
    %dma_wait3A_61 = tpu.memref_slice %arg8[%dma_wait3A_60] : memref<16640xf32, #tpu.memory_space<vmem>> -> memref<512xf32, #tpu.memory_space<vmem>>
    tpu.wait_dma2 semaphore(%arg12 : memref<!tpu.dma_semaphore, #tpu.memory_space<semaphore_mem>>) src(%dma_wait3A_61 : memref<512xf32, #tpu.memory_space<vmem>>) dst(%dma_wait3A_59 : memref<512xf32, #tpu.memory_space<hbm>>)
    %dma_wait3A_62 = arith.constant 4 : i32
    %dma_wait3A_63 = arith.constant 2080 : i32
    %dma_wait3A_64 = tpu.memref_slice %arg8[%dma_wait3A_63] : memref<16640xf32, #tpu.memory_space<vmem>> -> memref<512xf32, #tpu.memory_space<vmem>>
    %dma_wait3A_65 = arith.constant 0 : i32
    %dma_wait3A_66 = tpu.memref_slice %arg4[%dma_wait3A_62, %dma_wait3A_65] : memref<32x819200xf32, #tpu.memory_space<hbm>> -> memref<1x512xf32, #tpu.memory_space<hbm>>
    %dma_wait3A_67 = tpu.memref_squeeze %dma_wait3A_66 : memref<1x512xf32, #tpu.memory_space<hbm>> -> memref<512xf32, #tpu.memory_space<hbm>>
    %dma_wait3A_68 = arith.constant 0 : i32
    %dma_wait3A_69 = tpu.memref_slice %arg4[%dma_wait3A_62, %dma_wait3A_68] : memref<32x819200xf32, #tpu.memory_space<hbm>> -> memref<1x512xf32, #tpu.memory_space<hbm>>
    %dma_wait3A_70 = tpu.memref_squeeze %dma_wait3A_69 : memref<1x512xf32, #tpu.memory_space<hbm>> -> memref<512xf32, #tpu.memory_space<hbm>>
    %dma_wait3A_71 = arith.constant 2080 : i32
    %dma_wait3A_72 = tpu.memref_slice %arg8[%dma_wait3A_71] : memref<16640xf32, #tpu.memory_space<vmem>> -> memref<512xf32, #tpu.memory_space<vmem>>
    tpu.wait_dma2 semaphore(%arg12 : memref<!tpu.dma_semaphore, #tpu.memory_space<semaphore_mem>>) src(%dma_wait3A_72 : memref<512xf32, #tpu.memory_space<vmem>>) dst(%dma_wait3A_70 : memref<512xf32, #tpu.memory_space<hbm>>)
    %dma_wait3A_73 = arith.constant 5 : i32
    %dma_wait3A_74 = arith.constant 2600 : i32
    %dma_wait3A_75 = tpu.memref_slice %arg8[%dma_wait3A_74] : memref<16640xf32, #tpu.memory_space<vmem>> -> memref<512xf32, #tpu.memory_space<vmem>>
    %dma_wait3A_76 = arith.constant 0 : i32
    %dma_wait3A_77 = tpu.memref_slice %arg4[%dma_wait3A_73, %dma_wait3A_76] : memref<32x819200xf32, #tpu.memory_space<hbm>> -> memref<1x512xf32, #tpu.memory_space<hbm>>
    %dma_wait3A_78 = tpu.memref_squeeze %dma_wait3A_77 : memref<1x512xf32, #tpu.memory_space<hbm>> -> memref<512xf32, #tpu.memory_space<hbm>>
    %dma_wait3A_79 = arith.constant 0 : i32
    %dma_wait3A_80 = tpu.memref_slice %arg4[%dma_wait3A_73, %dma_wait3A_79] : memref<32x819200xf32, #tpu.memory_space<hbm>> -> memref<1x512xf32, #tpu.memory_space<hbm>>
    %dma_wait3A_81 = tpu.memref_squeeze %dma_wait3A_80 : memref<1x512xf32, #tpu.memory_space<hbm>> -> memref<512xf32, #tpu.memory_space<hbm>>
    %dma_wait3A_82 = arith.constant 2600 : i32
    %dma_wait3A_83 = tpu.memref_slice %arg8[%dma_wait3A_82] : memref<16640xf32, #tpu.memory_space<vmem>> -> memref<512xf32, #tpu.memory_space<vmem>>
    tpu.wait_dma2 semaphore(%arg12 : memref<!tpu.dma_semaphore, #tpu.memory_space<semaphore_mem>>) src(%dma_wait3A_83 : memref<512xf32, #tpu.memory_space<vmem>>) dst(%dma_wait3A_81 : memref<512xf32, #tpu.memory_space<hbm>>)
    %dma_wait3A_84 = arith.constant 6 : i32
    %dma_wait3A_85 = arith.constant 3120 : i32
    %dma_wait3A_86 = tpu.memref_slice %arg8[%dma_wait3A_85] : memref<16640xf32, #tpu.memory_space<vmem>> -> memref<512xf32, #tpu.memory_space<vmem>>
    %dma_wait3A_87 = arith.constant 0 : i32
    %dma_wait3A_88 = tpu.memref_slice %arg4[%dma_wait3A_84, %dma_wait3A_87] : memref<32x819200xf32, #tpu.memory_space<hbm>> -> memref<1x512xf32, #tpu.memory_space<hbm>>
    %dma_wait3A_89 = tpu.memref_squeeze %dma_wait3A_88 : memref<1x512xf32, #tpu.memory_space<hbm>> -> memref<512xf32, #tpu.memory_space<hbm>>
    %dma_wait3A_90 = arith.constant 0 : i32
    %dma_wait3A_91 = tpu.memref_slice %arg4[%dma_wait3A_84, %dma_wait3A_90] : memref<32x819200xf32, #tpu.memory_space<hbm>> -> memref<1x512xf32, #tpu.memory_space<hbm>>
    %dma_wait3A_92 = tpu.memref_squeeze %dma_wait3A_91 : memref<1x512xf32, #tpu.memory_space<hbm>> -> memref<512xf32, #tpu.memory_space<hbm>>
    %dma_wait3A_93 = arith.constant 3120 : i32
    %dma_wait3A_94 = tpu.memref_slice %arg8[%dma_wait3A_93] : memref<16640xf32, #tpu.memory_space<vmem>> -> memref<512xf32, #tpu.memory_space<vmem>>
    tpu.wait_dma2 semaphore(%arg12 : memref<!tpu.dma_semaphore, #tpu.memory_space<semaphore_mem>>) src(%dma_wait3A_94 : memref<512xf32, #tpu.memory_space<vmem>>) dst(%dma_wait3A_92 : memref<512xf32, #tpu.memory_space<hbm>>)
    %dma_wait3A_95 = arith.constant 7 : i32
    %dma_wait3A_96 = arith.constant 3640 : i32
    %dma_wait3A_97 = tpu.memref_slice %arg8[%dma_wait3A_96] : memref<16640xf32, #tpu.memory_space<vmem>> -> memref<512xf32, #tpu.memory_space<vmem>>
    %dma_wait3A_98 = arith.constant 0 : i32
    %dma_wait3A_99 = tpu.memref_slice %arg4[%dma_wait3A_95, %dma_wait3A_98] : memref<32x819200xf32, #tpu.memory_space<hbm>> -> memref<1x512xf32, #tpu.memory_space<hbm>>
    %dma_wait3A_100 = tpu.memref_squeeze %dma_wait3A_99 : memref<1x512xf32, #tpu.memory_space<hbm>> -> memref<512xf32, #tpu.memory_space<hbm>>
    %dma_wait3A_101 = arith.constant 0 : i32
    %dma_wait3A_102 = tpu.memref_slice %arg4[%dma_wait3A_95, %dma_wait3A_101] : memref<32x819200xf32, #tpu.memory_space<hbm>> -> memref<1x512xf32, #tpu.memory_space<hbm>>
    %dma_wait3A_103 = tpu.memref_squeeze %dma_wait3A_102 : memref<1x512xf32, #tpu.memory_space<hbm>> -> memref<512xf32, #tpu.memory_space<hbm>>
    %dma_wait3A_104 = arith.constant 3640 : i32
    %dma_wait3A_105 = tpu.memref_slice %arg8[%dma_wait3A_104] : memref<16640xf32, #tpu.memory_space<vmem>> -> memref<512xf32, #tpu.memory_space<vmem>>
    tpu.wait_dma2 semaphore(%arg12 : memref<!tpu.dma_semaphore, #tpu.memory_space<semaphore_mem>>) src(%dma_wait3A_105 : memref<512xf32, #tpu.memory_space<vmem>>) dst(%dma_wait3A_103 : memref<512xf32, #tpu.memory_space<hbm>>)
    %dma_wait3A_106 = arith.constant 8 : i32
    %dma_wait3A_107 = arith.constant 4160 : i32
    %dma_wait3A_108 = tpu.memref_slice %arg8[%dma_wait3A_107] : memref<16640xf32, #tpu.memory_space<vmem>> -> memref<512xf32, #tpu.memory_space<vmem>>
    %dma_wait3A_109 = arith.constant 0 : i32
    %dma_wait3A_110 = tpu.memref_slice %arg4[%dma_wait3A_106, %dma_wait3A_109] : memref<32x819200xf32, #tpu.memory_space<hbm>> -> memref<1x512xf32, #tpu.memory_space<hbm>>
    %dma_wait3A_111 = tpu.memref_squeeze %dma_wait3A_110 : memref<1x512xf32, #tpu.memory_space<hbm>> -> memref<512xf32, #tpu.memory_space<hbm>>
    %dma_wait3A_112 = arith.constant 0 : i32
    %dma_wait3A_113 = tpu.memref_slice %arg4[%dma_wait3A_106, %dma_wait3A_112] : memref<32x819200xf32, #tpu.memory_space<hbm>> -> memref<1x512xf32, #tpu.memory_space<hbm>>
    %dma_wait3A_114 = tpu.memref_squeeze %dma_wait3A_113 : memref<1x512xf32, #tpu.memory_space<hbm>> -> memref<512xf32, #tpu.memory_space<hbm>>
    %dma_wait3A_115 = arith.constant 4160 : i32
    %dma_wait3A_116 = tpu.memref_slice %arg8[%dma_wait3A_115] : memref<16640xf32, #tpu.memory_space<vmem>> -> memref<512xf32, #tpu.memory_space<vmem>>
    tpu.wait_dma2 semaphore(%arg12 : memref<!tpu.dma_semaphore, #tpu.memory_space<semaphore_mem>>) src(%dma_wait3A_116 : memref<512xf32, #tpu.memory_space<vmem>>) dst(%dma_wait3A_114 : memref<512xf32, #tpu.memory_space<hbm>>)
    %dma_wait3A_117 = arith.constant 9 : i32
    %dma_wait3A_118 = arith.constant 4680 : i32
    %dma_wait3A_119 = tpu.memref_slice %arg8[%dma_wait3A_118] : memref<16640xf32, #tpu.memory_space<vmem>> -> memref<512xf32, #tpu.memory_space<vmem>>
    %dma_wait3A_120 = arith.constant 0 : i32
    %dma_wait3A_121 = tpu.memref_slice %arg4[%dma_wait3A_117, %dma_wait3A_120] : memref<32x819200xf32, #tpu.memory_space<hbm>> -> memref<1x512xf32, #tpu.memory_space<hbm>>
    %dma_wait3A_122 = tpu.memref_squeeze %dma_wait3A_121 : memref<1x512xf32, #tpu.memory_space<hbm>> -> memref<512xf32, #tpu.memory_space<hbm>>
    %dma_wait3A_123 = arith.constant 0 : i32
    %dma_wait3A_124 = tpu.memref_slice %arg4[%dma_wait3A_117, %dma_wait3A_123] : memref<32x819200xf32, #tpu.memory_space<hbm>> -> memref<1x512xf32, #tpu.memory_space<hbm>>
    %dma_wait3A_125 = tpu.memref_squeeze %dma_wait3A_124 : memref<1x512xf32, #tpu.memory_space<hbm>> -> memref<512xf32, #tpu.memory_space<hbm>>
    %dma_wait3A_126 = arith.constant 4680 : i32
    %dma_wait3A_127 = tpu.memref_slice %arg8[%dma_wait3A_126] : memref<16640xf32, #tpu.memory_space<vmem>> -> memref<512xf32, #tpu.memory_space<vmem>>
    tpu.wait_dma2 semaphore(%arg12 : memref<!tpu.dma_semaphore, #tpu.memory_space<semaphore_mem>>) src(%dma_wait3A_127 : memref<512xf32, #tpu.memory_space<vmem>>) dst(%dma_wait3A_125 : memref<512xf32, #tpu.memory_space<hbm>>)
    %dma_wait3A_128 = arith.constant 10 : i32
    %dma_wait3A_129 = arith.constant 5200 : i32
    %dma_wait3A_130 = tpu.memref_slice %arg8[%dma_wait3A_129] : memref<16640xf32, #tpu.memory_space<vmem>> -> memref<512xf32, #tpu.memory_space<vmem>>
    %dma_wait3A_131 = arith.constant 0 : i32
    %dma_wait3A_132 = tpu.memref_slice %arg4[%dma_wait3A_128, %dma_wait3A_131] : memref<32x819200xf32, #tpu.memory_space<hbm>> -> memref<1x512xf32, #tpu.memory_space<hbm>>
    %dma_wait3A_133 = tpu.memref_squeeze %dma_wait3A_132 : memref<1x512xf32, #tpu.memory_space<hbm>> -> memref<512xf32, #tpu.memory_space<hbm>>
    %dma_wait3A_134 = arith.constant 0 : i32
    %dma_wait3A_135 = tpu.memref_slice %arg4[%dma_wait3A_128, %dma_wait3A_134] : memref<32x819200xf32, #tpu.memory_space<hbm>> -> memref<1x512xf32, #tpu.memory_space<hbm>>
    %dma_wait3A_136 = tpu.memref_squeeze %dma_wait3A_135 : memref<1x512xf32, #tpu.memory_space<hbm>> -> memref<512xf32, #tpu.memory_space<hbm>>
    %dma_wait3A_137 = arith.constant 5200 : i32
    %dma_wait3A_138 = tpu.memref_slice %arg8[%dma_wait3A_137] : memref<16640xf32, #tpu.memory_space<vmem>> -> memref<512xf32, #tpu.memory_space<vmem>>
    tpu.wait_dma2 semaphore(%arg12 : memref<!tpu.dma_semaphore, #tpu.memory_space<semaphore_mem>>) src(%dma_wait3A_138 : memref<512xf32, #tpu.memory_space<vmem>>) dst(%dma_wait3A_136 : memref<512xf32, #tpu.memory_space<hbm>>)
    %dma_wait3A_139 = arith.constant 11 : i32
    %dma_wait3A_140 = arith.constant 5720 : i32
    %dma_wait3A_141 = tpu.memref_slice %arg8[%dma_wait3A_140] : memref<16640xf32, #tpu.memory_space<vmem>> -> memref<512xf32, #tpu.memory_space<vmem>>
    %dma_wait3A_142 = arith.constant 0 : i32
    %dma_wait3A_143 = tpu.memref_slice %arg4[%dma_wait3A_139, %dma_wait3A_142] : memref<32x819200xf32, #tpu.memory_space<hbm>> -> memref<1x512xf32, #tpu.memory_space<hbm>>
    %dma_wait3A_144 = tpu.memref_squeeze %dma_wait3A_143 : memref<1x512xf32, #tpu.memory_space<hbm>> -> memref<512xf32, #tpu.memory_space<hbm>>
    %dma_wait3A_145 = arith.constant 0 : i32
    %dma_wait3A_146 = tpu.memref_slice %arg4[%dma_wait3A_139, %dma_wait3A_145] : memref<32x819200xf32, #tpu.memory_space<hbm>> -> memref<1x512xf32, #tpu.memory_space<hbm>>
    %dma_wait3A_147 = tpu.memref_squeeze %dma_wait3A_146 : memref<1x512xf32, #tpu.memory_space<hbm>> -> memref<512xf32, #tpu.memory_space<hbm>>
    %dma_wait3A_148 = arith.constant 5720 : i32
    %dma_wait3A_149 = tpu.memref_slice %arg8[%dma_wait3A_148] : memref<16640xf32, #tpu.memory_space<vmem>> -> memref<512xf32, #tpu.memory_space<vmem>>
    tpu.wait_dma2 semaphore(%arg12 : memref<!tpu.dma_semaphore, #tpu.memory_space<semaphore_mem>>) src(%dma_wait3A_149 : memref<512xf32, #tpu.memory_space<vmem>>) dst(%dma_wait3A_147 : memref<512xf32, #tpu.memory_space<hbm>>)
    %dma_wait3A_150 = arith.constant 12 : i32
    %dma_wait3A_151 = arith.constant 6240 : i32
    %dma_wait3A_152 = tpu.memref_slice %arg8[%dma_wait3A_151] : memref<16640xf32, #tpu.memory_space<vmem>> -> memref<512xf32, #tpu.memory_space<vmem>>
    %dma_wait3A_153 = arith.constant 0 : i32
    %dma_wait3A_154 = tpu.memref_slice %arg4[%dma_wait3A_150, %dma_wait3A_153] : memref<32x819200xf32, #tpu.memory_space<hbm>> -> memref<1x512xf32, #tpu.memory_space<hbm>>
    %dma_wait3A_155 = tpu.memref_squeeze %dma_wait3A_154 : memref<1x512xf32, #tpu.memory_space<hbm>> -> memref<512xf32, #tpu.memory_space<hbm>>
    %dma_wait3A_156 = arith.constant 0 : i32
    %dma_wait3A_157 = tpu.memref_slice %arg4[%dma_wait3A_150, %dma_wait3A_156] : memref<32x819200xf32, #tpu.memory_space<hbm>> -> memref<1x512xf32, #tpu.memory_space<hbm>>
    %dma_wait3A_158 = tpu.memref_squeeze %dma_wait3A_157 : memref<1x512xf32, #tpu.memory_space<hbm>> -> memref<512xf32, #tpu.memory_space<hbm>>
    %dma_wait3A_159 = arith.constant 6240 : i32
    %dma_wait3A_160 = tpu.memref_slice %arg8[%dma_wait3A_159] : memref<16640xf32, #tpu.memory_space<vmem>> -> memref<512xf32, #tpu.memory_space<vmem>>
    tpu.wait_dma2 semaphore(%arg12 : memref<!tpu.dma_semaphore, #tpu.memory_space<semaphore_mem>>) src(%dma_wait3A_160 : memref<512xf32, #tpu.memory_space<vmem>>) dst(%dma_wait3A_158 : memref<512xf32, #tpu.memory_space<hbm>>)
    %dma_wait3A_161 = arith.constant 13 : i32
    %dma_wait3A_162 = arith.constant 6760 : i32
    %dma_wait3A_163 = tpu.memref_slice %arg8[%dma_wait3A_162] : memref<16640xf32, #tpu.memory_space<vmem>> -> memref<512xf32, #tpu.memory_space<vmem>>
    %dma_wait3A_164 = arith.constant 0 : i32
    %dma_wait3A_165 = tpu.memref_slice %arg4[%dma_wait3A_161, %dma_wait3A_164] : memref<32x819200xf32, #tpu.memory_space<hbm>> -> memref<1x512xf32, #tpu.memory_space<hbm>>
    %dma_wait3A_166 = tpu.memref_squeeze %dma_wait3A_165 : memref<1x512xf32, #tpu.memory_space<hbm>> -> memref<512xf32, #tpu.memory_space<hbm>>
    %dma_wait3A_167 = arith.constant 0 : i32
    %dma_wait3A_168 = tpu.memref_slice %arg4[%dma_wait3A_161, %dma_wait3A_167] : memref<32x819200xf32, #tpu.memory_space<hbm>> -> memref<1x512xf32, #tpu.memory_space<hbm>>
    %dma_wait3A_169 = tpu.memref_squeeze %dma_wait3A_168 : memref<1x512xf32, #tpu.memory_space<hbm>> -> memref<512xf32, #tpu.memory_space<hbm>>
    %dma_wait3A_170 = arith.constant 6760 : i32
    %dma_wait3A_171 = tpu.memref_slice %arg8[%dma_wait3A_170] : memref<16640xf32, #tpu.memory_space<vmem>> -> memref<512xf32, #tpu.memory_space<vmem>>
    tpu.wait_dma2 semaphore(%arg12 : memref<!tpu.dma_semaphore, #tpu.memory_space<semaphore_mem>>) src(%dma_wait3A_171 : memref<512xf32, #tpu.memory_space<vmem>>) dst(%dma_wait3A_169 : memref<512xf32, #tpu.memory_space<hbm>>)
    %dma_wait3A_172 = arith.constant 14 : i32
    %dma_wait3A_173 = arith.constant 7280 : i32
    %dma_wait3A_174 = tpu.memref_slice %arg8[%dma_wait3A_173] : memref<16640xf32, #tpu.memory_space<vmem>> -> memref<512xf32, #tpu.memory_space<vmem>>
    %dma_wait3A_175 = arith.constant 0 : i32
    %dma_wait3A_176 = tpu.memref_slice %arg4[%dma_wait3A_172, %dma_wait3A_175] : memref<32x819200xf32, #tpu.memory_space<hbm>> -> memref<1x512xf32, #tpu.memory_space<hbm>>
    %dma_wait3A_177 = tpu.memref_squeeze %dma_wait3A_176 : memref<1x512xf32, #tpu.memory_space<hbm>> -> memref<512xf32, #tpu.memory_space<hbm>>
    %dma_wait3A_178 = arith.constant 0 : i32
    %dma_wait3A_179 = tpu.memref_slice %arg4[%dma_wait3A_172, %dma_wait3A_178] : memref<32x819200xf32, #tpu.memory_space<hbm>> -> memref<1x512xf32, #tpu.memory_space<hbm>>
    %dma_wait3A_180 = tpu.memref_squeeze %dma_wait3A_179 : memref<1x512xf32, #tpu.memory_space<hbm>> -> memref<512xf32, #tpu.memory_space<hbm>>
    %dma_wait3A_181 = arith.constant 7280 : i32
    %dma_wait3A_182 = tpu.memref_slice %arg8[%dma_wait3A_181] : memref<16640xf32, #tpu.memory_space<vmem>> -> memref<512xf32, #tpu.memory_space<vmem>>
    tpu.wait_dma2 semaphore(%arg12 : memref<!tpu.dma_semaphore, #tpu.memory_space<semaphore_mem>>) src(%dma_wait3A_182 : memref<512xf32, #tpu.memory_space<vmem>>) dst(%dma_wait3A_180 : memref<512xf32, #tpu.memory_space<hbm>>)
    %dma_wait3A_183 = arith.constant 15 : i32
    %dma_wait3A_184 = arith.constant 7800 : i32
    %dma_wait3A_185 = tpu.memref_slice %arg8[%dma_wait3A_184] : memref<16640xf32, #tpu.memory_space<vmem>> -> memref<512xf32, #tpu.memory_space<vmem>>
    %dma_wait3A_186 = arith.constant 0 : i32
    %dma_wait3A_187 = tpu.memref_slice %arg4[%dma_wait3A_183, %dma_wait3A_186] : memref<32x819200xf32, #tpu.memory_space<hbm>> -> memref<1x512xf32, #tpu.memory_space<hbm>>
    %dma_wait3A_188 = tpu.memref_squeeze %dma_wait3A_187 : memref<1x512xf32, #tpu.memory_space<hbm>> -> memref<512xf32, #tpu.memory_space<hbm>>
    %dma_wait3A_189 = arith.constant 0 : i32
    %dma_wait3A_190 = tpu.memref_slice %arg4[%dma_wait3A_183, %dma_wait3A_189] : memref<32x819200xf32, #tpu.memory_space<hbm>> -> memref<1x512xf32, #tpu.memory_space<hbm>>
    %dma_wait3A_191 = tpu.memref_squeeze %dma_wait3A_190 : memref<1x512xf32, #tpu.memory_space<hbm>> -> memref<512xf32, #tpu.memory_space<hbm>>
    %dma_wait3A_192 = arith.constant 7800 : i32
    %dma_wait3A_193 = tpu.memref_slice %arg8[%dma_wait3A_192] : memref<16640xf32, #tpu.memory_space<vmem>> -> memref<512xf32, #tpu.memory_space<vmem>>
    tpu.wait_dma2 semaphore(%arg12 : memref<!tpu.dma_semaphore, #tpu.memory_space<semaphore_mem>>) src(%dma_wait3A_193 : memref<512xf32, #tpu.memory_space<vmem>>) dst(%dma_wait3A_191 : memref<512xf32, #tpu.memory_space<hbm>>)
    %dma_wait3A_194 = arith.constant 16 : i32
    %dma_wait3A_195 = arith.constant 8320 : i32
    %dma_wait3A_196 = tpu.memref_slice %arg8[%dma_wait3A_195] : memref<16640xf32, #tpu.memory_space<vmem>> -> memref<512xf32, #tpu.memory_space<vmem>>
    %dma_wait3A_197 = arith.constant 0 : i32
    %dma_wait3A_198 = tpu.memref_slice %arg4[%dma_wait3A_194, %dma_wait3A_197] : memref<32x819200xf32, #tpu.memory_space<hbm>> -> memref<1x512xf32, #tpu.memory_space<hbm>>
    %dma_wait3A_199 = tpu.memref_squeeze %dma_wait3A_198 : memref<1x512xf32, #tpu.memory_space<hbm>> -> memref<512xf32, #tpu.memory_space<hbm>>
    %dma_wait3A_200 = arith.constant 0 : i32
    %dma_wait3A_201 = tpu.memref_slice %arg4[%dma_wait3A_194, %dma_wait3A_200] : memref<32x819200xf32, #tpu.memory_space<hbm>> -> memref<1x512xf32, #tpu.memory_space<hbm>>
    %dma_wait3A_202 = tpu.memref_squeeze %dma_wait3A_201 : memref<1x512xf32, #tpu.memory_space<hbm>> -> memref<512xf32, #tpu.memory_space<hbm>>
    %dma_wait3A_203 = arith.constant 8320 : i32
    %dma_wait3A_204 = tpu.memref_slice %arg8[%dma_wait3A_203] : memref<16640xf32, #tpu.memory_space<vmem>> -> memref<512xf32, #tpu.memory_space<vmem>>
    tpu.wait_dma2 semaphore(%arg12 : memref<!tpu.dma_semaphore, #tpu.memory_space<semaphore_mem>>) src(%dma_wait3A_204 : memref<512xf32, #tpu.memory_space<vmem>>) dst(%dma_wait3A_202 : memref<512xf32, #tpu.memory_space<hbm>>)
    %dma_wait3A_205 = arith.constant 17 : i32
    %dma_wait3A_206 = arith.constant 8840 : i32
    %dma_wait3A_207 = tpu.memref_slice %arg8[%dma_wait3A_206] : memref<16640xf32, #tpu.memory_space<vmem>> -> memref<512xf32, #tpu.memory_space<vmem>>
    %dma_wait3A_208 = arith.constant 0 : i32
    %dma_wait3A_209 = tpu.memref_slice %arg4[%dma_wait3A_205, %dma_wait3A_208] : memref<32x819200xf32, #tpu.memory_space<hbm>> -> memref<1x512xf32, #tpu.memory_space<hbm>>
    %dma_wait3A_210 = tpu.memref_squeeze %dma_wait3A_209 : memref<1x512xf32, #tpu.memory_space<hbm>> -> memref<512xf32, #tpu.memory_space<hbm>>
    %dma_wait3A_211 = arith.constant 0 : i32
    %dma_wait3A_212 = tpu.memref_slice %arg4[%dma_wait3A_205, %dma_wait3A_211] : memref<32x819200xf32, #tpu.memory_space<hbm>> -> memref<1x512xf32, #tpu.memory_space<hbm>>
    %dma_wait3A_213 = tpu.memref_squeeze %dma_wait3A_212 : memref<1x512xf32, #tpu.memory_space<hbm>> -> memref<512xf32, #tpu.memory_space<hbm>>
    %dma_wait3A_214 = arith.constant 8840 : i32
    %dma_wait3A_215 = tpu.memref_slice %arg8[%dma_wait3A_214] : memref<16640xf32, #tpu.memory_space<vmem>> -> memref<512xf32, #tpu.memory_space<vmem>>
    tpu.wait_dma2 semaphore(%arg12 : memref<!tpu.dma_semaphore, #tpu.memory_space<semaphore_mem>>) src(%dma_wait3A_215 : memref<512xf32, #tpu.memory_space<vmem>>) dst(%dma_wait3A_213 : memref<512xf32, #tpu.memory_space<hbm>>)
    %dma_wait3A_216 = arith.constant 18 : i32
    %dma_wait3A_217 = arith.constant 9360 : i32
    %dma_wait3A_218 = tpu.memref_slice %arg8[%dma_wait3A_217] : memref<16640xf32, #tpu.memory_space<vmem>> -> memref<512xf32, #tpu.memory_space<vmem>>
    %dma_wait3A_219 = arith.constant 0 : i32
    %dma_wait3A_220 = tpu.memref_slice %arg4[%dma_wait3A_216, %dma_wait3A_219] : memref<32x819200xf32, #tpu.memory_space<hbm>> -> memref<1x512xf32, #tpu.memory_space<hbm>>
    %dma_wait3A_221 = tpu.memref_squeeze %dma_wait3A_220 : memref<1x512xf32, #tpu.memory_space<hbm>> -> memref<512xf32, #tpu.memory_space<hbm>>
    %dma_wait3A_222 = arith.constant 0 : i32
    %dma_wait3A_223 = tpu.memref_slice %arg4[%dma_wait3A_216, %dma_wait3A_222] : memref<32x819200xf32, #tpu.memory_space<hbm>> -> memref<1x512xf32, #tpu.memory_space<hbm>>
    %dma_wait3A_224 = tpu.memref_squeeze %dma_wait3A_223 : memref<1x512xf32, #tpu.memory_space<hbm>> -> memref<512xf32, #tpu.memory_space<hbm>>
    %dma_wait3A_225 = arith.constant 9360 : i32
    %dma_wait3A_226 = tpu.memref_slice %arg8[%dma_wait3A_225] : memref<16640xf32, #tpu.memory_space<vmem>> -> memref<512xf32, #tpu.memory_space<vmem>>
    tpu.wait_dma2 semaphore(%arg12 : memref<!tpu.dma_semaphore, #tpu.memory_space<semaphore_mem>>) src(%dma_wait3A_226 : memref<512xf32, #tpu.memory_space<vmem>>) dst(%dma_wait3A_224 : memref<512xf32, #tpu.memory_space<hbm>>)
    %dma_wait3A_227 = arith.constant 19 : i32
    %dma_wait3A_228 = arith.constant 9880 : i32
    %dma_wait3A_229 = tpu.memref_slice %arg8[%dma_wait3A_228] : memref<16640xf32, #tpu.memory_space<vmem>> -> memref<512xf32, #tpu.memory_space<vmem>>
    %dma_wait3A_230 = arith.constant 0 : i32
    %dma_wait3A_231 = tpu.memref_slice %arg4[%dma_wait3A_227, %dma_wait3A_230] : memref<32x819200xf32, #tpu.memory_space<hbm>> -> memref<1x512xf32, #tpu.memory_space<hbm>>
    %dma_wait3A_232 = tpu.memref_squeeze %dma_wait3A_231 : memref<1x512xf32, #tpu.memory_space<hbm>> -> memref<512xf32, #tpu.memory_space<hbm>>
    %dma_wait3A_233 = arith.constant 0 : i32
    %dma_wait3A_234 = tpu.memref_slice %arg4[%dma_wait3A_227, %dma_wait3A_233] : memref<32x819200xf32, #tpu.memory_space<hbm>> -> memref<1x512xf32, #tpu.memory_space<hbm>>
    %dma_wait3A_235 = tpu.memref_squeeze %dma_wait3A_234 : memref<1x512xf32, #tpu.memory_space<hbm>> -> memref<512xf32, #tpu.memory_space<hbm>>
    %dma_wait3A_236 = arith.constant 9880 : i32
    %dma_wait3A_237 = tpu.memref_slice %arg8[%dma_wait3A_236] : memref<16640xf32, #tpu.memory_space<vmem>> -> memref<512xf32, #tpu.memory_space<vmem>>
    tpu.wait_dma2 semaphore(%arg12 : memref<!tpu.dma_semaphore, #tpu.memory_space<semaphore_mem>>) src(%dma_wait3A_237 : memref<512xf32, #tpu.memory_space<vmem>>) dst(%dma_wait3A_235 : memref<512xf32, #tpu.memory_space<hbm>>)
    %dma_wait3A_238 = arith.constant 20 : i32
    %dma_wait3A_239 = arith.constant 10400 : i32
    %dma_wait3A_240 = tpu.memref_slice %arg8[%dma_wait3A_239] : memref<16640xf32, #tpu.memory_space<vmem>> -> memref<512xf32, #tpu.memory_space<vmem>>
    %dma_wait3A_241 = arith.constant 0 : i32
    %dma_wait3A_242 = tpu.memref_slice %arg4[%dma_wait3A_238, %dma_wait3A_241] : memref<32x819200xf32, #tpu.memory_space<hbm>> -> memref<1x512xf32, #tpu.memory_space<hbm>>
    %dma_wait3A_243 = tpu.memref_squeeze %dma_wait3A_242 : memref<1x512xf32, #tpu.memory_space<hbm>> -> memref<512xf32, #tpu.memory_space<hbm>>
    %dma_wait3A_244 = arith.constant 0 : i32
    %dma_wait3A_245 = tpu.memref_slice %arg4[%dma_wait3A_238, %dma_wait3A_244] : memref<32x819200xf32, #tpu.memory_space<hbm>> -> memref<1x512xf32, #tpu.memory_space<hbm>>
    %dma_wait3A_246 = tpu.memref_squeeze %dma_wait3A_245 : memref<1x512xf32, #tpu.memory_space<hbm>> -> memref<512xf32, #tpu.memory_space<hbm>>
    %dma_wait3A_247 = arith.constant 10400 : i32
    %dma_wait3A_248 = tpu.memref_slice %arg8[%dma_wait3A_247] : memref<16640xf32, #tpu.memory_space<vmem>> -> memref<512xf32, #tpu.memory_space<vmem>>
    tpu.wait_dma2 semaphore(%arg12 : memref<!tpu.dma_semaphore, #tpu.memory_space<semaphore_mem>>) src(%dma_wait3A_248 : memref<512xf32, #tpu.memory_space<vmem>>) dst(%dma_wait3A_246 : memref<512xf32, #tpu.memory_space<hbm>>)
    %dma_wait3A_249 = arith.constant 21 : i32
    %dma_wait3A_250 = arith.constant 10920 : i32
    %dma_wait3A_251 = tpu.memref_slice %arg8[%dma_wait3A_250] : memref<16640xf32, #tpu.memory_space<vmem>> -> memref<512xf32, #tpu.memory_space<vmem>>
    %dma_wait3A_252 = arith.constant 0 : i32
    %dma_wait3A_253 = tpu.memref_slice %arg4[%dma_wait3A_249, %dma_wait3A_252] : memref<32x819200xf32, #tpu.memory_space<hbm>> -> memref<1x512xf32, #tpu.memory_space<hbm>>
    %dma_wait3A_254 = tpu.memref_squeeze %dma_wait3A_253 : memref<1x512xf32, #tpu.memory_space<hbm>> -> memref<512xf32, #tpu.memory_space<hbm>>
    %dma_wait3A_255 = arith.constant 0 : i32
    %dma_wait3A_256 = tpu.memref_slice %arg4[%dma_wait3A_249, %dma_wait3A_255] : memref<32x819200xf32, #tpu.memory_space<hbm>> -> memref<1x512xf32, #tpu.memory_space<hbm>>
    %dma_wait3A_257 = tpu.memref_squeeze %dma_wait3A_256 : memref<1x512xf32, #tpu.memory_space<hbm>> -> memref<512xf32, #tpu.memory_space<hbm>>
    %dma_wait3A_258 = arith.constant 10920 : i32
    %dma_wait3A_259 = tpu.memref_slice %arg8[%dma_wait3A_258] : memref<16640xf32, #tpu.memory_space<vmem>> -> memref<512xf32, #tpu.memory_space<vmem>>
    tpu.wait_dma2 semaphore(%arg12 : memref<!tpu.dma_semaphore, #tpu.memory_space<semaphore_mem>>) src(%dma_wait3A_259 : memref<512xf32, #tpu.memory_space<vmem>>) dst(%dma_wait3A_257 : memref<512xf32, #tpu.memory_space<hbm>>)
    %dma_wait3A_260 = arith.constant 22 : i32
    %dma_wait3A_261 = arith.constant 11440 : i32
    %dma_wait3A_262 = tpu.memref_slice %arg8[%dma_wait3A_261] : memref<16640xf32, #tpu.memory_space<vmem>> -> memref<512xf32, #tpu.memory_space<vmem>>
    %dma_wait3A_263 = arith.constant 0 : i32
    %dma_wait3A_264 = tpu.memref_slice %arg4[%dma_wait3A_260, %dma_wait3A_263] : memref<32x819200xf32, #tpu.memory_space<hbm>> -> memref<1x512xf32, #tpu.memory_space<hbm>>
    %dma_wait3A_265 = tpu.memref_squeeze %dma_wait3A_264 : memref<1x512xf32, #tpu.memory_space<hbm>> -> memref<512xf32, #tpu.memory_space<hbm>>
    %dma_wait3A_266 = arith.constant 0 : i32
    %dma_wait3A_267 = tpu.memref_slice %arg4[%dma_wait3A_260, %dma_wait3A_266] : memref<32x819200xf32, #tpu.memory_space<hbm>> -> memref<1x512xf32, #tpu.memory_space<hbm>>
    %dma_wait3A_268 = tpu.memref_squeeze %dma_wait3A_267 : memref<1x512xf32, #tpu.memory_space<hbm>> -> memref<512xf32, #tpu.memory_space<hbm>>
    %dma_wait3A_269 = arith.constant 11440 : i32
    %dma_wait3A_270 = tpu.memref_slice %arg8[%dma_wait3A_269] : memref<16640xf32, #tpu.memory_space<vmem>> -> memref<512xf32, #tpu.memory_space<vmem>>
    tpu.wait_dma2 semaphore(%arg12 : memref<!tpu.dma_semaphore, #tpu.memory_space<semaphore_mem>>) src(%dma_wait3A_270 : memref<512xf32, #tpu.memory_space<vmem>>) dst(%dma_wait3A_268 : memref<512xf32, #tpu.memory_space<hbm>>)
    %dma_wait3A_271 = arith.constant 23 : i32
    %dma_wait3A_272 = arith.constant 11960 : i32
    %dma_wait3A_273 = tpu.memref_slice %arg8[%dma_wait3A_272] : memref<16640xf32, #tpu.memory_space<vmem>> -> memref<512xf32, #tpu.memory_space<vmem>>
    %dma_wait3A_274 = arith.constant 0 : i32
    %dma_wait3A_275 = tpu.memref_slice %arg4[%dma_wait3A_271, %dma_wait3A_274] : memref<32x819200xf32, #tpu.memory_space<hbm>> -> memref<1x512xf32, #tpu.memory_space<hbm>>
    %dma_wait3A_276 = tpu.memref_squeeze %dma_wait3A_275 : memref<1x512xf32, #tpu.memory_space<hbm>> -> memref<512xf32, #tpu.memory_space<hbm>>
    %dma_wait3A_277 = arith.constant 0 : i32
    %dma_wait3A_278 = tpu.memref_slice %arg4[%dma_wait3A_271, %dma_wait3A_277] : memref<32x819200xf32, #tpu.memory_space<hbm>> -> memref<1x512xf32, #tpu.memory_space<hbm>>
    %dma_wait3A_279 = tpu.memref_squeeze %dma_wait3A_278 : memref<1x512xf32, #tpu.memory_space<hbm>> -> memref<512xf32, #tpu.memory_space<hbm>>
    %dma_wait3A_280 = arith.constant 11960 : i32
    %dma_wait3A_281 = tpu.memref_slice %arg8[%dma_wait3A_280] : memref<16640xf32, #tpu.memory_space<vmem>> -> memref<512xf32, #tpu.memory_space<vmem>>
    tpu.wait_dma2 semaphore(%arg12 : memref<!tpu.dma_semaphore, #tpu.memory_space<semaphore_mem>>) src(%dma_wait3A_281 : memref<512xf32, #tpu.memory_space<vmem>>) dst(%dma_wait3A_279 : memref<512xf32, #tpu.memory_space<hbm>>)
    %dma_wait3A_282 = arith.constant 24 : i32
    %dma_wait3A_283 = arith.constant 12480 : i32
    %dma_wait3A_284 = tpu.memref_slice %arg8[%dma_wait3A_283] : memref<16640xf32, #tpu.memory_space<vmem>> -> memref<512xf32, #tpu.memory_space<vmem>>
    %dma_wait3A_285 = arith.constant 0 : i32
    %dma_wait3A_286 = tpu.memref_slice %arg4[%dma_wait3A_282, %dma_wait3A_285] : memref<32x819200xf32, #tpu.memory_space<hbm>> -> memref<1x512xf32, #tpu.memory_space<hbm>>
    %dma_wait3A_287 = tpu.memref_squeeze %dma_wait3A_286 : memref<1x512xf32, #tpu.memory_space<hbm>> -> memref<512xf32, #tpu.memory_space<hbm>>
    %dma_wait3A_288 = arith.constant 0 : i32
    %dma_wait3A_289 = tpu.memref_slice %arg4[%dma_wait3A_282, %dma_wait3A_288] : memref<32x819200xf32, #tpu.memory_space<hbm>> -> memref<1x512xf32, #tpu.memory_space<hbm>>
    %dma_wait3A_290 = tpu.memref_squeeze %dma_wait3A_289 : memref<1x512xf32, #tpu.memory_space<hbm>> -> memref<512xf32, #tpu.memory_space<hbm>>
    %dma_wait3A_291 = arith.constant 12480 : i32
    %dma_wait3A_292 = tpu.memref_slice %arg8[%dma_wait3A_291] : memref<16640xf32, #tpu.memory_space<vmem>> -> memref<512xf32, #tpu.memory_space<vmem>>
    tpu.wait_dma2 semaphore(%arg12 : memref<!tpu.dma_semaphore, #tpu.memory_space<semaphore_mem>>) src(%dma_wait3A_292 : memref<512xf32, #tpu.memory_space<vmem>>) dst(%dma_wait3A_290 : memref<512xf32, #tpu.memory_space<hbm>>)
    %dma_wait3A_293 = arith.constant 25 : i32
    %dma_wait3A_294 = arith.constant 13000 : i32
    %dma_wait3A_295 = tpu.memref_slice %arg8[%dma_wait3A_294] : memref<16640xf32, #tpu.memory_space<vmem>> -> memref<512xf32, #tpu.memory_space<vmem>>
    %dma_wait3A_296 = arith.constant 0 : i32
    %dma_wait3A_297 = tpu.memref_slice %arg4[%dma_wait3A_293, %dma_wait3A_296] : memref<32x819200xf32, #tpu.memory_space<hbm>> -> memref<1x512xf32, #tpu.memory_space<hbm>>
    %dma_wait3A_298 = tpu.memref_squeeze %dma_wait3A_297 : memref<1x512xf32, #tpu.memory_space<hbm>> -> memref<512xf32, #tpu.memory_space<hbm>>
    %dma_wait3A_299 = arith.constant 0 : i32
    %dma_wait3A_300 = tpu.memref_slice %arg4[%dma_wait3A_293, %dma_wait3A_299] : memref<32x819200xf32, #tpu.memory_space<hbm>> -> memref<1x512xf32, #tpu.memory_space<hbm>>
    %dma_wait3A_301 = tpu.memref_squeeze %dma_wait3A_300 : memref<1x512xf32, #tpu.memory_space<hbm>> -> memref<512xf32, #tpu.memory_space<hbm>>
    %dma_wait3A_302 = arith.constant 13000 : i32
    %dma_wait3A_303 = tpu.memref_slice %arg8[%dma_wait3A_302] : memref<16640xf32, #tpu.memory_space<vmem>> -> memref<512xf32, #tpu.memory_space<vmem>>
    tpu.wait_dma2 semaphore(%arg12 : memref<!tpu.dma_semaphore, #tpu.memory_space<semaphore_mem>>) src(%dma_wait3A_303 : memref<512xf32, #tpu.memory_space<vmem>>) dst(%dma_wait3A_301 : memref<512xf32, #tpu.memory_space<hbm>>)
    %dma_wait3A_304 = arith.constant 26 : i32
    %dma_wait3A_305 = arith.constant 13520 : i32
    %dma_wait3A_306 = tpu.memref_slice %arg8[%dma_wait3A_305] : memref<16640xf32, #tpu.memory_space<vmem>> -> memref<512xf32, #tpu.memory_space<vmem>>
    %dma_wait3A_307 = arith.constant 0 : i32
    %dma_wait3A_308 = tpu.memref_slice %arg4[%dma_wait3A_304, %dma_wait3A_307] : memref<32x819200xf32, #tpu.memory_space<hbm>> -> memref<1x512xf32, #tpu.memory_space<hbm>>
    %dma_wait3A_309 = tpu.memref_squeeze %dma_wait3A_308 : memref<1x512xf32, #tpu.memory_space<hbm>> -> memref<512xf32, #tpu.memory_space<hbm>>
    %dma_wait3A_310 = arith.constant 0 : i32
    %dma_wait3A_311 = tpu.memref_slice %arg4[%dma_wait3A_304, %dma_wait3A_310] : memref<32x819200xf32, #tpu.memory_space<hbm>> -> memref<1x512xf32, #tpu.memory_space<hbm>>
    %dma_wait3A_312 = tpu.memref_squeeze %dma_wait3A_311 : memref<1x512xf32, #tpu.memory_space<hbm>> -> memref<512xf32, #tpu.memory_space<hbm>>
    %dma_wait3A_313 = arith.constant 13520 : i32
    %dma_wait3A_314 = tpu.memref_slice %arg8[%dma_wait3A_313] : memref<16640xf32, #tpu.memory_space<vmem>> -> memref<512xf32, #tpu.memory_space<vmem>>
    tpu.wait_dma2 semaphore(%arg12 : memref<!tpu.dma_semaphore, #tpu.memory_space<semaphore_mem>>) src(%dma_wait3A_314 : memref<512xf32, #tpu.memory_space<vmem>>) dst(%dma_wait3A_312 : memref<512xf32, #tpu.memory_space<hbm>>)
    %dma_wait3A_315 = arith.constant 27 : i32
    %dma_wait3A_316 = arith.constant 14040 : i32
    %dma_wait3A_317 = tpu.memref_slice %arg8[%dma_wait3A_316] : memref<16640xf32, #tpu.memory_space<vmem>> -> memref<512xf32, #tpu.memory_space<vmem>>
    %dma_wait3A_318 = arith.constant 0 : i32
    %dma_wait3A_319 = tpu.memref_slice %arg4[%dma_wait3A_315, %dma_wait3A_318] : memref<32x819200xf32, #tpu.memory_space<hbm>> -> memref<1x512xf32, #tpu.memory_space<hbm>>
    %dma_wait3A_320 = tpu.memref_squeeze %dma_wait3A_319 : memref<1x512xf32, #tpu.memory_space<hbm>> -> memref<512xf32, #tpu.memory_space<hbm>>
    %dma_wait3A_321 = arith.constant 0 : i32
    %dma_wait3A_322 = tpu.memref_slice %arg4[%dma_wait3A_315, %dma_wait3A_321] : memref<32x819200xf32, #tpu.memory_space<hbm>> -> memref<1x512xf32, #tpu.memory_space<hbm>>
    %dma_wait3A_323 = tpu.memref_squeeze %dma_wait3A_322 : memref<1x512xf32, #tpu.memory_space<hbm>> -> memref<512xf32, #tpu.memory_space<hbm>>
    %dma_wait3A_324 = arith.constant 14040 : i32
    %dma_wait3A_325 = tpu.memref_slice %arg8[%dma_wait3A_324] : memref<16640xf32, #tpu.memory_space<vmem>> -> memref<512xf32, #tpu.memory_space<vmem>>
    tpu.wait_dma2 semaphore(%arg12 : memref<!tpu.dma_semaphore, #tpu.memory_space<semaphore_mem>>) src(%dma_wait3A_325 : memref<512xf32, #tpu.memory_space<vmem>>) dst(%dma_wait3A_323 : memref<512xf32, #tpu.memory_space<hbm>>)
    %dma_wait3A_326 = arith.constant 28 : i32
    %dma_wait3A_327 = arith.constant 14560 : i32
    %dma_wait3A_328 = tpu.memref_slice %arg8[%dma_wait3A_327] : memref<16640xf32, #tpu.memory_space<vmem>> -> memref<512xf32, #tpu.memory_space<vmem>>
    %dma_wait3A_329 = arith.constant 0 : i32
    %dma_wait3A_330 = tpu.memref_slice %arg4[%dma_wait3A_326, %dma_wait3A_329] : memref<32x819200xf32, #tpu.memory_space<hbm>> -> memref<1x512xf32, #tpu.memory_space<hbm>>
    %dma_wait3A_331 = tpu.memref_squeeze %dma_wait3A_330 : memref<1x512xf32, #tpu.memory_space<hbm>> -> memref<512xf32, #tpu.memory_space<hbm>>
    %dma_wait3A_332 = arith.constant 0 : i32
    %dma_wait3A_333 = tpu.memref_slice %arg4[%dma_wait3A_326, %dma_wait3A_332] : memref<32x819200xf32, #tpu.memory_space<hbm>> -> memref<1x512xf32, #tpu.memory_space<hbm>>
    %dma_wait3A_334 = tpu.memref_squeeze %dma_wait3A_333 : memref<1x512xf32, #tpu.memory_space<hbm>> -> memref<512xf32, #tpu.memory_space<hbm>>
    %dma_wait3A_335 = arith.constant 14560 : i32
    %dma_wait3A_336 = tpu.memref_slice %arg8[%dma_wait3A_335] : memref<16640xf32, #tpu.memory_space<vmem>> -> memref<512xf32, #tpu.memory_space<vmem>>
    tpu.wait_dma2 semaphore(%arg12 : memref<!tpu.dma_semaphore, #tpu.memory_space<semaphore_mem>>) src(%dma_wait3A_336 : memref<512xf32, #tpu.memory_space<vmem>>) dst(%dma_wait3A_334 : memref<512xf32, #tpu.memory_space<hbm>>)
    %dma_wait3A_337 = arith.constant 29 : i32
    %dma_wait3A_338 = arith.constant 15080 : i32
    %dma_wait3A_339 = tpu.memref_slice %arg8[%dma_wait3A_338] : memref<16640xf32, #tpu.memory_space<vmem>> -> memref<512xf32, #tpu.memory_space<vmem>>
    %dma_wait3A_340 = arith.constant 0 : i32
    %dma_wait3A_341 = tpu.memref_slice %arg4[%dma_wait3A_337, %dma_wait3A_340] : memref<32x819200xf32, #tpu.memory_space<hbm>> -> memref<1x512xf32, #tpu.memory_space<hbm>>
    %dma_wait3A_342 = tpu.memref_squeeze %dma_wait3A_341 : memref<1x512xf32, #tpu.memory_space<hbm>> -> memref<512xf32, #tpu.memory_space<hbm>>
    %dma_wait3A_343 = arith.constant 0 : i32
    %dma_wait3A_344 = tpu.memref_slice %arg4[%dma_wait3A_337, %dma_wait3A_343] : memref<32x819200xf32, #tpu.memory_space<hbm>> -> memref<1x512xf32, #tpu.memory_space<hbm>>
    %dma_wait3A_345 = tpu.memref_squeeze %dma_wait3A_344 : memref<1x512xf32, #tpu.memory_space<hbm>> -> memref<512xf32, #tpu.memory_space<hbm>>
    %dma_wait3A_346 = arith.constant 15080 : i32
    %dma_wait3A_347 = tpu.memref_slice %arg8[%dma_wait3A_346] : memref<16640xf32, #tpu.memory_space<vmem>> -> memref<512xf32, #tpu.memory_space<vmem>>
    tpu.wait_dma2 semaphore(%arg12 : memref<!tpu.dma_semaphore, #tpu.memory_space<semaphore_mem>>) src(%dma_wait3A_347 : memref<512xf32, #tpu.memory_space<vmem>>) dst(%dma_wait3A_345 : memref<512xf32, #tpu.memory_space<hbm>>)
    %dma_wait3A_348 = arith.constant 30 : i32
    %dma_wait3A_349 = arith.constant 15600 : i32
    %dma_wait3A_350 = tpu.memref_slice %arg8[%dma_wait3A_349] : memref<16640xf32, #tpu.memory_space<vmem>> -> memref<512xf32, #tpu.memory_space<vmem>>
    %dma_wait3A_351 = arith.constant 0 : i32
    %dma_wait3A_352 = tpu.memref_slice %arg4[%dma_wait3A_348, %dma_wait3A_351] : memref<32x819200xf32, #tpu.memory_space<hbm>> -> memref<1x512xf32, #tpu.memory_space<hbm>>
    %dma_wait3A_353 = tpu.memref_squeeze %dma_wait3A_352 : memref<1x512xf32, #tpu.memory_space<hbm>> -> memref<512xf32, #tpu.memory_space<hbm>>
    %dma_wait3A_354 = arith.constant 0 : i32
    %dma_wait3A_355 = tpu.memref_slice %arg4[%dma_wait3A_348, %dma_wait3A_354] : memref<32x819200xf32, #tpu.memory_space<hbm>> -> memref<1x512xf32, #tpu.memory_space<hbm>>
    %dma_wait3A_356 = tpu.memref_squeeze %dma_wait3A_355 : memref<1x512xf32, #tpu.memory_space<hbm>> -> memref<512xf32, #tpu.memory_space<hbm>>
    %dma_wait3A_357 = arith.constant 15600 : i32
    %dma_wait3A_358 = tpu.memref_slice %arg8[%dma_wait3A_357] : memref<16640xf32, #tpu.memory_space<vmem>> -> memref<512xf32, #tpu.memory_space<vmem>>
    tpu.wait_dma2 semaphore(%arg12 : memref<!tpu.dma_semaphore, #tpu.memory_space<semaphore_mem>>) src(%dma_wait3A_358 : memref<512xf32, #tpu.memory_space<vmem>>) dst(%dma_wait3A_356 : memref<512xf32, #tpu.memory_space<hbm>>)
    %dma_wait3A_359 = arith.constant 31 : i32
    %dma_wait3A_360 = arith.constant 16120 : i32
    %dma_wait3A_361 = tpu.memref_slice %arg8[%dma_wait3A_360] : memref<16640xf32, #tpu.memory_space<vmem>> -> memref<512xf32, #tpu.memory_space<vmem>>
    %dma_wait3A_362 = arith.constant 0 : i32
    %dma_wait3A_363 = tpu.memref_slice %arg4[%dma_wait3A_359, %dma_wait3A_362] : memref<32x819200xf32, #tpu.memory_space<hbm>> -> memref<1x512xf32, #tpu.memory_space<hbm>>
    %dma_wait3A_364 = tpu.memref_squeeze %dma_wait3A_363 : memref<1x512xf32, #tpu.memory_space<hbm>> -> memref<512xf32, #tpu.memory_space<hbm>>
    %dma_wait3A_365 = arith.constant 0 : i32
    %dma_wait3A_366 = tpu.memref_slice %arg4[%dma_wait3A_359, %dma_wait3A_365] : memref<32x819200xf32, #tpu.memory_space<hbm>> -> memref<1x512xf32, #tpu.memory_space<hbm>>
    %dma_wait3A_367 = tpu.memref_squeeze %dma_wait3A_366 : memref<1x512xf32, #tpu.memory_space<hbm>> -> memref<512xf32, #tpu.memory_space<hbm>>
    %dma_wait3A_368 = arith.constant 16120 : i32
    %dma_wait3A_369 = tpu.memref_slice %arg8[%dma_wait3A_368] : memref<16640xf32, #tpu.memory_space<vmem>> -> memref<512xf32, #tpu.memory_space<vmem>>
    tpu.wait_dma2 semaphore(%arg12 : memref<!tpu.dma_semaphore, #tpu.memory_space<semaphore_mem>>) src(%dma_wait3A_369 : memref<512xf32, #tpu.memory_space<vmem>>) dst(%dma_wait3A_367 : memref<512xf32, #tpu.memory_space<hbm>>)
    %dma_wait3A_370 = arith.constant 0 : i32
    %dma_wait3A_371 = arith.constant 0 : i32
    %dma_wait3A_372 = tpu.memref_slice %arg9[%dma_wait3A_371] : memref<16640xf32, #tpu.memory_space<vmem>> -> memref<512xf32, #tpu.memory_space<vmem>>
    %dma_wait3A_373 = arith.constant 0 : i32
    %dma_wait3A_374 = tpu.memref_slice %arg4[%dma_wait3A_370, %dma_wait3A_373] : memref<32x819200xf32, #tpu.memory_space<hbm>> -> memref<1x512xf32, #tpu.memory_space<hbm>>
    %dma_wait3A_375 = tpu.memref_squeeze %dma_wait3A_374 : memref<1x512xf32, #tpu.memory_space<hbm>> -> memref<512xf32, #tpu.memory_space<hbm>>
    %dma_wait3A_376 = arith.constant 0 : i32
    %dma_wait3A_377 = tpu.memref_slice %arg4[%dma_wait3A_370, %dma_wait3A_376] : memref<32x819200xf32, #tpu.memory_space<hbm>> -> memref<1x512xf32, #tpu.memory_space<hbm>>
    %dma_wait3A_378 = tpu.memref_squeeze %dma_wait3A_377 : memref<1x512xf32, #tpu.memory_space<hbm>> -> memref<512xf32, #tpu.memory_space<hbm>>
    %dma_wait3A_379 = arith.constant 0 : i32
    %dma_wait3A_380 = tpu.memref_slice %arg9[%dma_wait3A_379] : memref<16640xf32, #tpu.memory_space<vmem>> -> memref<512xf32, #tpu.memory_space<vmem>>
    tpu.wait_dma2 semaphore(%arg13 : memref<!tpu.dma_semaphore, #tpu.memory_space<semaphore_mem>>) src(%dma_wait3A_380 : memref<512xf32, #tpu.memory_space<vmem>>) dst(%dma_wait3A_378 : memref<512xf32, #tpu.memory_space<hbm>>)
    %dma_wait3A_381 = arith.constant 1 : i32
    %dma_wait3A_382 = arith.constant 520 : i32
    %dma_wait3A_383 = tpu.memref_slice %arg9[%dma_wait3A_382] : memref<16640xf32, #tpu.memory_space<vmem>> -> memref<512xf32, #tpu.memory_space<vmem>>
    %dma_wait3A_384 = arith.constant 0 : i32
    %dma_wait3A_385 = tpu.memref_slice %arg4[%dma_wait3A_381, %dma_wait3A_384] : memref<32x819200xf32, #tpu.memory_space<hbm>> -> memref<1x512xf32, #tpu.memory_space<hbm>>
    %dma_wait3A_386 = tpu.memref_squeeze %dma_wait3A_385 : memref<1x512xf32, #tpu.memory_space<hbm>> -> memref<512xf32, #tpu.memory_space<hbm>>
    %dma_wait3A_387 = arith.constant 0 : i32
    %dma_wait3A_388 = tpu.memref_slice %arg4[%dma_wait3A_381, %dma_wait3A_387] : memref<32x819200xf32, #tpu.memory_space<hbm>> -> memref<1x512xf32, #tpu.memory_space<hbm>>
    %dma_wait3A_389 = tpu.memref_squeeze %dma_wait3A_388 : memref<1x512xf32, #tpu.memory_space<hbm>> -> memref<512xf32, #tpu.memory_space<hbm>>
    %dma_wait3A_390 = arith.constant 520 : i32
    %dma_wait3A_391 = tpu.memref_slice %arg9[%dma_wait3A_390] : memref<16640xf32, #tpu.memory_space<vmem>> -> memref<512xf32, #tpu.memory_space<vmem>>
    tpu.wait_dma2 semaphore(%arg13 : memref<!tpu.dma_semaphore, #tpu.memory_space<semaphore_mem>>) src(%dma_wait3A_391 : memref<512xf32, #tpu.memory_space<vmem>>) dst(%dma_wait3A_389 : memref<512xf32, #tpu.memory_space<hbm>>)
    %dma_wait3A_392 = arith.constant 2 : i32
    %dma_wait3A_393 = arith.constant 1040 : i32
    %dma_wait3A_394 = tpu.memref_slice %arg9[%dma_wait3A_393] : memref<16640xf32, #tpu.memory_space<vmem>> -> memref<512xf32, #tpu.memory_space<vmem>>
    %dma_wait3A_395 = arith.constant 0 : i32
    %dma_wait3A_396 = tpu.memref_slice %arg4[%dma_wait3A_392, %dma_wait3A_395] : memref<32x819200xf32, #tpu.memory_space<hbm>> -> memref<1x512xf32, #tpu.memory_space<hbm>>
    %dma_wait3A_397 = tpu.memref_squeeze %dma_wait3A_396 : memref<1x512xf32, #tpu.memory_space<hbm>> -> memref<512xf32, #tpu.memory_space<hbm>>
    %dma_wait3A_398 = arith.constant 0 : i32
    %dma_wait3A_399 = tpu.memref_slice %arg4[%dma_wait3A_392, %dma_wait3A_398] : memref<32x819200xf32, #tpu.memory_space<hbm>> -> memref<1x512xf32, #tpu.memory_space<hbm>>
    %dma_wait3A_400 = tpu.memref_squeeze %dma_wait3A_399 : memref<1x512xf32, #tpu.memory_space<hbm>> -> memref<512xf32, #tpu.memory_space<hbm>>
    %dma_wait3A_401 = arith.constant 1040 : i32
    %dma_wait3A_402 = tpu.memref_slice %arg9[%dma_wait3A_401] : memref<16640xf32, #tpu.memory_space<vmem>> -> memref<512xf32, #tpu.memory_space<vmem>>
    tpu.wait_dma2 semaphore(%arg13 : memref<!tpu.dma_semaphore, #tpu.memory_space<semaphore_mem>>) src(%dma_wait3A_402 : memref<512xf32, #tpu.memory_space<vmem>>) dst(%dma_wait3A_400 : memref<512xf32, #tpu.memory_space<hbm>>)
    %dma_wait3A_403 = arith.constant 3 : i32
    %dma_wait3A_404 = arith.constant 1560 : i32
    %dma_wait3A_405 = tpu.memref_slice %arg9[%dma_wait3A_404] : memref<16640xf32, #tpu.memory_space<vmem>> -> memref<512xf32, #tpu.memory_space<vmem>>
    %dma_wait3A_406 = arith.constant 0 : i32
    %dma_wait3A_407 = tpu.memref_slice %arg4[%dma_wait3A_403, %dma_wait3A_406] : memref<32x819200xf32, #tpu.memory_space<hbm>> -> memref<1x512xf32, #tpu.memory_space<hbm>>
    %dma_wait3A_408 = tpu.memref_squeeze %dma_wait3A_407 : memref<1x512xf32, #tpu.memory_space<hbm>> -> memref<512xf32, #tpu.memory_space<hbm>>
    %dma_wait3A_409 = arith.constant 0 : i32
    %dma_wait3A_410 = tpu.memref_slice %arg4[%dma_wait3A_403, %dma_wait3A_409] : memref<32x819200xf32, #tpu.memory_space<hbm>> -> memref<1x512xf32, #tpu.memory_space<hbm>>
    %dma_wait3A_411 = tpu.memref_squeeze %dma_wait3A_410 : memref<1x512xf32, #tpu.memory_space<hbm>> -> memref<512xf32, #tpu.memory_space<hbm>>
    %dma_wait3A_412 = arith.constant 1560 : i32
    %dma_wait3A_413 = tpu.memref_slice %arg9[%dma_wait3A_412] : memref<16640xf32, #tpu.memory_space<vmem>> -> memref<512xf32, #tpu.memory_space<vmem>>
    tpu.wait_dma2 semaphore(%arg13 : memref<!tpu.dma_semaphore, #tpu.memory_space<semaphore_mem>>) src(%dma_wait3A_413 : memref<512xf32, #tpu.memory_space<vmem>>) dst(%dma_wait3A_411 : memref<512xf32, #tpu.memory_space<hbm>>)
    %dma_wait3A_414 = arith.constant 4 : i32
    %dma_wait3A_415 = arith.constant 2080 : i32
    %dma_wait3A_416 = tpu.memref_slice %arg9[%dma_wait3A_415] : memref<16640xf32, #tpu.memory_space<vmem>> -> memref<512xf32, #tpu.memory_space<vmem>>
    %dma_wait3A_417 = arith.constant 0 : i32
    %dma_wait3A_418 = tpu.memref_slice %arg4[%dma_wait3A_414, %dma_wait3A_417] : memref<32x819200xf32, #tpu.memory_space<hbm>> -> memref<1x512xf32, #tpu.memory_space<hbm>>
    %dma_wait3A_419 = tpu.memref_squeeze %dma_wait3A_418 : memref<1x512xf32, #tpu.memory_space<hbm>> -> memref<512xf32, #tpu.memory_space<hbm>>
    %dma_wait3A_420 = arith.constant 0 : i32
    %dma_wait3A_421 = tpu.memref_slice %arg4[%dma_wait3A_414, %dma_wait3A_420] : memref<32x819200xf32, #tpu.memory_space<hbm>> -> memref<1x512xf32, #tpu.memory_space<hbm>>
    %dma_wait3A_422 = tpu.memref_squeeze %dma_wait3A_421 : memref<1x512xf32, #tpu.memory_space<hbm>> -> memref<512xf32, #tpu.memory_space<hbm>>
    %dma_wait3A_423 = arith.constant 2080 : i32
    %dma_wait3A_424 = tpu.memref_slice %arg9[%dma_wait3A_423] : memref<16640xf32, #tpu.memory_space<vmem>> -> memref<512xf32, #tpu.memory_space<vmem>>
    tpu.wait_dma2 semaphore(%arg13 : memref<!tpu.dma_semaphore, #tpu.memory_space<semaphore_mem>>) src(%dma_wait3A_424 : memref<512xf32, #tpu.memory_space<vmem>>) dst(%dma_wait3A_422 : memref<512xf32, #tpu.memory_space<hbm>>)
    %dma_wait3A_425 = arith.constant 5 : i32
    %dma_wait3A_426 = arith.constant 2600 : i32
    %dma_wait3A_427 = tpu.memref_slice %arg9[%dma_wait3A_426] : memref<16640xf32, #tpu.memory_space<vmem>> -> memref<512xf32, #tpu.memory_space<vmem>>
    %dma_wait3A_428 = arith.constant 0 : i32
    %dma_wait3A_429 = tpu.memref_slice %arg4[%dma_wait3A_425, %dma_wait3A_428] : memref<32x819200xf32, #tpu.memory_space<hbm>> -> memref<1x512xf32, #tpu.memory_space<hbm>>
    %dma_wait3A_430 = tpu.memref_squeeze %dma_wait3A_429 : memref<1x512xf32, #tpu.memory_space<hbm>> -> memref<512xf32, #tpu.memory_space<hbm>>
    %dma_wait3A_431 = arith.constant 0 : i32
    %dma_wait3A_432 = tpu.memref_slice %arg4[%dma_wait3A_425, %dma_wait3A_431] : memref<32x819200xf32, #tpu.memory_space<hbm>> -> memref<1x512xf32, #tpu.memory_space<hbm>>
    %dma_wait3A_433 = tpu.memref_squeeze %dma_wait3A_432 : memref<1x512xf32, #tpu.memory_space<hbm>> -> memref<512xf32, #tpu.memory_space<hbm>>
    %dma_wait3A_434 = arith.constant 2600 : i32
    %dma_wait3A_435 = tpu.memref_slice %arg9[%dma_wait3A_434] : memref<16640xf32, #tpu.memory_space<vmem>> -> memref<512xf32, #tpu.memory_space<vmem>>
    tpu.wait_dma2 semaphore(%arg13 : memref<!tpu.dma_semaphore, #tpu.memory_space<semaphore_mem>>) src(%dma_wait3A_435 : memref<512xf32, #tpu.memory_space<vmem>>) dst(%dma_wait3A_433 : memref<512xf32, #tpu.memory_space<hbm>>)
    %dma_wait3A_436 = arith.constant 6 : i32
    %dma_wait3A_437 = arith.constant 3120 : i32
    %dma_wait3A_438 = tpu.memref_slice %arg9[%dma_wait3A_437] : memref<16640xf32, #tpu.memory_space<vmem>> -> memref<512xf32, #tpu.memory_space<vmem>>
    %dma_wait3A_439 = arith.constant 0 : i32
    %dma_wait3A_440 = tpu.memref_slice %arg4[%dma_wait3A_436, %dma_wait3A_439] : memref<32x819200xf32, #tpu.memory_space<hbm>> -> memref<1x512xf32, #tpu.memory_space<hbm>>
    %dma_wait3A_441 = tpu.memref_squeeze %dma_wait3A_440 : memref<1x512xf32, #tpu.memory_space<hbm>> -> memref<512xf32, #tpu.memory_space<hbm>>
    %dma_wait3A_442 = arith.constant 0 : i32
    %dma_wait3A_443 = tpu.memref_slice %arg4[%dma_wait3A_436, %dma_wait3A_442] : memref<32x819200xf32, #tpu.memory_space<hbm>> -> memref<1x512xf32, #tpu.memory_space<hbm>>
    %dma_wait3A_444 = tpu.memref_squeeze %dma_wait3A_443 : memref<1x512xf32, #tpu.memory_space<hbm>> -> memref<512xf32, #tpu.memory_space<hbm>>
    %dma_wait3A_445 = arith.constant 3120 : i32
    %dma_wait3A_446 = tpu.memref_slice %arg9[%dma_wait3A_445] : memref<16640xf32, #tpu.memory_space<vmem>> -> memref<512xf32, #tpu.memory_space<vmem>>
    tpu.wait_dma2 semaphore(%arg13 : memref<!tpu.dma_semaphore, #tpu.memory_space<semaphore_mem>>) src(%dma_wait3A_446 : memref<512xf32, #tpu.memory_space<vmem>>) dst(%dma_wait3A_444 : memref<512xf32, #tpu.memory_space<hbm>>)
    %dma_wait3A_447 = arith.constant 7 : i32
    %dma_wait3A_448 = arith.constant 3640 : i32
    %dma_wait3A_449 = tpu.memref_slice %arg9[%dma_wait3A_448] : memref<16640xf32, #tpu.memory_space<vmem>> -> memref<512xf32, #tpu.memory_space<vmem>>
    %dma_wait3A_450 = arith.constant 0 : i32
    %dma_wait3A_451 = tpu.memref_slice %arg4[%dma_wait3A_447, %dma_wait3A_450] : memref<32x819200xf32, #tpu.memory_space<hbm>> -> memref<1x512xf32, #tpu.memory_space<hbm>>
    %dma_wait3A_452 = tpu.memref_squeeze %dma_wait3A_451 : memref<1x512xf32, #tpu.memory_space<hbm>> -> memref<512xf32, #tpu.memory_space<hbm>>
    %dma_wait3A_453 = arith.constant 0 : i32
    %dma_wait3A_454 = tpu.memref_slice %arg4[%dma_wait3A_447, %dma_wait3A_453] : memref<32x819200xf32, #tpu.memory_space<hbm>> -> memref<1x512xf32, #tpu.memory_space<hbm>>
    %dma_wait3A_455 = tpu.memref_squeeze %dma_wait3A_454 : memref<1x512xf32, #tpu.memory_space<hbm>> -> memref<512xf32, #tpu.memory_space<hbm>>
    %dma_wait3A_456 = arith.constant 3640 : i32
    %dma_wait3A_457 = tpu.memref_slice %arg9[%dma_wait3A_456] : memref<16640xf32, #tpu.memory_space<vmem>> -> memref<512xf32, #tpu.memory_space<vmem>>
    tpu.wait_dma2 semaphore(%arg13 : memref<!tpu.dma_semaphore, #tpu.memory_space<semaphore_mem>>) src(%dma_wait3A_457 : memref<512xf32, #tpu.memory_space<vmem>>) dst(%dma_wait3A_455 : memref<512xf32, #tpu.memory_space<hbm>>)
    %dma_wait3A_458 = arith.constant 8 : i32
    %dma_wait3A_459 = arith.constant 4160 : i32
    %dma_wait3A_460 = tpu.memref_slice %arg9[%dma_wait3A_459] : memref<16640xf32, #tpu.memory_space<vmem>> -> memref<512xf32, #tpu.memory_space<vmem>>
    %dma_wait3A_461 = arith.constant 0 : i32
    %dma_wait3A_462 = tpu.memref_slice %arg4[%dma_wait3A_458, %dma_wait3A_461] : memref<32x819200xf32, #tpu.memory_space<hbm>> -> memref<1x512xf32, #tpu.memory_space<hbm>>
    %dma_wait3A_463 = tpu.memref_squeeze %dma_wait3A_462 : memref<1x512xf32, #tpu.memory_space<hbm>> -> memref<512xf32, #tpu.memory_space<hbm>>
    %dma_wait3A_464 = arith.constant 0 : i32
    %dma_wait3A_465 = tpu.memref_slice %arg4[%dma_wait3A_458, %dma_wait3A_464] : memref<32x819200xf32, #tpu.memory_space<hbm>> -> memref<1x512xf32, #tpu.memory_space<hbm>>
    %dma_wait3A_466 = tpu.memref_squeeze %dma_wait3A_465 : memref<1x512xf32, #tpu.memory_space<hbm>> -> memref<512xf32, #tpu.memory_space<hbm>>
    %dma_wait3A_467 = arith.constant 4160 : i32
    %dma_wait3A_468 = tpu.memref_slice %arg9[%dma_wait3A_467] : memref<16640xf32, #tpu.memory_space<vmem>> -> memref<512xf32, #tpu.memory_space<vmem>>
    tpu.wait_dma2 semaphore(%arg13 : memref<!tpu.dma_semaphore, #tpu.memory_space<semaphore_mem>>) src(%dma_wait3A_468 : memref<512xf32, #tpu.memory_space<vmem>>) dst(%dma_wait3A_466 : memref<512xf32, #tpu.memory_space<hbm>>)
    %dma_wait3A_469 = arith.constant 9 : i32
    %dma_wait3A_470 = arith.constant 4680 : i32
    %dma_wait3A_471 = tpu.memref_slice %arg9[%dma_wait3A_470] : memref<16640xf32, #tpu.memory_space<vmem>> -> memref<512xf32, #tpu.memory_space<vmem>>
    %dma_wait3A_472 = arith.constant 0 : i32
    %dma_wait3A_473 = tpu.memref_slice %arg4[%dma_wait3A_469, %dma_wait3A_472] : memref<32x819200xf32, #tpu.memory_space<hbm>> -> memref<1x512xf32, #tpu.memory_space<hbm>>
    %dma_wait3A_474 = tpu.memref_squeeze %dma_wait3A_473 : memref<1x512xf32, #tpu.memory_space<hbm>> -> memref<512xf32, #tpu.memory_space<hbm>>
    %dma_wait3A_475 = arith.constant 0 : i32
    %dma_wait3A_476 = tpu.memref_slice %arg4[%dma_wait3A_469, %dma_wait3A_475] : memref<32x819200xf32, #tpu.memory_space<hbm>> -> memref<1x512xf32, #tpu.memory_space<hbm>>
    %dma_wait3A_477 = tpu.memref_squeeze %dma_wait3A_476 : memref<1x512xf32, #tpu.memory_space<hbm>> -> memref<512xf32, #tpu.memory_space<hbm>>
    %dma_wait3A_478 = arith.constant 4680 : i32
    %dma_wait3A_479 = tpu.memref_slice %arg9[%dma_wait3A_478] : memref<16640xf32, #tpu.memory_space<vmem>> -> memref<512xf32, #tpu.memory_space<vmem>>
    tpu.wait_dma2 semaphore(%arg13 : memref<!tpu.dma_semaphore, #tpu.memory_space<semaphore_mem>>) src(%dma_wait3A_479 : memref<512xf32, #tpu.memory_space<vmem>>) dst(%dma_wait3A_477 : memref<512xf32, #tpu.memory_space<hbm>>)
    %dma_wait3A_480 = arith.constant 10 : i32
    %dma_wait3A_481 = arith.constant 5200 : i32
    %dma_wait3A_482 = tpu.memref_slice %arg9[%dma_wait3A_481] : memref<16640xf32, #tpu.memory_space<vmem>> -> memref<512xf32, #tpu.memory_space<vmem>>
    %dma_wait3A_483 = arith.constant 0 : i32
    %dma_wait3A_484 = tpu.memref_slice %arg4[%dma_wait3A_480, %dma_wait3A_483] : memref<32x819200xf32, #tpu.memory_space<hbm>> -> memref<1x512xf32, #tpu.memory_space<hbm>>
    %dma_wait3A_485 = tpu.memref_squeeze %dma_wait3A_484 : memref<1x512xf32, #tpu.memory_space<hbm>> -> memref<512xf32, #tpu.memory_space<hbm>>
    %dma_wait3A_486 = arith.constant 0 : i32
    %dma_wait3A_487 = tpu.memref_slice %arg4[%dma_wait3A_480, %dma_wait3A_486] : memref<32x819200xf32, #tpu.memory_space<hbm>> -> memref<1x512xf32, #tpu.memory_space<hbm>>
    %dma_wait3A_488 = tpu.memref_squeeze %dma_wait3A_487 : memref<1x512xf32, #tpu.memory_space<hbm>> -> memref<512xf32, #tpu.memory_space<hbm>>
    %dma_wait3A_489 = arith.constant 5200 : i32
    %dma_wait3A_490 = tpu.memref_slice %arg9[%dma_wait3A_489] : memref<16640xf32, #tpu.memory_space<vmem>> -> memref<512xf32, #tpu.memory_space<vmem>>
    tpu.wait_dma2 semaphore(%arg13 : memref<!tpu.dma_semaphore, #tpu.memory_space<semaphore_mem>>) src(%dma_wait3A_490 : memref<512xf32, #tpu.memory_space<vmem>>) dst(%dma_wait3A_488 : memref<512xf32, #tpu.memory_space<hbm>>)
    %dma_wait3A_491 = arith.constant 11 : i32
    %dma_wait3A_492 = arith.constant 5720 : i32
    %dma_wait3A_493 = tpu.memref_slice %arg9[%dma_wait3A_492] : memref<16640xf32, #tpu.memory_space<vmem>> -> memref<512xf32, #tpu.memory_space<vmem>>
    %dma_wait3A_494 = arith.constant 0 : i32
    %dma_wait3A_495 = tpu.memref_slice %arg4[%dma_wait3A_491, %dma_wait3A_494] : memref<32x819200xf32, #tpu.memory_space<hbm>> -> memref<1x512xf32, #tpu.memory_space<hbm>>
    %dma_wait3A_496 = tpu.memref_squeeze %dma_wait3A_495 : memref<1x512xf32, #tpu.memory_space<hbm>> -> memref<512xf32, #tpu.memory_space<hbm>>
    %dma_wait3A_497 = arith.constant 0 : i32
    %dma_wait3A_498 = tpu.memref_slice %arg4[%dma_wait3A_491, %dma_wait3A_497] : memref<32x819200xf32, #tpu.memory_space<hbm>> -> memref<1x512xf32, #tpu.memory_space<hbm>>
    %dma_wait3A_499 = tpu.memref_squeeze %dma_wait3A_498 : memref<1x512xf32, #tpu.memory_space<hbm>> -> memref<512xf32, #tpu.memory_space<hbm>>
    %dma_wait3A_500 = arith.constant 5720 : i32
    %dma_wait3A_501 = tpu.memref_slice %arg9[%dma_wait3A_500] : memref<16640xf32, #tpu.memory_space<vmem>> -> memref<512xf32, #tpu.memory_space<vmem>>
    tpu.wait_dma2 semaphore(%arg13 : memref<!tpu.dma_semaphore, #tpu.memory_space<semaphore_mem>>) src(%dma_wait3A_501 : memref<512xf32, #tpu.memory_space<vmem>>) dst(%dma_wait3A_499 : memref<512xf32, #tpu.memory_space<hbm>>)
    %dma_wait3A_502 = arith.constant 12 : i32
    %dma_wait3A_503 = arith.constant 6240 : i32
    %dma_wait3A_504 = tpu.memref_slice %arg9[%dma_wait3A_503] : memref<16640xf32, #tpu.memory_space<vmem>> -> memref<512xf32, #tpu.memory_space<vmem>>
    %dma_wait3A_505 = arith.constant 0 : i32
    %dma_wait3A_506 = tpu.memref_slice %arg4[%dma_wait3A_502, %dma_wait3A_505] : memref<32x819200xf32, #tpu.memory_space<hbm>> -> memref<1x512xf32, #tpu.memory_space<hbm>>
    %dma_wait3A_507 = tpu.memref_squeeze %dma_wait3A_506 : memref<1x512xf32, #tpu.memory_space<hbm>> -> memref<512xf32, #tpu.memory_space<hbm>>
    %dma_wait3A_508 = arith.constant 0 : i32
    %dma_wait3A_509 = tpu.memref_slice %arg4[%dma_wait3A_502, %dma_wait3A_508] : memref<32x819200xf32, #tpu.memory_space<hbm>> -> memref<1x512xf32, #tpu.memory_space<hbm>>
    %dma_wait3A_510 = tpu.memref_squeeze %dma_wait3A_509 : memref<1x512xf32, #tpu.memory_space<hbm>> -> memref<512xf32, #tpu.memory_space<hbm>>
    %dma_wait3A_511 = arith.constant 6240 : i32
    %dma_wait3A_512 = tpu.memref_slice %arg9[%dma_wait3A_511] : memref<16640xf32, #tpu.memory_space<vmem>> -> memref<512xf32, #tpu.memory_space<vmem>>
    tpu.wait_dma2 semaphore(%arg13 : memref<!tpu.dma_semaphore, #tpu.memory_space<semaphore_mem>>) src(%dma_wait3A_512 : memref<512xf32, #tpu.memory_space<vmem>>) dst(%dma_wait3A_510 : memref<512xf32, #tpu.memory_space<hbm>>)
    %dma_wait3A_513 = arith.constant 13 : i32
    %dma_wait3A_514 = arith.constant 6760 : i32
    %dma_wait3A_515 = tpu.memref_slice %arg9[%dma_wait3A_514] : memref<16640xf32, #tpu.memory_space<vmem>> -> memref<512xf32, #tpu.memory_space<vmem>>
    %dma_wait3A_516 = arith.constant 0 : i32
    %dma_wait3A_517 = tpu.memref_slice %arg4[%dma_wait3A_513, %dma_wait3A_516] : memref<32x819200xf32, #tpu.memory_space<hbm>> -> memref<1x512xf32, #tpu.memory_space<hbm>>
    %dma_wait3A_518 = tpu.memref_squeeze %dma_wait3A_517 : memref<1x512xf32, #tpu.memory_space<hbm>> -> memref<512xf32, #tpu.memory_space<hbm>>
    %dma_wait3A_519 = arith.constant 0 : i32
    %dma_wait3A_520 = tpu.memref_slice %arg4[%dma_wait3A_513, %dma_wait3A_519] : memref<32x819200xf32, #tpu.memory_space<hbm>> -> memref<1x512xf32, #tpu.memory_space<hbm>>
    %dma_wait3A_521 = tpu.memref_squeeze %dma_wait3A_520 : memref<1x512xf32, #tpu.memory_space<hbm>> -> memref<512xf32, #tpu.memory_space<hbm>>
    %dma_wait3A_522 = arith.constant 6760 : i32
    %dma_wait3A_523 = tpu.memref_slice %arg9[%dma_wait3A_522] : memref<16640xf32, #tpu.memory_space<vmem>> -> memref<512xf32, #tpu.memory_space<vmem>>
    tpu.wait_dma2 semaphore(%arg13 : memref<!tpu.dma_semaphore, #tpu.memory_space<semaphore_mem>>) src(%dma_wait3A_523 : memref<512xf32, #tpu.memory_space<vmem>>) dst(%dma_wait3A_521 : memref<512xf32, #tpu.memory_space<hbm>>)
    %dma_wait3A_524 = arith.constant 14 : i32
    %dma_wait3A_525 = arith.constant 7280 : i32
    %dma_wait3A_526 = tpu.memref_slice %arg9[%dma_wait3A_525] : memref<16640xf32, #tpu.memory_space<vmem>> -> memref<512xf32, #tpu.memory_space<vmem>>
    %dma_wait3A_527 = arith.constant 0 : i32
    %dma_wait3A_528 = tpu.memref_slice %arg4[%dma_wait3A_524, %dma_wait3A_527] : memref<32x819200xf32, #tpu.memory_space<hbm>> -> memref<1x512xf32, #tpu.memory_space<hbm>>
    %dma_wait3A_529 = tpu.memref_squeeze %dma_wait3A_528 : memref<1x512xf32, #tpu.memory_space<hbm>> -> memref<512xf32, #tpu.memory_space<hbm>>
    %dma_wait3A_530 = arith.constant 0 : i32
    %dma_wait3A_531 = tpu.memref_slice %arg4[%dma_wait3A_524, %dma_wait3A_530] : memref<32x819200xf32, #tpu.memory_space<hbm>> -> memref<1x512xf32, #tpu.memory_space<hbm>>
    %dma_wait3A_532 = tpu.memref_squeeze %dma_wait3A_531 : memref<1x512xf32, #tpu.memory_space<hbm>> -> memref<512xf32, #tpu.memory_space<hbm>>
    %dma_wait3A_533 = arith.constant 7280 : i32
    %dma_wait3A_534 = tpu.memref_slice %arg9[%dma_wait3A_533] : memref<16640xf32, #tpu.memory_space<vmem>> -> memref<512xf32, #tpu.memory_space<vmem>>
    tpu.wait_dma2 semaphore(%arg13 : memref<!tpu.dma_semaphore, #tpu.memory_space<semaphore_mem>>) src(%dma_wait3A_534 : memref<512xf32, #tpu.memory_space<vmem>>) dst(%dma_wait3A_532 : memref<512xf32, #tpu.memory_space<hbm>>)
    %dma_wait3A_535 = arith.constant 15 : i32
    %dma_wait3A_536 = arith.constant 7800 : i32
    %dma_wait3A_537 = tpu.memref_slice %arg9[%dma_wait3A_536] : memref<16640xf32, #tpu.memory_space<vmem>> -> memref<512xf32, #tpu.memory_space<vmem>>
    %dma_wait3A_538 = arith.constant 0 : i32
    %dma_wait3A_539 = tpu.memref_slice %arg4[%dma_wait3A_535, %dma_wait3A_538] : memref<32x819200xf32, #tpu.memory_space<hbm>> -> memref<1x512xf32, #tpu.memory_space<hbm>>
    %dma_wait3A_540 = tpu.memref_squeeze %dma_wait3A_539 : memref<1x512xf32, #tpu.memory_space<hbm>> -> memref<512xf32, #tpu.memory_space<hbm>>
    %dma_wait3A_541 = arith.constant 0 : i32
    %dma_wait3A_542 = tpu.memref_slice %arg4[%dma_wait3A_535, %dma_wait3A_541] : memref<32x819200xf32, #tpu.memory_space<hbm>> -> memref<1x512xf32, #tpu.memory_space<hbm>>
    %dma_wait3A_543 = tpu.memref_squeeze %dma_wait3A_542 : memref<1x512xf32, #tpu.memory_space<hbm>> -> memref<512xf32, #tpu.memory_space<hbm>>
    %dma_wait3A_544 = arith.constant 7800 : i32
    %dma_wait3A_545 = tpu.memref_slice %arg9[%dma_wait3A_544] : memref<16640xf32, #tpu.memory_space<vmem>> -> memref<512xf32, #tpu.memory_space<vmem>>
    tpu.wait_dma2 semaphore(%arg13 : memref<!tpu.dma_semaphore, #tpu.memory_space<semaphore_mem>>) src(%dma_wait3A_545 : memref<512xf32, #tpu.memory_space<vmem>>) dst(%dma_wait3A_543 : memref<512xf32, #tpu.memory_space<hbm>>)
    %dma_wait3A_546 = arith.constant 16 : i32
    %dma_wait3A_547 = arith.constant 8320 : i32
    %dma_wait3A_548 = tpu.memref_slice %arg9[%dma_wait3A_547] : memref<16640xf32, #tpu.memory_space<vmem>> -> memref<512xf32, #tpu.memory_space<vmem>>
    %dma_wait3A_549 = arith.constant 0 : i32
    %dma_wait3A_550 = tpu.memref_slice %arg4[%dma_wait3A_546, %dma_wait3A_549] : memref<32x819200xf32, #tpu.memory_space<hbm>> -> memref<1x512xf32, #tpu.memory_space<hbm>>
    %dma_wait3A_551 = tpu.memref_squeeze %dma_wait3A_550 : memref<1x512xf32, #tpu.memory_space<hbm>> -> memref<512xf32, #tpu.memory_space<hbm>>
    %dma_wait3A_552 = arith.constant 0 : i32
    %dma_wait3A_553 = tpu.memref_slice %arg4[%dma_wait3A_546, %dma_wait3A_552] : memref<32x819200xf32, #tpu.memory_space<hbm>> -> memref<1x512xf32, #tpu.memory_space<hbm>>
    %dma_wait3A_554 = tpu.memref_squeeze %dma_wait3A_553 : memref<1x512xf32, #tpu.memory_space<hbm>> -> memref<512xf32, #tpu.memory_space<hbm>>
    %dma_wait3A_555 = arith.constant 8320 : i32
    %dma_wait3A_556 = tpu.memref_slice %arg9[%dma_wait3A_555] : memref<16640xf32, #tpu.memory_space<vmem>> -> memref<512xf32, #tpu.memory_space<vmem>>
    tpu.wait_dma2 semaphore(%arg13 : memref<!tpu.dma_semaphore, #tpu.memory_space<semaphore_mem>>) src(%dma_wait3A_556 : memref<512xf32, #tpu.memory_space<vmem>>) dst(%dma_wait3A_554 : memref<512xf32, #tpu.memory_space<hbm>>)
    %dma_wait3A_557 = arith.constant 17 : i32
    %dma_wait3A_558 = arith.constant 8840 : i32
    %dma_wait3A_559 = tpu.memref_slice %arg9[%dma_wait3A_558] : memref<16640xf32, #tpu.memory_space<vmem>> -> memref<512xf32, #tpu.memory_space<vmem>>
    %dma_wait3A_560 = arith.constant 0 : i32
    %dma_wait3A_561 = tpu.memref_slice %arg4[%dma_wait3A_557, %dma_wait3A_560] : memref<32x819200xf32, #tpu.memory_space<hbm>> -> memref<1x512xf32, #tpu.memory_space<hbm>>
    %dma_wait3A_562 = tpu.memref_squeeze %dma_wait3A_561 : memref<1x512xf32, #tpu.memory_space<hbm>> -> memref<512xf32, #tpu.memory_space<hbm>>
    %dma_wait3A_563 = arith.constant 0 : i32
    %dma_wait3A_564 = tpu.memref_slice %arg4[%dma_wait3A_557, %dma_wait3A_563] : memref<32x819200xf32, #tpu.memory_space<hbm>> -> memref<1x512xf32, #tpu.memory_space<hbm>>
    %dma_wait3A_565 = tpu.memref_squeeze %dma_wait3A_564 : memref<1x512xf32, #tpu.memory_space<hbm>> -> memref<512xf32, #tpu.memory_space<hbm>>
    %dma_wait3A_566 = arith.constant 8840 : i32
    %dma_wait3A_567 = tpu.memref_slice %arg9[%dma_wait3A_566] : memref<16640xf32, #tpu.memory_space<vmem>> -> memref<512xf32, #tpu.memory_space<vmem>>
    tpu.wait_dma2 semaphore(%arg13 : memref<!tpu.dma_semaphore, #tpu.memory_space<semaphore_mem>>) src(%dma_wait3A_567 : memref<512xf32, #tpu.memory_space<vmem>>) dst(%dma_wait3A_565 : memref<512xf32, #tpu.memory_space<hbm>>)
    %dma_wait3A_568 = arith.constant 18 : i32
    %dma_wait3A_569 = arith.constant 9360 : i32
    %dma_wait3A_570 = tpu.memref_slice %arg9[%dma_wait3A_569] : memref<16640xf32, #tpu.memory_space<vmem>> -> memref<512xf32, #tpu.memory_space<vmem>>
    %dma_wait3A_571 = arith.constant 0 : i32
    %dma_wait3A_572 = tpu.memref_slice %arg4[%dma_wait3A_568, %dma_wait3A_571] : memref<32x819200xf32, #tpu.memory_space<hbm>> -> memref<1x512xf32, #tpu.memory_space<hbm>>
    %dma_wait3A_573 = tpu.memref_squeeze %dma_wait3A_572 : memref<1x512xf32, #tpu.memory_space<hbm>> -> memref<512xf32, #tpu.memory_space<hbm>>
    %dma_wait3A_574 = arith.constant 0 : i32
    %dma_wait3A_575 = tpu.memref_slice %arg4[%dma_wait3A_568, %dma_wait3A_574] : memref<32x819200xf32, #tpu.memory_space<hbm>> -> memref<1x512xf32, #tpu.memory_space<hbm>>
    %dma_wait3A_576 = tpu.memref_squeeze %dma_wait3A_575 : memref<1x512xf32, #tpu.memory_space<hbm>> -> memref<512xf32, #tpu.memory_space<hbm>>
    %dma_wait3A_577 = arith.constant 9360 : i32
    %dma_wait3A_578 = tpu.memref_slice %arg9[%dma_wait3A_577] : memref<16640xf32, #tpu.memory_space<vmem>> -> memref<512xf32, #tpu.memory_space<vmem>>
    tpu.wait_dma2 semaphore(%arg13 : memref<!tpu.dma_semaphore, #tpu.memory_space<semaphore_mem>>) src(%dma_wait3A_578 : memref<512xf32, #tpu.memory_space<vmem>>) dst(%dma_wait3A_576 : memref<512xf32, #tpu.memory_space<hbm>>)
    %dma_wait3A_579 = arith.constant 19 : i32
    %dma_wait3A_580 = arith.constant 9880 : i32
    %dma_wait3A_581 = tpu.memref_slice %arg9[%dma_wait3A_580] : memref<16640xf32, #tpu.memory_space<vmem>> -> memref<512xf32, #tpu.memory_space<vmem>>
    %dma_wait3A_582 = arith.constant 0 : i32
    %dma_wait3A_583 = tpu.memref_slice %arg4[%dma_wait3A_579, %dma_wait3A_582] : memref<32x819200xf32, #tpu.memory_space<hbm>> -> memref<1x512xf32, #tpu.memory_space<hbm>>
    %dma_wait3A_584 = tpu.memref_squeeze %dma_wait3A_583 : memref<1x512xf32, #tpu.memory_space<hbm>> -> memref<512xf32, #tpu.memory_space<hbm>>
    %dma_wait3A_585 = arith.constant 0 : i32
    %dma_wait3A_586 = tpu.memref_slice %arg4[%dma_wait3A_579, %dma_wait3A_585] : memref<32x819200xf32, #tpu.memory_space<hbm>> -> memref<1x512xf32, #tpu.memory_space<hbm>>
    %dma_wait3A_587 = tpu.memref_squeeze %dma_wait3A_586 : memref<1x512xf32, #tpu.memory_space<hbm>> -> memref<512xf32, #tpu.memory_space<hbm>>
    %dma_wait3A_588 = arith.constant 9880 : i32
    %dma_wait3A_589 = tpu.memref_slice %arg9[%dma_wait3A_588] : memref<16640xf32, #tpu.memory_space<vmem>> -> memref<512xf32, #tpu.memory_space<vmem>>
    tpu.wait_dma2 semaphore(%arg13 : memref<!tpu.dma_semaphore, #tpu.memory_space<semaphore_mem>>) src(%dma_wait3A_589 : memref<512xf32, #tpu.memory_space<vmem>>) dst(%dma_wait3A_587 : memref<512xf32, #tpu.memory_space<hbm>>)
    %dma_wait3A_590 = arith.constant 20 : i32
    %dma_wait3A_591 = arith.constant 10400 : i32
    %dma_wait3A_592 = tpu.memref_slice %arg9[%dma_wait3A_591] : memref<16640xf32, #tpu.memory_space<vmem>> -> memref<512xf32, #tpu.memory_space<vmem>>
    %dma_wait3A_593 = arith.constant 0 : i32
    %dma_wait3A_594 = tpu.memref_slice %arg4[%dma_wait3A_590, %dma_wait3A_593] : memref<32x819200xf32, #tpu.memory_space<hbm>> -> memref<1x512xf32, #tpu.memory_space<hbm>>
    %dma_wait3A_595 = tpu.memref_squeeze %dma_wait3A_594 : memref<1x512xf32, #tpu.memory_space<hbm>> -> memref<512xf32, #tpu.memory_space<hbm>>
    %dma_wait3A_596 = arith.constant 0 : i32
    %dma_wait3A_597 = tpu.memref_slice %arg4[%dma_wait3A_590, %dma_wait3A_596] : memref<32x819200xf32, #tpu.memory_space<hbm>> -> memref<1x512xf32, #tpu.memory_space<hbm>>
    %dma_wait3A_598 = tpu.memref_squeeze %dma_wait3A_597 : memref<1x512xf32, #tpu.memory_space<hbm>> -> memref<512xf32, #tpu.memory_space<hbm>>
    %dma_wait3A_599 = arith.constant 10400 : i32
    %dma_wait3A_600 = tpu.memref_slice %arg9[%dma_wait3A_599] : memref<16640xf32, #tpu.memory_space<vmem>> -> memref<512xf32, #tpu.memory_space<vmem>>
    tpu.wait_dma2 semaphore(%arg13 : memref<!tpu.dma_semaphore, #tpu.memory_space<semaphore_mem>>) src(%dma_wait3A_600 : memref<512xf32, #tpu.memory_space<vmem>>) dst(%dma_wait3A_598 : memref<512xf32, #tpu.memory_space<hbm>>)
    %dma_wait3A_601 = arith.constant 21 : i32
    %dma_wait3A_602 = arith.constant 10920 : i32
    %dma_wait3A_603 = tpu.memref_slice %arg9[%dma_wait3A_602] : memref<16640xf32, #tpu.memory_space<vmem>> -> memref<512xf32, #tpu.memory_space<vmem>>
    %dma_wait3A_604 = arith.constant 0 : i32
    %dma_wait3A_605 = tpu.memref_slice %arg4[%dma_wait3A_601, %dma_wait3A_604] : memref<32x819200xf32, #tpu.memory_space<hbm>> -> memref<1x512xf32, #tpu.memory_space<hbm>>
    %dma_wait3A_606 = tpu.memref_squeeze %dma_wait3A_605 : memref<1x512xf32, #tpu.memory_space<hbm>> -> memref<512xf32, #tpu.memory_space<hbm>>
    %dma_wait3A_607 = arith.constant 0 : i32
    %dma_wait3A_608 = tpu.memref_slice %arg4[%dma_wait3A_601, %dma_wait3A_607] : memref<32x819200xf32, #tpu.memory_space<hbm>> -> memref<1x512xf32, #tpu.memory_space<hbm>>
    %dma_wait3A_609 = tpu.memref_squeeze %dma_wait3A_608 : memref<1x512xf32, #tpu.memory_space<hbm>> -> memref<512xf32, #tpu.memory_space<hbm>>
    %dma_wait3A_610 = arith.constant 10920 : i32
    %dma_wait3A_611 = tpu.memref_slice %arg9[%dma_wait3A_610] : memref<16640xf32, #tpu.memory_space<vmem>> -> memref<512xf32, #tpu.memory_space<vmem>>
    tpu.wait_dma2 semaphore(%arg13 : memref<!tpu.dma_semaphore, #tpu.memory_space<semaphore_mem>>) src(%dma_wait3A_611 : memref<512xf32, #tpu.memory_space<vmem>>) dst(%dma_wait3A_609 : memref<512xf32, #tpu.memory_space<hbm>>)
    %dma_wait3A_612 = arith.constant 22 : i32
    %dma_wait3A_613 = arith.constant 11440 : i32
    %dma_wait3A_614 = tpu.memref_slice %arg9[%dma_wait3A_613] : memref<16640xf32, #tpu.memory_space<vmem>> -> memref<512xf32, #tpu.memory_space<vmem>>
    %dma_wait3A_615 = arith.constant 0 : i32
    %dma_wait3A_616 = tpu.memref_slice %arg4[%dma_wait3A_612, %dma_wait3A_615] : memref<32x819200xf32, #tpu.memory_space<hbm>> -> memref<1x512xf32, #tpu.memory_space<hbm>>
    %dma_wait3A_617 = tpu.memref_squeeze %dma_wait3A_616 : memref<1x512xf32, #tpu.memory_space<hbm>> -> memref<512xf32, #tpu.memory_space<hbm>>
    %dma_wait3A_618 = arith.constant 0 : i32
    %dma_wait3A_619 = tpu.memref_slice %arg4[%dma_wait3A_612, %dma_wait3A_618] : memref<32x819200xf32, #tpu.memory_space<hbm>> -> memref<1x512xf32, #tpu.memory_space<hbm>>
    %dma_wait3A_620 = tpu.memref_squeeze %dma_wait3A_619 : memref<1x512xf32, #tpu.memory_space<hbm>> -> memref<512xf32, #tpu.memory_space<hbm>>
    %dma_wait3A_621 = arith.constant 11440 : i32
    %dma_wait3A_622 = tpu.memref_slice %arg9[%dma_wait3A_621] : memref<16640xf32, #tpu.memory_space<vmem>> -> memref<512xf32, #tpu.memory_space<vmem>>
    tpu.wait_dma2 semaphore(%arg13 : memref<!tpu.dma_semaphore, #tpu.memory_space<semaphore_mem>>) src(%dma_wait3A_622 : memref<512xf32, #tpu.memory_space<vmem>>) dst(%dma_wait3A_620 : memref<512xf32, #tpu.memory_space<hbm>>)
    %dma_wait3A_623 = arith.constant 23 : i32
    %dma_wait3A_624 = arith.constant 11960 : i32
    %dma_wait3A_625 = tpu.memref_slice %arg9[%dma_wait3A_624] : memref<16640xf32, #tpu.memory_space<vmem>> -> memref<512xf32, #tpu.memory_space<vmem>>
    %dma_wait3A_626 = arith.constant 0 : i32
    %dma_wait3A_627 = tpu.memref_slice %arg4[%dma_wait3A_623, %dma_wait3A_626] : memref<32x819200xf32, #tpu.memory_space<hbm>> -> memref<1x512xf32, #tpu.memory_space<hbm>>
    %dma_wait3A_628 = tpu.memref_squeeze %dma_wait3A_627 : memref<1x512xf32, #tpu.memory_space<hbm>> -> memref<512xf32, #tpu.memory_space<hbm>>
    %dma_wait3A_629 = arith.constant 0 : i32
    %dma_wait3A_630 = tpu.memref_slice %arg4[%dma_wait3A_623, %dma_wait3A_629] : memref<32x819200xf32, #tpu.memory_space<hbm>> -> memref<1x512xf32, #tpu.memory_space<hbm>>
    %dma_wait3A_631 = tpu.memref_squeeze %dma_wait3A_630 : memref<1x512xf32, #tpu.memory_space<hbm>> -> memref<512xf32, #tpu.memory_space<hbm>>
    %dma_wait3A_632 = arith.constant 11960 : i32
    %dma_wait3A_633 = tpu.memref_slice %arg9[%dma_wait3A_632] : memref<16640xf32, #tpu.memory_space<vmem>> -> memref<512xf32, #tpu.memory_space<vmem>>
    tpu.wait_dma2 semaphore(%arg13 : memref<!tpu.dma_semaphore, #tpu.memory_space<semaphore_mem>>) src(%dma_wait3A_633 : memref<512xf32, #tpu.memory_space<vmem>>) dst(%dma_wait3A_631 : memref<512xf32, #tpu.memory_space<hbm>>)
    %dma_wait3A_634 = arith.constant 24 : i32
    %dma_wait3A_635 = arith.constant 12480 : i32
    %dma_wait3A_636 = tpu.memref_slice %arg9[%dma_wait3A_635] : memref<16640xf32, #tpu.memory_space<vmem>> -> memref<512xf32, #tpu.memory_space<vmem>>
    %dma_wait3A_637 = arith.constant 0 : i32
    %dma_wait3A_638 = tpu.memref_slice %arg4[%dma_wait3A_634, %dma_wait3A_637] : memref<32x819200xf32, #tpu.memory_space<hbm>> -> memref<1x512xf32, #tpu.memory_space<hbm>>
    %dma_wait3A_639 = tpu.memref_squeeze %dma_wait3A_638 : memref<1x512xf32, #tpu.memory_space<hbm>> -> memref<512xf32, #tpu.memory_space<hbm>>
    %dma_wait3A_640 = arith.constant 0 : i32
    %dma_wait3A_641 = tpu.memref_slice %arg4[%dma_wait3A_634, %dma_wait3A_640] : memref<32x819200xf32, #tpu.memory_space<hbm>> -> memref<1x512xf32, #tpu.memory_space<hbm>>
    %dma_wait3A_642 = tpu.memref_squeeze %dma_wait3A_641 : memref<1x512xf32, #tpu.memory_space<hbm>> -> memref<512xf32, #tpu.memory_space<hbm>>
    %dma_wait3A_643 = arith.constant 12480 : i32
    %dma_wait3A_644 = tpu.memref_slice %arg9[%dma_wait3A_643] : memref<16640xf32, #tpu.memory_space<vmem>> -> memref<512xf32, #tpu.memory_space<vmem>>
    tpu.wait_dma2 semaphore(%arg13 : memref<!tpu.dma_semaphore, #tpu.memory_space<semaphore_mem>>) src(%dma_wait3A_644 : memref<512xf32, #tpu.memory_space<vmem>>) dst(%dma_wait3A_642 : memref<512xf32, #tpu.memory_space<hbm>>)
    %dma_wait3A_645 = arith.constant 25 : i32
    %dma_wait3A_646 = arith.constant 13000 : i32
    %dma_wait3A_647 = tpu.memref_slice %arg9[%dma_wait3A_646] : memref<16640xf32, #tpu.memory_space<vmem>> -> memref<512xf32, #tpu.memory_space<vmem>>
    %dma_wait3A_648 = arith.constant 0 : i32
    %dma_wait3A_649 = tpu.memref_slice %arg4[%dma_wait3A_645, %dma_wait3A_648] : memref<32x819200xf32, #tpu.memory_space<hbm>> -> memref<1x512xf32, #tpu.memory_space<hbm>>
    %dma_wait3A_650 = tpu.memref_squeeze %dma_wait3A_649 : memref<1x512xf32, #tpu.memory_space<hbm>> -> memref<512xf32, #tpu.memory_space<hbm>>
    %dma_wait3A_651 = arith.constant 0 : i32
    %dma_wait3A_652 = tpu.memref_slice %arg4[%dma_wait3A_645, %dma_wait3A_651] : memref<32x819200xf32, #tpu.memory_space<hbm>> -> memref<1x512xf32, #tpu.memory_space<hbm>>
    %dma_wait3A_653 = tpu.memref_squeeze %dma_wait3A_652 : memref<1x512xf32, #tpu.memory_space<hbm>> -> memref<512xf32, #tpu.memory_space<hbm>>
    %dma_wait3A_654 = arith.constant 13000 : i32
    %dma_wait3A_655 = tpu.memref_slice %arg9[%dma_wait3A_654] : memref<16640xf32, #tpu.memory_space<vmem>> -> memref<512xf32, #tpu.memory_space<vmem>>
    tpu.wait_dma2 semaphore(%arg13 : memref<!tpu.dma_semaphore, #tpu.memory_space<semaphore_mem>>) src(%dma_wait3A_655 : memref<512xf32, #tpu.memory_space<vmem>>) dst(%dma_wait3A_653 : memref<512xf32, #tpu.memory_space<hbm>>)
    %dma_wait3A_656 = arith.constant 26 : i32
    %dma_wait3A_657 = arith.constant 13520 : i32
    %dma_wait3A_658 = tpu.memref_slice %arg9[%dma_wait3A_657] : memref<16640xf32, #tpu.memory_space<vmem>> -> memref<512xf32, #tpu.memory_space<vmem>>
    %dma_wait3A_659 = arith.constant 0 : i32
    %dma_wait3A_660 = tpu.memref_slice %arg4[%dma_wait3A_656, %dma_wait3A_659] : memref<32x819200xf32, #tpu.memory_space<hbm>> -> memref<1x512xf32, #tpu.memory_space<hbm>>
    %dma_wait3A_661 = tpu.memref_squeeze %dma_wait3A_660 : memref<1x512xf32, #tpu.memory_space<hbm>> -> memref<512xf32, #tpu.memory_space<hbm>>
    %dma_wait3A_662 = arith.constant 0 : i32
    %dma_wait3A_663 = tpu.memref_slice %arg4[%dma_wait3A_656, %dma_wait3A_662] : memref<32x819200xf32, #tpu.memory_space<hbm>> -> memref<1x512xf32, #tpu.memory_space<hbm>>
    %dma_wait3A_664 = tpu.memref_squeeze %dma_wait3A_663 : memref<1x512xf32, #tpu.memory_space<hbm>> -> memref<512xf32, #tpu.memory_space<hbm>>
    %dma_wait3A_665 = arith.constant 13520 : i32
    %dma_wait3A_666 = tpu.memref_slice %arg9[%dma_wait3A_665] : memref<16640xf32, #tpu.memory_space<vmem>> -> memref<512xf32, #tpu.memory_space<vmem>>
    tpu.wait_dma2 semaphore(%arg13 : memref<!tpu.dma_semaphore, #tpu.memory_space<semaphore_mem>>) src(%dma_wait3A_666 : memref<512xf32, #tpu.memory_space<vmem>>) dst(%dma_wait3A_664 : memref<512xf32, #tpu.memory_space<hbm>>)
    %dma_wait3A_667 = arith.constant 27 : i32
    %dma_wait3A_668 = arith.constant 14040 : i32
    %dma_wait3A_669 = tpu.memref_slice %arg9[%dma_wait3A_668] : memref<16640xf32, #tpu.memory_space<vmem>> -> memref<512xf32, #tpu.memory_space<vmem>>
    %dma_wait3A_670 = arith.constant 0 : i32
    %dma_wait3A_671 = tpu.memref_slice %arg4[%dma_wait3A_667, %dma_wait3A_670] : memref<32x819200xf32, #tpu.memory_space<hbm>> -> memref<1x512xf32, #tpu.memory_space<hbm>>
    %dma_wait3A_672 = tpu.memref_squeeze %dma_wait3A_671 : memref<1x512xf32, #tpu.memory_space<hbm>> -> memref<512xf32, #tpu.memory_space<hbm>>
    %dma_wait3A_673 = arith.constant 0 : i32
    %dma_wait3A_674 = tpu.memref_slice %arg4[%dma_wait3A_667, %dma_wait3A_673] : memref<32x819200xf32, #tpu.memory_space<hbm>> -> memref<1x512xf32, #tpu.memory_space<hbm>>
    %dma_wait3A_675 = tpu.memref_squeeze %dma_wait3A_674 : memref<1x512xf32, #tpu.memory_space<hbm>> -> memref<512xf32, #tpu.memory_space<hbm>>
    %dma_wait3A_676 = arith.constant 14040 : i32
    %dma_wait3A_677 = tpu.memref_slice %arg9[%dma_wait3A_676] : memref<16640xf32, #tpu.memory_space<vmem>> -> memref<512xf32, #tpu.memory_space<vmem>>
    tpu.wait_dma2 semaphore(%arg13 : memref<!tpu.dma_semaphore, #tpu.memory_space<semaphore_mem>>) src(%dma_wait3A_677 : memref<512xf32, #tpu.memory_space<vmem>>) dst(%dma_wait3A_675 : memref<512xf32, #tpu.memory_space<hbm>>)
    %dma_wait3A_678 = arith.constant 28 : i32
    %dma_wait3A_679 = arith.constant 14560 : i32
    %dma_wait3A_680 = tpu.memref_slice %arg9[%dma_wait3A_679] : memref<16640xf32, #tpu.memory_space<vmem>> -> memref<512xf32, #tpu.memory_space<vmem>>
    %dma_wait3A_681 = arith.constant 0 : i32
    %dma_wait3A_682 = tpu.memref_slice %arg4[%dma_wait3A_678, %dma_wait3A_681] : memref<32x819200xf32, #tpu.memory_space<hbm>> -> memref<1x512xf32, #tpu.memory_space<hbm>>
    %dma_wait3A_683 = tpu.memref_squeeze %dma_wait3A_682 : memref<1x512xf32, #tpu.memory_space<hbm>> -> memref<512xf32, #tpu.memory_space<hbm>>
    %dma_wait3A_684 = arith.constant 0 : i32
    %dma_wait3A_685 = tpu.memref_slice %arg4[%dma_wait3A_678, %dma_wait3A_684] : memref<32x819200xf32, #tpu.memory_space<hbm>> -> memref<1x512xf32, #tpu.memory_space<hbm>>
    %dma_wait3A_686 = tpu.memref_squeeze %dma_wait3A_685 : memref<1x512xf32, #tpu.memory_space<hbm>> -> memref<512xf32, #tpu.memory_space<hbm>>
    %dma_wait3A_687 = arith.constant 14560 : i32
    %dma_wait3A_688 = tpu.memref_slice %arg9[%dma_wait3A_687] : memref<16640xf32, #tpu.memory_space<vmem>> -> memref<512xf32, #tpu.memory_space<vmem>>
    tpu.wait_dma2 semaphore(%arg13 : memref<!tpu.dma_semaphore, #tpu.memory_space<semaphore_mem>>) src(%dma_wait3A_688 : memref<512xf32, #tpu.memory_space<vmem>>) dst(%dma_wait3A_686 : memref<512xf32, #tpu.memory_space<hbm>>)
    %dma_wait3A_689 = arith.constant 29 : i32
    %dma_wait3A_690 = arith.constant 15080 : i32
    %dma_wait3A_691 = tpu.memref_slice %arg9[%dma_wait3A_690] : memref<16640xf32, #tpu.memory_space<vmem>> -> memref<512xf32, #tpu.memory_space<vmem>>
    %dma_wait3A_692 = arith.constant 0 : i32
    %dma_wait3A_693 = tpu.memref_slice %arg4[%dma_wait3A_689, %dma_wait3A_692] : memref<32x819200xf32, #tpu.memory_space<hbm>> -> memref<1x512xf32, #tpu.memory_space<hbm>>
    %dma_wait3A_694 = tpu.memref_squeeze %dma_wait3A_693 : memref<1x512xf32, #tpu.memory_space<hbm>> -> memref<512xf32, #tpu.memory_space<hbm>>
    %dma_wait3A_695 = arith.constant 0 : i32
    %dma_wait3A_696 = tpu.memref_slice %arg4[%dma_wait3A_689, %dma_wait3A_695] : memref<32x819200xf32, #tpu.memory_space<hbm>> -> memref<1x512xf32, #tpu.memory_space<hbm>>
    %dma_wait3A_697 = tpu.memref_squeeze %dma_wait3A_696 : memref<1x512xf32, #tpu.memory_space<hbm>> -> memref<512xf32, #tpu.memory_space<hbm>>
    %dma_wait3A_698 = arith.constant 15080 : i32
    %dma_wait3A_699 = tpu.memref_slice %arg9[%dma_wait3A_698] : memref<16640xf32, #tpu.memory_space<vmem>> -> memref<512xf32, #tpu.memory_space<vmem>>
    tpu.wait_dma2 semaphore(%arg13 : memref<!tpu.dma_semaphore, #tpu.memory_space<semaphore_mem>>) src(%dma_wait3A_699 : memref<512xf32, #tpu.memory_space<vmem>>) dst(%dma_wait3A_697 : memref<512xf32, #tpu.memory_space<hbm>>)
    %dma_wait3A_700 = arith.constant 30 : i32
    %dma_wait3A_701 = arith.constant 15600 : i32
    %dma_wait3A_702 = tpu.memref_slice %arg9[%dma_wait3A_701] : memref<16640xf32, #tpu.memory_space<vmem>> -> memref<512xf32, #tpu.memory_space<vmem>>
    %dma_wait3A_703 = arith.constant 0 : i32
    %dma_wait3A_704 = tpu.memref_slice %arg4[%dma_wait3A_700, %dma_wait3A_703] : memref<32x819200xf32, #tpu.memory_space<hbm>> -> memref<1x512xf32, #tpu.memory_space<hbm>>
    %dma_wait3A_705 = tpu.memref_squeeze %dma_wait3A_704 : memref<1x512xf32, #tpu.memory_space<hbm>> -> memref<512xf32, #tpu.memory_space<hbm>>
    %dma_wait3A_706 = arith.constant 0 : i32
    %dma_wait3A_707 = tpu.memref_slice %arg4[%dma_wait3A_700, %dma_wait3A_706] : memref<32x819200xf32, #tpu.memory_space<hbm>> -> memref<1x512xf32, #tpu.memory_space<hbm>>
    %dma_wait3A_708 = tpu.memref_squeeze %dma_wait3A_707 : memref<1x512xf32, #tpu.memory_space<hbm>> -> memref<512xf32, #tpu.memory_space<hbm>>
    %dma_wait3A_709 = arith.constant 15600 : i32
    %dma_wait3A_710 = tpu.memref_slice %arg9[%dma_wait3A_709] : memref<16640xf32, #tpu.memory_space<vmem>> -> memref<512xf32, #tpu.memory_space<vmem>>
    tpu.wait_dma2 semaphore(%arg13 : memref<!tpu.dma_semaphore, #tpu.memory_space<semaphore_mem>>) src(%dma_wait3A_710 : memref<512xf32, #tpu.memory_space<vmem>>) dst(%dma_wait3A_708 : memref<512xf32, #tpu.memory_space<hbm>>)
    %dma_wait3A_711 = arith.constant 31 : i32
    %dma_wait3A_712 = arith.constant 16120 : i32
    %dma_wait3A_713 = tpu.memref_slice %arg9[%dma_wait3A_712] : memref<16640xf32, #tpu.memory_space<vmem>> -> memref<512xf32, #tpu.memory_space<vmem>>
    %dma_wait3A_714 = arith.constant 0 : i32
    %dma_wait3A_715 = tpu.memref_slice %arg4[%dma_wait3A_711, %dma_wait3A_714] : memref<32x819200xf32, #tpu.memory_space<hbm>> -> memref<1x512xf32, #tpu.memory_space<hbm>>
    %dma_wait3A_716 = tpu.memref_squeeze %dma_wait3A_715 : memref<1x512xf32, #tpu.memory_space<hbm>> -> memref<512xf32, #tpu.memory_space<hbm>>
    %dma_wait3A_717 = arith.constant 0 : i32
    %dma_wait3A_718 = tpu.memref_slice %arg4[%dma_wait3A_711, %dma_wait3A_717] : memref<32x819200xf32, #tpu.memory_space<hbm>> -> memref<1x512xf32, #tpu.memory_space<hbm>>
    %dma_wait3A_719 = tpu.memref_squeeze %dma_wait3A_718 : memref<1x512xf32, #tpu.memory_space<hbm>> -> memref<512xf32, #tpu.memory_space<hbm>>
    %dma_wait3A_720 = arith.constant 16120 : i32
    %dma_wait3A_721 = tpu.memref_slice %arg9[%dma_wait3A_720] : memref<16640xf32, #tpu.memory_space<vmem>> -> memref<512xf32, #tpu.memory_space<vmem>>
    tpu.wait_dma2 semaphore(%arg13 : memref<!tpu.dma_semaphore, #tpu.memory_space<semaphore_mem>>) src(%dma_wait3A_721 : memref<512xf32, #tpu.memory_space<vmem>>) dst(%dma_wait3A_719 : memref<512xf32, #tpu.memory_space<hbm>>)
    return
  }
}

</mosaic_0001>

<sc_bundles>
// kernel: kernel.3.cloned.1.call-start
scs
__scs_entry_jumppad:
0x0: {  	(pc) =	sbr.rel $0x88, $3  }
0x1: {  	(tag) =	ssettag $0x0;
	lr =	simm.s32 $0x1  }
0x2: {  	[smem:$0x3F9F] =	sst lr;
	_ =	strace $0xD0000000  }
0x3: {  	_ = 	snop  }
0x4: {  	_ = 	snop  }
0x5: {  	_ = 	snop  }
0x6: {  	_ = 	snop  }
0x7: {  	_ = 	snop  }
__scs_overlays_trampoline_lowered:
0x8: {  	[smem:$0x3FAE] =	sst s0  }
0x9: {  	[smem:$0x3FAF] =	sst s1  }
0xa: {  	[smem:$0x3FB0] =	sst s2  }
0xb: {  	[smem:$0x3FB1] =	sst s3  }
0xc: {  	[smem:$0x3FB2] =	sst s4  }
0xd: {  	[smem:$0x3FB3] =	sst s5  }
0xe: {  	[smem:$0x3FB4] =	sst s6  }
0xf: {  	[smem:$0x3FB5] =	sst s7  }
0x10: {  	[smem:$0x3FB6] =	sst s8  }
0x11: {  	[smem:$0x3FB7] =	sst s9;
	s0 =	simm.s32 @!p0 $0x0  }
0x12: {  	s1 =	sld [smem:$0x3F9D];
	s0 =	simm.s32 @p0 $0x1  }
0x13: {  	[smem:$0x3FB8] =	sst s0;
	s0 =	simm.s32 @!p1 $0x0  }
0x14: {  	s2 =	sld [smem:$0x3F9C];
	s0 =	simm.s32 @p1 $0x1  }
0x15: {  	[smem:$0x3FB9] =	sst s0;
	s0 =	simm.s32 @!p2 $0x0  }
0x16: {  	s3 =	sld [smem:$0x3FDB];
	s0 =	simm.s32 @p2 $0x1  }
0x17: {  	s4 =	simm.s32 $0x1BF5;
	[smem:$0x3FBB] =	sst s0  }
0x18: {  	s0 =	sld [smem:$0x3F9E];
	_ =	swait.ge [sflag:s4], $0x0  }
0x19: {  	s7 =	sld [smem:$0x3F9F]  }
0x1a: {  	s8 =	sadd.s32 $0xFFFFE003, lr  }
0x1b: {  	s9 =	sadd.s32 $0xFFFFFEF7, lr;
	s5 =	simm.s32 $0xFFFFFFFF;
	p2 =	slt.u32 s8, $0xFFFFF086  }
0x1c: {  	p1 =	slt.u32 s9, $0xF7A;
	s5 =	simm.s32 @!p2 $0x0  }
0x1d: {  	s5 =	simm.s32 @p1 $0x1;
	p0 =	seq.s32 s7, s2  }
0x1e: {  	s7 =	smul.u32 @!p0 $0xF7A, s2;
	p2 =	seq.s32 @!p0 s5, $0x0  }
0x1f: {  	s9 =	smul.u32 $0xF7A, s1;
	s8 =	simm.s32 @!p0 $0x1BF5;
	p2 =	por !p2, p0  }
0x20: {  	[sflag:s8] =	ssyncset.s32 @!p0 $0xFFFFF086;
	s6 =	sadd.s32 @!p0 s3, s7;
	s7 =	simm.s32 @!p0 $0x108  }
0x21: {  	s3 =	sadd.s32 s3, s9;
	s6 =	sadd.s32 @!p0 $0x88, s6;
	s7 =	simm.s32 @p2 $0x1082  }
0x22: {  	[simem:s7], [sflag:s8] =	dma.local @!p0 [hbm:s6], $0xF7A  }
0x23: {  	s9 =	sor.u32 $0xD0000000, s2;
	s6 =	simm.s32 $0x108;
	_ =	swait.ge @!p0 [sflag:s8], $0x0  }
0x24: {  	s3 =	sadd.s32 $0x88, s3;
	s6 =	simm.s32 @!p1 $0x1082;
	[sflag:s4] =	ssyncset.s32 $0xFFFFF086  }
0x25: {  	[simem:s6], [sflag:s4] =	dma.local [hbm:s3], $0xF7A  }
0x26: {  	[smem:$0x3F9F] =	sst s1;
	(tag) =	ssettag s2;
	_ =	strace s9  }
0x27: {  	s1 =	sld [smem:$0x3FAF]  }
0x28: {  	s2 =	sld [smem:$0x3FB0]  }
0x29: {  	s4 =	sld [smem:$0x3FB2]  }
0x2a: {  	p0 =	seq.s32 s5, $0x0;
	s5 =	sld [smem:$0x3FB3]  }
0x2b: {  	s6 =	sld [smem:$0x3FB4]  }
0x2c: {  	s7 =	sld [smem:$0x3FB5]  }
0x2d: {  	s3 =	simm.s32 $0x108;
	s8 =	sld [smem:$0x3FB6]  }
0x2e: {  	s3 =	simm.s32 @!p0 $0x1082;
	s9 =	sld [smem:$0x3FB7]  }
0x2f: {  	lr =	sadd.s32 s0, s3;
	s0 =	sld [smem:$0x3FAE]  }
0x30: {  	s3 =	sld [smem:$0x3FB1]  }
0x31: {  	[smem:$0x3FBA] =	sst s10  }
0x32: {  	s10 =	sld [smem:$0x3FB8];
	_ =	sdelay $0x3  }
0x33: {  	p0 =	seq.s32 s10, $0x1;
	s10 =	sld [smem:$0x3FBA];
	_ =	sdelay $0x3  }
0x34: {  	[smem:$0x3FBA] =	sst s10  }
0x35: {  	s10 =	sld [smem:$0x3FB9];
	_ =	sdelay $0x3  }
0x36: {  	p1 =	seq.s32 s10, $0x1;
	s10 =	sld [smem:$0x3FBA];
	_ =	sdelay $0x3  }
0x37: {  	[smem:$0x3FBA] =	sst s10  }
0x38: {  	s10 =	sld [smem:$0x3FBB]  }
0x39: {  	_ = 	snop;
	(pc) =	sbr.ind lr, $3  }
0x3a: {  	_ = 	snop  }
0x3b: {  	_ = 	snop  }
0x3c: {  	p2 =	seq.s32 s10, $0x1;
	s10 =	sld [smem:$0x3FBA]  }
0x3d: {  	_ =	shalt  }
0x3e: {  	_ =	shalt  }
0x3f: {  	_ =	shalt  }
0x40: {  	_ =	shalt  }
0x41: {  	_ =	shalt  }
0x42: {  	_ =	shalt  }
0x43: {  	_ =	shalt  }
0x44: {  	_ =	shalt  }
0x45: {  	_ =	shalt  }
0x46: {  	_ =	shalt  }
0x47: {  	_ =	shalt  }
0x48: {  	_ =	shalt  }
0x49: {  	_ =	shalt  }
0x4a: {  	_ =	shalt  }
0x4b: {  	_ =	shalt  }
0x4c: {  	_ =	shalt  }
0x4d: {  	_ =	shalt  }
0x4e: {  	_ =	shalt  }
0x4f: {  	_ =	shalt  }
0x50: {  	_ =	shalt  }
0x51: {  	_ =	shalt  }
0x52: {  	_ =	shalt  }
0x53: {  	_ =	shalt  }
0x54: {  	_ =	shalt  }
0x55: {  	_ =	shalt  }
0x56: {  	_ =	shalt  }
0x57: {  	_ =	shalt  }
0x58: {  	_ =	shalt  }
0x59: {  	_ =	shalt  }
0x5a: {  	_ =	shalt  }
0x5b: {  	_ =	shalt  }
0x5c: {  	_ =	shalt  }
0x5d: {  	_ =	shalt  }
0x5e: {  	_ =	shalt  }
0x5f: {  	_ =	shalt  }
0x60: {  	_ =	shalt  }
0x61: {  	_ =	shalt  }
0x62: {  	_ =	shalt  }
0x63: {  	_ =	shalt  }
0x64: {  	_ =	shalt  }
0x65: {  	_ =	shalt  }
0x66: {  	_ =	shalt  }
0x67: {  	_ =	shalt  }
0x68: {  	_ =	shalt  }
0x69: {  	_ =	shalt  }
0x6a: {  	_ =	shalt  }
0x6b: {  	_ =	shalt  }
0x6c: {  	_ =	shalt  }
0x6d: {  	_ =	shalt  }
0x6e: {  	_ =	shalt  }
0x6f: {  	_ =	shalt  }
0x70: {  	_ =	shalt  }
0x71: {  	_ =	shalt  }
0x72: {  	_ =	shalt  }
0x73: {  	_ =	shalt  }
0x74: {  	_ =	shalt  }
0x75: {  	_ =	shalt  }
0x76: {  	_ =	shalt  }
0x77: {  	_ =	shalt  }
0x78: {  	_ =	shalt  }
0x79: {  	_ =	shalt  }
0x7a: {  	_ =	shalt  }
0x7b: {  	_ =	shalt  }
0x7c: {  	_ =	shalt  }
0x7d: {  	_ =	shalt  }
0x7e: {  	_ =	shalt  }
0x7f: {  	_ =	shalt  }
0x80: {  	_ =	shalt  }
0x81: {  	_ =	shalt  }
0x82: {  	_ =	shalt  }
0x83: {  	_ =	shalt  }
0x84: {  	_ =	shalt  }
0x85: {  	_ =	shalt  }
0x86: {  	_ =	shalt  }
0x87: {  	_ =	shalt  }
.Lfunc_end0:
.L_simem_size_0:
called_computation.1_lowered:
.L_overlay_start_0:
0x88: {  	s2 =	sld [smem:$0x3FD9]  }
0x89: {  	s3 =	sld [smem:$0x3FFE];
	_ =	sdelay $0x1  }
0x8a: {  	s1 =	srdreg.scid  }
0x8b: {  	s0 =	sand.u32 $0x1, s1  }
0x8c: {  	s17 =	sshll.u32 s0, $0xA;
	s2 =	sadd.s32 s3, s2  }
0x8d: {  	s2 =	sadd.s32 s2, s17  }
0x8e: {  	[smem:$0x3FC6] =	sst s2  }
0x8f: {  	_ = 	snop  }
0x90: {  	s2 =	sld [smem:$0x3FD0];
	(tm) =	ssettm $0x1  }
0x91: {  	s18 =	sld [smem:$0x3FFB];
	_ =	sdelay $0x3  }
0x92: {  	_ =	strace s18  }
0x93: {  	s3 =	sld [smem:$0x3FFC];
	_ =	sdelay $0x3  }
0x94: {  	_ =	strace s3  }
0x95: {  	s3 =	sld [smem:$0x3FFD];
	_ =	sdelay $0x3  }
0x96: {  	_ =	strace s3  }
0x97: {  	_ =	strace $0x8FFFFFFF  }
0x98: {  	s19 =	sld [smem:$0x3FDB];
	_ =	sdelay $0x1  }
0x99: {  	s4 =	simm.s32 $_scs_section_size  }
0x9a: {  	s5 =	simm.s32 $_size__tile_overlayer_lowered;
	s6 =	simm.s32 $_tile_overlayer_lowered  }
0x9b: {  	s22 =	simm.s32 $0x1BFF;
	s21 =	sshll.u32 s6, $0x1;
	s3 =	sadd.s32 s4, s19  }
0x9c: {  	s7 =	simm.s32 $0x0;
	s20 =	sshll.u32 s5, $0x1;
	s5 =	sadd.s32 s21, s3  }
0x9d: {  	[timem:s7], [sflag:s22] =	dma.local [hbm:s5], s20  }
0x9e: {  	_ =	swait.ge [sflag:s22], s20  }
0x9f: {  	s4 =	ssub.s32 $0x0, s20;
	[sflag:s22] =	ssyncset.done $0x0  }
0xa0: {  	[sflag:s22] =	ssyncadd.s32 s4;
	_ =	sdelay $0x1  }
0xa1: {  	s23 =	simm.s32 $0x1B8B  }
0xa2: {  	_ =	swait.ge [sflag:s23], $0x1  }
0xa3: {  	[sflag:s23] =	ssyncset.done $0x0  }
0xa4: {  	s25 =	simm.s32 $0x1B8E;
	s24 =	sld [smem:$0x3FFE];
	[sflag:s23] =	ssyncadd.s32 $0xFFFFFFFF  }
0xa5: {  	s26 =	simm.s32 $execute0_lowered;
	[smem:$0x3FD2] =	sst s25  }
0xa6: {  	s5 =	sshll.u32 s26, $0x1;
	_ =	strace $0x80000049;
	[dreg:$0x1] =	wrdreg $0xFFFFFFFF  }
0xa7: {  	s28 =	simm.s32 $_size_execute0_lowered;
	s3 =	sadd.s32 s3, s5;
	[dreg:$0x0] =	wrdreg $0x0  }
0xa8: {  	s5 =	sshll.u32 s28, $0x1;
	[dreg:$0x2] =	wrdreg s3  }
0xa9: {  	[dreg:$0x3] =	wrdreg s5  }
0xaa: {  	[dreg:$0x4] =	wrdreg $0xC0  }
0xab: {  	_ =	task [dreg:s7], $0x5FFFF  }
0xac: {  	[dreg:$0x1] =	wrdreg $0xFFFFFFFF  }
0xad: {  	[dreg:$0x0] =	wrdreg $0x60  }
0xae: {  	[dreg:$0x2] =	wrdreg s24  }
0xaf: {  	[dreg:$0x3] =	wrdreg s2  }
0xb0: {  	[dreg:$0x4] =	wrdreg $0x9  }
0xb1: {  	_ =	task.clear_ibuf [dreg:s7], $0x5FFFF;
	_ =	strace $0x90000049  }
0xb2: {  	s29 =	simm.s32 $0x9;
	_ =	strace $0x8000004B  }
0xb3: {  	_ =	swait.ge [sflag:s29], $0x1  }
0xb4: {  	[sflag:s29] =	ssyncadd.s32 $0xFFFFFFFF  }
0xb5: {  	_ =	strace $0x9000004B  }
0xb6: {  	_ =	sfence  }
0xb7: {  	s30 =	sld [smem:$0x0];
	_ =	sdelay $0x2  }
0xb8: {  	s31 =	sshll.u32 s1, $0xD;
	s1 =	sshrl.u32 s1, $0x2  }
0xb9: {  	s3 =	sand.u32 $0x4000, s31;
	s1 =	sadd.s32 s1, s30  }
0xba: {  	s0 =	sor.u32 s3, s0;
	s1 =	sshll.u32 s1, $0x11  }
0xbb: {  	s0 =	sor.u32 s1, s0  }
0xbc: {  	s0 =	sadd.s32 $0x8F2B, s0  }
0xbd: {  	[sflag:s0] =	ssyncadd.remote.s32 $0x1  }
0xbe: {  	_ =	sfence.sel $0xFFFF  }
0xbf: {  	[dreg:$0x0] =	wrdreg $0xFFFFFFFF;
	(pc) =	sbr.abs _section_cstart, $3  }
0xc0: {  	[dreg:$0x1] =	wrdreg $0xFFFFFFFF  }
0xc1: {  	_ =	task.clear_ibuf [dreg:s7], $0x2FFFF;
	_ =	strace $0x9FFFFFFF  }
0xc2: {  	(tm) =	ssettm $0x7FFFFFFF  }
0xc3: {  	_ =	shalt  }
tec
execute0_lowered:
.L_overlay_start_1:
0x0: {  	(tag) =	ssettag $0x1  }
0x1: {  	s0 =	rddreg [dreg:$0x0];
	s1 =	srdreg.scid  }
0x2: {  	s2 =	stileid.u32;
	s7 =	rddreg [dreg:$0x1];
	s3 =	simm.s32 $0x0  }
0x3: {  	s10 =	simm.s32 $0x200;
	s13 =	simm.s32 $0x1;
	s14 =	simm.s32 $0xE400  }
0x4: {  	s22 =	simm.s32 $0x2;
	s23 =	simm.s32 $0x4;
	s24 =	simm.s32 $0x12500  }
0x5: {  	s21 =	simm.s32 $0x14FA8;
	s28 =	simm.s32 $0x155C0;
	s29 =	simm.s32 $0x157C8  }
0x6: {  	s30 =	simm.s32 $0x159D0;
	s31 =	simm.s32 $0x15BD8;
	s8 =	simm.s32 $0x163F8  }
0x7: {  	s9 =	simm.s32 $0x3;
	s1 =	sand.u32 $0x1, s1;
	s2 =	sshll.u32 s2, $0x1  }
0x8: {  	s11 =	simm.s32 $0x0;
	[smem:$0x7FF] =	sst s3;
	s2 =	sor.u32 s1, s2  }
0x9: {  	s7 =	sadd.s32 $0x40, s7;
	s1 =	ssub.s32 $0x2, s1;
	s4 =	smul.u32 $0xC80, s2  }
0xa: {  	_ =	strace $0x8000004A;
	s25 =	sshrl.u32 s1, $0x1;
	s6 =	sshll.u32 s2, $0xA  }
0xb: {  	v0 =	vlaneseq.u32;
	s5 =	sadd.s32 s4, s0;
	s4 =	sadd.s32 $0xF5BE00, s0;
	s0 =	ssub.s32 s1, s25  }
0xc: {  	v0 =	vmul.u32 $0x208, v0;
	s25 =	simm.s32 $0x151B0;
	s1 =	simm.s32 $0x15DE0;
	s26 =	sadd.s32 $0xF42E00, s5  }
0xd: {  	s0 =	smax.u32 s0, $0x1;
	s5 =	simm.s32 $0x161F0;
	[dreg:$0x3] =	wrdreg s26  }
0xe: {  	v1 =	vadd.s32 $0x2080, v0;
	[dreg:$0x4] =	wrdreg s0;
	s26 =	simm.s32 $0x153B8;
	s0 =	simm.s32 $0x15FE8  }
.LBB2_1:
0xf: {  	[dreg:$0x5] =	wrdreg s11  }
0x10: {  	s2 =	rddreg [dreg:$0x3];
	s19 =	simm.s32 $0x5  }
0x11: {  	[tilespmem:s3], [sflag:$0x5] =	stream.linear.gather [hbm4b:s2+s3], $0x6400, $0x38;
	[tilespmem:$0x16600] =	vst v63  }
0x12: {  	_ =	swait.ge [sflag:s19], $0x6400  }
0x13: {  	[sflag:s19] =	ssyncset.done $0x0  }
0x14: {  	s20 =	simm.s32 $0x6400;
	s11 =	simm.s32 $0x0;
	[sflag:s19] =	ssyncadd.s32 $0xFFFF9C00  }
0x15: {  	[tilespmem:s20], [sflag:$0x1] =	stream.indirect.gather [hbm4b:s4+s10], $0x20, s3, s10, $0xb8;
	[tilespmem:$0x16600] =	vst v63  }
.LBB2_2:
0x16: {  	s2 =	sshll.u32 s11, $0xA  }
0x17: {  	p0 =	seq.s32 s11, $0x0;
	s15 =	sand.u32 $0x3FFFFC00, s2  }
.Ltmp0:
0x18: {  	s12 =	simm.s32 $0xA400;
	s2 =	sor.u32 $0x200, s15;
	(pc) =	sbr.rel @p0 .LBB2_4-.Ltmp0, $4  }
0x19: {  	[tilespmem:s12], [sflag:$0x2] =	stream.indirect.gather [hbm4b:s4+s10], $0x20, s2, s10, $0xb8;
	[tilespmem:$0x16600] =	vst v63  }
0x1a: {  	_ =	swait.ge [sflag:s13], $0x4000  }
0x1b: {  	[sflag:s13] =	ssyncset.done $0x0  }
0x1c: {  	[sflag:s13] =	ssyncadd.s32 $0xFFFFC000  }
0x1d: {  	_ =	swait.ge [sflag:s9], $0x200  }
0x1e: {  	[sflag:s9] =	ssyncset.done $0x0  }
0x1f: {  	[sflag:s9] =	ssyncadd.s32 $0xFFFFFE00  }
0x20: {  	_ =	swait.ge [sflag:s9], $0x200  }
0x21: {  	[sflag:s9] =	ssyncset.done $0x0  }
0x22: {  	[sflag:s9] =	ssyncadd.s32 $0xFFFFFE00  }
0x23: {  	_ =	swait.ge [sflag:s9], $0x200  }
0x24: {  	[sflag:s9] =	ssyncset.done $0x0  }
0x25: {  	[sflag:s9] =	ssyncadd.s32 $0xFFFFFE00  }
0x26: {  	_ =	swait.ge [sflag:s9], $0x200  }
0x27: {  	[sflag:s9] =	ssyncset.done $0x0  }
0x28: {  	[sflag:s9] =	ssyncadd.s32 $0xFFFFFE00  }
0x29: {  	_ =	swait.ge [sflag:s9], $0x200  }
0x2a: {  	[sflag:s9] =	ssyncset.done $0x0  }
0x2b: {  	[sflag:s9] =	ssyncadd.s32 $0xFFFFFE00  }
0x2c: {  	_ =	swait.ge [sflag:s9], $0x200  }
0x2d: {  	[sflag:s9] =	ssyncset.done $0x0  }
0x2e: {  	[sflag:s9] =	ssyncadd.s32 $0xFFFFFE00  }
0x2f: {  	_ =	swait.ge [sflag:s9], $0x200  }
0x30: {  	[sflag:s9] =	ssyncset.done $0x0  }
0x31: {  	[sflag:s9] =	ssyncadd.s32 $0xFFFFFE00  }
0x32: {  	_ =	swait.ge [sflag:s9], $0x200  }
0x33: {  	[sflag:s9] =	ssyncset.done $0x0  }
0x34: {  	[sflag:s9] =	ssyncadd.s32 $0xFFFFFE00  }
0x35: {  	_ =	swait.ge [sflag:s9], $0x200  }
0x36: {  	[sflag:s9] =	ssyncset.done $0x0  }
0x37: {  	[sflag:s9] =	ssyncadd.s32 $0xFFFFFE00  }
0x38: {  	_ =	swait.ge [sflag:s9], $0x200  }
0x39: {  	[sflag:s9] =	ssyncset.done $0x0  }
0x3a: {  	[sflag:s9] =	ssyncadd.s32 $0xFFFFFE00  }
0x3b: {  	_ =	swait.ge [sflag:s9], $0x200  }
0x3c: {  	[sflag:s9] =	ssyncset.done $0x0  }
0x3d: {  	[sflag:s9] =	ssyncadd.s32 $0xFFFFFE00  }
0x3e: {  	_ =	swait.ge [sflag:s9], $0x200  }
0x3f: {  	[sflag:s9] =	ssyncset.done $0x0  }
0x40: {  	[sflag:s9] =	ssyncadd.s32 $0xFFFFFE00  }
0x41: {  	_ =	swait.ge [sflag:s9], $0x200  }
0x42: {  	[sflag:s9] =	ssyncset.done $0x0  }
0x43: {  	[sflag:s9] =	ssyncadd.s32 $0xFFFFFE00  }
0x44: {  	_ =	swait.ge [sflag:s9], $0x200  }
0x45: {  	[sflag:s9] =	ssyncset.done $0x0  }
0x46: {  	[sflag:s9] =	ssyncadd.s32 $0xFFFFFE00  }
0x47: {  	_ =	swait.ge [sflag:s9], $0x200  }
0x48: {  	[sflag:s9] =	ssyncset.done $0x0  }
0x49: {  	[sflag:s9] =	ssyncadd.s32 $0xFFFFFE00  }
0x4a: {  	_ =	swait.ge [sflag:s9], $0x200  }
0x4b: {  	[sflag:s9] =	ssyncset.done $0x0  }
0x4c: {  	[sflag:s9] =	ssyncadd.s32 $0xFFFFFE00  }
0x4d: {  	_ =	swait.ge [sflag:s9], $0x200  }
0x4e: {  	[sflag:s9] =	ssyncset.done $0x0  }
0x4f: {  	[sflag:s9] =	ssyncadd.s32 $0xFFFFFE00  }
0x50: {  	_ =	swait.ge [sflag:s9], $0x200  }
0x51: {  	[sflag:s9] =	ssyncset.done $0x0  }
0x52: {  	[sflag:s9] =	ssyncadd.s32 $0xFFFFFE00  }
0x53: {  	_ =	swait.ge [sflag:s9], $0x200  }
0x54: {  	[sflag:s9] =	ssyncset.done $0x0  }
0x55: {  	[sflag:s9] =	ssyncadd.s32 $0xFFFFFE00  }
0x56: {  	_ =	swait.ge [sflag:s9], $0x200  }
0x57: {  	[sflag:s9] =	ssyncset.done $0x0  }
0x58: {  	[sflag:s9] =	ssyncadd.s32 $0xFFFFFE00  }
0x59: {  	_ =	swait.ge [sflag:s9], $0x200  }
0x5a: {  	[sflag:s9] =	ssyncset.done $0x0  }
0x5b: {  	[sflag:s9] =	ssyncadd.s32 $0xFFFFFE00  }
0x5c: {  	_ =	swait.ge [sflag:s9], $0x200  }
0x5d: {  	[sflag:s9] =	ssyncset.done $0x0  }
0x5e: {  	[sflag:s9] =	ssyncadd.s32 $0xFFFFFE00  }
0x5f: {  	_ =	swait.ge [sflag:s9], $0x200  }
0x60: {  	[sflag:s9] =	ssyncset.done $0x0  }
0x61: {  	[sflag:s9] =	ssyncadd.s32 $0xFFFFFE00  }
0x62: {  	_ =	swait.ge [sflag:s9], $0x200  }
0x63: {  	[sflag:s9] =	ssyncset.done $0x0  }
0x64: {  	[sflag:s9] =	ssyncadd.s32 $0xFFFFFE00  }
0x65: {  	_ =	swait.ge [sflag:s9], $0x200  }
0x66: {  	[sflag:s9] =	ssyncset.done $0x0  }
0x67: {  	[sflag:s9] =	ssyncadd.s32 $0xFFFFFE00  }
0x68: {  	_ =	swait.ge [sflag:s9], $0x200  }
0x69: {  	[sflag:s9] =	ssyncset.done $0x0  }
0x6a: {  	[sflag:s9] =	ssyncadd.s32 $0xFFFFFE00  }
0x6b: {  	_ =	swait.ge [sflag:s9], $0x200  }
0x6c: {  	[sflag:s9] =	ssyncset.done $0x0  }
0x6d: {  	[sflag:s9] =	ssyncadd.s32 $0xFFFFFE00  }
0x6e: {  	_ =	swait.ge [sflag:s9], $0x200  }
0x6f: {  	[sflag:s9] =	ssyncset.done $0x0  }
0x70: {  	[sflag:s9] =	ssyncadd.s32 $0xFFFFFE00  }
0x71: {  	_ =	swait.ge [sflag:s9], $0x200  }
0x72: {  	[sflag:s9] =	ssyncset.done $0x0  }
0x73: {  	[sflag:s9] =	ssyncadd.s32 $0xFFFFFE00  }
0x74: {  	_ =	swait.ge [sflag:s9], $0x200  }
0x75: {  	[sflag:s9] =	ssyncset.done $0x0  }
0x76: {  	[sflag:s9] =	ssyncadd.s32 $0xFFFFFE00  }
0x77: {  	_ =	swait.ge [sflag:s9], $0x200  }
0x78: {  	[sflag:s9] =	ssyncset.done $0x0  }
0x79: {  	[sflag:s9] =	ssyncadd.s32 $0xFFFFFE00  }
0x7a: {  	_ =	swait.ge [sflag:s9], $0x200  }
0x7b: {  	[sflag:s9] =	ssyncset.done $0x0  }
0x7c: {  	[sflag:s9] =	ssyncadd.s32 $0xFFFFFE00  }
.LBB2_4:
0x7d: {  	s2 =	simm.s32 $0x6500;
	s12 =	simm.s32 $0x0  }
0x7e: {  	v2 =	vld [tilespmem:s2+$0xFFFFFF00];
	v3 =	vadd.s32 s12, v0  }
0x7f: {  	v4 =	vld [tilespmem:s2+$0xFFFFFF10];
	v5 =	vadd.s32 s12, v1;
	_ =	sdelay $0x3  }
0x80: {  	[tilespmem:v3+s14+$0x0] =	vst.idx.msk $0xffff, v2  }
0x81: {  	s17 =	simm.s32 $0x1;
	[tilespmem:v5+s14+$0x0] =	vst.idx.msk $0xffff, v4  }
0x82: {  	v3 =	vadd.s32 s17, v0;
	v2 =	vld [tilespmem:s2+$0xFFFFFF20]  }
0x83: {  	v5 =	vadd.s32 s17, v1;
	v4 =	vld [tilespmem:s2+$0xFFFFFF30];
	_ =	sdelay $0x3  }
0x84: {  	[tilespmem:v3+s14+$0x0] =	vst.idx.msk $0xffff, v2  }
0x85: {  	s18 =	simm.s32 $0x2;
	[tilespmem:v5+s14+$0x0] =	vst.idx.msk $0xffff, v4  }
0x86: {  	v3 =	vadd.s32 s18, v0;
	v2 =	vld [tilespmem:s2+$0xFFFFFF40]  }
0x87: {  	v5 =	vadd.s32 s18, v1;
	v4 =	vld [tilespmem:s2+$0xFFFFFF50];
	_ =	sdelay $0x3  }
0x88: {  	[tilespmem:v3+s14+$0x0] =	vst.idx.msk $0xffff, v2  }
0x89: {  	s19 =	simm.s32 $0x3;
	[tilespmem:v5+s14+$0x0] =	vst.idx.msk $0xffff, v4  }
0x8a: {  	v3 =	vadd.s32 s19, v0;
	v2 =	vld [tilespmem:s2+$0xFFFFFF60]  }
0x8b: {  	v5 =	vadd.s32 s19, v1;
	v4 =	vld [tilespmem:s2+$0xFFFFFF70];
	_ =	sdelay $0x3  }
0x8c: {  	[tilespmem:v3+s14+$0x0] =	vst.idx.msk $0xffff, v2  }
0x8d: {  	s20 =	simm.s32 $0x4;
	[tilespmem:v5+s14+$0x0] =	vst.idx.msk $0xffff, v4  }
0x8e: {  	v3 =	vadd.s32 s20, v0;
	v2 =	vld [tilespmem:s2+$0xFFFFFF80]  }
0x8f: {  	v5 =	vadd.s32 s20, v1;
	v4 =	vld [tilespmem:s2+$0xFFFFFF90];
	_ =	sdelay $0x3  }
0x90: {  	[tilespmem:v3+s14+$0x0] =	vst.idx.msk $0xffff, v2  }
0x91: {  	s16 =	simm.s32 $0x5;
	[tilespmem:v5+s14+$0x0] =	vst.idx.msk $0xffff, v4  }
0x92: {  	v3 =	vadd.s32 s16, v0;
	v2 =	vld [tilespmem:s2+$0xFFFFFFA0]  }
0x93: {  	v5 =	vadd.s32 s16, v1;
	v4 =	vld [tilespmem:s2+$0xFFFFFFB0];
	_ =	sdelay $0x3  }
0x94: {  	[tilespmem:v3+s14+$0x0] =	vst.idx.msk $0xffff, v2  }
0x95: {  	s17 =	simm.s32 $0x6;
	[tilespmem:v5+s14+$0x0] =	vst.idx.msk $0xffff, v4  }
0x96: {  	v3 =	vadd.s32 s17, v0;
	v2 =	vld [tilespmem:s2+$0xFFFFFFC0]  }
0x97: {  	v5 =	vadd.s32 s17, v1;
	v4 =	vld [tilespmem:s2+$0xFFFFFFD0];
	_ =	sdelay $0x3  }
0x98: {  	[tilespmem:v3+s14+$0x0] =	vst.idx.msk $0xffff, v2  }
0x99: {  	s18 =	simm.s32 $0x7;
	[tilespmem:v5+s14+$0x0] =	vst.idx.msk $0xffff, v4  }
0x9a: {  	v3 =	vadd.s32 s18, v0;
	v2 =	vld [tilespmem:s2+$0xFFFFFFE0]  }
0x9b: {  	v5 =	vadd.s32 s18, v1;
	v4 =	vld [tilespmem:s2+$0xFFFFFFF0];
	_ =	sdelay $0x3  }
0x9c: {  	[tilespmem:v3+s14+$0x0] =	vst.idx.msk $0xffff, v2  }
0x9d: {  	s19 =	simm.s32 $0x8;
	[tilespmem:v5+s14+$0x0] =	vst.idx.msk $0xffff, v4  }
0x9e: {  	v3 =	vadd.s32 s19, v0;
	v2 =	vld [tilespmem:s2+$0x0]  }
0x9f: {  	v5 =	vadd.s32 s19, v1;
	v4 =	vld [tilespmem:s2+$0x10];
	_ =	sdelay $0x3  }
0xa0: {  	[tilespmem:v3+s14+$0x0] =	vst.idx.msk $0xffff, v2  }
0xa1: {  	s20 =	simm.s32 $0x9;
	[tilespmem:v5+s14+$0x0] =	vst.idx.msk $0xffff, v4  }
0xa2: {  	v3 =	vadd.s32 s20, v0;
	v2 =	vld [tilespmem:s2+$0x20]  }
0xa3: {  	v5 =	vadd.s32 s20, v1;
	v4 =	vld [tilespmem:s2+$0x30];
	_ =	sdelay $0x3  }
0xa4: {  	[tilespmem:v3+s14+$0x0] =	vst.idx.msk $0xffff, v2  }
0xa5: {  	s16 =	simm.s32 $0xA;
	[tilespmem:v5+s14+$0x0] =	vst.idx.msk $0xffff, v4  }
0xa6: {  	v3 =	vadd.s32 s16, v0;
	v2 =	vld [tilespmem:s2+$0x40]  }
0xa7: {  	v5 =	vadd.s32 s16, v1;
	v4 =	vld [tilespmem:s2+$0x50];
	_ =	sdelay $0x3  }
0xa8: {  	[tilespmem:v3+s14+$0x0] =	vst.idx.msk $0xffff, v2  }
0xa9: {  	s17 =	simm.s32 $0xB;
	[tilespmem:v5+s14+$0x0] =	vst.idx.msk $0xffff, v4  }
0xaa: {  	v3 =	vadd.s32 s17, v0;
	v2 =	vld [tilespmem:s2+$0x60]  }
0xab: {  	v5 =	vadd.s32 s17, v1;
	v4 =	vld [tilespmem:s2+$0x70];
	_ =	sdelay $0x3  }
0xac: {  	[tilespmem:v3+s14+$0x0] =	vst.idx.msk $0xffff, v2  }
0xad: {  	s18 =	simm.s32 $0xC;
	[tilespmem:v5+s14+$0x0] =	vst.idx.msk $0xffff, v4  }
0xae: {  	v3 =	vadd.s32 s18, v0;
	v2 =	vld [tilespmem:s2+$0x80]  }
0xaf: {  	v5 =	vadd.s32 s18, v1;
	v4 =	vld [tilespmem:s2+$0x90];
	_ =	sdelay $0x3  }
0xb0: {  	[tilespmem:v3+s14+$0x0] =	vst.idx.msk $0xffff, v2  }
0xb1: {  	s19 =	simm.s32 $0xD;
	[tilespmem:v5+s14+$0x0] =	vst.idx.msk $0xffff, v4  }
0xb2: {  	v3 =	vadd.s32 s19, v0;
	v2 =	vld [tilespmem:s2+$0xA0]  }
0xb3: {  	v5 =	vadd.s32 s19, v1;
	v4 =	vld [tilespmem:s2+$0xB0];
	_ =	sdelay $0x3  }
0xb4: {  	[tilespmem:v3+s14+$0x0] =	vst.idx.msk $0xffff, v2  }
0xb5: {  	s20 =	simm.s32 $0xE;
	[tilespmem:v5+s14+$0x0] =	vst.idx.msk $0xffff, v4  }
0xb6: {  	v3 =	vadd.s32 s20, v0;
	v2 =	vld [tilespmem:s2+$0xC0]  }
0xb7: {  	v5 =	vadd.s32 s20, v1;
	v4 =	vld [tilespmem:s2+$0xD0];
	_ =	sdelay $0x3  }
0xb8: {  	[tilespmem:v3+s14+$0x0] =	vst.idx.msk $0xffff, v2  }
0xb9: {  	s16 =	simm.s32 $0xF;
	[tilespmem:v5+s14+$0x0] =	vst.idx.msk $0xffff, v4  }
0xba: {  	v5 =	vadd.s32 s16, v0;
	v4 =	vld [tilespmem:s2+$0xE0];
	_ =	sdelay $0x1  }
0xbb: {  	v3 =	vadd.s32 s16, v1;
	v2 =	vld [tilespmem:s2+$0xF0];
	_ =	sdelay $0x2  }
0xbc: {  	s12 =	simm.s32 $0x1F;
	s18 =	simm.s32 $0x2F;
	[tilespmem:v5+s14+$0x0] =	vst.idx.msk $0xffff, v4  }
.LBB2_5:
0xbd: {  	s19 =	sadd.s32 $0xFFFFFFF1, s12  }
0xbe: {  	[tilespmem:v3+s14+$0x0] =	vst.idx.msk $0xffff, v2;
	s2 =	sadd.s32 $0x200, s2;
	s17 =	smov.u32 s18;
	s16 =	sadd.s32 $0x10, s18  }
0xbf: {  	p1 =	sne.s32 s18, $0x1FF;
	v2 =	vld [tilespmem:s2+$0xFFFFFF00];
	v3 =	vadd.s32 s19, v0  }
0xc0: {  	v5 =	vadd.s32 s19, v1;
	v4 =	vld [tilespmem:s2+$0xFFFFFF10];
	_ =	sdelay $0x3  }
0xc1: {  	[tilespmem:v3+s14+$0x0] =	vst.idx.msk $0xffff, v2  }
0xc2: {  	s18 =	sadd.s32 $0xFFFFFFF2, s12;
	[tilespmem:v5+s14+$0x0] =	vst.idx.msk $0xffff, v4  }
0xc3: {  	v3 =	vadd.s32 s18, v0;
	v2 =	vld [tilespmem:s2+$0xFFFFFF20]  }
0xc4: {  	v5 =	vadd.s32 s18, v1;
	v4 =	vld [tilespmem:s2+$0xFFFFFF30];
	_ =	sdelay $0x3  }
0xc5: {  	[tilespmem:v3+s14+$0x0] =	vst.idx.msk $0xffff, v2  }
0xc6: {  	s18 =	sadd.s32 $0xFFFFFFF3, s12;
	[tilespmem:v5+s14+$0x0] =	vst.idx.msk $0xffff, v4  }
0xc7: {  	v3 =	vadd.s32 s18, v0;
	v2 =	vld [tilespmem:s2+$0xFFFFFF40]  }
0xc8: {  	v5 =	vadd.s32 s18, v1;
	v4 =	vld [tilespmem:s2+$0xFFFFFF50];
	_ =	sdelay $0x3  }
0xc9: {  	[tilespmem:v3+s14+$0x0] =	vst.idx.msk $0xffff, v2  }
0xca: {  	s18 =	sadd.s32 $0xFFFFFFF4, s12;
	[tilespmem:v5+s14+$0x0] =	vst.idx.msk $0xffff, v4  }
0xcb: {  	v3 =	vadd.s32 s18, v0;
	v2 =	vld [tilespmem:s2+$0xFFFFFF60]  }
0xcc: {  	v5 =	vadd.s32 s18, v1;
	v4 =	vld [tilespmem:s2+$0xFFFFFF70];
	_ =	sdelay $0x3  }
0xcd: {  	[tilespmem:v3+s14+$0x0] =	vst.idx.msk $0xffff, v2  }
0xce: {  	s18 =	sadd.s32 $0xFFFFFFF5, s12;
	[tilespmem:v5+s14+$0x0] =	vst.idx.msk $0xffff, v4  }
0xcf: {  	v3 =	vadd.s32 s18, v0;
	v2 =	vld [tilespmem:s2+$0xFFFFFF80]  }
0xd0: {  	v5 =	vadd.s32 s18, v1;
	v4 =	vld [tilespmem:s2+$0xFFFFFF90];
	_ =	sdelay $0x3  }
0xd1: {  	[tilespmem:v3+s14+$0x0] =	vst.idx.msk $0xffff, v2  }
0xd2: {  	s18 =	sadd.s32 $0xFFFFFFF6, s12;
	[tilespmem:v5+s14+$0x0] =	vst.idx.msk $0xffff, v4  }
0xd3: {  	v3 =	vadd.s32 s18, v0;
	v2 =	vld [tilespmem:s2+$0xFFFFFFA0]  }
0xd4: {  	v5 =	vadd.s32 s18, v1;
	v4 =	vld [tilespmem:s2+$0xFFFFFFB0];
	_ =	sdelay $0x3  }
0xd5: {  	[tilespmem:v3+s14+$0x0] =	vst.idx.msk $0xffff, v2  }
0xd6: {  	s18 =	sadd.s32 $0xFFFFFFF7, s12;
	[tilespmem:v5+s14+$0x0] =	vst.idx.msk $0xffff, v4  }
0xd7: {  	v3 =	vadd.s32 s18, v0;
	v2 =	vld [tilespmem:s2+$0xFFFFFFC0]  }
0xd8: {  	v5 =	vadd.s32 s18, v1;
	v4 =	vld [tilespmem:s2+$0xFFFFFFD0];
	_ =	sdelay $0x3  }
0xd9: {  	[tilespmem:v3+s14+$0x0] =	vst.idx.msk $0xffff, v2  }
0xda: {  	s18 =	sadd.s32 $0xFFFFFFF8, s12;
	[tilespmem:v5+s14+$0x0] =	vst.idx.msk $0xffff, v4  }
0xdb: {  	v3 =	vadd.s32 s18, v0;
	v2 =	vld [tilespmem:s2+$0xFFFFFFE0]  }
0xdc: {  	v5 =	vadd.s32 s18, v1;
	v4 =	vld [tilespmem:s2+$0xFFFFFFF0];
	_ =	sdelay $0x3  }
0xdd: {  	[tilespmem:v3+s14+$0x0] =	vst.idx.msk $0xffff, v2  }
0xde: {  	s18 =	sadd.s32 $0xFFFFFFF9, s12;
	[tilespmem:v5+s14+$0x0] =	vst.idx.msk $0xffff, v4  }
0xdf: {  	v3 =	vadd.s32 s18, v0;
	v2 =	vld [tilespmem:s2+$0x0]  }
0xe0: {  	v5 =	vadd.s32 s18, v1;
	v4 =	vld [tilespmem:s2+$0x10];
	_ =	sdelay $0x3  }
0xe1: {  	[tilespmem:v3+s14+$0x0] =	vst.idx.msk $0xffff, v2  }
0xe2: {  	s18 =	sadd.s32 $0xFFFFFFFA, s12;
	[tilespmem:v5+s14+$0x0] =	vst.idx.msk $0xffff, v4  }
0xe3: {  	v3 =	vadd.s32 s18, v0;
	v2 =	vld [tilespmem:s2+$0x20]  }
0xe4: {  	v5 =	vadd.s32 s18, v1;
	v4 =	vld [tilespmem:s2+$0x30];
	_ =	sdelay $0x3  }
0xe5: {  	[tilespmem:v3+s14+$0x0] =	vst.idx.msk $0xffff, v2  }
0xe6: {  	s18 =	sadd.s32 $0xFFFFFFFB, s12;
	[tilespmem:v5+s14+$0x0] =	vst.idx.msk $0xffff, v4  }
0xe7: {  	v3 =	vadd.s32 s18, v0;
	v2 =	vld [tilespmem:s2+$0x40]  }
0xe8: {  	v5 =	vadd.s32 s18, v1;
	v4 =	vld [tilespmem:s2+$0x50];
	_ =	sdelay $0x3  }
0xe9: {  	[tilespmem:v3+s14+$0x0] =	vst.idx.msk $0xffff, v2  }
0xea: {  	s18 =	sadd.s32 $0xFFFFFFFC, s12;
	[tilespmem:v5+s14+$0x0] =	vst.idx.msk $0xffff, v4  }
0xeb: {  	v3 =	vadd.s32 s18, v0;
	v2 =	vld [tilespmem:s2+$0x60]  }
0xec: {  	v5 =	vadd.s32 s18, v1;
	v4 =	vld [tilespmem:s2+$0x70];
	_ =	sdelay $0x3  }
0xed: {  	[tilespmem:v3+s14+$0x0] =	vst.idx.msk $0xffff, v2  }
0xee: {  	s18 =	sadd.s32 $0xFFFFFFFD, s12;
	[tilespmem:v5+s14+$0x0] =	vst.idx.msk $0xffff, v4  }
0xef: {  	v3 =	vadd.s32 s18, v0;
	v2 =	vld [tilespmem:s2+$0x80]  }
0xf0: {  	v5 =	vadd.s32 s18, v1;
	v4 =	vld [tilespmem:s2+$0x90];
	_ =	sdelay $0x3  }
0xf1: {  	[tilespmem:v3+s14+$0x0] =	vst.idx.msk $0xffff, v2  }
0xf2: {  	s18 =	sadd.s32 $0xFFFFFFFE, s12;
	[tilespmem:v5+s14+$0x0] =	vst.idx.msk $0xffff, v4  }
0xf3: {  	v3 =	vadd.s32 s18, v0;
	v2 =	vld [tilespmem:s2+$0xA0]  }
0xf4: {  	v5 =	vadd.s32 s18, v1;
	v4 =	vld [tilespmem:s2+$0xB0];
	_ =	sdelay $0x3  }
0xf5: {  	[tilespmem:v3+s14+$0x0] =	vst.idx.msk $0xffff, v2  }
0xf6: {  	s18 =	sadd.s32 $0xFFFFFFFF, s12;
	[tilespmem:v5+s14+$0x0] =	vst.idx.msk $0xffff, v4  }
0xf7: {  	v3 =	vadd.s32 s18, v0;
	v2 =	vld [tilespmem:s2+$0xC0]  }
0xf8: {  	v5 =	vadd.s32 s18, v1;
	v4 =	vld [tilespmem:s2+$0xD0];
	_ =	sdelay $0x3  }
0xf9: {  	[tilespmem:v3+s14+$0x0] =	vst.idx.msk $0xffff, v2  }
0xfa: {  	[tilespmem:v5+s14+$0x0] =	vst.idx.msk $0xffff, v4  }
0xfb: {  	v5 =	vadd.s32 s12, v0;
	v4 =	vld [tilespmem:s2+$0xE0]  }
.Ltmp1:
0xfc: {  	v3 =	vadd.s32 s12, v1;
	s12 =	smov.u32 s17;
	v2 =	vld [tilespmem:s2+$0xF0];
	(pc) =	sbr.rel @p1 .LBB2_5-.Ltmp1, $2  }
0xfd: {  	_ =	sdelay $0x2  }
0xfe: {  	s18 =	smov.u32 s16;
	[tilespmem:v5+s14+$0x0] =	vst.idx.msk $0xffff, v4  }
0xff: {  	_ =	sdelay $0x3  }
0x100: {  	s16 =	sadd.s32 $0xFFFFFFF1, s12;
	[tilespmem:v3+s14+$0x0] =	vst.idx.msk $0xffff, v2;
	s2 =	sadd.s32 $0x200, s2  }
0x101: {  	v2 =	vld [tilespmem:s2+$0xFFFFFF00];
	v3 =	vadd.s32 s16, v0  }
0x102: {  	v4 =	vld [tilespmem:s2+$0xFFFFFF10];
	v5 =	vadd.s32 s16, v1;
	_ =	sdelay $0x3  }
0x103: {  	[tilespmem:v3+s14+$0x0] =	vst.idx.msk $0xffff, v2  }
0x104: {  	s20 =	sadd.s32 $0xFFFFFFF2, s12;
	[tilespmem:v5+s14+$0x0] =	vst.idx.msk $0xffff, v4  }
0x105: {  	v3 =	vadd.s32 s20, v0;
	v2 =	vld [tilespmem:s2+$0xFFFFFF20]  }
0x106: {  	v49 =	vadd.s32 s20, v1;
	v4 =	vld [tilespmem:s2+$0xFFFFFF30];
	_ =	sdelay $0x3  }
0x107: {  	[tilespmem:v3+s14+$0x0] =	vst.idx.msk $0xffff, v2  }
0x108: {  	s17 =	sadd.s32 $0xFFFFFFF3, s12;
	[tilespmem:v49+s14+$0x0] =	vst.idx.msk $0xffff, v4  }
0x109: {  	v3 =	vadd.s32 s17, v0;
	v2 =	vld [tilespmem:s2+$0xFFFFFF40]  }
0x10a: {  	v50 =	vadd.s32 s17, v1;
	v4 =	vld [tilespmem:s2+$0xFFFFFF50];
	_ =	sdelay $0x3  }
0x10b: {  	[tilespmem:v3+s14+$0x0] =	vst.idx.msk $0xffff, v2  }
0x10c: {  	s18 =	sadd.s32 $0xFFFFFFF4, s12;
	[tilespmem:v50+s14+$0x0] =	vst.idx.msk $0xffff, v4  }
0x10d: {  	v3 =	vadd.s32 s18, v0;
	v2 =	vld [tilespmem:s2+$0xFFFFFF60]  }
0x10e: {  	v51 =	vadd.s32 s18, v1;
	v4 =	vld [tilespmem:s2+$0xFFFFFF70];
	_ =	sdelay $0x3  }
0x10f: {  	[tilespmem:v3+s14+$0x0] =	vst.idx.msk $0xffff, v2  }
0x110: {  	s19 =	sadd.s32 $0xFFFFFFF5, s12;
	[tilespmem:v51+s14+$0x0] =	vst.idx.msk $0xffff, v4  }
0x111: {  	v3 =	vadd.s32 s19, v0;
	v2 =	vld [tilespmem:s2+$0xFFFFFF80]  }
0x112: {  	v52 =	vadd.s32 s19, v1;
	v4 =	vld [tilespmem:s2+$0xFFFFFF90];
	_ =	sdelay $0x3  }
0x113: {  	[tilespmem:v3+s14+$0x0] =	vst.idx.msk $0xffff, v2  }
0x114: {  	s20 =	sadd.s32 $0xFFFFFFF6, s12;
	[tilespmem:v52+s14+$0x0] =	vst.idx.msk $0xffff, v4  }
0x115: {  	v3 =	vadd.s32 s20, v0;
	v2 =	vld [tilespmem:s2+$0xFFFFFFA0]  }
0x116: {  	v53 =	vadd.s32 s20, v1;
	v4 =	vld [tilespmem:s2+$0xFFFFFFB0];
	_ =	sdelay $0x3  }
0x117: {  	[tilespmem:v3+s14+$0x0] =	vst.idx.msk $0xffff, v2  }
0x118: {  	s17 =	sadd.s32 $0xFFFFFFF7, s12;
	[tilespmem:v53+s14+$0x0] =	vst.idx.msk $0xffff, v4  }
0x119: {  	v3 =	vadd.s32 s17, v0;
	v2 =	vld [tilespmem:s2+$0xFFFFFFC0]  }
0x11a: {  	v54 =	vadd.s32 s17, v1;
	v4 =	vld [tilespmem:s2+$0xFFFFFFD0];
	_ =	sdelay $0x3  }
0x11b: {  	[tilespmem:v3+s14+$0x0] =	vst.idx.msk $0xffff, v2  }
0x11c: {  	s18 =	sadd.s32 $0xFFFFFFF8, s12;
	[tilespmem:v54+s14+$0x0] =	vst.idx.msk $0xffff, v4  }
0x11d: {  	v3 =	vadd.s32 s18, v0;
	v2 =	vld [tilespmem:s2+$0xFFFFFFE0]  }
0x11e: {  	v55 =	vadd.s32 s18, v1;
	v4 =	vld [tilespmem:s2+$0xFFFFFFF0];
	_ =	sdelay $0x3  }
0x11f: {  	[tilespmem:v3+s14+$0x0] =	vst.idx.msk $0xffff, v2  }
0x120: {  	s19 =	sadd.s32 $0xFFFFFFF9, s12;
	[tilespmem:v55+s14+$0x0] =	vst.idx.msk $0xffff, v4  }
0x121: {  	v3 =	vadd.s32 s19, v0;
	v2 =	vld [tilespmem:s2+$0x0]  }
0x122: {  	v56 =	vadd.s32 s19, v1;
	v4 =	vld [tilespmem:s2+$0x10];
	_ =	sdelay $0x3  }
0x123: {  	[tilespmem:v3+s14+$0x0] =	vst.idx.msk $0xffff, v2  }
0x124: {  	s20 =	sadd.s32 $0xFFFFFFFA, s12;
	[tilespmem:v56+s14+$0x0] =	vst.idx.msk $0xffff, v4  }
0x125: {  	v3 =	vadd.s32 s20, v0;
	v2 =	vld [tilespmem:s2+$0x20]  }
0x126: {  	v57 =	vadd.s32 s20, v1;
	v4 =	vld [tilespmem:s2+$0x30];
	_ =	sdelay $0x3  }
0x127: {  	[tilespmem:v3+s14+$0x0] =	vst.idx.msk $0xffff, v2  }
0x128: {  	s17 =	sadd.s32 $0xFFFFFFFB, s12;
	[tilespmem:v57+s14+$0x0] =	vst.idx.msk $0xffff, v4  }
0x129: {  	v3 =	vadd.s32 s17, v0;
	v2 =	vld [tilespmem:s2+$0x40]  }
0x12a: {  	v58 =	vadd.s32 s17, v1;
	v4 =	vld [tilespmem:s2+$0x50];
	_ =	sdelay $0x3  }
0x12b: {  	[tilespmem:v3+s14+$0x0] =	vst.idx.msk $0xffff, v2  }
0x12c: {  	s18 =	sadd.s32 $0xFFFFFFFC, s12;
	[tilespmem:v58+s14+$0x0] =	vst.idx.msk $0xffff, v4  }
0x12d: {  	v3 =	vadd.s32 s18, v0;
	v2 =	vld [tilespmem:s2+$0x60]  }
0x12e: {  	v59 =	vadd.s32 s18, v1;
	v4 =	vld [tilespmem:s2+$0x70];
	_ =	sdelay $0x3  }
0x12f: {  	[tilespmem:v3+s14+$0x0] =	vst.idx.msk $0xffff, v2  }
0x130: {  	s19 =	sadd.s32 $0xFFFFFFFD, s12;
	[tilespmem:v59+s14+$0x0] =	vst.idx.msk $0xffff, v4  }
0x131: {  	v3 =	vadd.s32 s19, v0;
	v2 =	vld [tilespmem:s2+$0x80]  }
0x132: {  	v60 =	vadd.s32 s19, v1;
	v4 =	vld [tilespmem:s2+$0x90];
	_ =	sdelay $0x3  }
0x133: {  	[tilespmem:v3+s14+$0x0] =	vst.idx.msk $0xffff, v2  }
0x134: {  	s20 =	sadd.s32 $0xFFFFFFFE, s12;
	[tilespmem:v60+s14+$0x0] =	vst.idx.msk $0xffff, v4  }
0x135: {  	v3 =	vadd.s32 s20, v0;
	v2 =	vld [tilespmem:s2+$0xA0]  }
0x136: {  	v61 =	vadd.s32 s20, v1;
	v4 =	vld [tilespmem:s2+$0xB0];
	_ =	sdelay $0x3  }
0x137: {  	[tilespmem:v3+s14+$0x0] =	vst.idx.msk $0xffff, v2  }
0x138: {  	s17 =	sadd.s32 $0xFFFFFFFF, s12;
	[tilespmem:v61+s14+$0x0] =	vst.idx.msk $0xffff, v4  }
0x139: {  	v3 =	vadd.s32 s17, v0;
	v2 =	vld [tilespmem:s2+$0xC0]  }
0x13a: {  	v62 =	vadd.s32 s17, v1;
	v4 =	vld [tilespmem:s2+$0xD0];
	_ =	sdelay $0x3  }
0x13b: {  	[tilespmem:v3+s14+$0x0] =	vst.idx.msk $0xffff, v2  }
0x13c: {  	[tilespmem:v62+s14+$0x0] =	vst.idx.msk $0xffff, v4  }
0x13d: {  	v3 =	vadd.s32 s12, v0;
	v2 =	vld [tilespmem:s2+$0xE0]  }
0x13e: {  	v63 =	vadd.s32 s12, v1;
	v4 =	vld [tilespmem:s2+$0xF0];
	_ =	sdelay $0x1  }
0x13f: {  	s18 =	sshll.u32 s11, $0xF  }
0x140: {  	s2 =	sor.u32 s6, s18  }
0x141: {  	s19 =	rddreg [dreg:$0x1];
	s12 =	sshrl.u32 s2, $0x3;
	[tilespmem:v3+s14+$0x0] =	vst.idx.msk $0xffff, v2  }
0x142: {  	s2 =	sadd.s32 s19, s12;
	[tilespmem:v63+s14+$0x0] =	vst.idx.msk $0xffff, v4  }
0x143: {  	[hbm4b:s2+s3] =	stream.linear.scatter [tilespmem:s14], [sflag:$0x3], $0x200, $0x38;
	[tilespmem:$0x16600] =	vst v63  }
0x144: {  	s17 =	simm.s32 $0xE608;
	s20 =	sadd.s32 $0x19000, s2  }
0x145: {  	[hbm4b:s20+s3] =	stream.linear.scatter [tilespmem:s17], [sflag:$0x3], $0x200, $0x38;
	[tilespmem:$0x16600] =	vst v63  }
0x146: {  	s18 =	simm.s32 $0xE810;
	s17 =	sadd.s32 $0x32000, s2  }
0x147: {  	[hbm4b:s17+s3] =	stream.linear.scatter [tilespmem:s18], [sflag:$0x3], $0x200, $0x38;
	[tilespmem:$0x16600] =	vst v63  }
0x148: {  	s19 =	sadd.s32 $0x4B000, s2;
	s20 =	simm.s32 $0xEA18  }
0x149: {  	[hbm4b:s19+s3] =	stream.linear.scatter [tilespmem:s20], [sflag:$0x3], $0x200, $0x38;
	[tilespmem:$0x16600] =	vst v63  }
0x14a: {  	s17 =	sadd.s32 $0x64000, s2;
	s18 =	simm.s32 $0xEC20  }
0x14b: {  	[hbm4b:s17+s3] =	stream.linear.scatter [tilespmem:s18], [sflag:$0x3], $0x200, $0x38;
	[tilespmem:$0x16600] =	vst v63  }
0x14c: {  	s19 =	sadd.s32 $0x7D000, s2;
	s20 =	simm.s32 $0xEE28  }
0x14d: {  	[hbm4b:s19+s3] =	stream.linear.scatter [tilespmem:s20], [sflag:$0x3], $0x200, $0x38;
	[tilespmem:$0x16600] =	vst v63  }
0x14e: {  	s17 =	sadd.s32 $0x96000, s2;
	s18 =	simm.s32 $0xF030  }
0x14f: {  	[hbm4b:s17+s3] =	stream.linear.scatter [tilespmem:s18], [sflag:$0x3], $0x200, $0x38;
	[tilespmem:$0x16600] =	vst v63  }
0x150: {  	s19 =	sadd.s32 $0xAF000, s2;
	s20 =	simm.s32 $0xF238  }
0x151: {  	[hbm4b:s19+s3] =	stream.linear.scatter [tilespmem:s20], [sflag:$0x3], $0x200, $0x38;
	[tilespmem:$0x16600] =	vst v63  }
0x152: {  	s17 =	sadd.s32 $0xC8000, s2;
	s18 =	simm.s32 $0xF440  }
0x153: {  	[hbm4b:s17+s3] =	stream.linear.scatter [tilespmem:s18], [sflag:$0x3], $0x200, $0x38;
	[tilespmem:$0x16600] =	vst v63  }
0x154: {  	s19 =	sadd.s32 $0xE1000, s2;
	s20 =	simm.s32 $0xF648  }
0x155: {  	[hbm4b:s19+s3] =	stream.linear.scatter [tilespmem:s20], [sflag:$0x3], $0x200, $0x38;
	[tilespmem:$0x16600] =	vst v63  }
0x156: {  	s17 =	sadd.s32 $0xFA000, s2;
	s18 =	simm.s32 $0xF850  }
0x157: {  	[hbm4b:s17+s3] =	stream.linear.scatter [tilespmem:s18], [sflag:$0x3], $0x200, $0x38;
	[tilespmem:$0x16600] =	vst v63  }
0x158: {  	s19 =	sadd.s32 $0x113000, s2;
	s20 =	simm.s32 $0xFA58  }
0x159: {  	[hbm4b:s19+s3] =	stream.linear.scatter [tilespmem:s20], [sflag:$0x3], $0x200, $0x38;
	[tilespmem:$0x16600] =	vst v63  }
0x15a: {  	s17 =	sadd.s32 $0x12C000, s2;
	s18 =	simm.s32 $0xFC60  }
0x15b: {  	[hbm4b:s17+s3] =	stream.linear.scatter [tilespmem:s18], [sflag:$0x3], $0x200, $0x38;
	[tilespmem:$0x16600] =	vst v63  }
0x15c: {  	s19 =	sadd.s32 $0x145000, s2;
	s20 =	simm.s32 $0xFE68  }
0x15d: {  	[hbm4b:s19+s3] =	stream.linear.scatter [tilespmem:s20], [sflag:$0x3], $0x200, $0x38;
	[tilespmem:$0x16600] =	vst v63  }
0x15e: {  	s17 =	sadd.s32 $0x15E000, s2;
	s18 =	simm.s32 $0x10070  }
0x15f: {  	[hbm4b:s17+s3] =	stream.linear.scatter [tilespmem:s18], [sflag:$0x3], $0x200, $0x38;
	[tilespmem:$0x16600] =	vst v63  }
0x160: {  	s19 =	sadd.s32 $0x177000, s2;
	s20 =	simm.s32 $0x10278  }
0x161: {  	[hbm4b:s19+s3] =	stream.linear.scatter [tilespmem:s20], [sflag:$0x3], $0x200, $0x38;
	[tilespmem:$0x16600] =	vst v63  }
0x162: {  	s17 =	sadd.s32 $0x190000, s2;
	s18 =	simm.s32 $0x10480  }
0x163: {  	[hbm4b:s17+s3] =	stream.linear.scatter [tilespmem:s18], [sflag:$0x3], $0x200, $0x38;
	[tilespmem:$0x16600] =	vst v63  }
0x164: {  	s19 =	sadd.s32 $0x1A9000, s2;
	s20 =	simm.s32 $0x10688  }
0x165: {  	[hbm4b:s19+s3] =	stream.linear.scatter [tilespmem:s20], [sflag:$0x3], $0x200, $0x38;
	[tilespmem:$0x16600] =	vst v63  }
0x166: {  	s17 =	sadd.s32 $0x1C2000, s2;
	s18 =	simm.s32 $0x10890  }
0x167: {  	[hbm4b:s17+s3] =	stream.linear.scatter [tilespmem:s18], [sflag:$0x3], $0x200, $0x38;
	[tilespmem:$0x16600] =	vst v63  }
0x168: {  	s19 =	sadd.s32 $0x1DB000, s2;
	s20 =	simm.s32 $0x10A98  }
0x169: {  	[hbm4b:s19+s3] =	stream.linear.scatter [tilespmem:s20], [sflag:$0x3], $0x200, $0x38;
	[tilespmem:$0x16600] =	vst v63  }
0x16a: {  	s17 =	sadd.s32 $0x1F4000, s2;
	s18 =	simm.s32 $0x10CA0  }
0x16b: {  	[hbm4b:s17+s3] =	stream.linear.scatter [tilespmem:s18], [sflag:$0x3], $0x200, $0x38;
	[tilespmem:$0x16600] =	vst v63  }
0x16c: {  	s19 =	sadd.s32 $0x20D000, s2;
	s20 =	simm.s32 $0x10EA8  }
0x16d: {  	[hbm4b:s19+s3] =	stream.linear.scatter [tilespmem:s20], [sflag:$0x3], $0x200, $0x38;
	[tilespmem:$0x16600] =	vst v63  }
0x16e: {  	s17 =	sadd.s32 $0x226000, s2;
	s18 =	simm.s32 $0x110B0  }
0x16f: {  	[hbm4b:s17+s3] =	stream.linear.scatter [tilespmem:s18], [sflag:$0x3], $0x200, $0x38;
	[tilespmem:$0x16600] =	vst v63  }
0x170: {  	s19 =	sadd.s32 $0x23F000, s2;
	s20 =	simm.s32 $0x112B8  }
0x171: {  	[hbm4b:s19+s3] =	stream.linear.scatter [tilespmem:s20], [sflag:$0x3], $0x200, $0x38;
	[tilespmem:$0x16600] =	vst v63  }
0x172: {  	s17 =	sadd.s32 $0x258000, s2;
	s18 =	simm.s32 $0x114C0  }
0x173: {  	[hbm4b:s17+s3] =	stream.linear.scatter [tilespmem:s18], [sflag:$0x3], $0x200, $0x38;
	[tilespmem:$0x16600] =	vst v63  }
0x174: {  	s19 =	sadd.s32 $0x271000, s2;
	s20 =	simm.s32 $0x116C8  }
0x175: {  	[hbm4b:s19+s3] =	stream.linear.scatter [tilespmem:s20], [sflag:$0x3], $0x200, $0x38;
	[tilespmem:$0x16600] =	vst v63  }
0x176: {  	s17 =	sadd.s32 $0x28A000, s2;
	s18 =	simm.s32 $0x118D0  }
0x177: {  	[hbm4b:s17+s3] =	stream.linear.scatter [tilespmem:s18], [sflag:$0x3], $0x200, $0x38;
	[tilespmem:$0x16600] =	vst v63  }
0x178: {  	s19 =	sadd.s32 $0x2A3000, s2;
	s20 =	simm.s32 $0x11AD8  }
0x179: {  	[hbm4b:s19+s3] =	stream.linear.scatter [tilespmem:s20], [sflag:$0x3], $0x200, $0x38;
	[tilespmem:$0x16600] =	vst v63  }
0x17a: {  	s17 =	sadd.s32 $0x2BC000, s2;
	s18 =	simm.s32 $0x11CE0  }
0x17b: {  	[hbm4b:s17+s3] =	stream.linear.scatter [tilespmem:s18], [sflag:$0x3], $0x200, $0x38;
	[tilespmem:$0x16600] =	vst v63  }
0x17c: {  	p1 =	sne.s32 s11, $0x18;
	s19 =	sadd.s32 $0x2D5000, s2;
	s20 =	simm.s32 $0x11EE8  }
0x17d: {  	[hbm4b:s19+s3] =	stream.linear.scatter [tilespmem:s20], [sflag:$0x3], $0x200, $0x38;
	[tilespmem:$0x16600] =	vst v63  }
.Ltmp2:
0x17e: {  	_ = 	snop;
	(pc) =	sbr.rel @p1 .LBB2_8-.Ltmp2, $4  }
0x17f: {  	s17 =	sadd.s32 $0x2EE000, s2;
	s18 =	simm.s32 $0x120F0  }
0x180: {  	[hbm4b:s17+s3] =	stream.linear.scatter [tilespmem:s18], [sflag:$0x3], $0x200, $0x38;
	[tilespmem:$0x16600] =	vst v63  }
0x181: {  	s19 =	sadd.s32 $0x307000, s2;
	s20 =	simm.s32 $0x122F8  }
0x182: {  	[hbm4b:s19+s3] =	stream.linear.scatter [tilespmem:s20], [sflag:$0x3], $0x200, $0x38;
	[tilespmem:$0x16600] =	vst v63  }
.Ltmp3:
0x183: {  	(pc) =	sbr.rel .LBB2_9-.Ltmp3, $4  }
0x184: {  	_ = 	snop  }
0x185: {  	_ =	swait.ge [sflag:s22], $0x4000  }
0x186: {  	[sflag:s22] =	ssyncset.done $0x0  }
0x187: {  	[sflag:s22] =	ssyncadd.s32 $0xFFFFC000  }
.LBB2_8:
.Ltmp4:
0x188: {  	s15 =	sadd.s32 $0x400, s15;
	s16 =	simm.s32 $0x6400;
	(pc) =	sbr.rel @p0 .LBB2_10-.Ltmp4, $4  }
0x189: {  	[tilespmem:s16], [sflag:$0x1] =	stream.indirect.gather [hbm4b:s4+s10], $0x20, s15, s10, $0xb8;
	[tilespmem:$0x16600] =	vst v63  }
0x18a: {  	_ =	swait.ge [sflag:s22], $0x4000  }
0x18b: {  	[sflag:s22] =	ssyncset.done $0x0  }
0x18c: {  	[sflag:s22] =	ssyncadd.s32 $0xFFFFC000  }
.LBB2_9:
0x18d: {  	_ =	swait.ge [sflag:s23], $0x200  }
0x18e: {  	[sflag:s23] =	ssyncset.done $0x0  }
0x18f: {  	[sflag:s23] =	ssyncadd.s32 $0xFFFFFE00  }
0x190: {  	_ =	swait.ge [sflag:s23], $0x200  }
0x191: {  	[sflag:s23] =	ssyncset.done $0x0  }
0x192: {  	[sflag:s23] =	ssyncadd.s32 $0xFFFFFE00  }
0x193: {  	_ =	swait.ge [sflag:s23], $0x200  }
0x194: {  	[sflag:s23] =	ssyncset.done $0x0  }
0x195: {  	[sflag:s23] =	ssyncadd.s32 $0xFFFFFE00  }
0x196: {  	_ =	swait.ge [sflag:s23], $0x200  }
0x197: {  	[sflag:s23] =	ssyncset.done $0x0  }
0x198: {  	[sflag:s23] =	ssyncadd.s32 $0xFFFFFE00  }
0x199: {  	_ =	swait.ge [sflag:s23], $0x200  }
0x19a: {  	[sflag:s23] =	ssyncset.done $0x0  }
0x19b: {  	[sflag:s23] =	ssyncadd.s32 $0xFFFFFE00  }
0x19c: {  	_ =	swait.ge [sflag:s23], $0x200  }
0x19d: {  	[sflag:s23] =	ssyncset.done $0x0  }
0x19e: {  	[sflag:s23] =	ssyncadd.s32 $0xFFFFFE00  }
0x19f: {  	_ =	swait.ge [sflag:s23], $0x200  }
0x1a0: {  	[sflag:s23] =	ssyncset.done $0x0  }
0x1a1: {  	[sflag:s23] =	ssyncadd.s32 $0xFFFFFE00  }
0x1a2: {  	_ =	swait.ge [sflag:s23], $0x200  }
0x1a3: {  	[sflag:s23] =	ssyncset.done $0x0  }
0x1a4: {  	[sflag:s23] =	ssyncadd.s32 $0xFFFFFE00  }
0x1a5: {  	_ =	swait.ge [sflag:s23], $0x200  }
0x1a6: {  	[sflag:s23] =	ssyncset.done $0x0  }
0x1a7: {  	[sflag:s23] =	ssyncadd.s32 $0xFFFFFE00  }
0x1a8: {  	_ =	swait.ge [sflag:s23], $0x200  }
0x1a9: {  	[sflag:s23] =	ssyncset.done $0x0  }
0x1aa: {  	[sflag:s23] =	ssyncadd.s32 $0xFFFFFE00  }
0x1ab: {  	_ =	swait.ge [sflag:s23], $0x200  }
0x1ac: {  	[sflag:s23] =	ssyncset.done $0x0  }
0x1ad: {  	[sflag:s23] =	ssyncadd.s32 $0xFFFFFE00  }
0x1ae: {  	_ =	swait.ge [sflag:s23], $0x200  }
0x1af: {  	[sflag:s23] =	ssyncset.done $0x0  }
0x1b0: {  	[sflag:s23] =	ssyncadd.s32 $0xFFFFFE00  }
0x1b1: {  	_ =	swait.ge [sflag:s23], $0x200  }
0x1b2: {  	[sflag:s23] =	ssyncset.done $0x0  }
0x1b3: {  	[sflag:s23] =	ssyncadd.s32 $0xFFFFFE00  }
0x1b4: {  	_ =	swait.ge [sflag:s23], $0x200  }
0x1b5: {  	[sflag:s23] =	ssyncset.done $0x0  }
0x1b6: {  	[sflag:s23] =	ssyncadd.s32 $0xFFFFFE00  }
0x1b7: {  	_ =	swait.ge [sflag:s23], $0x200  }
0x1b8: {  	[sflag:s23] =	ssyncset.done $0x0  }
0x1b9: {  	[sflag:s23] =	ssyncadd.s32 $0xFFFFFE00  }
0x1ba: {  	_ =	swait.ge [sflag:s23], $0x200  }
0x1bb: {  	[sflag:s23] =	ssyncset.done $0x0  }
0x1bc: {  	[sflag:s23] =	ssyncadd.s32 $0xFFFFFE00  }
0x1bd: {  	_ =	swait.ge [sflag:s23], $0x200  }
0x1be: {  	[sflag:s23] =	ssyncset.done $0x0  }
0x1bf: {  	[sflag:s23] =	ssyncadd.s32 $0xFFFFFE00  }
0x1c0: {  	_ =	swait.ge [sflag:s23], $0x200  }
0x1c1: {  	[sflag:s23] =	ssyncset.done $0x0  }
0x1c2: {  	[sflag:s23] =	ssyncadd.s32 $0xFFFFFE00  }
0x1c3: {  	_ =	swait.ge [sflag:s23], $0x200  }
0x1c4: {  	[sflag:s23] =	ssyncset.done $0x0  }
0x1c5: {  	[sflag:s23] =	ssyncadd.s32 $0xFFFFFE00  }
0x1c6: {  	_ =	swait.ge [sflag:s23], $0x200  }
0x1c7: {  	[sflag:s23] =	ssyncset.done $0x0  }
0x1c8: {  	[sflag:s23] =	ssyncadd.s32 $0xFFFFFE00  }
0x1c9: {  	_ =	swait.ge [sflag:s23], $0x200  }
0x1ca: {  	[sflag:s23] =	ssyncset.done $0x0  }
0x1cb: {  	[sflag:s23] =	ssyncadd.s32 $0xFFFFFE00  }
0x1cc: {  	_ =	swait.ge [sflag:s23], $0x200  }
0x1cd: {  	[sflag:s23] =	ssyncset.done $0x0  }
0x1ce: {  	[sflag:s23] =	ssyncadd.s32 $0xFFFFFE00  }
0x1cf: {  	_ =	swait.ge [sflag:s23], $0x200  }
0x1d0: {  	[sflag:s23] =	ssyncset.done $0x0  }
0x1d1: {  	[sflag:s23] =	ssyncadd.s32 $0xFFFFFE00  }
0x1d2: {  	_ =	swait.ge [sflag:s23], $0x200  }
0x1d3: {  	[sflag:s23] =	ssyncset.done $0x0  }
0x1d4: {  	[sflag:s23] =	ssyncadd.s32 $0xFFFFFE00  }
0x1d5: {  	_ =	swait.ge [sflag:s23], $0x200  }
0x1d6: {  	[sflag:s23] =	ssyncset.done $0x0  }
0x1d7: {  	[sflag:s23] =	ssyncadd.s32 $0xFFFFFE00  }
0x1d8: {  	_ =	swait.ge [sflag:s23], $0x200  }
0x1d9: {  	[sflag:s23] =	ssyncset.done $0x0  }
0x1da: {  	[sflag:s23] =	ssyncadd.s32 $0xFFFFFE00  }
0x1db: {  	_ =	swait.ge [sflag:s23], $0x200  }
0x1dc: {  	[sflag:s23] =	ssyncset.done $0x0  }
0x1dd: {  	[sflag:s23] =	ssyncadd.s32 $0xFFFFFE00  }
0x1de: {  	_ =	swait.ge [sflag:s23], $0x200  }
0x1df: {  	[sflag:s23] =	ssyncset.done $0x0  }
0x1e0: {  	[sflag:s23] =	ssyncadd.s32 $0xFFFFFE00  }
0x1e1: {  	_ =	swait.ge [sflag:s23], $0x200  }
0x1e2: {  	[sflag:s23] =	ssyncset.done $0x0  }
0x1e3: {  	[sflag:s23] =	ssyncadd.s32 $0xFFFFFE00  }
0x1e4: {  	_ =	swait.ge [sflag:s23], $0x200  }
0x1e5: {  	[sflag:s23] =	ssyncset.done $0x0  }
0x1e6: {  	[sflag:s23] =	ssyncadd.s32 $0xFFFFFE00  }
0x1e7: {  	_ =	swait.ge [sflag:s23], $0x200  }
0x1e8: {  	[sflag:s23] =	ssyncset.done $0x0  }
0x1e9: {  	[sflag:s23] =	ssyncadd.s32 $0xFFFFFE00  }
0x1ea: {  	_ =	swait.ge [sflag:s23], $0x200  }
0x1eb: {  	[sflag:s23] =	ssyncset.done $0x0  }
0x1ec: {  	[sflag:s23] =	ssyncadd.s32 $0xFFFFFE00  }
.LBB2_10:
0x1ed: {  	s15 =	simm.s32 $0xA500;
	s16 =	simm.s32 $0x0  }
0x1ee: {  	v2 =	vld [tilespmem:s15+$0xFFFFFF00];
	v3 =	vadd.s32 s16, v0  }
0x1ef: {  	v4 =	vld [tilespmem:s15+$0xFFFFFF10];
	v5 =	vadd.s32 s16, v1;
	_ =	sdelay $0x3  }
0x1f0: {  	[tilespmem:v3+s24+$0x0] =	vst.idx.msk $0xffff, v2  }
0x1f1: {  	s19 =	simm.s32 $0x1;
	[tilespmem:v5+s24+$0x0] =	vst.idx.msk $0xffff, v4  }
0x1f2: {  	v3 =	vadd.s32 s19, v0;
	v2 =	vld [tilespmem:s15+$0xFFFFFF20]  }
0x1f3: {  	v5 =	vadd.s32 s19, v1;
	v4 =	vld [tilespmem:s15+$0xFFFFFF30];
	_ =	sdelay $0x3  }
0x1f4: {  	[tilespmem:v3+s24+$0x0] =	vst.idx.msk $0xffff, v2  }
0x1f5: {  	s20 =	simm.s32 $0x2;
	[tilespmem:v5+s24+$0x0] =	vst.idx.msk $0xffff, v4  }
0x1f6: {  	v3 =	vadd.s32 s20, v0;
	v2 =	vld [tilespmem:s15+$0xFFFFFF40]  }
0x1f7: {  	v5 =	vadd.s32 s20, v1;
	v4 =	vld [tilespmem:s15+$0xFFFFFF50];
	_ =	sdelay $0x3  }
0x1f8: {  	[tilespmem:v3+s24+$0x0] =	vst.idx.msk $0xffff, v2  }
0x1f9: {  	s17 =	simm.s32 $0x3;
	[tilespmem:v5+s24+$0x0] =	vst.idx.msk $0xffff, v4  }
0x1fa: {  	v3 =	vadd.s32 s17, v0;
	v2 =	vld [tilespmem:s15+$0xFFFFFF60]  }
0x1fb: {  	v5 =	vadd.s32 s17, v1;
	v4 =	vld [tilespmem:s15+$0xFFFFFF70];
	_ =	sdelay $0x3  }
0x1fc: {  	[tilespmem:v3+s24+$0x0] =	vst.idx.msk $0xffff, v2  }
0x1fd: {  	s18 =	simm.s32 $0x4;
	[tilespmem:v5+s24+$0x0] =	vst.idx.msk $0xffff, v4  }
0x1fe: {  	v3 =	vadd.s32 s18, v0;
	v2 =	vld [tilespmem:s15+$0xFFFFFF80]  }
0x1ff: {  	v5 =	vadd.s32 s18, v1;
	v4 =	vld [tilespmem:s15+$0xFFFFFF90];
	_ =	sdelay $0x3  }
0x200: {  	[tilespmem:v3+s24+$0x0] =	vst.idx.msk $0xffff, v2  }
0x201: {  	s19 =	simm.s32 $0x5;
	[tilespmem:v5+s24+$0x0] =	vst.idx.msk $0xffff, v4  }
0x202: {  	v3 =	vadd.s32 s19, v0;
	v2 =	vld [tilespmem:s15+$0xFFFFFFA0]  }
0x203: {  	v5 =	vadd.s32 s19, v1;
	v4 =	vld [tilespmem:s15+$0xFFFFFFB0];
	_ =	sdelay $0x3  }
0x204: {  	[tilespmem:v3+s24+$0x0] =	vst.idx.msk $0xffff, v2  }
0x205: {  	s20 =	simm.s32 $0x6;
	[tilespmem:v5+s24+$0x0] =	vst.idx.msk $0xffff, v4  }
0x206: {  	v3 =	vadd.s32 s20, v0;
	v2 =	vld [tilespmem:s15+$0xFFFFFFC0]  }
0x207: {  	v5 =	vadd.s32 s20, v1;
	v4 =	vld [tilespmem:s15+$0xFFFFFFD0];
	_ =	sdelay $0x3  }
0x208: {  	[tilespmem:v3+s24+$0x0] =	vst.idx.msk $0xffff, v2  }
0x209: {  	s17 =	simm.s32 $0x7;
	[tilespmem:v5+s24+$0x0] =	vst.idx.msk $0xffff, v4  }
0x20a: {  	v3 =	vadd.s32 s17, v0;
	v2 =	vld [tilespmem:s15+$0xFFFFFFE0]  }
0x20b: {  	v5 =	vadd.s32 s17, v1;
	v4 =	vld [tilespmem:s15+$0xFFFFFFF0];
	_ =	sdelay $0x3  }
0x20c: {  	[tilespmem:v3+s24+$0x0] =	vst.idx.msk $0xffff, v2  }
0x20d: {  	s18 =	simm.s32 $0x8;
	[tilespmem:v5+s24+$0x0] =	vst.idx.msk $0xffff, v4  }
0x20e: {  	v3 =	vadd.s32 s18, v0;
	v2 =	vld [tilespmem:s15+$0x0]  }
0x20f: {  	v5 =	vadd.s32 s18, v1;
	v4 =	vld [tilespmem:s15+$0x10];
	_ =	sdelay $0x3  }
0x210: {  	[tilespmem:v3+s24+$0x0] =	vst.idx.msk $0xffff, v2  }
0x211: {  	s19 =	simm.s32 $0x9;
	[tilespmem:v5+s24+$0x0] =	vst.idx.msk $0xffff, v4  }
0x212: {  	v3 =	vadd.s32 s19, v0;
	v2 =	vld [tilespmem:s15+$0x20]  }
0x213: {  	v5 =	vadd.s32 s19, v1;
	v4 =	vld [tilespmem:s15+$0x30];
	_ =	sdelay $0x3  }
0x214: {  	[tilespmem:v3+s24+$0x0] =	vst.idx.msk $0xffff, v2  }
0x215: {  	s20 =	simm.s32 $0xA;
	[tilespmem:v5+s24+$0x0] =	vst.idx.msk $0xffff, v4  }
0x216: {  	v3 =	vadd.s32 s20, v0;
	v2 =	vld [tilespmem:s15+$0x40]  }
0x217: {  	v5 =	vadd.s32 s20, v1;
	v4 =	vld [tilespmem:s15+$0x50];
	_ =	sdelay $0x3  }
0x218: {  	[tilespmem:v3+s24+$0x0] =	vst.idx.msk $0xffff, v2  }
0x219: {  	s17 =	simm.s32 $0xB;
	[tilespmem:v5+s24+$0x0] =	vst.idx.msk $0xffff, v4  }
0x21a: {  	v3 =	vadd.s32 s17, v0;
	v2 =	vld [tilespmem:s15+$0x60]  }
0x21b: {  	v5 =	vadd.s32 s17, v1;
	v4 =	vld [tilespmem:s15+$0x70];
	_ =	sdelay $0x3  }
0x21c: {  	[tilespmem:v3+s24+$0x0] =	vst.idx.msk $0xffff, v2  }
0x21d: {  	s18 =	simm.s32 $0xC;
	[tilespmem:v5+s24+$0x0] =	vst.idx.msk $0xffff, v4  }
0x21e: {  	v3 =	vadd.s32 s18, v0;
	v2 =	vld [tilespmem:s15+$0x80]  }
0x21f: {  	v5 =	vadd.s32 s18, v1;
	v4 =	vld [tilespmem:s15+$0x90];
	_ =	sdelay $0x3  }
0x220: {  	[tilespmem:v3+s24+$0x0] =	vst.idx.msk $0xffff, v2  }
0x221: {  	s19 =	simm.s32 $0xD;
	[tilespmem:v5+s24+$0x0] =	vst.idx.msk $0xffff, v4  }
0x222: {  	v3 =	vadd.s32 s19, v0;
	v2 =	vld [tilespmem:s15+$0xA0]  }
0x223: {  	v5 =	vadd.s32 s19, v1;
	v4 =	vld [tilespmem:s15+$0xB0];
	_ =	sdelay $0x3  }
0x224: {  	[tilespmem:v3+s24+$0x0] =	vst.idx.msk $0xffff, v2  }
0x225: {  	s20 =	simm.s32 $0xE;
	[tilespmem:v5+s24+$0x0] =	vst.idx.msk $0xffff, v4  }
0x226: {  	v3 =	vadd.s32 s20, v0;
	v2 =	vld [tilespmem:s15+$0xC0]  }
0x227: {  	v5 =	vadd.s32 s20, v1;
	v4 =	vld [tilespmem:s15+$0xD0];
	_ =	sdelay $0x3  }
0x228: {  	[tilespmem:v3+s24+$0x0] =	vst.idx.msk $0xffff, v2  }
0x229: {  	s18 =	simm.s32 $0xF;
	[tilespmem:v5+s24+$0x0] =	vst.idx.msk $0xffff, v4  }
0x22a: {  	v5 =	vadd.s32 s18, v0;
	v4 =	vld [tilespmem:s15+$0xE0];
	_ =	sdelay $0x1  }
0x22b: {  	v3 =	vadd.s32 s18, v1;
	v2 =	vld [tilespmem:s15+$0xF0];
	_ =	sdelay $0x2  }
0x22c: {  	s16 =	simm.s32 $0x1F;
	s17 =	simm.s32 $0x2F;
	[tilespmem:v5+s24+$0x0] =	vst.idx.msk $0xffff, v4  }
.LBB2_11:
0x22d: {  	s20 =	sadd.s32 $0xFFFFFFF1, s16  }
0x22e: {  	[tilespmem:v3+s24+$0x0] =	vst.idx.msk $0xffff, v2;
	s15 =	sadd.s32 $0x200, s15;
	s18 =	smov.u32 s17;
	s19 =	sadd.s32 $0x10, s17  }
0x22f: {  	p0 =	sne.s32 s17, $0x1FF;
	v2 =	vld [tilespmem:s15+$0xFFFFFF00];
	v3 =	vadd.s32 s20, v0  }
0x230: {  	v5 =	vadd.s32 s20, v1;
	v4 =	vld [tilespmem:s15+$0xFFFFFF10];
	_ =	sdelay $0x3  }
0x231: {  	[tilespmem:v3+s24+$0x0] =	vst.idx.msk $0xffff, v2  }
0x232: {  	s17 =	sadd.s32 $0xFFFFFFF2, s16;
	[tilespmem:v5+s24+$0x0] =	vst.idx.msk $0xffff, v4  }
0x233: {  	v3 =	vadd.s32 s17, v0;
	v2 =	vld [tilespmem:s15+$0xFFFFFF20]  }
0x234: {  	v5 =	vadd.s32 s17, v1;
	v4 =	vld [tilespmem:s15+$0xFFFFFF30];
	_ =	sdelay $0x3  }
0x235: {  	[tilespmem:v3+s24+$0x0] =	vst.idx.msk $0xffff, v2  }
0x236: {  	s17 =	sadd.s32 $0xFFFFFFF3, s16;
	[tilespmem:v5+s24+$0x0] =	vst.idx.msk $0xffff, v4  }
0x237: {  	v3 =	vadd.s32 s17, v0;
	v2 =	vld [tilespmem:s15+$0xFFFFFF40]  }
0x238: {  	v5 =	vadd.s32 s17, v1;
	v4 =	vld [tilespmem:s15+$0xFFFFFF50];
	_ =	sdelay $0x3  }
0x239: {  	[tilespmem:v3+s24+$0x0] =	vst.idx.msk $0xffff, v2  }
0x23a: {  	s17 =	sadd.s32 $0xFFFFFFF4, s16;
	[tilespmem:v5+s24+$0x0] =	vst.idx.msk $0xffff, v4  }
0x23b: {  	v3 =	vadd.s32 s17, v0;
	v2 =	vld [tilespmem:s15+$0xFFFFFF60]  }
0x23c: {  	v5 =	vadd.s32 s17, v1;
	v4 =	vld [tilespmem:s15+$0xFFFFFF70];
	_ =	sdelay $0x3  }
0x23d: {  	[tilespmem:v3+s24+$0x0] =	vst.idx.msk $0xffff, v2  }
0x23e: {  	s17 =	sadd.s32 $0xFFFFFFF5, s16;
	[tilespmem:v5+s24+$0x0] =	vst.idx.msk $0xffff, v4  }
0x23f: {  	v3 =	vadd.s32 s17, v0;
	v2 =	vld [tilespmem:s15+$0xFFFFFF80]  }
0x240: {  	v5 =	vadd.s32 s17, v1;
	v4 =	vld [tilespmem:s15+$0xFFFFFF90];
	_ =	sdelay $0x3  }
0x241: {  	[tilespmem:v3+s24+$0x0] =	vst.idx.msk $0xffff, v2  }
0x242: {  	s17 =	sadd.s32 $0xFFFFFFF6, s16;
	[tilespmem:v5+s24+$0x0] =	vst.idx.msk $0xffff, v4  }
0x243: {  	v3 =	vadd.s32 s17, v0;
	v2 =	vld [tilespmem:s15+$0xFFFFFFA0]  }
0x244: {  	v5 =	vadd.s32 s17, v1;
	v4 =	vld [tilespmem:s15+$0xFFFFFFB0];
	_ =	sdelay $0x3  }
0x245: {  	[tilespmem:v3+s24+$0x0] =	vst.idx.msk $0xffff, v2  }
0x246: {  	s17 =	sadd.s32 $0xFFFFFFF7, s16;
	[tilespmem:v5+s24+$0x0] =	vst.idx.msk $0xffff, v4  }
0x247: {  	v3 =	vadd.s32 s17, v0;
	v2 =	vld [tilespmem:s15+$0xFFFFFFC0]  }
0x248: {  	v5 =	vadd.s32 s17, v1;
	v4 =	vld [tilespmem:s15+$0xFFFFFFD0];
	_ =	sdelay $0x3  }
0x249: {  	[tilespmem:v3+s24+$0x0] =	vst.idx.msk $0xffff, v2  }
0x24a: {  	s17 =	sadd.s32 $0xFFFFFFF8, s16;
	[tilespmem:v5+s24+$0x0] =	vst.idx.msk $0xffff, v4  }
0x24b: {  	v3 =	vadd.s32 s17, v0;
	v2 =	vld [tilespmem:s15+$0xFFFFFFE0]  }
0x24c: {  	v5 =	vadd.s32 s17, v1;
	v4 =	vld [tilespmem:s15+$0xFFFFFFF0];
	_ =	sdelay $0x3  }
0x24d: {  	[tilespmem:v3+s24+$0x0] =	vst.idx.msk $0xffff, v2  }
0x24e: {  	s17 =	sadd.s32 $0xFFFFFFF9, s16;
	[tilespmem:v5+s24+$0x0] =	vst.idx.msk $0xffff, v4  }
0x24f: {  	v3 =	vadd.s32 s17, v0;
	v2 =	vld [tilespmem:s15+$0x0]  }
0x250: {  	v5 =	vadd.s32 s17, v1;
	v4 =	vld [tilespmem:s15+$0x10];
	_ =	sdelay $0x3  }
0x251: {  	[tilespmem:v3+s24+$0x0] =	vst.idx.msk $0xffff, v2  }
0x252: {  	s17 =	sadd.s32 $0xFFFFFFFA, s16;
	[tilespmem:v5+s24+$0x0] =	vst.idx.msk $0xffff, v4  }
0x253: {  	v3 =	vadd.s32 s17, v0;
	v2 =	vld [tilespmem:s15+$0x20]  }
0x254: {  	v5 =	vadd.s32 s17, v1;
	v4 =	vld [tilespmem:s15+$0x30];
	_ =	sdelay $0x3  }
0x255: {  	[tilespmem:v3+s24+$0x0] =	vst.idx.msk $0xffff, v2  }
0x256: {  	s17 =	sadd.s32 $0xFFFFFFFB, s16;
	[tilespmem:v5+s24+$0x0] =	vst.idx.msk $0xffff, v4  }
0x257: {  	v3 =	vadd.s32 s17, v0;
	v2 =	vld [tilespmem:s15+$0x40]  }
0x258: {  	v5 =	vadd.s32 s17, v1;
	v4 =	vld [tilespmem:s15+$0x50];
	_ =	sdelay $0x3  }
0x259: {  	[tilespmem:v3+s24+$0x0] =	vst.idx.msk $0xffff, v2  }
0x25a: {  	s17 =	sadd.s32 $0xFFFFFFFC, s16;
	[tilespmem:v5+s24+$0x0] =	vst.idx.msk $0xffff, v4  }
0x25b: {  	v3 =	vadd.s32 s17, v0;
	v2 =	vld [tilespmem:s15+$0x60]  }
0x25c: {  	v5 =	vadd.s32 s17, v1;
	v4 =	vld [tilespmem:s15+$0x70];
	_ =	sdelay $0x3  }
0x25d: {  	[tilespmem:v3+s24+$0x0] =	vst.idx.msk $0xffff, v2  }
0x25e: {  	s17 =	sadd.s32 $0xFFFFFFFD, s16;
	[tilespmem:v5+s24+$0x0] =	vst.idx.msk $0xffff, v4  }
0x25f: {  	v3 =	vadd.s32 s17, v0;
	v2 =	vld [tilespmem:s15+$0x80]  }
0x260: {  	v5 =	vadd.s32 s17, v1;
	v4 =	vld [tilespmem:s15+$0x90];
	_ =	sdelay $0x3  }
0x261: {  	[tilespmem:v3+s24+$0x0] =	vst.idx.msk $0xffff, v2  }
0x262: {  	s17 =	sadd.s32 $0xFFFFFFFE, s16;
	[tilespmem:v5+s24+$0x0] =	vst.idx.msk $0xffff, v4  }
0x263: {  	v3 =	vadd.s32 s17, v0;
	v2 =	vld [tilespmem:s15+$0xA0]  }
0x264: {  	v5 =	vadd.s32 s17, v1;
	v4 =	vld [tilespmem:s15+$0xB0];
	_ =	sdelay $0x3  }
0x265: {  	[tilespmem:v3+s24+$0x0] =	vst.idx.msk $0xffff, v2  }
0x266: {  	s17 =	sadd.s32 $0xFFFFFFFF, s16;
	[tilespmem:v5+s24+$0x0] =	vst.idx.msk $0xffff, v4  }
0x267: {  	v3 =	vadd.s32 s17, v0;
	v2 =	vld [tilespmem:s15+$0xC0]  }
0x268: {  	v5 =	vadd.s32 s17, v1;
	v4 =	vld [tilespmem:s15+$0xD0];
	_ =	sdelay $0x3  }
0x269: {  	[tilespmem:v3+s24+$0x0] =	vst.idx.msk $0xffff, v2  }
0x26a: {  	[tilespmem:v5+s24+$0x0] =	vst.idx.msk $0xffff, v4  }
0x26b: {  	v5 =	vadd.s32 s16, v0;
	v4 =	vld [tilespmem:s15+$0xE0]  }
.Ltmp5:
0x26c: {  	v3 =	vadd.s32 s16, v1;
	s16 =	smov.u32 s18;
	v2 =	vld [tilespmem:s15+$0xF0];
	(pc) =	sbr.rel @p0 .LBB2_11-.Ltmp5, $2  }
0x26d: {  	_ =	sdelay $0x2  }
0x26e: {  	s17 =	smov.u32 s19;
	[tilespmem:v5+s24+$0x0] =	vst.idx.msk $0xffff, v4  }
0x26f: {  	_ =	sdelay $0x3  }
0x270: {  	s17 =	sadd.s32 $0xFFFFFFF1, s16;
	[tilespmem:v3+s24+$0x0] =	vst.idx.msk $0xffff, v2;
	s15 =	sadd.s32 $0x200, s15  }
0x271: {  	v2 =	vld [tilespmem:s15+$0xFFFFFF00];
	v3 =	vadd.s32 s17, v0  }
0x272: {  	v4 =	vld [tilespmem:s15+$0xFFFFFF10];
	v5 =	vadd.s32 s17, v1;
	_ =	sdelay $0x3  }
0x273: {  	[tilespmem:v3+s24+$0x0] =	vst.idx.msk $0xffff, v2  }
0x274: {  	s19 =	sadd.s32 $0xFFFFFFF2, s16;
	[tilespmem:v5+s24+$0x0] =	vst.idx.msk $0xffff, v4  }
0x275: {  	v3 =	vadd.s32 s19, v0;
	v2 =	vld [tilespmem:s15+$0xFFFFFF20]  }
0x276: {  	v49 =	vadd.s32 s19, v1;
	v4 =	vld [tilespmem:s15+$0xFFFFFF30];
	_ =	sdelay $0x3  }
0x277: {  	[tilespmem:v3+s24+$0x0] =	vst.idx.msk $0xffff, v2  }
0x278: {  	s20 =	sadd.s32 $0xFFFFFFF3, s16;
	[tilespmem:v49+s24+$0x0] =	vst.idx.msk $0xffff, v4  }
0x279: {  	v3 =	vadd.s32 s20, v0;
	v2 =	vld [tilespmem:s15+$0xFFFFFF40]  }
0x27a: {  	v50 =	vadd.s32 s20, v1;
	v4 =	vld [tilespmem:s15+$0xFFFFFF50];
	_ =	sdelay $0x3  }
0x27b: {  	[tilespmem:v3+s24+$0x0] =	vst.idx.msk $0xffff, v2  }
0x27c: {  	s18 =	sadd.s32 $0xFFFFFFF4, s16;
	[tilespmem:v50+s24+$0x0] =	vst.idx.msk $0xffff, v4  }
0x27d: {  	v3 =	vadd.s32 s18, v0;
	v2 =	vld [tilespmem:s15+$0xFFFFFF60]  }
0x27e: {  	v51 =	vadd.s32 s18, v1;
	v4 =	vld [tilespmem:s15+$0xFFFFFF70];
	_ =	sdelay $0x3  }
0x27f: {  	[tilespmem:v3+s24+$0x0] =	vst.idx.msk $0xffff, v2  }
0x280: {  	s19 =	sadd.s32 $0xFFFFFFF5, s16;
	[tilespmem:v51+s24+$0x0] =	vst.idx.msk $0xffff, v4  }
0x281: {  	v3 =	vadd.s32 s19, v0;
	v2 =	vld [tilespmem:s15+$0xFFFFFF80]  }
0x282: {  	v52 =	vadd.s32 s19, v1;
	v4 =	vld [tilespmem:s15+$0xFFFFFF90];
	_ =	sdelay $0x3  }
0x283: {  	[tilespmem:v3+s24+$0x0] =	vst.idx.msk $0xffff, v2  }
0x284: {  	s20 =	sadd.s32 $0xFFFFFFF6, s16;
	[tilespmem:v52+s24+$0x0] =	vst.idx.msk $0xffff, v4  }
0x285: {  	v3 =	vadd.s32 s20, v0;
	v2 =	vld [tilespmem:s15+$0xFFFFFFA0]  }
0x286: {  	v53 =	vadd.s32 s20, v1;
	v4 =	vld [tilespmem:s15+$0xFFFFFFB0];
	_ =	sdelay $0x3  }
0x287: {  	[tilespmem:v3+s24+$0x0] =	vst.idx.msk $0xffff, v2  }
0x288: {  	s18 =	sadd.s32 $0xFFFFFFF7, s16;
	[tilespmem:v53+s24+$0x0] =	vst.idx.msk $0xffff, v4  }
0x289: {  	v3 =	vadd.s32 s18, v0;
	v2 =	vld [tilespmem:s15+$0xFFFFFFC0]  }
0x28a: {  	v54 =	vadd.s32 s18, v1;
	v4 =	vld [tilespmem:s15+$0xFFFFFFD0];
	_ =	sdelay $0x3  }
0x28b: {  	[tilespmem:v3+s24+$0x0] =	vst.idx.msk $0xffff, v2  }
0x28c: {  	s19 =	sadd.s32 $0xFFFFFFF8, s16;
	[tilespmem:v54+s24+$0x0] =	vst.idx.msk $0xffff, v4  }
0x28d: {  	v3 =	vadd.s32 s19, v0;
	v2 =	vld [tilespmem:s15+$0xFFFFFFE0]  }
0x28e: {  	v55 =	vadd.s32 s19, v1;
	v4 =	vld [tilespmem:s15+$0xFFFFFFF0];
	_ =	sdelay $0x3  }
0x28f: {  	[tilespmem:v3+s24+$0x0] =	vst.idx.msk $0xffff, v2  }
0x290: {  	s20 =	sadd.s32 $0xFFFFFFF9, s16;
	[tilespmem:v55+s24+$0x0] =	vst.idx.msk $0xffff, v4  }
0x291: {  	v3 =	vadd.s32 s20, v0;
	v2 =	vld [tilespmem:s15+$0x0]  }
0x292: {  	v56 =	vadd.s32 s20, v1;
	v4 =	vld [tilespmem:s15+$0x10];
	_ =	sdelay $0x3  }
0x293: {  	[tilespmem:v3+s24+$0x0] =	vst.idx.msk $0xffff, v2  }
0x294: {  	s18 =	sadd.s32 $0xFFFFFFFA, s16;
	[tilespmem:v56+s24+$0x0] =	vst.idx.msk $0xffff, v4  }
0x295: {  	v3 =	vadd.s32 s18, v0;
	v2 =	vld [tilespmem:s15+$0x20]  }
0x296: {  	v57 =	vadd.s32 s18, v1;
	v4 =	vld [tilespmem:s15+$0x30];
	_ =	sdelay $0x3  }
0x297: {  	[tilespmem:v3+s24+$0x0] =	vst.idx.msk $0xffff, v2  }
0x298: {  	s19 =	sadd.s32 $0xFFFFFFFB, s16;
	[tilespmem:v57+s24+$0x0] =	vst.idx.msk $0xffff, v4  }
0x299: {  	v3 =	vadd.s32 s19, v0;
	v2 =	vld [tilespmem:s15+$0x40]  }
0x29a: {  	v58 =	vadd.s32 s19, v1;
	v4 =	vld [tilespmem:s15+$0x50];
	_ =	sdelay $0x3  }
0x29b: {  	[tilespmem:v3+s24+$0x0] =	vst.idx.msk $0xffff, v2  }
0x29c: {  	s20 =	sadd.s32 $0xFFFFFFFC, s16;
	[tilespmem:v58+s24+$0x0] =	vst.idx.msk $0xffff, v4  }
0x29d: {  	v3 =	vadd.s32 s20, v0;
	v2 =	vld [tilespmem:s15+$0x60]  }
0x29e: {  	v59 =	vadd.s32 s20, v1;
	v4 =	vld [tilespmem:s15+$0x70];
	_ =	sdelay $0x3  }
0x29f: {  	[tilespmem:v3+s24+$0x0] =	vst.idx.msk $0xffff, v2  }
0x2a0: {  	s18 =	sadd.s32 $0xFFFFFFFD, s16;
	[tilespmem:v59+s24+$0x0] =	vst.idx.msk $0xffff, v4  }
0x2a1: {  	v3 =	vadd.s32 s18, v0;
	v2 =	vld [tilespmem:s15+$0x80]  }
0x2a2: {  	v60 =	vadd.s32 s18, v1;
	v4 =	vld [tilespmem:s15+$0x90];
	_ =	sdelay $0x3  }
0x2a3: {  	[tilespmem:v3+s24+$0x0] =	vst.idx.msk $0xffff, v2  }
0x2a4: {  	s19 =	sadd.s32 $0xFFFFFFFE, s16;
	[tilespmem:v60+s24+$0x0] =	vst.idx.msk $0xffff, v4  }
0x2a5: {  	v3 =	vadd.s32 s19, v0;
	v2 =	vld [tilespmem:s15+$0xA0]  }
0x2a6: {  	v61 =	vadd.s32 s19, v1;
	v4 =	vld [tilespmem:s15+$0xB0];
	_ =	sdelay $0x3  }
0x2a7: {  	[tilespmem:v3+s24+$0x0] =	vst.idx.msk $0xffff, v2  }
0x2a8: {  	s20 =	sadd.s32 $0xFFFFFFFF, s16;
	[tilespmem:v61+s24+$0x0] =	vst.idx.msk $0xffff, v4  }
0x2a9: {  	v3 =	vadd.s32 s20, v0;
	v2 =	vld [tilespmem:s15+$0xC0]  }
0x2aa: {  	v62 =	vadd.s32 s20, v1;
	v5 =	vld [tilespmem:s15+$0xD0];
	_ =	sdelay $0x3  }
0x2ab: {  	[tilespmem:v3+s24+$0x0] =	vst.idx.msk $0xffff, v2  }
0x2ac: {  	[tilespmem:v62+s24+$0x0] =	vst.idx.msk $0xffff, v5  }
0x2ad: {  	v3 =	vadd.s32 s16, v0;
	v2 =	vld [tilespmem:s15+$0xE0]  }
0x2ae: {  	v63 =	vadd.s32 s16, v1;
	v4 =	vld [tilespmem:s15+$0xF0];
	_ =	sdelay $0x3  }
0x2af: {  	[tilespmem:v3+s24+$0x0] =	vst.idx.msk $0xffff, v2  }
0x2b0: {  	s12 =	sadd.s32 s12, s7;
	[tilespmem:v63+s24+$0x0] =	vst.idx.msk $0xffff, v4  }
0x2b1: {  	[hbm4b:s12+s3] =	stream.linear.scatter [tilespmem:s24], [sflag:$0x4], $0x200, $0x38;
	[tilespmem:$0x16600] =	vst v63  }
0x2b2: {  	s17 =	sadd.s32 $0x19040, s2;
	s18 =	simm.s32 $0x12708  }
0x2b3: {  	[hbm4b:s17+s3] =	stream.linear.scatter [tilespmem:s18], [sflag:$0x4], $0x200, $0x38;
	[tilespmem:$0x16600] =	vst v63  }
0x2b4: {  	s19 =	sadd.s32 $0x32040, s2;
	s20 =	simm.s32 $0x12910  }
0x2b5: {  	[hbm4b:s19+s3] =	stream.linear.scatter [tilespmem:s20], [sflag:$0x4], $0x200, $0x38;
	[tilespmem:$0x16600] =	vst v63  }
0x2b6: {  	s16 =	simm.s32 $0x12B18;
	s15 =	sadd.s32 $0x4B040, s2  }
0x2b7: {  	[hbm4b:s15+s3] =	stream.linear.scatter [tilespmem:s16], [sflag:$0x4], $0x200, $0x38;
	[tilespmem:$0x16600] =	vst v63  }
0x2b8: {  	s17 =	sadd.s32 $0x64040, s2;
	s18 =	simm.s32 $0x12D20  }
0x2b9: {  	[hbm4b:s17+s3] =	stream.linear.scatter [tilespmem:s18], [sflag:$0x4], $0x200, $0x38;
	[tilespmem:$0x16600] =	vst v63  }
0x2ba: {  	s19 =	sadd.s32 $0x7D040, s2;
	s20 =	simm.s32 $0x12F28  }
0x2bb: {  	[hbm4b:s19+s3] =	stream.linear.scatter [tilespmem:s20], [sflag:$0x4], $0x200, $0x38;
	[tilespmem:$0x16600] =	vst v63  }
0x2bc: {  	s15 =	sadd.s32 $0x96040, s2;
	s16 =	simm.s32 $0x13130  }
0x2bd: {  	[hbm4b:s15+s3] =	stream.linear.scatter [tilespmem:s16], [sflag:$0x4], $0x200, $0x38;
	[tilespmem:$0x16600] =	vst v63  }
0x2be: {  	s17 =	sadd.s32 $0xAF040, s2;
	s18 =	simm.s32 $0x13338  }
0x2bf: {  	[hbm4b:s17+s3] =	stream.linear.scatter [tilespmem:s18], [sflag:$0x4], $0x200, $0x38;
	[tilespmem:$0x16600] =	vst v63  }
0x2c0: {  	s19 =	sadd.s32 $0xC8040, s2;
	s20 =	simm.s32 $0x13540  }
0x2c1: {  	[hbm4b:s19+s3] =	stream.linear.scatter [tilespmem:s20], [sflag:$0x4], $0x200, $0x38;
	[tilespmem:$0x16600] =	vst v63  }
0x2c2: {  	s15 =	sadd.s32 $0xE1040, s2;
	s16 =	simm.s32 $0x13748  }
0x2c3: {  	[hbm4b:s15+s3] =	stream.linear.scatter [tilespmem:s16], [sflag:$0x4], $0x200, $0x38;
	[tilespmem:$0x16600] =	vst v63  }
0x2c4: {  	s17 =	sadd.s32 $0xFA040, s2;
	s18 =	simm.s32 $0x13950  }
0x2c5: {  	[hbm4b:s17+s3] =	stream.linear.scatter [tilespmem:s18], [sflag:$0x4], $0x200, $0x38;
	[tilespmem:$0x16600] =	vst v63  }
0x2c6: {  	s19 =	sadd.s32 $0x113040, s2;
	s20 =	simm.s32 $0x13B58  }
0x2c7: {  	[hbm4b:s19+s3] =	stream.linear.scatter [tilespmem:s20], [sflag:$0x4], $0x200, $0x38;
	[tilespmem:$0x16600] =	vst v63  }
0x2c8: {  	s15 =	sadd.s32 $0x12C040, s2;
	s16 =	simm.s32 $0x13D60  }
0x2c9: {  	[hbm4b:s15+s3] =	stream.linear.scatter [tilespmem:s16], [sflag:$0x4], $0x200, $0x38;
	[tilespmem:$0x16600] =	vst v63  }
0x2ca: {  	s17 =	sadd.s32 $0x145040, s2;
	s18 =	simm.s32 $0x13F68  }
0x2cb: {  	[hbm4b:s17+s3] =	stream.linear.scatter [tilespmem:s18], [sflag:$0x4], $0x200, $0x38;
	[tilespmem:$0x16600] =	vst v63  }
0x2cc: {  	s19 =	sadd.s32 $0x15E040, s2;
	s20 =	simm.s32 $0x14170  }
0x2cd: {  	[hbm4b:s19+s3] =	stream.linear.scatter [tilespmem:s20], [sflag:$0x4], $0x200, $0x38;
	[tilespmem:$0x16600] =	vst v63  }
0x2ce: {  	s15 =	sadd.s32 $0x177040, s2;
	s16 =	simm.s32 $0x14378  }
0x2cf: {  	[hbm4b:s15+s3] =	stream.linear.scatter [tilespmem:s16], [sflag:$0x4], $0x200, $0x38;
	[tilespmem:$0x16600] =	vst v63  }
0x2d0: {  	s17 =	sadd.s32 $0x190040, s2;
	s18 =	simm.s32 $0x14580  }
0x2d1: {  	[hbm4b:s17+s3] =	stream.linear.scatter [tilespmem:s18], [sflag:$0x4], $0x200, $0x38;
	[tilespmem:$0x16600] =	vst v63  }
0x2d2: {  	s19 =	sadd.s32 $0x1A9040, s2;
	s20 =	simm.s32 $0x14788  }
0x2d3: {  	[hbm4b:s19+s3] =	stream.linear.scatter [tilespmem:s20], [sflag:$0x4], $0x200, $0x38;
	[tilespmem:$0x16600] =	vst v63  }
0x2d4: {  	s15 =	sadd.s32 $0x1C2040, s2;
	s16 =	simm.s32 $0x14990  }
0x2d5: {  	[hbm4b:s15+s3] =	stream.linear.scatter [tilespmem:s16], [sflag:$0x4], $0x200, $0x38;
	[tilespmem:$0x16600] =	vst v63  }
0x2d6: {  	s17 =	sadd.s32 $0x1DB040, s2;
	s18 =	simm.s32 $0x14B98  }
0x2d7: {  	[hbm4b:s17+s3] =	stream.linear.scatter [tilespmem:s18], [sflag:$0x4], $0x200, $0x38;
	[tilespmem:$0x16600] =	vst v63  }
0x2d8: {  	s19 =	sadd.s32 $0x1F4040, s2;
	s20 =	simm.s32 $0x14DA0  }
0x2d9: {  	[hbm4b:s19+s3] =	stream.linear.scatter [tilespmem:s20], [sflag:$0x4], $0x200, $0x38;
	[tilespmem:$0x16600] =	vst v63  }
0x2da: {  	s16 =	sadd.s32 $0x20D040, s2  }
0x2db: {  	[hbm4b:s16+s3] =	stream.linear.scatter [tilespmem:s21], [sflag:$0x4], $0x200, $0x38;
	[tilespmem:$0x16600] =	vst v63  }
0x2dc: {  	s17 =	sadd.s32 $0x226040, s2  }
0x2dd: {  	[hbm4b:s17+s3] =	stream.linear.scatter [tilespmem:s25], [sflag:$0x4], $0x200, $0x38;
	[tilespmem:$0x16600] =	vst v63  }
0x2de: {  	s18 =	sadd.s32 $0x23F040, s2  }
0x2df: {  	[hbm4b:s18+s3] =	stream.linear.scatter [tilespmem:s26], [sflag:$0x4], $0x200, $0x38;
	[tilespmem:$0x16600] =	vst v63  }
0x2e0: {  	s19 =	sadd.s32 $0x258040, s2  }
0x2e1: {  	[hbm4b:s19+s3] =	stream.linear.scatter [tilespmem:s28], [sflag:$0x4], $0x200, $0x38;
	[tilespmem:$0x16600] =	vst v63  }
0x2e2: {  	s20 =	sadd.s32 $0x271040, s2  }
0x2e3: {  	[hbm4b:s20+s3] =	stream.linear.scatter [tilespmem:s29], [sflag:$0x4], $0x200, $0x38;
	[tilespmem:$0x16600] =	vst v63  }
0x2e4: {  	s15 =	sadd.s32 $0x28A040, s2  }
0x2e5: {  	[hbm4b:s15+s3] =	stream.linear.scatter [tilespmem:s30], [sflag:$0x4], $0x200, $0x38;
	[tilespmem:$0x16600] =	vst v63  }
0x2e6: {  	s16 =	sadd.s32 $0x2A3040, s2  }
0x2e7: {  	[hbm4b:s16+s3] =	stream.linear.scatter [tilespmem:s31], [sflag:$0x4], $0x200, $0x38;
	[tilespmem:$0x16600] =	vst v63  }
0x2e8: {  	s11 =	sadd.s32 $0x1, s11;
	s17 =	sadd.s32 $0x2BC040, s2  }
0x2e9: {  	[hbm4b:s17+s3] =	stream.linear.scatter [tilespmem:s1], [sflag:$0x4], $0x200, $0x38;
	[tilespmem:$0x16600] =	vst v63  }
0x2ea: {  	p0 =	sne.s32 s11, $0x19;
	s18 =	sadd.s32 $0x2D5040, s2  }
0x2eb: {  	[hbm4b:s18+s3] =	stream.linear.scatter [tilespmem:s0], [sflag:$0x4], $0x200, $0x38;
	[tilespmem:$0x16600] =	vst v63  }
.Ltmp6:
0x2ec: {  	_ = 	snop;
	(pc) =	sbr.rel @p0 .LBB2_2-.Ltmp6, $4  }
0x2ed: {  	s19 =	sadd.s32 $0x2EE040, s2  }
0x2ee: {  	[hbm4b:s19+s3] =	stream.linear.scatter [tilespmem:s5], [sflag:$0x4], $0x200, $0x38;
	[tilespmem:$0x16600] =	vst v63  }
0x2ef: {  	s20 =	sadd.s32 $0x307040, s2  }
0x2f0: {  	[hbm4b:s20+s3] =	stream.linear.scatter [tilespmem:s8], [sflag:$0x4], $0x200, $0x38;
	[tilespmem:$0x16600] =	vst v63  }
0x2f1: {  	_ =	swait.ge [sflag:s9], $0x200  }
0x2f2: {  	[sflag:s9] =	ssyncset.done $0x0  }
0x2f3: {  	[sflag:s9] =	ssyncadd.s32 $0xFFFFFE00  }
0x2f4: {  	_ =	swait.ge [sflag:s9], $0x200  }
0x2f5: {  	[sflag:s9] =	ssyncset.done $0x0  }
0x2f6: {  	[sflag:s9] =	ssyncadd.s32 $0xFFFFFE00  }
0x2f7: {  	_ =	swait.ge [sflag:s9], $0x200  }
0x2f8: {  	[sflag:s9] =	ssyncset.done $0x0  }
0x2f9: {  	[sflag:s9] =	ssyncadd.s32 $0xFFFFFE00  }
0x2fa: {  	_ =	swait.ge [sflag:s9], $0x200  }
0x2fb: {  	[sflag:s9] =	ssyncset.done $0x0  }
0x2fc: {  	[sflag:s9] =	ssyncadd.s32 $0xFFFFFE00  }
0x2fd: {  	_ =	swait.ge [sflag:s9], $0x200  }
0x2fe: {  	[sflag:s9] =	ssyncset.done $0x0  }
0x2ff: {  	[sflag:s9] =	ssyncadd.s32 $0xFFFFFE00  }
0x300: {  	_ =	swait.ge [sflag:s9], $0x200  }
0x301: {  	[sflag:s9] =	ssyncset.done $0x0  }
0x302: {  	[sflag:s9] =	ssyncadd.s32 $0xFFFFFE00  }
0x303: {  	_ =	swait.ge [sflag:s9], $0x200  }
0x304: {  	[sflag:s9] =	ssyncset.done $0x0  }
0x305: {  	[sflag:s9] =	ssyncadd.s32 $0xFFFFFE00  }
0x306: {  	_ =	swait.ge [sflag:s9], $0x200  }
0x307: {  	[sflag:s9] =	ssyncset.done $0x0  }
0x308: {  	[sflag:s9] =	ssyncadd.s32 $0xFFFFFE00  }
0x309: {  	_ =	swait.ge [sflag:s9], $0x200  }
0x30a: {  	[sflag:s9] =	ssyncset.done $0x0  }
0x30b: {  	[sflag:s9] =	ssyncadd.s32 $0xFFFFFE00  }
0x30c: {  	_ =	swait.ge [sflag:s9], $0x200  }
0x30d: {  	[sflag:s9] =	ssyncset.done $0x0  }
0x30e: {  	[sflag:s9] =	ssyncadd.s32 $0xFFFFFE00  }
0x30f: {  	_ =	swait.ge [sflag:s9], $0x200  }
0x310: {  	[sflag:s9] =	ssyncset.done $0x0  }
0x311: {  	[sflag:s9] =	ssyncadd.s32 $0xFFFFFE00  }
0x312: {  	_ =	swait.ge [sflag:s9], $0x200  }
0x313: {  	[sflag:s9] =	ssyncset.done $0x0  }
0x314: {  	[sflag:s9] =	ssyncadd.s32 $0xFFFFFE00  }
0x315: {  	_ =	swait.ge [sflag:s9], $0x200  }
0x316: {  	[sflag:s9] =	ssyncset.done $0x0  }
0x317: {  	[sflag:s9] =	ssyncadd.s32 $0xFFFFFE00  }
0x318: {  	_ =	swait.ge [sflag:s9], $0x200  }
0x319: {  	[sflag:s9] =	ssyncset.done $0x0  }
0x31a: {  	[sflag:s9] =	ssyncadd.s32 $0xFFFFFE00  }
0x31b: {  	_ =	swait.ge [sflag:s9], $0x200  }
0x31c: {  	[sflag:s9] =	ssyncset.done $0x0  }
0x31d: {  	[sflag:s9] =	ssyncadd.s32 $0xFFFFFE00  }
0x31e: {  	_ =	swait.ge [sflag:s9], $0x200  }
0x31f: {  	[sflag:s9] =	ssyncset.done $0x0  }
0x320: {  	[sflag:s9] =	ssyncadd.s32 $0xFFFFFE00  }
0x321: {  	_ =	swait.ge [sflag:s9], $0x200  }
0x322: {  	[sflag:s9] =	ssyncset.done $0x0  }
0x323: {  	[sflag:s9] =	ssyncadd.s32 $0xFFFFFE00  }
0x324: {  	_ =	swait.ge [sflag:s9], $0x200  }
0x325: {  	[sflag:s9] =	ssyncset.done $0x0  }
0x326: {  	[sflag:s9] =	ssyncadd.s32 $0xFFFFFE00  }
0x327: {  	_ =	swait.ge [sflag:s9], $0x200  }
0x328: {  	[sflag:s9] =	ssyncset.done $0x0  }
0x329: {  	[sflag:s9] =	ssyncadd.s32 $0xFFFFFE00  }
0x32a: {  	_ =	swait.ge [sflag:s9], $0x200  }
0x32b: {  	[sflag:s9] =	ssyncset.done $0x0  }
0x32c: {  	[sflag:s9] =	ssyncadd.s32 $0xFFFFFE00  }
0x32d: {  	_ =	swait.ge [sflag:s9], $0x200  }
0x32e: {  	[sflag:s9] =	ssyncset.done $0x0  }
0x32f: {  	[sflag:s9] =	ssyncadd.s32 $0xFFFFFE00  }
0x330: {  	_ =	swait.ge [sflag:s9], $0x200  }
0x331: {  	[sflag:s9] =	ssyncset.done $0x0  }
0x332: {  	[sflag:s9] =	ssyncadd.s32 $0xFFFFFE00  }
0x333: {  	_ =	swait.ge [sflag:s9], $0x200  }
0x334: {  	[sflag:s9] =	ssyncset.done $0x0  }
0x335: {  	[sflag:s9] =	ssyncadd.s32 $0xFFFFFE00  }
0x336: {  	_ =	swait.ge [sflag:s9], $0x200  }
0x337: {  	[sflag:s9] =	ssyncset.done $0x0  }
0x338: {  	[sflag:s9] =	ssyncadd.s32 $0xFFFFFE00  }
0x339: {  	_ =	swait.ge [sflag:s9], $0x200  }
0x33a: {  	[sflag:s9] =	ssyncset.done $0x0  }
0x33b: {  	[sflag:s9] =	ssyncadd.s32 $0xFFFFFE00  }
0x33c: {  	_ =	swait.ge [sflag:s9], $0x200  }
0x33d: {  	[sflag:s9] =	ssyncset.done $0x0  }
0x33e: {  	[sflag:s9] =	ssyncadd.s32 $0xFFFFFE00  }
0x33f: {  	_ =	swait.ge [sflag:s9], $0x200  }
0x340: {  	[sflag:s9] =	ssyncset.done $0x0  }
0x341: {  	[sflag:s9] =	ssyncadd.s32 $0xFFFFFE00  }
0x342: {  	_ =	swait.ge [sflag:s9], $0x200  }
0x343: {  	[sflag:s9] =	ssyncset.done $0x0  }
0x344: {  	[sflag:s9] =	ssyncadd.s32 $0xFFFFFE00  }
0x345: {  	_ =	swait.ge [sflag:s9], $0x200  }
0x346: {  	[sflag:s9] =	ssyncset.done $0x0  }
0x347: {  	[sflag:s9] =	ssyncadd.s32 $0xFFFFFE00  }
0x348: {  	_ =	swait.ge [sflag:s9], $0x200  }
0x349: {  	[sflag:s9] =	ssyncset.done $0x0  }
0x34a: {  	[sflag:s9] =	ssyncadd.s32 $0xFFFFFE00  }
0x34b: {  	_ =	swait.ge [sflag:s9], $0x200  }
0x34c: {  	[sflag:s9] =	ssyncset.done $0x0  }
0x34d: {  	[sflag:s9] =	ssyncadd.s32 $0xFFFFFE00  }
0x34e: {  	_ =	swait.ge [sflag:s9], $0x200  }
0x34f: {  	[sflag:s9] =	ssyncset.done $0x0  }
0x350: {  	[sflag:s9] =	ssyncadd.s32 $0xFFFFFE00  }
0x351: {  	_ =	swait.ge [sflag:s23], $0x200  }
0x352: {  	[sflag:s23] =	ssyncset.done $0x0  }
0x353: {  	[sflag:s23] =	ssyncadd.s32 $0xFFFFFE00  }
0x354: {  	_ =	swait.ge [sflag:s23], $0x200  }
0x355: {  	[sflag:s23] =	ssyncset.done $0x0  }
0x356: {  	[sflag:s23] =	ssyncadd.s32 $0xFFFFFE00  }
0x357: {  	_ =	swait.ge [sflag:s23], $0x200  }
0x358: {  	[sflag:s23] =	ssyncset.done $0x0  }
0x359: {  	[sflag:s23] =	ssyncadd.s32 $0xFFFFFE00  }
0x35a: {  	_ =	swait.ge [sflag:s23], $0x200  }
0x35b: {  	[sflag:s23] =	ssyncset.done $0x0  }
0x35c: {  	[sflag:s23] =	ssyncadd.s32 $0xFFFFFE00  }
0x35d: {  	_ =	swait.ge [sflag:s23], $0x200  }
0x35e: {  	[sflag:s23] =	ssyncset.done $0x0  }
0x35f: {  	[sflag:s23] =	ssyncadd.s32 $0xFFFFFE00  }
0x360: {  	_ =	swait.ge [sflag:s23], $0x200  }
0x361: {  	[sflag:s23] =	ssyncset.done $0x0  }
0x362: {  	[sflag:s23] =	ssyncadd.s32 $0xFFFFFE00  }
0x363: {  	_ =	swait.ge [sflag:s23], $0x200  }
0x364: {  	[sflag:s23] =	ssyncset.done $0x0  }
0x365: {  	[sflag:s23] =	ssyncadd.s32 $0xFFFFFE00  }
0x366: {  	_ =	swait.ge [sflag:s23], $0x200  }
0x367: {  	[sflag:s23] =	ssyncset.done $0x0  }
0x368: {  	[sflag:s23] =	ssyncadd.s32 $0xFFFFFE00  }
0x369: {  	_ =	swait.ge [sflag:s23], $0x200  }
0x36a: {  	[sflag:s23] =	ssyncset.done $0x0  }
0x36b: {  	[sflag:s23] =	ssyncadd.s32 $0xFFFFFE00  }
0x36c: {  	_ =	swait.ge [sflag:s23], $0x200  }
0x36d: {  	[sflag:s23] =	ssyncset.done $0x0  }
0x36e: {  	[sflag:s23] =	ssyncadd.s32 $0xFFFFFE00  }
0x36f: {  	_ =	swait.ge [sflag:s23], $0x200  }
0x370: {  	[sflag:s23] =	ssyncset.done $0x0  }
0x371: {  	[sflag:s23] =	ssyncadd.s32 $0xFFFFFE00  }
0x372: {  	_ =	swait.ge [sflag:s23], $0x200  }
0x373: {  	[sflag:s23] =	ssyncset.done $0x0  }
0x374: {  	[sflag:s23] =	ssyncadd.s32 $0xFFFFFE00  }
0x375: {  	_ =	swait.ge [sflag:s23], $0x200  }
0x376: {  	[sflag:s23] =	ssyncset.done $0x0  }
0x377: {  	[sflag:s23] =	ssyncadd.s32 $0xFFFFFE00  }
0x378: {  	_ =	swait.ge [sflag:s23], $0x200  }
0x379: {  	[sflag:s23] =	ssyncset.done $0x0  }
0x37a: {  	[sflag:s23] =	ssyncadd.s32 $0xFFFFFE00  }
0x37b: {  	_ =	swait.ge [sflag:s23], $0x200  }
0x37c: {  	[sflag:s23] =	ssyncset.done $0x0  }
0x37d: {  	[sflag:s23] =	ssyncadd.s32 $0xFFFFFE00  }
0x37e: {  	_ =	swait.ge [sflag:s23], $0x200  }
0x37f: {  	[sflag:s23] =	ssyncset.done $0x0  }
0x380: {  	[sflag:s23] =	ssyncadd.s32 $0xFFFFFE00  }
0x381: {  	_ =	swait.ge [sflag:s23], $0x200  }
0x382: {  	[sflag:s23] =	ssyncset.done $0x0  }
0x383: {  	[sflag:s23] =	ssyncadd.s32 $0xFFFFFE00  }
0x384: {  	_ =	swait.ge [sflag:s23], $0x200  }
0x385: {  	[sflag:s23] =	ssyncset.done $0x0  }
0x386: {  	[sflag:s23] =	ssyncadd.s32 $0xFFFFFE00  }
0x387: {  	_ =	swait.ge [sflag:s23], $0x200  }
0x388: {  	[sflag:s23] =	ssyncset.done $0x0  }
0x389: {  	[sflag:s23] =	ssyncadd.s32 $0xFFFFFE00  }
0x38a: {  	_ =	swait.ge [sflag:s23], $0x200  }
0x38b: {  	[sflag:s23] =	ssyncset.done $0x0  }
0x38c: {  	[sflag:s23] =	ssyncadd.s32 $0xFFFFFE00  }
0x38d: {  	_ =	swait.ge [sflag:s23], $0x200  }
0x38e: {  	[sflag:s23] =	ssyncset.done $0x0  }
0x38f: {  	[sflag:s23] =	ssyncadd.s32 $0xFFFFFE00  }
0x390: {  	_ =	swait.ge [sflag:s23], $0x200  }
0x391: {  	[sflag:s23] =	ssyncset.done $0x0  }
0x392: {  	[sflag:s23] =	ssyncadd.s32 $0xFFFFFE00  }
0x393: {  	_ =	swait.ge [sflag:s23], $0x200  }
0x394: {  	[sflag:s23] =	ssyncset.done $0x0  }
0x395: {  	[sflag:s23] =	ssyncadd.s32 $0xFFFFFE00  }
0x396: {  	_ =	swait.ge [sflag:s23], $0x200  }
0x397: {  	[sflag:s23] =	ssyncset.done $0x0  }
0x398: {  	[sflag:s23] =	ssyncadd.s32 $0xFFFFFE00  }
0x399: {  	_ =	swait.ge [sflag:s23], $0x200  }
0x39a: {  	[sflag:s23] =	ssyncset.done $0x0  }
0x39b: {  	[sflag:s23] =	ssyncadd.s32 $0xFFFFFE00  }
0x39c: {  	_ =	swait.ge [sflag:s23], $0x200  }
0x39d: {  	[sflag:s23] =	ssyncset.done $0x0  }
0x39e: {  	[sflag:s23] =	ssyncadd.s32 $0xFFFFFE00  }
0x39f: {  	_ =	swait.ge [sflag:s23], $0x200  }
0x3a0: {  	[sflag:s23] =	ssyncset.done $0x0  }
0x3a1: {  	[sflag:s23] =	ssyncadd.s32 $0xFFFFFE00  }
0x3a2: {  	_ =	swait.ge [sflag:s23], $0x200  }
0x3a3: {  	[sflag:s23] =	ssyncset.done $0x0  }
0x3a4: {  	[sflag:s23] =	ssyncadd.s32 $0xFFFFFE00  }
0x3a5: {  	_ =	swait.ge [sflag:s23], $0x200  }
0x3a6: {  	[sflag:s23] =	ssyncset.done $0x0  }
0x3a7: {  	[sflag:s23] =	ssyncadd.s32 $0xFFFFFE00  }
0x3a8: {  	_ =	swait.ge [sflag:s23], $0x200  }
0x3a9: {  	[sflag:s23] =	ssyncset.done $0x0  }
0x3aa: {  	[sflag:s23] =	ssyncadd.s32 $0xFFFFFE00  }
0x3ab: {  	_ =	swait.ge [sflag:s23], $0x200  }
0x3ac: {  	[sflag:s23] =	ssyncset.done $0x0  }
0x3ad: {  	[sflag:s23] =	ssyncadd.s32 $0xFFFFFE00  }
0x3ae: {  	_ =	swait.ge [sflag:s23], $0x200  }
0x3af: {  	s11 =	rddreg [dreg:$0x5]  }
0x3b0: {  	s2 =	rddreg [dreg:$0x4];
	s11 =	sadd.s32 $0x1, s11  }
0x3b1: {  	p0 =	sne.s32 s11, s2  }
.Ltmp7:
0x3b2: {  	_ = 	snop;
	(pc) =	sbr.rel @p0 .LBB2_1-.Ltmp7, $3  }
0x3b3: {  	_ =	sdelay $0x1  }
0x3b4: {  	[sflag:s23] =	ssyncset.done $0x0  }
0x3b5: {  	[sflag:s23] =	ssyncadd.s32 $0xFFFFFE00  }
0x3b6: {  	_ =	sfence.sel $0x180000  }
0x3b7: {  	[bflag:$0x0] =	sbarrier.arrive $0xFFFF  }
0x3b8: {  	_ =	strace $0x9000004A  }
0x3b9: {  	s0 =	stileid.u32;
	[bflag:$0x2] =	sbarrier.arrive $0xFFFF  }
0x3ba: {  	p0 =	sne.s32 s0, $0x0;
	s0 =	rddreg [dreg:$0x2]  }
0x3bb: {  	s0 =	sadd.s32 @!p0 $0x100000, s0  }
0x3bc: {  	[sflag:s0] =	ssyncadd.tile.s32 @!p0 $0x1;
	_ =	shalt  }
.Lfunc_end2:
_tile_overlayer_lowered:
.L_overlay_start_2:
0x3bd: {  	(tag) =	ssettag $0x2  }
0x3be: {  	s0 =	rddreg [dreg:$0x0];
	s2 =	stileid.u32  }
0x3bf: {  	s1 =	rddreg [dreg:$0x1];
	p0 =	sne.s32 s2, $0x0  }
0x3c0: {  	s3 =	rddreg [dreg:$0x2];
	[bflag:$0x3] =	sbarrier.arrive $0xFFFF;
	s2 =	simm.s32 @!p0 $0x1C05  }
0x3c1: {  	[timem:s3], [sflag:s2] =	dma.local @!p0 [hbm:s0], s1  }
0x3c2: {  	s0 =	simm.s32 @!p0 $0x5  }
0x3c3: {  	_ =	swait.ge @!p0 [sflag:s0], s1  }
0x3c4: {  	s1 =	ssub.s32 @!p0 $0x0, s1;
	[sflag:s0] =	ssyncset.done @!p0 $0x0  }
0x3c5: {  	[sflag:s0] =	ssyncadd.s32 @!p0 s1  }
0x3c6: {  	[bflag:$0x3] =	sbarrier.arrive $0xFFFF  }
0x3c7: {  	_ =	shalt  }

// kernel: sparse-core-data-format-call.cloned.1.call-start
scs
called_computation_lowered:
.L_overlay_start_0:
0x0: {  	s2 =	sld [smem:$0x3FD9]  }
0x1: {  	s3 =	sld [smem:$0x3FFE];
	_ =	sdelay $0x1  }
0x2: {  	s1 =	srdreg.scid  }
0x3: {  	s0 =	sand.u32 $0x1, s1  }
0x4: {  	s18 =	sshll.u32 s0, $0xA;
	s2 =	sadd.s32 s3, s2  }
0x5: {  	s2 =	sadd.s32 s2, s18  }
0x6: {  	[smem:$0x3FC6] =	sst s2  }
0x7: {  	_ = 	snop  }
0x8: {  	s2 =	sld [smem:$0x3FC8];
	(tm) =	ssettm $0x1  }
0x9: {  	s19 =	sld [smem:$0x3FFB];
	_ =	sdelay $0x3  }
0xa: {  	_ =	strace s19  }
0xb: {  	s3 =	sld [smem:$0x3FFC];
	_ =	sdelay $0x3  }
0xc: {  	_ =	strace s3  }
0xd: {  	s3 =	sld [smem:$0x3FFD];
	_ =	sdelay $0x3  }
0xe: {  	_ =	strace s3  }
0xf: {  	_ =	strace $0x8FFFFFFF  }
0x10: {  	s20 =	sld [smem:$0x3FDB];
	_ =	sdelay $0x1  }
0x11: {  	s4 =	simm.s32 $_scs_section_size  }
0x12: {  	s5 =	simm.s32 $_size__tile_overlayer_lowered;
	s6 =	simm.s32 $_tile_overlayer_lowered  }
0x13: {  	s23 =	simm.s32 $0x1BFF;
	s22 =	sshll.u32 s6, $0x1;
	s3 =	sadd.s32 s4, s20  }
0x14: {  	s7 =	simm.s32 $0x0;
	s21 =	sshll.u32 s5, $0x1;
	s5 =	sadd.s32 s22, s3  }
0x15: {  	[timem:s7], [sflag:s23] =	dma.local [hbm:s5], s21  }
0x16: {  	_ =	swait.ge [sflag:s23], s21  }
0x17: {  	s4 =	ssub.s32 $0x0, s21;
	[sflag:s23] =	ssyncset.done $0x0  }
0x18: {  	[sflag:s23] =	ssyncadd.s32 s4;
	_ =	sdelay $0x1  }
0x19: {  	s24 =	simm.s32 $0x1B8B  }
0x1a: {  	_ =	swait.ge [sflag:s24], $0x1  }
0x1b: {  	[sflag:s24] =	ssyncset.done $0x0  }
0x1c: {  	s26 =	simm.s32 $0x1B8E;
	s25 =	sld [smem:$0x3FFE];
	[sflag:s24] =	ssyncadd.s32 $0xFFFFFFFF  }
0x1d: {  	s27 =	simm.s32 $execute0_lowered;
	[smem:$0x3FD2] =	sst s26  }
0x1e: {  	s5 =	sshll.u32 s27, $0x1;
	_ =	strace $0x80000046;
	[dreg:$0x1] =	wrdreg $0xFFFFFFFF  }
0x1f: {  	s28 =	simm.s32 $_size_execute0_lowered;
	s3 =	sadd.s32 s3, s5;
	[dreg:$0x0] =	wrdreg $0x0  }
0x20: {  	s5 =	sshll.u32 s28, $0x1;
	[dreg:$0x2] =	wrdreg s3  }
0x21: {  	[dreg:$0x3] =	wrdreg s5  }
0x22: {  	[dreg:$0x4] =	wrdreg $0xC0  }
0x23: {  	_ =	task [dreg:s7], $0x5FFFF  }
0x24: {  	[dreg:$0x1] =	wrdreg $0xFFFFFFFF  }
0x25: {  	[dreg:$0x0] =	wrdreg $0x60  }
0x26: {  	[dreg:$0x2] =	wrdreg s2  }
0x27: {  	[dreg:$0x3] =	wrdreg s25  }
0x28: {  	[dreg:$0x4] =	wrdreg $0x9  }
0x29: {  	_ =	task.clear_ibuf [dreg:s7], $0x5FFFF;
	_ =	strace $0x90000046  }
0x2a: {  	s29 =	simm.s32 $0x9;
	_ =	strace $0x80000048  }
0x2b: {  	_ =	swait.ge [sflag:s29], $0x1  }
0x2c: {  	[sflag:s29] =	ssyncadd.s32 $0xFFFFFFFF  }
0x2d: {  	_ =	strace $0x90000048  }
0x2e: {  	_ =	sfence  }
0x2f: {  	s30 =	sld [smem:$0x0];
	_ =	sdelay $0x2  }
0x30: {  	s31 =	sshll.u32 s1, $0xD;
	s1 =	sshrl.u32 s1, $0x2  }
0x31: {  	s3 =	sand.u32 $0x4000, s31;
	s1 =	sadd.s32 s1, s30  }
0x32: {  	s0 =	sor.u32 s3, s0;
	s1 =	sshll.u32 s1, $0x11  }
0x33: {  	s0 =	sor.u32 s1, s0  }
0x34: {  	s0 =	sadd.s32 $0x8F2B, s0  }
0x35: {  	[sflag:s0] =	ssyncadd.remote.s32 $0x1  }
0x36: {  	_ =	sfence.sel $0xFFFF  }
0x37: {  	[dreg:$0x0] =	wrdreg $0xFFFFFFFF;
	(pc) =	sbr.abs _section_cstart, $3  }
0x38: {  	[dreg:$0x1] =	wrdreg $0xFFFFFFFF  }
0x39: {  	_ =	task.clear_ibuf [dreg:s7], $0x2FFFF;
	_ =	strace $0x9FFFFFFF  }
0x3a: {  	(tm) =	ssettm $0x7FFFFFFF  }
0x3b: {  	_ =	shalt  }
tec
execute0_lowered:
.L_overlay_start_1:
0x0: {  	(tag) =	ssettag $0x1  }
0x1: {  	s0 =	srdreg.scid;
	s2 =	rddreg [dreg:$0x0]  }
0x2: {  	s5 =	rddreg [dreg:$0x1];
	s1 =	stileid.u32  }
0x3: {  	s4 =	simm.s32 $0x1;
	s6 =	simm.s32 $0x2;
	s15 =	simm.s32 $0x0  }
0x4: {  	p0 =	por $0x0, $0x0;
	s8 =	simm.s32 $0x80;
	s0 =	sshll.u32 s0, $0x4  }
0x5: {  	s14 =	simm.s32 $0x0;
	s9 =	simm.s32 $0x0;
	s3 =	sand.u32 $0x10, s0  }
.Ltmp0:
0x6: {  	s10 =	simm.s32 $0x0;
	s3 =	sor.u32 s1, s3;
	(pc) =	sbr.rel .LBB1_1-.Ltmp0, $4  }
0x7: {  	s0 =	rddreg [dreg:$0x2];
	_ =	strace $0x80000047;
	s3 =	sshll.u32 s3, $0x7  }
0x8: {  	s12 =	simm.s32 $0x0;
	[sflag:s4] =	ssyncpa.u1 $0x0;
	s7 =	ssub.s32 $0xF4200, s3  }
0x9: {  	s13 =	simm.s32 $0x0;
	[sflag:s6] =	ssyncpa.u1 $0x0;
	s6 =	sshrl.u32 s7, $0xC  }
0xa: {  	s5 =	sadd.s32 $0xA00, s5;
	s11 =	smov.u32 s3;
	s7 =	sadd.s32 $0x2, s6  }
.LBB1_5:
0xb: {  	p1 =	slt.u32 s13, $0x2  }
0xc: {  	s17 =	smov.u32 s15;
	p2 =	sgt.s32 @!p1 s15, $0xF41C0;
	s16 =	sshra.s32 @!p1 s15, $0x1F  }
0xd: {  	p3 =	sgt.s32 @!p1 s14, $0x60;
	s18 =	sshra.s32 @!p1 s14, $0x1F;
	p2 =	por !p2, p1  }
0xe: {  	s15 =	sand.u32 @!p1 s16, s15;
	p3 =	por !p3, p1;
	s16 =	smov.u32 s14  }
0xf: {  	s14 =	sand.u32 @!p1 s18, s14;
	s17 =	simm.s32 @p2 $0xF41C0;
	s16 =	simm.s32 @p3 $0x60  }
0x10: {  	s15 =	ssub.s32 @!p1 s17, s15;
	s14 =	ssub.s32 @!p1 s16, s14  }
0x11: {  	s18 =	smov.u32 s12;
	s16 =	sadd.s32 @!p1 $0xFFF0BE40, s15;
	s17 =	sadd.s32 @!p1 $0xFFFFFFA0, s14  }
0x12: {  	s15 =	ssub.s32 @!p1 $0xF4240, s15;
	p2 =	sgt.s32 @!p1 s16, $0x7F;
	p3 =	sgt.s32 @!p1 s17, $0x1F  }
0x13: {  	s14 =	ssub.s32 @!p1 $0x80, s14;
	p2 =	por !p2, p1;
	p3 =	por !p3, p1  }
0x14: {  	s16 =	sadd.s32 $0x1000, s11;
	s15 =	simm.s32 @!p2 $0x0;
	s14 =	simm.s32 @!p3 $0x0  }
0x15: {  	p2 =	sgt.s32 s16, $0xF423F;
	s14 =	smul.u32 @!p1 s14, s15;
	s15 =	sadd.s32 $0x20, s12  }
0x16: {  	s18 =	smov.u32 @p2 s15  }
0x17: {  	s16 =	smov.u32 @p2 s3;
	p2 =	sgt.s32 s18, $0x1F  }
0x18: {  	s18 =	simm.s32 @p2 $0x0;
	p2 =	sne.s32 s13, s7  }
.Ltmp1:
0x19: {  	p0 =	por !p0, !p0;
	s17 =	simm.s32 @!p1 $0x2;
	(pc) =	sbr.rel @!p2 .LBB1_6-.Ltmp1, $4  }
0x1a: {  	s15 =	smov.u32 s9;
	s9 =	smov.u32 s11;
	s14 =	sand.u32 @!p1 $0x3FFFFFFF, s14  }
0x1b: {  	s11 =	smov.u32 s16;
	_ =	swait.ge @!p1 [sflag:s17], s14;
	s19 =	ssub.s32 @!p1 $0x0, s14  }
0x1c: {  	s14 =	smov.u32 s10;
	s13 =	sadd.s32 $0x1, s13;
	[sflag:s17] =	ssyncset.done @!p1 $0x0  }
0x1d: {  	s10 =	smov.u32 s12;
	s12 =	smov.u32 s18;
	[sflag:s17] =	ssyncadd.s32 @!p1 s19  }
.LBB1_1:
0x1e: {  	p1 =	sgt.u32 s13, s6  }
0x1f: {  	s16 =	sshrl.u32 @!p1 s12, $0x3  }
0x20: {  	s17 =	sshll.u32 @!p1 s11, $0x3;
	s16 =	smul.u32 @!p1 $0x7A1400, s16  }
0x21: {  	s18 =	sshll.u32 @!p1 s12, $0x7;
	s17 =	sand.u32 @!p1 $0xFFFFFC00, s17  }
0x22: {  	s16 =	sadd.s32 @!p1 s16, s17;
	s17 =	sand.u32 @!p1 $0x380, s18  }
0x23: {  	s18 =	sand.u32 @!p1 $0x7F, s11;
	s16 =	sor.u32 @!p1 s17, s16  }
0x24: {  	s17 =	sor.u32 @!p1 s18, s16  }
0x25: {  	s18 =	smulhi.u32 @!p1 $0x218D6287, s17;
	_ =	sdelay $0x1  }
0x26: {  	s16 =	smulhi.u32 @!p1 $0x218D6287, s16;
	s18 =	sshrl.u32 @!p1 s18, $0x11  }
0x27: {  	s18 =	smul.u32 @!p1 $0xF4280, s18  }
0x28: {  	s19 =	sxor.u32 @!p1 $0xFFFFFFFF, s13;
	s16 =	sshrl.u32 @!p1 s16, $0x11  }
0x29: {  	s19 =	sshll.u32 @!p1 s19, $0xC;
	s16 =	sand.u32 @!p1 $0x1F, s16;
	s17 =	ssub.s32 @!p1 s17, s18  }
0x2a: {  	s16 =	smul.u32 @!p1 $0x1E850, s16;
	s18 =	sshrl.u32 @!p1 s17, $0x3;
	s17 =	sand.u32 @!p1 $0x7, s17  }
0x2b: {  	s19 =	sand.u32 @!p1 $0x1000, s19;
	s18 =	sadd.s32 @!p1 s2, s18;
	s17 =	sshll.u32 @!p1 s17, $0x12  }
0x2c: {  	s16 =	sadd.s32 @!p1 s16, s18;
	s17 =	sor.u32 @!p1 $0x400, s17;
	s18 =	simm.s32 @!p1 $0x7A1400  }
0x2d: {  	[tilespmem:s19], [sflag:$0x1] =	stream.strided.gather @!p1 [hbm4b:s16+s17], $0x1000, s18, s17, $0x38;
	[tilespmem:$0x4100] =	vst v63  }
0x2e: {  	p1 =	seq.s32 s13, $0x0  }
0x2f: {  	p2 =	sge.u32 @!p1 s13, s7  }
0x30: {  	p1 =	por p1, p2  }
.Ltmp2:
0x31: {  	_ = 	snop;
	(pc) =	sbr.rel @p1 .LBB1_5-.Ltmp2, $1  }
0x32: {  	_ =	sdelay $0x3  }
0x33: {  	s16 =	simm.s32 $0x1  }
0x34: {  	_ =	swait.ge [sflag:s4], $0x1000;
	s16 =	simm.s32 @!p0 $0x0  }
0x35: {  	[sflag:s4] =	ssyncset.done $0x0;
	s17 =	sshll.u32 s16, $0xC  }
0x36: {  	[sflag:s4] =	ssyncadd.s32 $0xFFFFF000;
	s17 =	sor.u32 $0x40, s17  }
0x37: {  	s16 =	smul.u32 $0x4200, s16;
	v0 =	vld [tilespmem:s17+$0x30]  }
0x38: {  	v1 =	vld [tilespmem:s17+$0xFFFFFFD0]  }
0x39: {  	s16 =	sshrl.u32 s16, $0x2;
	v5 =	vld [tilespmem:s17+$0xFFFFFFE0]  }
0x3a: {  	v6 =	vld [tilespmem:s17+$0xFFFFFFF0];
	s19 =	sor.u32 $0x2000, s16  }
0x3b: {  	s31 =	sand.u32 $0x1, s13;
	v4 =	vld [tilespmem:s17+$0x0];
	s18 =	sadd.s32 $0x0, s19  }
0x3c: {  	v3 =	vld [tilespmem:s17+$0x10];
	s16 =	smul.u32 $0x4200, s31;
	[tilespmem:s18+$0xE70 ss:$0x21] =	vst.msk $0xffff, v0  }
0x3d: {  	v2 =	vld [tilespmem:s17+$0x20];
	[tilespmem:s18+$0x210 ss:$0x21] =	vst.msk $0xffff, v1  }
0x3e: {  	s16 =	sshrl.u32 s16, $0x2;
	v1 =	vld [tilespmem:s17+$0xFFFFFFC0];
	[tilespmem:s18+$0x420 ss:$0x21] =	vst.msk $0xffff, v5;
	s17 =	sadd.s32 $0x80, s17  }
0x3f: {  	s20 =	simm.s32 $0x4;
	s21 =	simm.s32 $0x8;
	s16 =	sor.u32 $0x2000, s16;
	[tilespmem:s18+$0x630 ss:$0x21] =	vst.msk $0xffff, v6;
	v0 =	vld [tilespmem:s17+$0x30]  }
.LBB1_3:
0x40: {  	p1 =	sne.s32 s21, $0x7C;
	v5 =	vld [tilespmem:s17+$0xFFFFFFD0];
	[tilespmem:s18+$0x840 ss:$0x21] =	vst.msk $0xffff, v4  }
0x41: {  	v6 =	vld [tilespmem:s17+$0xFFFFFFE0];
	[tilespmem:s18+$0xA50 ss:$0x21] =	vst.msk $0xffff, v3  }
0x42: {  	s22 =	sshra.s32 s20, $0x2;
	s20 =	smov.u32 s21;
	v7 =	vld [tilespmem:s17+$0xFFFFFFF0];
	[tilespmem:s18+$0xC60 ss:$0x21] =	vst.msk $0xffff, v2  }
.Ltmp3:
0x43: {  	v4 =	vld [tilespmem:s17+$0x0];
	[tilespmem:s18+$0x0 ss:$0x21] =	vst.msk $0xffff, v1;
	s18 =	sadd.s32 s22, s19;
	(pc) =	sbr.rel @p1 .LBB1_3-.Ltmp3, $4  }
0x44: {  	v3 =	vld [tilespmem:s17+$0x10];
	[tilespmem:s18+$0xE70 ss:$0x21] =	vst.msk $0xffff, v0  }
0x45: {  	[tilespmem:s18+$0x210 ss:$0x21] =	vst.msk $0xffff, v5;
	v2 =	vld [tilespmem:s17+$0x20]  }
0x46: {  	v1 =	vld [tilespmem:s17+$0xFFFFFFC0];
	[tilespmem:s18+$0x420 ss:$0x21] =	vst.msk $0xffff, v6;
	s17 =	sadd.s32 $0x80, s17  }
0x47: {  	s21 =	sadd.s32 $0x4, s21;
	v0 =	vld [tilespmem:s17+$0x30];
	[tilespmem:s18+$0x630 ss:$0x21] =	vst.msk $0xffff, v7  }
0x48: {  	s21 =	sshll.u32 s9, $0x7;
	s22 =	sshll.u32 s10, $0x3;
	s20 =	sshra.s32 s20, $0x2  }
0x49: {  	p1 =	sgt.s32 s9, $0xF41C0;
	s30 =	sshra.s32 s9, $0x1F;
	s25 =	sshra.s32 s10, $0x1F  }
0x4a: {  	v5 =	vld [tilespmem:s17+$0xFFFFFFD0];
	s28 =	sshrl.u32 s10, $0x3;
	s23 =	sand.u32 $0xFFFFFC00, s21;
	s22 =	sand.u32 $0xFFFFFC00, s22  }
0x4b: {  	[tilespmem:s18+$0x840 ss:$0x21] =	vst.msk $0xffff, v4;
	v58 =	vld [tilespmem:s17+$0xFFFFFFE0];
	s21 =	sand.u32 $0x380, s21;
	s19 =	sadd.s32 s20, s19;
	s22 =	sadd.s32 s22, s23  }
0x4c: {  	v59 =	vld [tilespmem:s17+$0xFFFFFFF0];
	[tilespmem:s18+$0xA50 ss:$0x21] =	vst.msk $0xffff, v3;
	s29 =	sor.u32 s21, s22;
	s21 =	smov.u32 s9;
	s22 =	sand.u32 s30, s9  }
0x4d: {  	v60 =	vld [tilespmem:s17+$0x0];
	[tilespmem:s18+$0xC60 ss:$0x21] =	vst.msk $0xffff, v2;
	s30 =	sand.u32 $0x7, s10;
	s20 =	sshrl.u32 s29, $0x7;
	s21 =	simm.s32 @!p1 $0xF41C0  }
0x4e: {  	v61 =	vld [tilespmem:s17+$0x10];
	[tilespmem:s18+$0x0 ss:$0x21] =	vst.msk $0xffff, v1;
	p1 =	sgt.s32 s10, $0x60;
	s24 =	ssub.s32 s21, s22;
	s21 =	smov.u32 s10  }
0x4f: {  	v62 =	vld [tilespmem:s17+$0x20];
	[tilespmem:s19+$0xE70 ss:$0x21] =	vst.msk $0xffff, v0;
	s31 =	smulhi.u32 $0x218DEF5, s20;
	s22 =	sand.u32 s25, s10;
	s21 =	simm.s32 @!p1 $0x60  }
0x50: {  	v63 =	vld [tilespmem:s17+$0xFFFFFFC0];
	[tilespmem:s19+$0x210 ss:$0x21] =	vst.msk $0xffff, v5;
	s26 =	sadd.s32 $0xFFF0BE40, s24;
	s17 =	ssub.s32 $0xF4240, s24;
	s21 =	ssub.s32 s21, s22  }
0x51: {  	[tilespmem:s19+$0x420 ss:$0x21] =	vst.msk $0xffff, v58;
	s23 =	sshrl.u32 s31, $0xD;
	p1 =	sgt.s32 s26, $0x7F;
	s27 =	sadd.s32 $0xFFFFFFA0, s21  }
0x52: {  	[tilespmem:s19+$0x630 ss:$0x21] =	vst.msk $0xffff, v59;
	s23 =	smul.u32 $0xF4240, s23;
	s18 =	ssub.s32 $0x80, s21;
	p2 =	sgt.s32 s27, $0x1F  }
.Ltmp4:
0x53: {  	[tilespmem:s19+$0x840 ss:$0x21] =	vst.msk $0xffff, v60;
	s17 =	simm.s32 @p1 $0x0;
	s18 =	simm.s32 @p2 $0x0;
	(pc) =	sbr.rel .LBB1_5-.Ltmp4, $4  }
0x54: {  	s29 =	sand.u32 $0xF, s28;
	[tilespmem:s19+$0xA50 ss:$0x21] =	vst.msk $0xffff, v61;
	s20 =	ssub.s32 s20, s23;
	s17 =	smul.u32 s18, s17  }
0x55: {  	[tilespmem:s19+$0xC60 ss:$0x21] =	vst.msk $0xffff, v62;
	s21 =	sshll.u32 s30, $0x12;
	s20 =	sshll.u32 s20, $0x4;
	s18 =	sadd.s32 s5, s29  }
0x56: {  	[tilespmem:s19+$0x0 ss:$0x21] =	vst.msk $0xffff, v63;
	s31 =	sor.u32 $0x20, s21;
	s18 =	sadd.s32 s20, s18;
	s17 =	sand.u32 $0x3FFFFFFF, s17  }
0x57: {  	[hbm4b:s18+s31] =	stream.strided.scatter [tilespmem:s16], [sflag:$0x2], s17, s8, s31, $0x10;
	[tilespmem:$0x4100] =	vst v63  }
.LBB1_6:
0x58: {  	_ =	sfence.sel $0x180000  }
0x59: {  	s2 =	simm.s32 $0x1;
	[bflag:$0x0] =	sbarrier.arrive $0xFFFF  }
0x5a: {  	s31 =	simm.s32 $0x2;
	[sflag:s2] =	ssyncpa.u1 $0x1  }
0x5b: {  	[sflag:s31] =	ssyncpa.u1 $0x1  }
0x5c: {  	p0 =	sne.s32 s1, $0x0;
	_ =	strace $0x90000047  }
0x5d: {  	s0 =	sadd.s32 @!p0 $0x100000, s0;
	[bflag:$0x2] =	sbarrier.arrive $0xFFFF  }
0x5e: {  	[sflag:s0] =	ssyncadd.tile.s32 @!p0 $0x1;
	_ =	shalt  }
.Lfunc_end1:
_tile_overlayer_lowered:
.L_overlay_start_2:
0x5f: {  	(tag) =	ssettag $0x2  }
0x60: {  	s0 =	rddreg [dreg:$0x0];
	s2 =	stileid.u32  }
0x61: {  	s1 =	rddreg [dreg:$0x1];
	p0 =	sne.s32 s2, $0x0  }
0x62: {  	s3 =	rddreg [dreg:$0x2];
	[bflag:$0x3] =	sbarrier.arrive $0xFFFF;
	s2 =	simm.s32 @!p0 $0x1C01  }
0x63: {  	[timem:s3], [sflag:s2] =	dma.local @!p0 [hbm:s0], s1  }
0x64: {  	s0 =	simm.s32 @!p0 $0x1  }
0x65: {  	_ =	swait.ge @!p0 [sflag:s0], s1  }
0x66: {  	s1 =	ssub.s32 @!p0 $0x0, s1;
	[sflag:s0] =	ssyncset.done @!p0 $0x0  }
0x67: {  	[sflag:s0] =	ssyncadd.s32 @!p0 s1  }
0x68: {  	[bflag:$0x3] =	sbarrier.arrive $0xFFFF  }
0x69: {  	_ =	shalt  }

</sc_bundles>
